<compile_context>
chip_gen: v7x
topology: tpu7x:2x2x1
jax: 0.10.2.dev20260603
libtpu: 0.0.44.dev20260713+nightly
codegen_flags: <defaults>
</compile_context>

<pallas_src>
import functools
import numpy as np
import jax
import jax.numpy as jnp
from jax import lax
from jax.experimental import pallas as pl
from jax.experimental.pallas import tpu as pltpu, tpu_sc as plsc

_STREAM_I32 = (
    np.random.RandomState(0)
    .randint(0, 2 ** 32, size=(1 << 21,), dtype=np.uint32)
    .view(np.int32)
)

_NB = 16
_NAnch = 1445
_NP = 1456
_CH = 91
_NPOS = 16
_POS_THR = 0.6
_THR_HI = 0.6
_THR_LO = 0.3
_SCHUNK = 1024
_SROUNDS = 8
_SUBS = 16
_GRPS = 4
_LN2 = 0.6931471805599453


def _smear(t):
    m = t
    m = m | (m >> 1)
    m = m | (m >> 2)
    m = m | (m >> 4)
    m = m | (m >> 8)
    return m | (m >> 16)


def _vlog(x):
    xi = lax.bitcast_convert_type(x, jnp.int32)
    e = ((xi >> 23) & 0xFF) - 127
    m = lax.bitcast_convert_type((xi & 0x7FFFFF) | 0x3F800000, jnp.float32)
    big = m > jnp.float32(4.0 / 3.0)
    m = jnp.where(big, m * jnp.float32(0.5), m)
    ef = (e + big.astype(jnp.int32)).astype(jnp.float32)
    s = (m - 1.0) / (m + 1.0)
    z = s * s
    p = (2.0 * s) * (1.0 + z * (jnp.float32(1 / 3) + z * (
        jnp.float32(1 / 5) + z * (jnp.float32(1 / 7) + z * (
            jnp.float32(1 / 9) + z * jnp.float32(1 / 11))))))
    return ef * jnp.float32(_LN2) + p


def _sdiv(a, b):
    av = jnp.full((16,), a, jnp.float32)
    bv = jnp.full((16,), b, jnp.float32)
    return (av / bv)[0]


def kernel(pred_cls, pred_reg, gt_bbox, anchor_center, anchor_corner):
    f32 = jnp.float32
    cls2 = jnp.pad(pred_cls.reshape(_NB, -1),
                   ((0, 0), (0, _NP - _NAnch))).reshape(-1)
    reg_flat = pred_reg.reshape(-1)
    gt_flat = gt_bbox.reshape(-1)
    ancc_flat = anchor_corner.reshape(-1)
    anct_flat = anchor_center.reshape(-1)
    stream = jnp.asarray(_STREAM_I32)

    mesh = plsc.VectorSubcoreMesh(core_axis_name="c", subcore_axis_name="s")

    @functools.partial(
        pl.kernel,
        mesh=mesh,
        compiler_params=pltpu.CompilerParams(needs_layout_passes=False),
        out_type=jax.ShapeDtypeStruct((16,), f32),
        scratch_types=[
            pltpu.VMEM((2 * _NP,), f32),
            pltpu.VMEM((_NB * 4 * _NAnch,), f32),
            pltpu.VMEM((4 * _NAnch,), f32),
            pltpu.VMEM((4 * _NAnch,), f32),
            pltpu.VMEM((64,), f32),
            pltpu.VMEM((_NP + 16,), jnp.int32),
            pltpu.VMEM((_NP + 16,), jnp.int32),
            pltpu.VMEM((2 * _NP,), jnp.int32),
            pltpu.VMEM((2 * (_SCHUNK + 32),), jnp.int32),
            pltpu.VMEM((16,), f32),
            pltpu.SemaphoreType.DMA,
            pltpu.SemaphoreType.DMA,
        ],
    )
    def k(stream_hbm, cls_hbm, reg_hbm, gt_hbm, ancc_hbm, anct_hbm, out_hbm,
          cls_v, reg_v, ancc_v, anct_v, gt_v, posidx_v, negidx_v,
          x2_v, sbuf_v, out_v, ssem, csem):
        cid = lax.axis_index("c")
        sid = lax.axis_index("s")

        @pl.when(jnp.logical_and(cid == 0, sid == 0))
        def _body():
            lane = lax.iota(jnp.int32, 16)
            lane4 = lane * 4
            pltpu.sync_copy(ancc_hbm, ancc_v)
            pltpu.sync_copy(anct_hbm, anct_v)
            pltpu.sync_copy(gt_hbm, gt_v)
            pltpu.async_copy(cls_hbm.at[pl.ds(0, _NP)],
                             cls_v.at[pl.ds(0, _NP)], csem)
            pltpu.sync_copy(reg_hbm, reg_v)

            def batch_body(b, carry):
                ptr, lc_sum, lr_sum, corr_sum = carry
                cpar = b & 1
                cbuf = cpar * _NP
                pltpu.make_async_copy(cls_hbm.at[pl.ds(0, _NP)],
                                      cls_v.at[pl.ds(0, _NP)], csem).wait()
                nb = jnp.minimum(b + 1, _NB - 1) * _NP
                pltpu.async_copy(cls_hbm.at[pl.ds(nb, _NP)],
                                 cls_v.at[pl.ds((1 - cpar) * _NP, _NP)], csem)
                b4 = b * 4
                gx1 = plsc.load_gather(gt_v, [jnp.full((16,), b4, jnp.int32)])
                gy1 = plsc.load_gather(gt_v, [jnp.full((16,), b4 + 1, jnp.int32)])
                gx2 = plsc.load_gather(gt_v, [jnp.full((16,), b4 + 2, jnp.int32)])
                gy2 = plsc.load_gather(gt_v, [jnp.full((16,), b4 + 3, jnp.int32)])
                area_g = (gx2 - gx1) * (gy2 - gy1)

                def match_body(c, mcarry):
                    np_cnt, nn_cnt, corr_vec = mcarry
                    g = c * 16 + lane
                    valid = g < _NAnch
                    sl = pl.ds(c * 16, 16)
                    i0 = c * 64 + lane4
                    vmask = valid
                    ax1 = plsc.load_gather(ancc_v, [i0], mask=vmask)
                    ay1 = plsc.load_gather(ancc_v, [i0 + 1], mask=vmask)
                    ax2 = plsc.load_gather(ancc_v, [i0 + 2], mask=vmask)
                    ay2 = plsc.load_gather(ancc_v, [i0 + 3], mask=vmask)
                    iw = jnp.maximum(jnp.minimum(ax2, gx2) - jnp.maximum(ax1, gx1), 0.0)
                    ih = jnp.maximum(jnp.minimum(ay2, gy2) - jnp.maximum(ay1, gy1), 0.0)
                    inter = iw * ih
                    area_a = (ax2 - ax1) * (ay2 - ay1)
                    iou = inter / (area_g + area_a - inter)
                    pos_m = jnp.logical_and(iou > _THR_HI, valid)
                    neg_m = jnp.logical_and(iou < _THR_LO, valid)
                    pinc = plsc.cumsum(pos_m.astype(jnp.int32))
                    ninc = plsc.cumsum(neg_m.astype(jnp.int32))
                    plsc.store_scatter(posidx_v, [np_cnt + pinc - 1], g, mask=pos_m)
                    plsc.store_scatter(negidx_v, [nn_cnt + ninc - 1], g, mask=neg_m)
                    clsv = cls_v[pl.ds(cbuf + c * 16, 16)]
                    hit = jnp.logical_and((clsv < _POS_THR) != pos_m, valid)
                    corr_vec = corr_vec + plsc.all_reduce_population_count(hit)
                    return (np_cnt + pinc[15], nn_cnt + ninc[15], corr_vec)

                n_pos, n_neg, corr_vec = lax.fori_loop(
                    0, _CH, match_body,
                    (jnp.int32(0), jnp.int32(0), jnp.zeros((16,), jnp.int32)))
                corr_sum = corr_sum + corr_vec[0].astype(f32) * f32(1.0 / _NAnch)

                def with_pos(p0):
                    def init_body(c, carry):
                        g = c * 16 + lane
                        x2_v[pl.ds(c * 16, 16)] = g
                        x2_v[pl.ds(_NP + c * 16, 16)] = g
                        return carry

                    lax.fori_loop(0, _CH, init_body, jnp.int32(0))

                    lane0 = lane == 0
                    lane2 = lane < 2

                    def run_phase(pstart, t_init, base_const):
                        CW = _SCHUNK + 32

                        @pl.when(t_init > 0)
                        def _prime():
                            pb8 = pl.multiple_of(pstart - (pstart & 7), 8)
                            pltpu.async_copy(
                                stream_hbm.at[pl.ds(pb8, CW)],
                                sbuf_v.at[pl.ds(0, CW)], ssem)

                        def round_body(r, rcarry):
                            ptr_r, t_r, mask_r = rcarry

                            def active(args):
                                ptr_a, t_a, mask_a = args
                                base8 = pl.multiple_of(ptr_a - (ptr_a & 7), 8)
                                par = r & 1
                                buf0 = par * CW
                                pltpu.make_async_copy(
                                    stream_hbm.at[pl.ds(base8, CW)],
                                    sbuf_v.at[pl.ds(buf0, CW)], ssem).wait()
                                nbase = pl.multiple_of(base8 + _SCHUNK, 8)
                                pltpu.async_copy(
                                    stream_hbm.at[pl.ds(nbase, CW)],
                                    sbuf_v.at[pl.ds((1 - par) * CW, CW)], ssem)
                                off0 = ptr_a - base8 + buf0

                                def sub_body(s, scarry):
                                    def sactive(sargs):
                                        def group(gi, gcarry):
                                            vg = sbuf_v[pl.ds(
                                                off0 + s * (_GRPS * 16)
                                                + gi * 16, 16)]
                                            st = gcarry
                                            for kk in range(16):
                                                t_e, mask_e, cnt_e = st
                                                act = t_e > 0
                                                v = vg[kk] & mask_e
                                                acc = jnp.logical_and(
                                                    act, v <= t_e)
                                                bi = base_const + t_e
                                                bj = base_const + v
                                                m2 = jnp.logical_and(lane2, acc)
                                                gidx = jnp.where(lane0, bi, bj)
                                                sidx = jnp.where(lane0, bj, bi)
                                                vals = plsc.load_gather(
                                                    x2_v, [gidx], mask=m2)
                                                plsc.store_scatter(
                                                    x2_v, [sidx], vals, mask=m2)
                                                msh = mask_e >> 1
                                                tm1 = t_e - 1
                                                mask_c = jnp.where(
                                                    tm1 <= msh, msh, mask_e)
                                                t1 = jnp.where(acc, tm1, t_e)
                                                mask1 = jnp.where(
                                                    acc, mask_c, mask_e)
                                                cnt1 = cnt_e + act.astype(
                                                    jnp.int32)
                                                st = (t1, mask1, cnt1)
                                            return st

                                        return lax.fori_loop(
                                            0, _GRPS, group, sargs)

                                    return lax.cond(scarry[0] > 0, sactive,
                                                    lambda a: a, scarry)

                                t_n, mask_n, used = lax.fori_loop(
                                    0, _SUBS, sub_body,
                                    (t_a, mask_a, jnp.int32(0)))
                                return (ptr_a + used, t_n, mask_n)

                            return lax.cond(t_r > 0, active,
                                            lambda args: args,
                                            (ptr_r, t_r, mask_r))

                        pend, _, _ = lax.fori_loop(
                            0, _SROUNDS, round_body,
                            (pstart, t_init, _smear(t_init)))

                        @pl.when(t_init > 0)
                        def _drain():
                            pltpu.make_async_copy(
                                stream_hbm.at[pl.ds(0, CW)],
                                sbuf_v.at[pl.ds(0, CW)], ssem).wait()

                        return pend

                    ptr1 = run_phase(p0, n_pos - 1, 0)
                    ptr2 = run_phase(ptr1, jnp.maximum(n_neg - 1, 0), _NP)

                    def reg_block(bi2, rvec0):
                        def do_block(rv0):
                            return lax.fori_loop(bi2 * 7, bi2 * 7 + 7,
                                                 reg_chunk, rv0)

                        return lax.cond(bi2 * 7 * 16 < n_pos, do_block,
                                        lambda rv0: rv0, rvec0)

                    def reg_chunk(c, rvec):
                        def do(rv):
                            m = (c * 16 + lane) < n_pos
                            pidx = posidx_v[pl.ds(c * 16, 16)]
                            p4 = pidx * 4
                            acx = plsc.load_gather(anct_v, [p4], mask=m)
                            acy = plsc.load_gather(anct_v, [p4 + 1], mask=m)
                            acw = plsc.load_gather(anct_v, [p4 + 2], mask=m)
                            ach = plsc.load_gather(anct_v, [p4 + 3], mask=m)
                            acw = jnp.where(m, acw, 1.0)
                            ach = jnp.where(m, ach, 1.0)
                            e0 = (gx1 - acx) / acw
                            e1 = (gy1 - acy) / ach
                            e2 = (gx2 - acx) / acw
                            e3 = (gy2 - acy) / ach
                            rb = b * (4 * _NAnch) + pidx
                            sm = jnp.zeros((16,), f32)
                            for r, er in enumerate((e0, e1, e2, e3)):
                                rvq = plsc.load_gather(
                                    reg_v, [rb + r * _NAnch], mask=m)
                                d = rvq - er
                                ad = jnp.abs(d)
                                sm = sm + jnp.where(ad < 1.0, 0.5 * d * d,
                                                    ad - 0.5)
                            return rv + jnp.where(m, sm, 0.0)

                        return lax.cond(c * 16 < n_pos, do, lambda rv: rv, rvec)

                    reg_vec = lax.fori_loop(0, 13, reg_block,
                                            jnp.zeros((16,), f32))

                    pp = x2_v[pl.ds(0, 16)]
                    n_pi = jnp.minimum(n_pos, _NPOS)
                    vpos = lane < n_pi
                    pi = plsc.load_gather(posidx_v, [pp], mask=vpos)
                    pcl = plsc.load_gather(cls_v, [pi + cbuf], mask=vpos)
                    pcl = jnp.clip(pcl, 1e-12, 1.0 - 1e-12)
                    term_p = jnp.where(vpos, -_vlog(pcl), 0.0)
                    sp = jnp.sum(term_p)

                    n_ni = jnp.minimum(n_neg, n_pos * 3)

                    def neg_block(bi2, svec0):
                        def do_block(sv0):
                            return lax.fori_loop(bi2 * 7, bi2 * 7 + 7,
                                                 neg_chunk, sv0)

                        return lax.cond(bi2 * 7 * 16 < n_ni, do_block,
                                        lambda sv0: sv0, svec0)

                    def neg_chunk(c, svec):
                        def do(sv):
                            pn = x2_v[pl.ds(_NP + c * 16, 16)]
                            m = (c * 16 + lane) < n_ni
                            ni = plsc.load_gather(negidx_v, [pn], mask=m)
                            ncl = plsc.load_gather(cls_v, [ni + cbuf], mask=m)
                            ncl = jnp.clip(ncl, 1e-12, 1.0 - 1e-12)
                            return sv + jnp.where(m, -_vlog(1.0 - ncl), 0.0)

                        return lax.cond(c * 16 < n_ni, do, lambda sv: sv, svec)

                    snvec = lax.fori_loop(0, 13, neg_block, jnp.zeros((16,), f32))
                    sn = jnp.sum(snvec)
                    lc_b = _sdiv(sp + sn, (n_pi + n_ni).astype(f32))
                    lr_b = _sdiv(jnp.sum(reg_vec), 4.0 * n_pos.astype(f32))
                    return (ptr2, lc_b, lr_b)

                def without_pos(p0):
                    return (p0, f32(0.0), f32(0.0))

                ptr, lc_b, lr_b = lax.cond(n_pos > 0, with_pos, without_pos, ptr)
                return (ptr, lc_sum + lc_b, lr_sum + lr_b, corr_sum)

            _, lc, lr, corr = lax.fori_loop(
                0, _NB, batch_body,
                (jnp.int32(0), f32(0.0), f32(0.0), f32(0.0)))
            pltpu.make_async_copy(cls_hbm.at[pl.ds(0, _NP)],
                                  cls_v.at[pl.ds(0, _NP)], csem).wait()
            acc = corr * f32(1.0 / _NB)
            outv = jnp.where(lane == 0, lc + lr,
                             jnp.where(lane == 1, lc,
                                       jnp.where(lane == 2, lr, acc)))
            out_v[pl.ds(0, 16)] = outv
            pltpu.sync_copy(out_v, out_hbm)

    out = k(stream, cls2, reg_flat, gt_flat, ancc_flat, anct_flat)
    return out[:4]

# --- scband reference (transcript-rebuilt; emitter-appended) ---
"""Pipeline reference for scband-rpn-loss-66881230734124 (READ-ONLY COPY).

The authoritative reference and input builder live on the scoring server;
editing this copy changes nothing except your own understanding.
"""

import jax, jax.numpy as jnp
import numpy as np

SCORE = 17
STRIDE = 8
SEARCH = 255
NA = 5
NB = 16
RATIOS = np.array([0.33, 0.5, 1.0, 2.0, 3.0], dtype=np.float64)
BASE = 64.0
CLS_W = 1.0
REG_W = 1.0
POS_THR = 0.6
THR_LOW = 0.3
THR_HIGH = 0.6
NPOS = 16
NNEG_T = 3.0

_MT_STREAM = jnp.asarray(
    np.random.RandomState(0).randint(0, 2 ** 32, size=(1 << 21,), dtype=np.uint32))


def _rand_interval(mx, ptr):
    mask = mx
    mask = mask | (mask >> 1)
    mask = mask | (mask >> 2)
    mask = mask | (mask >> 4)
    mask = mask | (mask >> 8)
    mask = mask | (mask >> 16)
    val = _MT_STREAM[ptr] & mask
    ptr = ptr + 1

    def cond(c):
        v, p = c
        return v > mx

    def body(c):
        v, p = c
        return _MT_STREAM[p] & mask, p + 1

    val, ptr = jax.lax.while_loop(cond, body, (val, ptr))
    return val.astype(jnp.int32), ptr


def _permutation(n, size, ptr):
    x = jnp.arange(size, dtype=jnp.int32)

    def body(k, carry):
        x, ptr = carry
        i = n - 1 - k
        j, ptr = _rand_interval(i.astype(jnp.uint32), ptr)
        xi = x[i]
        xj = x[j]
        x = x.at[i].set(xj)
        x = x.at[j].set(xi)
        return x, ptr

    x, ptr = jax.lax.fori_loop(0, jnp.maximum(n - 1, 0), body, (x, ptr))
    return x, ptr


def _make_anchors():
    ws = BASE / np.sqrt(RATIOS)
    hs = BASE * np.sqrt(RATIOS)
    ori = (SEARCH - (SCORE - 1) * STRIDE) // 2
    grid = ori + np.arange(SCORE) * STRIDE
    yc, xc = np.meshgrid(grid, grid, indexing='ij')
    xc = np.broadcast_to(xc[None].astype(np.float64), (NA, SCORE, SCORE))
    yc = np.broadcast_to(yc[None].astype(np.float64), (NA, SCORE, SCORE))
    w = np.broadcast_to(ws[:, None, None], (NA, SCORE, SCORE))
    h = np.broadcast_to(hs[:, None, None], (NA, SCORE, SCORE))
    center = np.stack([xc, yc, w, h], 0).reshape(4, -1).T
    corner = np.stack([xc - w / 2.0, yc - h / 2.0, xc + w / 2.0, yc + h / 2.0], 0).reshape(4, -1).T
    return jnp.asarray(center, jnp.float32), jnp.asarray(corner, jnp.float32)


def _jaccard(box_a, box_b):
    ixmin = jnp.maximum(box_a[:, None, 0], box_b[None, :, 0])
    iymin = jnp.maximum(box_a[:, None, 1], box_b[None, :, 1])
    ixmax = jnp.minimum(box_a[:, None, 2], box_b[None, :, 2])
    iymax = jnp.minimum(box_a[:, None, 3], box_b[None, :, 3])
    iw = jnp.clip(ixmax - ixmin, 0.0)
    ih = jnp.clip(iymax - iymin, 0.0)
    inter = iw * ih
    area_a = (box_a[:, 2] - box_a[:, 0]) * (box_a[:, 3] - box_a[:, 1])
    area_b = (box_b[:, 2] - box_b[:, 0]) * (box_b[:, 3] - box_b[:, 1])
    return inter / (area_a[:, None] + area_b[None, :] - inter)


def _selections(matched_np, rng):
    sels = []
    for i in range(matched_np.shape[0]):
        mask = matched_np[i]
        pos_all = np.nonzero(mask == 1)[0]
        neg_all = np.nonzero(mask == 0)[0]
        notpos = np.nonzero(mask != 1)[0]
        n_pos = pos_all.shape[0]
        if n_pos > 0:
            pi = pos_all[rng.permutation(n_pos)][:NPOS]
            ni = neg_all[rng.permutation(neg_all.shape[0])][:int(n_pos * NNEG_T)]
        else:
            pi = np.zeros((0,), np.int64)
            ni = np.zeros((0,), np.int64)
        sels.append((pi, ni, pos_all, neg_all, notpos))
    return sels


def setup_inputs(seed: int = 0):
    key = jax.random.key(seed)
    k1, k2, k3 = jax.random.split(key, 3)
    pred_cls = jax.random.uniform(k1, (NB, NA, SCORE, SCORE), jnp.float32, 1e-4, 1.0 - 1e-4)
    pred_reg = jax.random.normal(k2, (NB, 4, NA, SCORE, SCORE), jnp.float32)
    ks = jax.random.split(k3, 4)
    cx = jax.random.uniform(ks[0], (NB,), jnp.float32, 100.0, 155.0)
    cy = jax.random.uniform(ks[1], (NB,), jnp.float32, 100.0, 155.0)
    bw = jax.random.uniform(ks[2], (NB,), jnp.float32, 40.0, 90.0)
    bh = jax.random.uniform(ks[3], (NB,), jnp.float32, 40.0, 90.0)
    gt_bbox = jnp.stack([cx - bw / 2.0, cy - bh / 2.0, cx + bw / 2.0, cy + bh / 2.0], axis=1)
    anchor_center, anchor_corner = _make_anchors()
    return {"pred_cls": pred_cls, "pred_reg": pred_reg, "gt_bbox": gt_bbox,
            "anchor_center": anchor_center, "anchor_corner": anchor_corner}


def reference(pred_cls, pred_reg, gt_bbox, anchor_center, anchor_corner):
    iou = _jaccard(gt_bbox, anchor_corner)
    matched = jnp.where(iou > THR_HIGH, 1.0, jnp.where(iou < THR_LOW, 0.0, -1.0))
    num_anchors = anchor_corner.shape[0]
    loss_cls = jnp.asarray(0.0, jnp.float32)
    loss_reg = jnp.asarray(0.0, jnp.float32)
    acc = jnp.asarray(0.0, jnp.float32)
    ptr = jnp.asarray(0, jnp.int32)
    n_batch = pred_cls.shape[0]
    for i in range(n_batch):
        cls = pred_cls[i].reshape(-1)
        reg = pred_reg[i].reshape(4, -1).T
        row = matched[i]
        pos_mask = row == 1.0
        neg_mask = row == 0.0
        n_pos = jnp.sum(pos_mask.astype(jnp.int32))
        n_neg = jnp.sum(neg_mask.astype(jnp.int32))
        pos_idx = jnp.nonzero(pos_mask, size=num_anchors, fill_value=0)[0]
        neg_idx = jnp.nonzero(neg_mask, size=num_anchors, fill_value=0)[0]
        gt = gt_bbox[i]

        def with_pos(p, n_pos=n_pos, n_neg=n_neg, pos_idx=pos_idx, neg_idx=neg_idx,
                     cls=cls, reg=reg, gt=gt):
            perm_pos, p = _permutation(n_pos, num_anchors, p)
            perm_neg, p = _permutation(n_neg, num_anchors, p)
            pi = pos_idx[perm_pos[:NPOS]]
            ni = neg_idx[perm_neg]
            n_pi = jnp.minimum(n_pos, NPOS)
            n_ni = jnp.minimum(n_neg, n_pos * 3)
            vpos = jnp.arange(NPOS) < n_pi
            pcl_p = jnp.clip(cls[pi], 1e-12, 1.0 - 1e-12)
            term_p = jnp.where(vpos, -jnp.log(pcl_p), 0.0)
            vneg = jnp.arange(num_anchors) < n_ni
            pcl_n = jnp.clip(cls[ni], 1e-12, 1.0 - 1e-12)
            term_n = jnp.where(vneg, -jnp.log(1.0 - pcl_n), 0.0)
            lc = (jnp.sum(term_p) + jnp.sum(term_n)) / (n_pi + n_ni).astype(jnp.float32)
            reg_pred = reg[pos_idx]
            anc = anchor_center[pos_idx]
            enc = jnp.stack([(gt[0] - anc[:, 0]) / anc[:, 2],
                             (gt[1] - anc[:, 1]) / anc[:, 3],
                             (gt[2] - anc[:, 0]) / anc[:, 2],
                             (gt[3] - anc[:, 1]) / anc[:, 3]], axis=1)
            d = reg_pred - enc
            ad = jnp.abs(d)
            sm = jnp.where(ad < 1.0, 0.5 * d * d, ad - 0.5)
            vrow = (jnp.arange(num_anchors) < n_pos)[:, None]
            lr = jnp.sum(jnp.where(vrow, sm, 0.0)) / (4.0 * n_pos.astype(jnp.float32))
            return p, lc, lr

        def without_pos(p):
            return p, jnp.asarray(0.0, jnp.float32), jnp.asarray(0.0, jnp.float32)

        ptr, lc_i, lr_i = jax.lax.cond(n_pos > 0, with_pos, without_pos, ptr)
        loss_cls = loss_cls + lc_i
        loss_reg = loss_reg + lr_i
        correct = jnp.sum(jnp.where(pos_mask, (cls >= POS_THR).astype(jnp.float32), 0.0)) + \
                  jnp.sum(jnp.where(~pos_mask, (cls < POS_THR).astype(jnp.float32), 0.0))
        acc = acc + correct / float(num_anchors)
    acc = acc / float(n_batch)
    return jnp.stack([CLS_W * loss_cls + REG_W * loss_reg, loss_cls, loss_reg, acc])

if __name__ == "__main__":
    import jax
    _d = setup_inputs()
    print(jax.jit(kernel)(*tuple(_d.values())))

</pallas_src>

<mosaic_0001>
#map = affine_map<(d0, d1) -> (0)>
module attributes {stable_mosaic.version = 14 : i64} {
  func.func @k(%arg0: i32, %arg1: i32, %arg2: memref<2097152xi32, #tpu.memory_space<hbm>>, %arg3: memref<23296xf32, #tpu.memory_space<hbm>>, %arg4: memref<92480xf32, #tpu.memory_space<hbm>>, %arg5: memref<64xf32, #tpu.memory_space<hbm>>, %arg6: memref<5780xf32, #tpu.memory_space<hbm>>, %arg7: memref<5780xf32, #tpu.memory_space<hbm>>, %arg8: memref<16xf32, #tpu.memory_space<hbm>>, %arg9: memref<2912xf32, #tpu.memory_space<vmem>>, %arg10: memref<92480xf32, #tpu.memory_space<vmem>>, %arg11: memref<5780xf32, #tpu.memory_space<vmem>>, %arg12: memref<5780xf32, #tpu.memory_space<vmem>>, %arg13: memref<64xf32, #tpu.memory_space<vmem>>, %arg14: memref<1472xi32, #tpu.memory_space<vmem>>, %arg15: memref<1472xi32, #tpu.memory_space<vmem>>, %arg16: memref<2912xi32, #tpu.memory_space<vmem>>, %arg17: memref<2112xi32, #tpu.memory_space<vmem>>, %arg18: memref<16xf32, #tpu.memory_space<vmem>>, %arg19: memref<!tpu.dma_semaphore, #tpu.memory_space<semaphore_mem>>, %arg20: memref<!tpu.dma_semaphore, #tpu.memory_space<semaphore_mem>>) attributes {dimension_semantics = [#tpu.dimension_semantics<core_parallel>, #tpu.dimension_semantics<subcore_parallel>], iteration_bounds = array<i64: 2, 16>, scalar_prefetch = 0 : i64, scratch_operands = 12 : i64, tpu.core_type = #tpu.core_type<sc_vector_subcore>, window_params = [{transform_indices = #map}, {transform_indices = #map}, {transform_indices = #map}, {transform_indices = #map}, {transform_indices = #map}, {transform_indices = #map}, {transform_indices = #map}]} {
    %eq3A = arith.constant 0 : i32
    %eq3A_0 = arith.cmpi eq, %arg0, %eq3A : i32
    %eq3A_1 = arith.constant 0 : i32
    %eq3A_2 = arith.cmpi eq, %arg1, %eq3A_1 : i32
    %and3A = arith.andi %eq3A_0, %eq3A_2 : i1
    %convert_element_type3A = arith.extui %and3A : i1 to i32
    %cond3A = arith.constant 0 : i32
    %cond3A_3 = arith.cmpi ne, %convert_element_type3A, %cond3A : i32
    scf.if %cond3A_3 {
      %iota3A = tpu.iota {dimensions = array<i32: 0>} : vector<16xi32>
      %mul3A = arith.constant 4 : i32
      %mul3A_4 = vector.broadcast %mul3A : i32 to vector<16xi32>
      %mul3A_5 = arith.muli %iota3A, %mul3A_4 : vector<16xi32>
      "tpu.region"() ({
        %run_scoped3A = tpu.sem_alloc : memref<!tpu.dma_semaphore, #tpu.memory_space<semaphore_mem>>
        tpu.enqueue_dma source(%arg6 : memref<5780xf32, #tpu.memory_space<hbm>>) target(%arg11 : memref<5780xf32, #tpu.memory_space<vmem>>) target_semaphore(%run_scoped3A : memref<!tpu.dma_semaphore, #tpu.memory_space<semaphore_mem>>)
        tpu.wait_dma2 semaphore(%run_scoped3A : memref<!tpu.dma_semaphore, #tpu.memory_space<semaphore_mem>>) src(%arg6 : memref<5780xf32, #tpu.memory_space<hbm>>) dst(%arg11 : memref<5780xf32, #tpu.memory_space<vmem>>)
        tpu.yield
      }) : () -> ()
      "tpu.region"() ({
        %run_scoped3A = tpu.sem_alloc : memref<!tpu.dma_semaphore, #tpu.memory_space<semaphore_mem>>
        tpu.enqueue_dma source(%arg7 : memref<5780xf32, #tpu.memory_space<hbm>>) target(%arg12 : memref<5780xf32, #tpu.memory_space<vmem>>) target_semaphore(%run_scoped3A : memref<!tpu.dma_semaphore, #tpu.memory_space<semaphore_mem>>)
        tpu.wait_dma2 semaphore(%run_scoped3A : memref<!tpu.dma_semaphore, #tpu.memory_space<semaphore_mem>>) src(%arg7 : memref<5780xf32, #tpu.memory_space<hbm>>) dst(%arg12 : memref<5780xf32, #tpu.memory_space<vmem>>)
        tpu.yield
      }) : () -> ()
      "tpu.region"() ({
        %run_scoped3A = tpu.sem_alloc : memref<!tpu.dma_semaphore, #tpu.memory_space<semaphore_mem>>
        tpu.enqueue_dma source(%arg5 : memref<64xf32, #tpu.memory_space<hbm>>) target(%arg13 : memref<64xf32, #tpu.memory_space<vmem>>) target_semaphore(%run_scoped3A : memref<!tpu.dma_semaphore, #tpu.memory_space<semaphore_mem>>)
        tpu.wait_dma2 semaphore(%run_scoped3A : memref<!tpu.dma_semaphore, #tpu.memory_space<semaphore_mem>>) src(%arg5 : memref<64xf32, #tpu.memory_space<hbm>>) dst(%arg13 : memref<64xf32, #tpu.memory_space<vmem>>)
        tpu.yield
      }) : () -> ()
      %dma_start3A = arith.constant 0 : i32
      %dma_start3A_6 = tpu.memref_slice %arg9[%dma_start3A] : memref<2912xf32, #tpu.memory_space<vmem>> -> memref<1456xf32, #tpu.memory_space<vmem>>
      %dma_start3A_7 = arith.constant 0 : i32
      %dma_start3A_8 = tpu.memref_slice %arg3[%dma_start3A_7] : memref<23296xf32, #tpu.memory_space<hbm>> -> memref<1456xf32, #tpu.memory_space<hbm>>
      %dma_start3A_9 = arith.constant 0 : i32
      %dma_start3A_10 = tpu.memref_slice %arg9[%dma_start3A_9] : memref<2912xf32, #tpu.memory_space<vmem>> -> memref<1456xf32, #tpu.memory_space<vmem>>
      %dma_start3A_11 = arith.constant 0 : i32
      %dma_start3A_12 = tpu.memref_slice %arg3[%dma_start3A_11] : memref<23296xf32, #tpu.memory_space<hbm>> -> memref<1456xf32, #tpu.memory_space<hbm>>
      tpu.enqueue_dma source(%dma_start3A_12 : memref<1456xf32, #tpu.memory_space<hbm>>) target(%dma_start3A_10 : memref<1456xf32, #tpu.memory_space<vmem>>) target_semaphore(%arg20 : memref<!tpu.dma_semaphore, #tpu.memory_space<semaphore_mem>>)
      "tpu.region"() ({
        %run_scoped3A = tpu.sem_alloc : memref<!tpu.dma_semaphore, #tpu.memory_space<semaphore_mem>>
        tpu.enqueue_dma source(%arg4 : memref<92480xf32, #tpu.memory_space<hbm>>) target(%arg10 : memref<92480xf32, #tpu.memory_space<vmem>>) target_semaphore(%run_scoped3A : memref<!tpu.dma_semaphore, #tpu.memory_space<semaphore_mem>>)
        tpu.wait_dma2 semaphore(%run_scoped3A : memref<!tpu.dma_semaphore, #tpu.memory_space<semaphore_mem>>) src(%arg4 : memref<92480xf32, #tpu.memory_space<hbm>>) dst(%arg10 : memref<92480xf32, #tpu.memory_space<vmem>>)
        tpu.yield
      }) : () -> ()
      %scan3A = arith.constant 0 : i32
      %scan3A_13 = arith.constant 0.000000e+00 : f32
      %scan3A_14 = arith.constant 0.000000e+00 : f32
      %scan3A_15 = arith.constant 0.000000e+00 : f32
      %scan3A_16 = arith.constant 0 : i32
      %scan3A_17 = arith.constant 16 : i32
      %scan3A_18 = arith.addi %scan3A_16, %scan3A_17 : i32
      %scan3A_19 = arith.constant 1 : i32
      %scan3A_20:4 = scf.for %scan3A_46 = %scan3A_16 to %scan3A_18 step %scan3A_19 iter_args(%scan3A_47 = %scan3A, %scan3A_48 = %scan3A_13, %scan3A_49 = %scan3A_14, %scan3A_50 = %scan3A_15) -> (i32, f32, f32, f32)  : i32 {
        %and3A_51 = arith.constant 1 : i32
        %and3A_52 = arith.andi %scan3A_46, %and3A_51 : i32
        %mul3A_53 = arith.constant 1456 : i32
        %mul3A_54 = arith.muli %and3A_52, %mul3A_53 : i32
        %dma_wait3A_55 = arith.constant 0 : i32
        %dma_wait3A_56 = tpu.memref_slice %arg9[%dma_wait3A_55] : memref<2912xf32, #tpu.memory_space<vmem>> -> memref<1456xf32, #tpu.memory_space<vmem>>
        %dma_wait3A_57 = arith.constant 0 : i32
        %dma_wait3A_58 = tpu.memref_slice %arg3[%dma_wait3A_57] : memref<23296xf32, #tpu.memory_space<hbm>> -> memref<1456xf32, #tpu.memory_space<hbm>>
        %dma_wait3A_59 = arith.constant 0 : i32
        %dma_wait3A_60 = tpu.memref_slice %arg9[%dma_wait3A_59] : memref<2912xf32, #tpu.memory_space<vmem>> -> memref<1456xf32, #tpu.memory_space<vmem>>
        %dma_wait3A_61 = arith.constant 0 : i32
        %dma_wait3A_62 = tpu.memref_slice %arg3[%dma_wait3A_61] : memref<23296xf32, #tpu.memory_space<hbm>> -> memref<1456xf32, #tpu.memory_space<hbm>>
        tpu.wait_dma2 semaphore(%arg20 : memref<!tpu.dma_semaphore, #tpu.memory_space<semaphore_mem>>) src(%dma_wait3A_62 : memref<1456xf32, #tpu.memory_space<hbm>>) dst(%dma_wait3A_60 : memref<1456xf32, #tpu.memory_space<vmem>>)
        %add3A_63 = arith.constant 1 : i32
        %add3A_64 = arith.addi %scan3A_46, %add3A_63 : i32
        %min3A = arith.constant 15 : i32
        %min3A_65 = arith.minsi %add3A_64, %min3A : i32
        %mul3A_66 = arith.constant 1456 : i32
        %mul3A_67 = arith.muli %min3A_65, %mul3A_66 : i32
        %sub3A = arith.constant 1 : i32
        %sub3A_68 = arith.subi %sub3A, %and3A_52 : i32
        %mul3A_69 = arith.constant 1456 : i32
        %mul3A_70 = arith.muli %sub3A_68, %mul3A_69 : i32
        %dma_start3A_71 = tpu.memref_slice %arg9[%mul3A_70] : memref<2912xf32, #tpu.memory_space<vmem>> -> memref<1456xf32, #tpu.memory_space<vmem>>
        %dma_start3A_72 = tpu.memref_slice %arg3[%mul3A_67] : memref<23296xf32, #tpu.memory_space<hbm>> -> memref<1456xf32, #tpu.memory_space<hbm>>
        %dma_start3A_73 = tpu.memref_slice %arg9[%mul3A_70] : memref<2912xf32, #tpu.memory_space<vmem>> -> memref<1456xf32, #tpu.memory_space<vmem>>
        %dma_start3A_74 = tpu.memref_slice %arg3[%mul3A_67] : memref<23296xf32, #tpu.memory_space<hbm>> -> memref<1456xf32, #tpu.memory_space<hbm>>
        tpu.enqueue_dma source(%dma_start3A_74 : memref<1456xf32, #tpu.memory_space<hbm>>) target(%dma_start3A_73 : memref<1456xf32, #tpu.memory_space<vmem>>) target_semaphore(%arg20 : memref<!tpu.dma_semaphore, #tpu.memory_space<semaphore_mem>>)
        %mul3A_75 = arith.constant 4 : i32
        %mul3A_76 = arith.muli %scan3A_46, %mul3A_75 : i32
        %broadcast_in_dim3A_77 = vector.broadcast %mul3A_76 : i32 to vector<16xi32>
        %gather3A = tpu.vector_load_idx %arg13[%broadcast_in_dim3A_77] : memref<64xf32, #tpu.memory_space<vmem>>[vector<16xi32>], vector<16xf32>,
        %add3A_78 = arith.constant 1 : i32
        %add3A_79 = arith.addi %mul3A_76, %add3A_78 : i32
        %broadcast_in_dim3A_80 = vector.broadcast %add3A_79 : i32 to vector<16xi32>
        %gather3A_81 = tpu.vector_load_idx %arg13[%broadcast_in_dim3A_80] : memref<64xf32, #tpu.memory_space<vmem>>[vector<16xi32>], vector<16xf32>,
        %add3A_82 = arith.constant 2 : i32
        %add3A_83 = arith.addi %mul3A_76, %add3A_82 : i32
        %broadcast_in_dim3A_84 = vector.broadcast %add3A_83 : i32 to vector<16xi32>
        %gather3A_85 = tpu.vector_load_idx %arg13[%broadcast_in_dim3A_84] : memref<64xf32, #tpu.memory_space<vmem>>[vector<16xi32>], vector<16xf32>,
        %add3A_86 = arith.constant 3 : i32
        %add3A_87 = arith.addi %mul3A_76, %add3A_86 : i32
        %broadcast_in_dim3A_88 = vector.broadcast %add3A_87 : i32 to vector<16xi32>
        %gather3A_89 = tpu.vector_load_idx %arg13[%broadcast_in_dim3A_88] : memref<64xf32, #tpu.memory_space<vmem>>[vector<16xi32>], vector<16xf32>,
        %sub3A_90 = arith.subf %gather3A_85, %gather3A : vector<16xf32>
        %sub3A_91 = arith.subf %gather3A_89, %gather3A_81 : vector<16xf32>
        %mul3A_92 = arith.mulf %sub3A_90, %sub3A_91 : vector<16xf32>
        %broadcast_in_dim3A_93 = arith.constant 0 : i32
        %broadcast_in_dim3A_94 = vector.broadcast %broadcast_in_dim3A_93 : i32 to vector<16xi32>
        %scan3A_95 = arith.constant 0 : i32
        %scan3A_96 = arith.constant 0 : i32
        %scan3A_97 = arith.constant 0 : i32
        %scan3A_98 = arith.constant 91 : i32
        %scan3A_99 = arith.addi %scan3A_97, %scan3A_98 : i32
        %scan3A_100 = arith.constant 1 : i32
        %scan3A_101:3 = scf.for %scan3A_114 = %scan3A_97 to %scan3A_99 step %scan3A_100 iter_args(%scan3A_115 = %scan3A_95, %scan3A_116 = %scan3A_96, %scan3A_117 = %broadcast_in_dim3A_94) -> (i32, i32, vector<16xi32>)  : i32 {
          %mul3A_118 = arith.constant 16 : i32
          %mul3A_119 = arith.muli %scan3A_114, %mul3A_118 : i32
          %add3A_120 = vector.broadcast %mul3A_119 : i32 to vector<16xi32>
          %add3A_121 = arith.addi %add3A_120, %iota3A : vector<16xi32>
          %lt3A = arith.constant 1445 : i32
          %lt3A_122 = vector.broadcast %lt3A : i32 to vector<16xi32>
          %lt3A_123 = arith.cmpi slt, %add3A_121, %lt3A_122 : vector<16xi32>
          %mul3A_124 = arith.constant 16 : i32
          %mul3A_125 = arith.muli %scan3A_114, %mul3A_124 : i32
          %mul3A_126 = arith.constant 64 : i32
          %mul3A_127 = arith.muli %scan3A_114, %mul3A_126 : i32
          %add3A_128 = vector.broadcast %mul3A_127 : i32 to vector<16xi32>
          %add3A_129 = arith.addi %add3A_128, %mul3A_5 : vector<16xi32>
          %gather3A_130 = tpu.vector_load_idx %arg11[%add3A_129] masked %lt3A_123 : memref<5780xf32, #tpu.memory_space<vmem>>[vector<16xi32>], vector<16xf32>, vector<16xi1>
          %add3A_131 = arith.constant 1 : i32
          %add3A_132 = vector.broadcast %add3A_131 : i32 to vector<16xi32>
          %add3A_133 = arith.addi %add3A_129, %add3A_132 : vector<16xi32>
          %gather3A_134 = tpu.vector_load_idx %arg11[%add3A_133] masked %lt3A_123 : memref<5780xf32, #tpu.memory_space<vmem>>[vector<16xi32>], vector<16xf32>, vector<16xi1>
          %add3A_135 = arith.constant 2 : i32
          %add3A_136 = vector.broadcast %add3A_135 : i32 to vector<16xi32>
          %add3A_137 = arith.addi %add3A_129, %add3A_136 : vector<16xi32>
          %gather3A_138 = tpu.vector_load_idx %arg11[%add3A_137] masked %lt3A_123 : memref<5780xf32, #tpu.memory_space<vmem>>[vector<16xi32>], vector<16xf32>, vector<16xi1>
          %add3A_139 = arith.constant 3 : i32
          %add3A_140 = vector.broadcast %add3A_139 : i32 to vector<16xi32>
          %add3A_141 = arith.addi %add3A_129, %add3A_140 : vector<16xi32>
          %gather3A_142 = tpu.vector_load_idx %arg11[%add3A_141] masked %lt3A_123 : memref<5780xf32, #tpu.memory_space<vmem>>[vector<16xi32>], vector<16xf32>, vector<16xi1>
          %min3A_143 = arith.minimumf %gather3A_138, %gather3A_85 : vector<16xf32>
          %max3A = arith.maximumf %gather3A_130, %gather3A : vector<16xf32>
          %sub3A_144 = arith.subf %min3A_143, %max3A : vector<16xf32>
          %max3A_145 = arith.constant 0.000000e+00 : f32
          %max3A_146 = vector.broadcast %max3A_145 : f32 to vector<16xf32>
          %max3A_147 = arith.maximumf %sub3A_144, %max3A_146 : vector<16xf32>
          %min3A_148 = arith.minimumf %gather3A_142, %gather3A_89 : vector<16xf32>
          %max3A_149 = arith.maximumf %gather3A_134, %gather3A_81 : vector<16xf32>
          %sub3A_150 = arith.subf %min3A_148, %max3A_149 : vector<16xf32>
          %max3A_151 = arith.constant 0.000000e+00 : f32
          %max3A_152 = vector.broadcast %max3A_151 : f32 to vector<16xf32>
          %max3A_153 = arith.maximumf %sub3A_150, %max3A_152 : vector<16xf32>
          %mul3A_154 = arith.mulf %max3A_147, %max3A_153 : vector<16xf32>
          %sub3A_155 = arith.subf %gather3A_138, %gather3A_130 : vector<16xf32>
          %sub3A_156 = arith.subf %gather3A_142, %gather3A_134 : vector<16xf32>
          %mul3A_157 = arith.mulf %sub3A_155, %sub3A_156 : vector<16xf32>
          %add3A_158 = arith.addf %mul3A_92, %mul3A_157 : vector<16xf32>
          %sub3A_159 = arith.subf %add3A_158, %mul3A_154 : vector<16xf32>
          %div3A = arith.divf %mul3A_154, %sub3A_159 : vector<16xf32>
          %gt3A_160 = arith.constant 6.000000e-01 : f32
          %gt3A_161 = vector.broadcast %gt3A_160 : f32 to vector<16xf32>
          %gt3A_162 = arith.cmpf ogt, %div3A, %gt3A_161 : vector<16xf32>
          %and3A_163 = arith.andi %gt3A_162, %lt3A_123 : vector<16xi1>
          %lt3A_164 = arith.constant 3.000000e-01 : f32
          %lt3A_165 = vector.broadcast %lt3A_164 : f32 to vector<16xf32>
          %lt3A_166 = arith.cmpf olt, %div3A, %lt3A_165 : vector<16xf32>
          %and3A_167 = arith.andi %lt3A_166, %lt3A_123 : vector<16xi1>
          %convert_element_type3A_168 = arith.extui %and3A_163 : vector<16xi1> to vector<16xi32>
          %broadcast_in_dim3A_169 = arith.constant true
          %broadcast_in_dim3A_170 = vector.broadcast %broadcast_in_dim3A_169 : i1 to vector<16xi1>
          %masked_cumsum3A = tpu.scan <sum>, %convert_element_type3A_168 masked %broadcast_in_dim3A_170 : vector<16xi32>, vector<16xi1> -> vector<16xi32>
          %convert_element_type3A_171 = arith.extui %and3A_167 : vector<16xi1> to vector<16xi32>
          %broadcast_in_dim3A_172 = arith.constant true
          %broadcast_in_dim3A_173 = vector.broadcast %broadcast_in_dim3A_172 : i1 to vector<16xi1>
          %masked_cumsum3A_174 = tpu.scan <sum>, %convert_element_type3A_171 masked %broadcast_in_dim3A_173 : vector<16xi32>, vector<16xi1> -> vector<16xi32>
          %add3A_175 = vector.broadcast %scan3A_115 : i32 to vector<16xi32>
          %add3A_176 = arith.addi %add3A_175, %masked_cumsum3A : vector<16xi32>
          %sub3A_177 = arith.constant 1 : i32
          %sub3A_178 = vector.broadcast %sub3A_177 : i32 to vector<16xi32>
          %sub3A_179 = arith.subi %add3A_176, %sub3A_178 : vector<16xi32>
          tpu.vector_store_idx %arg14[%sub3A_179], %add3A_121 masked %and3A_163 : memref<1472xi32, #tpu.memory_space<vmem>>[vector<16xi32>], vector<16xi32>, vector<16xi1>
          %add3A_180 = vector.broadcast %scan3A_116 : i32 to vector<16xi32>
          %add3A_181 = arith.addi %add3A_180, %masked_cumsum3A_174 : vector<16xi32>
          %sub3A_182 = arith.constant 1 : i32
          %sub3A_183 = vector.broadcast %sub3A_182 : i32 to vector<16xi32>
          %sub3A_184 = arith.subi %add3A_181, %sub3A_183 : vector<16xi32>
          tpu.vector_store_idx %arg15[%sub3A_184], %add3A_121 masked %and3A_167 : memref<1472xi32, #tpu.memory_space<vmem>>[vector<16xi32>], vector<16xi32>, vector<16xi1>
          %mul3A_185 = arith.constant 16 : i32
          %mul3A_186 = arith.muli %scan3A_114, %mul3A_185 : i32
          %add3A_187 = arith.addi %mul3A_54, %mul3A_186 : i32
          %get3A = arith.index_cast %add3A_187 : i32 to index
          %get3A_188 = tpu.vector_load %arg9[%get3A] {strides = array<i32>} : memref<2912xf32, #tpu.memory_space<vmem>>, vector<16xf32>,
          %lt3A_189 = arith.constant 6.000000e-01 : f32
          %lt3A_190 = vector.broadcast %lt3A_189 : f32 to vector<16xf32>
          %lt3A_191 = arith.cmpf olt, %get3A_188, %lt3A_190 : vector<16xf32>
          %ne3A = arith.xori %lt3A_191, %and3A_163 : vector<16xi1>
          %and3A_192 = arith.andi %ne3A, %lt3A_123 : vector<16xi1>
          %all_reduce_population_count3A = tpu.all_reduce %and3A_192 {dim = 0 : i64, kind = #tpu.reduction_kind<sum>} : vector<16xi1> -> vector<16xi32>
          %add3A_193 = arith.addi %scan3A_117, %all_reduce_population_count3A : vector<16xi32>
          %slice3A_194 = vector.extract_strided_slice %masked_cumsum3A {offsets = [15], sizes = [1], strides = [1]} : vector<16xi32> to vector<1xi32>
          %squeeze3A_195 = vector.extract %slice3A_194[0] : i32 from vector<1xi32>
          %add3A_196 = arith.addi %scan3A_115, %squeeze3A_195 : i32
          %slice3A_197 = vector.extract_strided_slice %masked_cumsum3A_174 {offsets = [15], sizes = [1], strides = [1]} : vector<16xi32> to vector<1xi32>
          %squeeze3A_198 = vector.extract %slice3A_197[0] : i32 from vector<1xi32>
          %add3A_199 = arith.addi %scan3A_116, %squeeze3A_198 : i32
          scf.yield %add3A_196, %add3A_199, %add3A_193 : i32, i32, vector<16xi32>
        }
        %scan3A_102 = arith.constant 91 : i32
        %slice3A = vector.extract_strided_slice %scan3A_101#2 {offsets = [0], sizes = [1], strides = [1]} : vector<16xi32> to vector<1xi32>
        %squeeze3A = vector.extract %slice3A[0] : i32 from vector<1xi32>
        %convert_element_type3A_103 = arith.sitofp %squeeze3A : i32 to f32
        %mul3A_104 = arith.constant 6.92041533E-4 : f32
        %mul3A_105 = arith.mulf %convert_element_type3A_103, %mul3A_104 : f32
        %add3A_106 = arith.addf %scan3A_50, %mul3A_105 : f32
        %gt3A = arith.constant 0 : i32
        %gt3A_107 = arith.cmpi sgt, %scan3A_101#0, %gt3A : i32
        %convert_element_type3A_108 = arith.extui %gt3A_107 : i1 to i32
        %cond3A_109 = arith.constant 0 : i32
        %cond3A_110 = arith.cmpi ne, %convert_element_type3A_108, %cond3A_109 : i32
        %cond3A_111:3 = scf.if %cond3A_110 -> (i32, f32, f32) {
          %scan3A_114 = arith.constant 0 : i32
          %scan3A_115 = arith.constant 0 : i32
          %scan3A_116 = arith.constant 91 : i32
          %scan3A_117 = arith.addi %scan3A_115, %scan3A_116 : i32
          %scan3A_118 = arith.constant 1 : i32
          scf.for %scan3A_318 = %scan3A_115 to %scan3A_117 step %scan3A_118  : i32 {
            %mul3A_319 = arith.constant 16 : i32
            %mul3A_320 = arith.muli %scan3A_318, %mul3A_319 : i32
            %add3A_321 = vector.broadcast %mul3A_320 : i32 to vector<16xi32>
            %add3A_322 = arith.addi %add3A_321, %iota3A : vector<16xi32>
            %mul3A_323 = arith.constant 16 : i32
            %mul3A_324 = arith.muli %scan3A_318, %mul3A_323 : i32
            %swap3A_325 = arith.index_cast %mul3A_324 : i32 to index
            %swap3A_326 = tpu.vector_load %arg16[%swap3A_325] {strides = array<i32>} : memref<2912xi32, #tpu.memory_space<vmem>>, vector<16xi32>,
            tpu.vector_store %arg16[%swap3A_325], %add3A_322 {strides = array<i32>} : memref<2912xi32, #tpu.memory_space<vmem>>, vector<16xi32>,
            %mul3A_327 = arith.constant 16 : i32
            %mul3A_328 = arith.muli %scan3A_318, %mul3A_327 : i32
            %add3A_329 = arith.constant 1456 : i32
            %add3A_330 = arith.addi %add3A_329, %mul3A_328 : i32
            %swap3A_331 = arith.index_cast %add3A_330 : i32 to index
            %swap3A_332 = tpu.vector_load %arg16[%swap3A_331] {strides = array<i32>} : memref<2912xi32, #tpu.memory_space<vmem>>, vector<16xi32>,
            tpu.vector_store %arg16[%swap3A_331], %add3A_322 {strides = array<i32>} : memref<2912xi32, #tpu.memory_space<vmem>>, vector<16xi32>,
          }
          %scan3A_119 = arith.constant 91 : i32
          %eq3A_120 = arith.constant 0 : i32
          %eq3A_121 = vector.broadcast %eq3A_120 : i32 to vector<16xi32>
          %eq3A_122 = arith.cmpi eq, %iota3A, %eq3A_121 : vector<16xi32>
          %lt3A = arith.constant 2 : i32
          %lt3A_123 = vector.broadcast %lt3A : i32 to vector<16xi32>
          %lt3A_124 = arith.cmpi slt, %iota3A, %lt3A_123 : vector<16xi32>
          %sub3A_125 = arith.constant 1 : i32
          %sub3A_126 = arith.subi %scan3A_101#0, %sub3A_125 : i32
          %gt3A_127 = arith.constant 0 : i32
          %gt3A_128 = arith.cmpi sgt, %sub3A_126, %gt3A_127 : i32
          %convert_element_type3A_129 = arith.extui %gt3A_128 : i1 to i32
          %cond3A_130 = arith.constant 0 : i32
          %cond3A_131 = arith.cmpi ne, %convert_element_type3A_129, %cond3A_130 : i32
          scf.if %cond3A_131 {
            %and3A_318 = arith.constant 7 : i32
            %and3A_319 = arith.andi %scan3A_47, %and3A_318 : i32
            %sub3A_320 = arith.subi %scan3A_47, %and3A_319 : i32
            %multiple_of3A = tpu.assume_multiple %sub3A_320, 8 : i32
            %dma_start3A_321 = arith.constant 0 : i32
            %dma_start3A_322 = tpu.memref_slice %arg17[%dma_start3A_321] : memref<2112xi32, #tpu.memory_space<vmem>> -> memref<1056xi32, #tpu.memory_space<vmem>>
            %dma_start3A_323 = tpu.memref_slice %arg2[%multiple_of3A] : memref<2097152xi32, #tpu.memory_space<hbm>> -> memref<1056xi32, #tpu.memory_space<hbm>>
            %dma_start3A_324 = arith.constant 0 : i32
            %dma_start3A_325 = tpu.memref_slice %arg17[%dma_start3A_324] : memref<2112xi32, #tpu.memory_space<vmem>> -> memref<1056xi32, #tpu.memory_space<vmem>>
            %dma_start3A_326 = tpu.memref_slice %arg2[%multiple_of3A] : memref<2097152xi32, #tpu.memory_space<hbm>> -> memref<1056xi32, #tpu.memory_space<hbm>>
            tpu.enqueue_dma source(%dma_start3A_326 : memref<1056xi32, #tpu.memory_space<hbm>>) target(%dma_start3A_325 : memref<1056xi32, #tpu.memory_space<vmem>>) target_semaphore(%arg19 : memref<!tpu.dma_semaphore, #tpu.memory_space<semaphore_mem>>)
          } else {
          }
          %shift_right_arithmetic3A = arith.constant 1 : i32
          %shift_right_arithmetic3A_132 = arith.shrsi %sub3A_126, %shift_right_arithmetic3A : i32
          %or3A = arith.ori %sub3A_126, %shift_right_arithmetic3A_132 : i32
          %shift_right_arithmetic3A_133 = arith.constant 2 : i32
          %shift_right_arithmetic3A_134 = arith.shrsi %or3A, %shift_right_arithmetic3A_133 : i32
          %or3A_135 = arith.ori %or3A, %shift_right_arithmetic3A_134 : i32
          %shift_right_arithmetic3A_136 = arith.constant 4 : i32
          %shift_right_arithmetic3A_137 = arith.shrsi %or3A_135, %shift_right_arithmetic3A_136 : i32
          %or3A_138 = arith.ori %or3A_135, %shift_right_arithmetic3A_137 : i32
          %shift_right_arithmetic3A_139 = arith.constant 8 : i32
          %shift_right_arithmetic3A_140 = arith.shrsi %or3A_138, %shift_right_arithmetic3A_139 : i32
          %or3A_141 = arith.ori %or3A_138, %shift_right_arithmetic3A_140 : i32
          %shift_right_arithmetic3A_142 = arith.constant 16 : i32
          %shift_right_arithmetic3A_143 = arith.shrsi %or3A_141, %shift_right_arithmetic3A_142 : i32
          %or3A_144 = arith.ori %or3A_141, %shift_right_arithmetic3A_143 : i32
          %scan3A_145 = arith.constant 0 : i32
          %scan3A_146 = arith.constant 8 : i32
          %scan3A_147 = arith.addi %scan3A_145, %scan3A_146 : i32
          %scan3A_148 = arith.constant 1 : i32
          %scan3A_149:3 = scf.for %scan3A_318 = %scan3A_145 to %scan3A_147 step %scan3A_148 iter_args(%scan3A_319 = %scan3A_47, %scan3A_320 = %sub3A_126, %scan3A_321 = %or3A_144) -> (i32, i32, i32)  : i32 {
            %gt3A_322 = arith.constant 0 : i32
            %gt3A_323 = arith.cmpi sgt, %scan3A_320, %gt3A_322 : i32
            %convert_element_type3A_324 = arith.extui %gt3A_323 : i1 to i32
            %cond3A_325 = arith.constant 0 : i32
            %cond3A_326 = arith.cmpi ne, %convert_element_type3A_324, %cond3A_325 : i32
            %cond3A_327:3 = scf.if %cond3A_326 -> (i32, i32, i32) {
              %and3A_328 = arith.constant 7 : i32
              %and3A_329 = arith.andi %scan3A_319, %and3A_328 : i32
              %sub3A_330 = arith.subi %scan3A_319, %and3A_329 : i32
              %multiple_of3A = tpu.assume_multiple %sub3A_330, 8 : i32
              %and3A_331 = arith.constant 1 : i32
              %and3A_332 = arith.andi %scan3A_318, %and3A_331 : i32
              %mul3A_333 = arith.constant 1056 : i32
              %mul3A_334 = arith.muli %and3A_332, %mul3A_333 : i32
              %dma_wait3A_335 = tpu.memref_slice %arg17[%mul3A_334] : memref<2112xi32, #tpu.memory_space<vmem>> -> memref<1056xi32, #tpu.memory_space<vmem>>
              %dma_wait3A_336 = tpu.memref_slice %arg2[%multiple_of3A] : memref<2097152xi32, #tpu.memory_space<hbm>> -> memref<1056xi32, #tpu.memory_space<hbm>>
              %dma_wait3A_337 = tpu.memref_slice %arg17[%mul3A_334] : memref<2112xi32, #tpu.memory_space<vmem>> -> memref<1056xi32, #tpu.memory_space<vmem>>
              %dma_wait3A_338 = tpu.memref_slice %arg2[%multiple_of3A] : memref<2097152xi32, #tpu.memory_space<hbm>> -> memref<1056xi32, #tpu.memory_space<hbm>>
              tpu.wait_dma2 semaphore(%arg19 : memref<!tpu.dma_semaphore, #tpu.memory_space<semaphore_mem>>) src(%dma_wait3A_338 : memref<1056xi32, #tpu.memory_space<hbm>>) dst(%dma_wait3A_337 : memref<1056xi32, #tpu.memory_space<vmem>>)
              %add3A_339 = arith.constant 1024 : i32
              %add3A_340 = arith.addi %multiple_of3A, %add3A_339 : i32
              %multiple_of3A_341 = tpu.assume_multiple %add3A_340, 8 : i32
              %sub3A_342 = arith.constant 1 : i32
              %sub3A_343 = arith.subi %sub3A_342, %and3A_332 : i32
              %mul3A_344 = arith.constant 1056 : i32
              %mul3A_345 = arith.muli %sub3A_343, %mul3A_344 : i32
              %dma_start3A_346 = tpu.memref_slice %arg17[%mul3A_345] : memref<2112xi32, #tpu.memory_space<vmem>> -> memref<1056xi32, #tpu.memory_space<vmem>>
              %dma_start3A_347 = tpu.memref_slice %arg2[%multiple_of3A_341] : memref<2097152xi32, #tpu.memory_space<hbm>> -> memref<1056xi32, #tpu.memory_space<hbm>>
              %dma_start3A_348 = tpu.memref_slice %arg17[%mul3A_345] : memref<2112xi32, #tpu.memory_space<vmem>> -> memref<1056xi32, #tpu.memory_space<vmem>>
              %dma_start3A_349 = tpu.memref_slice %arg2[%multiple_of3A_341] : memref<2097152xi32, #tpu.memory_space<hbm>> -> memref<1056xi32, #tpu.memory_space<hbm>>
              tpu.enqueue_dma source(%dma_start3A_349 : memref<1056xi32, #tpu.memory_space<hbm>>) target(%dma_start3A_348 : memref<1056xi32, #tpu.memory_space<vmem>>) target_semaphore(%arg19 : memref<!tpu.dma_semaphore, #tpu.memory_space<semaphore_mem>>)
              %sub3A_350 = arith.subi %scan3A_319, %multiple_of3A : i32
              %add3A_351 = arith.addi %sub3A_350, %mul3A_334 : i32
              %scan3A_352 = arith.constant 0 : i32
              %scan3A_353 = arith.constant 0 : i32
              %scan3A_354 = arith.constant 16 : i32
              %scan3A_355 = arith.addi %scan3A_353, %scan3A_354 : i32
              %scan3A_356 = arith.constant 1 : i32
              %scan3A_357:3 = scf.for %scan3A_360 = %scan3A_353 to %scan3A_355 step %scan3A_356 iter_args(%scan3A_361 = %scan3A_320, %scan3A_362 = %scan3A_321, %scan3A_363 = %scan3A_352) -> (i32, i32, i32)  : i32 {
                %gt3A_364 = arith.constant 0 : i32
                %gt3A_365 = arith.cmpi sgt, %scan3A_361, %gt3A_364 : i32
                %convert_element_type3A_366 = arith.extui %gt3A_365 : i1 to i32
                %cond3A_367 = arith.constant 0 : i32
                %cond3A_368 = arith.cmpi ne, %convert_element_type3A_366, %cond3A_367 : i32
                %cond3A_369:3 = scf.if %cond3A_368 -> (i32, i32, i32) {
                  %scan3A_370 = arith.constant 0 : i32
                  %scan3A_371 = arith.constant 4 : i32
                  %scan3A_372 = arith.addi %scan3A_370, %scan3A_371 : i32
                  %scan3A_373 = arith.constant 1 : i32
                  %scan3A_374:3 = scf.for %scan3A_376 = %scan3A_370 to %scan3A_372 step %scan3A_373 iter_args(%scan3A_377 = %scan3A_361, %scan3A_378 = %scan3A_362, %scan3A_379 = %scan3A_363) -> (i32, i32, i32)  : i32 {
                    %mul3A_380 = arith.constant 64 : i32
                    %mul3A_381 = arith.muli %scan3A_360, %mul3A_380 : i32
                    %add3A_382 = arith.addi %add3A_351, %mul3A_381 : i32
                    %mul3A_383 = arith.constant 16 : i32
                    %mul3A_384 = arith.muli %scan3A_376, %mul3A_383 : i32
                    %add3A_385 = arith.addi %add3A_382, %mul3A_384 : i32
                    %get3A_386 = arith.index_cast %add3A_385 : i32 to index
                    %get3A_387 = tpu.vector_load %arg17[%get3A_386] {strides = array<i32>} : memref<2112xi32, #tpu.memory_space<vmem>>, vector<16xi32>,
                    %gt3A_388 = arith.constant 0 : i32
                    %gt3A_389 = arith.cmpi sgt, %scan3A_377, %gt3A_388 : i32
                    %slice3A_390 = vector.extract_strided_slice %get3A_387 {offsets = [0], sizes = [1], strides = [1]} : vector<16xi32> to vector<1xi32>
                    %squeeze3A_391 = vector.extract %slice3A_390[0] : i32 from vector<1xi32>
                    %and3A_392 = arith.andi %squeeze3A_391, %scan3A_378 : i32
                    %le3A = arith.cmpi sle, %and3A_392, %scan3A_377 : i32
                    %and3A_393 = arith.andi %gt3A_389, %le3A : i1
                    %add3A_394 = arith.constant 0 : i32
                    %add3A_395 = arith.addi %add3A_394, %scan3A_377 : i32
                    %add3A_396 = arith.constant 0 : i32
                    %add3A_397 = arith.addi %add3A_396, %and3A_392 : i32
                    %and3A_398 = vector.broadcast %and3A_393 : i1 to vector<16xi1>
                    %and3A_399 = arith.andi %lt3A_124, %and3A_398 : vector<16xi1>
                    %broadcast_in_dim3A_400 = vector.broadcast %add3A_395 : i32 to vector<16xi32>
                    %broadcast_in_dim3A_401 = vector.broadcast %add3A_397 : i32 to vector<16xi32>
                    %select_n3A_402 = arith.select %eq3A_122, %broadcast_in_dim3A_400, %broadcast_in_dim3A_401 : vector<16xi1>, vector<16xi32>
                    %broadcast_in_dim3A_403 = vector.broadcast %add3A_397 : i32 to vector<16xi32>
                    %broadcast_in_dim3A_404 = vector.broadcast %add3A_395 : i32 to vector<16xi32>
                    %select_n3A_405 = arith.select %eq3A_122, %broadcast_in_dim3A_403, %broadcast_in_dim3A_404 : vector<16xi1>, vector<16xi32>
                    %gather3A_406 = tpu.vector_load_idx %arg16[%select_n3A_402] masked %and3A_399 : memref<2912xi32, #tpu.memory_space<vmem>>[vector<16xi32>], vector<16xi32>, vector<16xi1>
                    tpu.vector_store_idx %arg16[%select_n3A_405], %gather3A_406 masked %and3A_399 : memref<2912xi32, #tpu.memory_space<vmem>>[vector<16xi32>], vector<16xi32>, vector<16xi1>
                    %shift_right_arithmetic3A_407 = arith.constant 1 : i32
                    %shift_right_arithmetic3A_408 = arith.shrsi %scan3A_378, %shift_right_arithmetic3A_407 : i32
                    %sub3A_409 = arith.constant 1 : i32
                    %sub3A_410 = arith.subi %scan3A_377, %sub3A_409 : i32
                    %le3A_411 = arith.cmpi sle, %sub3A_410, %shift_right_arithmetic3A_408 : i32
                    %select_n3A_412 = arith.select %le3A_411, %shift_right_arithmetic3A_408, %scan3A_378 : i32
                    %select_n3A_413 = arith.select %and3A_393, %sub3A_410, %scan3A_377 : i32
                    %select_n3A_414 = arith.select %and3A_393, %select_n3A_412, %scan3A_378 : i32
                    %convert_element_type3A_415 = arith.extui %gt3A_389 : i1 to i32
                    %add3A_416 = arith.addi %scan3A_379, %convert_element_type3A_415 : i32
                    %gt3A_417 = arith.constant 0 : i32
                    %gt3A_418 = arith.cmpi sgt, %select_n3A_413, %gt3A_417 : i32
                    %slice3A_419 = vector.extract_strided_slice %get3A_387 {offsets = [1], sizes = [1], strides = [1]} : vector<16xi32> to vector<1xi32>
                    %squeeze3A_420 = vector.extract %slice3A_419[0] : i32 from vector<1xi32>
                    %and3A_421 = arith.andi %squeeze3A_420, %select_n3A_414 : i32
                    %le3A_422 = arith.cmpi sle, %and3A_421, %select_n3A_413 : i32
                    %and3A_423 = arith.andi %gt3A_418, %le3A_422 : i1
                    %add3A_424 = arith.constant 0 : i32
                    %add3A_425 = arith.addi %add3A_424, %select_n3A_413 : i32
                    %add3A_426 = arith.constant 0 : i32
                    %add3A_427 = arith.addi %add3A_426, %and3A_421 : i32
                    %and3A_428 = vector.broadcast %and3A_423 : i1 to vector<16xi1>
                    %and3A_429 = arith.andi %lt3A_124, %and3A_428 : vector<16xi1>
                    %broadcast_in_dim3A_430 = vector.broadcast %add3A_425 : i32 to vector<16xi32>
                    %broadcast_in_dim3A_431 = vector.broadcast %add3A_427 : i32 to vector<16xi32>
                    %select_n3A_432 = arith.select %eq3A_122, %broadcast_in_dim3A_430, %broadcast_in_dim3A_431 : vector<16xi1>, vector<16xi32>
                    %broadcast_in_dim3A_433 = vector.broadcast %add3A_427 : i32 to vector<16xi32>
                    %broadcast_in_dim3A_434 = vector.broadcast %add3A_425 : i32 to vector<16xi32>
                    %select_n3A_435 = arith.select %eq3A_122, %broadcast_in_dim3A_433, %broadcast_in_dim3A_434 : vector<16xi1>, vector<16xi32>
                    %gather3A_436 = tpu.vector_load_idx %arg16[%select_n3A_432] masked %and3A_429 : memref<2912xi32, #tpu.memory_space<vmem>>[vector<16xi32>], vector<16xi32>, vector<16xi1>
                    tpu.vector_store_idx %arg16[%select_n3A_435], %gather3A_436 masked %and3A_429 : memref<2912xi32, #tpu.memory_space<vmem>>[vector<16xi32>], vector<16xi32>, vector<16xi1>
                    %shift_right_arithmetic3A_437 = arith.constant 1 : i32
                    %shift_right_arithmetic3A_438 = arith.shrsi %select_n3A_414, %shift_right_arithmetic3A_437 : i32
                    %sub3A_439 = arith.constant 1 : i32
                    %sub3A_440 = arith.subi %select_n3A_413, %sub3A_439 : i32
                    %le3A_441 = arith.cmpi sle, %sub3A_440, %shift_right_arithmetic3A_438 : i32
                    %select_n3A_442 = arith.select %le3A_441, %shift_right_arithmetic3A_438, %select_n3A_414 : i32
                    %select_n3A_443 = arith.select %and3A_423, %sub3A_440, %select_n3A_413 : i32
                    %select_n3A_444 = arith.select %and3A_423, %select_n3A_442, %select_n3A_414 : i32
                    %convert_element_type3A_445 = arith.extui %gt3A_418 : i1 to i32
                    %add3A_446 = arith.addi %add3A_416, %convert_element_type3A_445 : i32
                    %gt3A_447 = arith.constant 0 : i32
                    %gt3A_448 = arith.cmpi sgt, %select_n3A_443, %gt3A_447 : i32
                    %slice3A_449 = vector.extract_strided_slice %get3A_387 {offsets = [2], sizes = [1], strides = [1]} : vector<16xi32> to vector<1xi32>
                    %squeeze3A_450 = vector.extract %slice3A_449[0] : i32 from vector<1xi32>
                    %and3A_451 = arith.andi %squeeze3A_450, %select_n3A_444 : i32
                    %le3A_452 = arith.cmpi sle, %and3A_451, %select_n3A_443 : i32
                    %and3A_453 = arith.andi %gt3A_448, %le3A_452 : i1
                    %add3A_454 = arith.constant 0 : i32
                    %add3A_455 = arith.addi %add3A_454, %select_n3A_443 : i32
                    %add3A_456 = arith.constant 0 : i32
                    %add3A_457 = arith.addi %add3A_456, %and3A_451 : i32
                    %and3A_458 = vector.broadcast %and3A_453 : i1 to vector<16xi1>
                    %and3A_459 = arith.andi %lt3A_124, %and3A_458 : vector<16xi1>
                    %broadcast_in_dim3A_460 = vector.broadcast %add3A_455 : i32 to vector<16xi32>
                    %broadcast_in_dim3A_461 = vector.broadcast %add3A_457 : i32 to vector<16xi32>
                    %select_n3A_462 = arith.select %eq3A_122, %broadcast_in_dim3A_460, %broadcast_in_dim3A_461 : vector<16xi1>, vector<16xi32>
                    %broadcast_in_dim3A_463 = vector.broadcast %add3A_457 : i32 to vector<16xi32>
                    %broadcast_in_dim3A_464 = vector.broadcast %add3A_455 : i32 to vector<16xi32>
                    %select_n3A_465 = arith.select %eq3A_122, %broadcast_in_dim3A_463, %broadcast_in_dim3A_464 : vector<16xi1>, vector<16xi32>
                    %gather3A_466 = tpu.vector_load_idx %arg16[%select_n3A_462] masked %and3A_459 : memref<2912xi32, #tpu.memory_space<vmem>>[vector<16xi32>], vector<16xi32>, vector<16xi1>
                    tpu.vector_store_idx %arg16[%select_n3A_465], %gather3A_466 masked %and3A_459 : memref<2912xi32, #tpu.memory_space<vmem>>[vector<16xi32>], vector<16xi32>, vector<16xi1>
                    %shift_right_arithmetic3A_467 = arith.constant 1 : i32
                    %shift_right_arithmetic3A_468 = arith.shrsi %select_n3A_444, %shift_right_arithmetic3A_467 : i32
                    %sub3A_469 = arith.constant 1 : i32
                    %sub3A_470 = arith.subi %select_n3A_443, %sub3A_469 : i32
                    %le3A_471 = arith.cmpi sle, %sub3A_470, %shift_right_arithmetic3A_468 : i32
                    %select_n3A_472 = arith.select %le3A_471, %shift_right_arithmetic3A_468, %select_n3A_444 : i32
                    %select_n3A_473 = arith.select %and3A_453, %sub3A_470, %select_n3A_443 : i32
                    %select_n3A_474 = arith.select %and3A_453, %select_n3A_472, %select_n3A_444 : i32
                    %convert_element_type3A_475 = arith.extui %gt3A_448 : i1 to i32
                    %add3A_476 = arith.addi %add3A_446, %convert_element_type3A_475 : i32
                    %gt3A_477 = arith.constant 0 : i32
                    %gt3A_478 = arith.cmpi sgt, %select_n3A_473, %gt3A_477 : i32
                    %slice3A_479 = vector.extract_strided_slice %get3A_387 {offsets = [3], sizes = [1], strides = [1]} : vector<16xi32> to vector<1xi32>
                    %squeeze3A_480 = vector.extract %slice3A_479[0] : i32 from vector<1xi32>
                    %and3A_481 = arith.andi %squeeze3A_480, %select_n3A_474 : i32
                    %le3A_482 = arith.cmpi sle, %and3A_481, %select_n3A_473 : i32
                    %and3A_483 = arith.andi %gt3A_478, %le3A_482 : i1
                    %add3A_484 = arith.constant 0 : i32
                    %add3A_485 = arith.addi %add3A_484, %select_n3A_473 : i32
                    %add3A_486 = arith.constant 0 : i32
                    %add3A_487 = arith.addi %add3A_486, %and3A_481 : i32
                    %and3A_488 = vector.broadcast %and3A_483 : i1 to vector<16xi1>
                    %and3A_489 = arith.andi %lt3A_124, %and3A_488 : vector<16xi1>
                    %broadcast_in_dim3A_490 = vector.broadcast %add3A_485 : i32 to vector<16xi32>
                    %broadcast_in_dim3A_491 = vector.broadcast %add3A_487 : i32 to vector<16xi32>
                    %select_n3A_492 = arith.select %eq3A_122, %broadcast_in_dim3A_490, %broadcast_in_dim3A_491 : vector<16xi1>, vector<16xi32>
                    %broadcast_in_dim3A_493 = vector.broadcast %add3A_487 : i32 to vector<16xi32>
                    %broadcast_in_dim3A_494 = vector.broadcast %add3A_485 : i32 to vector<16xi32>
                    %select_n3A_495 = arith.select %eq3A_122, %broadcast_in_dim3A_493, %broadcast_in_dim3A_494 : vector<16xi1>, vector<16xi32>
                    %gather3A_496 = tpu.vector_load_idx %arg16[%select_n3A_492] masked %and3A_489 : memref<2912xi32, #tpu.memory_space<vmem>>[vector<16xi32>], vector<16xi32>, vector<16xi1>
                    tpu.vector_store_idx %arg16[%select_n3A_495], %gather3A_496 masked %and3A_489 : memref<2912xi32, #tpu.memory_space<vmem>>[vector<16xi32>], vector<16xi32>, vector<16xi1>
                    %shift_right_arithmetic3A_497 = arith.constant 1 : i32
                    %shift_right_arithmetic3A_498 = arith.shrsi %select_n3A_474, %shift_right_arithmetic3A_497 : i32
                    %sub3A_499 = arith.constant 1 : i32
                    %sub3A_500 = arith.subi %select_n3A_473, %sub3A_499 : i32
                    %le3A_501 = arith.cmpi sle, %sub3A_500, %shift_right_arithmetic3A_498 : i32
                    %select_n3A_502 = arith.select %le3A_501, %shift_right_arithmetic3A_498, %select_n3A_474 : i32
                    %select_n3A_503 = arith.select %and3A_483, %sub3A_500, %select_n3A_473 : i32
                    %select_n3A_504 = arith.select %and3A_483, %select_n3A_502, %select_n3A_474 : i32
                    %convert_element_type3A_505 = arith.extui %gt3A_478 : i1 to i32
                    %add3A_506 = arith.addi %add3A_476, %convert_element_type3A_505 : i32
                    %gt3A_507 = arith.constant 0 : i32
                    %gt3A_508 = arith.cmpi sgt, %select_n3A_503, %gt3A_507 : i32
                    %slice3A_509 = vector.extract_strided_slice %get3A_387 {offsets = [4], sizes = [1], strides = [1]} : vector<16xi32> to vector<1xi32>
                    %squeeze3A_510 = vector.extract %slice3A_509[0] : i32 from vector<1xi32>
                    %and3A_511 = arith.andi %squeeze3A_510, %select_n3A_504 : i32
                    %le3A_512 = arith.cmpi sle, %and3A_511, %select_n3A_503 : i32
                    %and3A_513 = arith.andi %gt3A_508, %le3A_512 : i1
                    %add3A_514 = arith.constant 0 : i32
                    %add3A_515 = arith.addi %add3A_514, %select_n3A_503 : i32
                    %add3A_516 = arith.constant 0 : i32
                    %add3A_517 = arith.addi %add3A_516, %and3A_511 : i32
                    %and3A_518 = vector.broadcast %and3A_513 : i1 to vector<16xi1>
                    %and3A_519 = arith.andi %lt3A_124, %and3A_518 : vector<16xi1>
                    %broadcast_in_dim3A_520 = vector.broadcast %add3A_515 : i32 to vector<16xi32>
                    %broadcast_in_dim3A_521 = vector.broadcast %add3A_517 : i32 to vector<16xi32>
                    %select_n3A_522 = arith.select %eq3A_122, %broadcast_in_dim3A_520, %broadcast_in_dim3A_521 : vector<16xi1>, vector<16xi32>
                    %broadcast_in_dim3A_523 = vector.broadcast %add3A_517 : i32 to vector<16xi32>
                    %broadcast_in_dim3A_524 = vector.broadcast %add3A_515 : i32 to vector<16xi32>
                    %select_n3A_525 = arith.select %eq3A_122, %broadcast_in_dim3A_523, %broadcast_in_dim3A_524 : vector<16xi1>, vector<16xi32>
                    %gather3A_526 = tpu.vector_load_idx %arg16[%select_n3A_522] masked %and3A_519 : memref<2912xi32, #tpu.memory_space<vmem>>[vector<16xi32>], vector<16xi32>, vector<16xi1>
                    tpu.vector_store_idx %arg16[%select_n3A_525], %gather3A_526 masked %and3A_519 : memref<2912xi32, #tpu.memory_space<vmem>>[vector<16xi32>], vector<16xi32>, vector<16xi1>
                    %shift_right_arithmetic3A_527 = arith.constant 1 : i32
                    %shift_right_arithmetic3A_528 = arith.shrsi %select_n3A_504, %shift_right_arithmetic3A_527 : i32
                    %sub3A_529 = arith.constant 1 : i32
                    %sub3A_530 = arith.subi %select_n3A_503, %sub3A_529 : i32
                    %le3A_531 = arith.cmpi sle, %sub3A_530, %shift_right_arithmetic3A_528 : i32
                    %select_n3A_532 = arith.select %le3A_531, %shift_right_arithmetic3A_528, %select_n3A_504 : i32
                    %select_n3A_533 = arith.select %and3A_513, %sub3A_530, %select_n3A_503 : i32
                    %select_n3A_534 = arith.select %and3A_513, %select_n3A_532, %select_n3A_504 : i32
                    %convert_element_type3A_535 = arith.extui %gt3A_508 : i1 to i32
                    %add3A_536 = arith.addi %add3A_506, %convert_element_type3A_535 : i32
                    %gt3A_537 = arith.constant 0 : i32
                    %gt3A_538 = arith.cmpi sgt, %select_n3A_533, %gt3A_537 : i32
                    %slice3A_539 = vector.extract_strided_slice %get3A_387 {offsets = [5], sizes = [1], strides = [1]} : vector<16xi32> to vector<1xi32>
                    %squeeze3A_540 = vector.extract %slice3A_539[0] : i32 from vector<1xi32>
                    %and3A_541 = arith.andi %squeeze3A_540, %select_n3A_534 : i32
                    %le3A_542 = arith.cmpi sle, %and3A_541, %select_n3A_533 : i32
                    %and3A_543 = arith.andi %gt3A_538, %le3A_542 : i1
                    %add3A_544 = arith.constant 0 : i32
                    %add3A_545 = arith.addi %add3A_544, %select_n3A_533 : i32
                    %add3A_546 = arith.constant 0 : i32
                    %add3A_547 = arith.addi %add3A_546, %and3A_541 : i32
                    %and3A_548 = vector.broadcast %and3A_543 : i1 to vector<16xi1>
                    %and3A_549 = arith.andi %lt3A_124, %and3A_548 : vector<16xi1>
                    %broadcast_in_dim3A_550 = vector.broadcast %add3A_545 : i32 to vector<16xi32>
                    %broadcast_in_dim3A_551 = vector.broadcast %add3A_547 : i32 to vector<16xi32>
                    %select_n3A_552 = arith.select %eq3A_122, %broadcast_in_dim3A_550, %broadcast_in_dim3A_551 : vector<16xi1>, vector<16xi32>
                    %broadcast_in_dim3A_553 = vector.broadcast %add3A_547 : i32 to vector<16xi32>
                    %broadcast_in_dim3A_554 = vector.broadcast %add3A_545 : i32 to vector<16xi32>
                    %select_n3A_555 = arith.select %eq3A_122, %broadcast_in_dim3A_553, %broadcast_in_dim3A_554 : vector<16xi1>, vector<16xi32>
                    %gather3A_556 = tpu.vector_load_idx %arg16[%select_n3A_552] masked %and3A_549 : memref<2912xi32, #tpu.memory_space<vmem>>[vector<16xi32>], vector<16xi32>, vector<16xi1>
                    tpu.vector_store_idx %arg16[%select_n3A_555], %gather3A_556 masked %and3A_549 : memref<2912xi32, #tpu.memory_space<vmem>>[vector<16xi32>], vector<16xi32>, vector<16xi1>
                    %shift_right_arithmetic3A_557 = arith.constant 1 : i32
                    %shift_right_arithmetic3A_558 = arith.shrsi %select_n3A_534, %shift_right_arithmetic3A_557 : i32
                    %sub3A_559 = arith.constant 1 : i32
                    %sub3A_560 = arith.subi %select_n3A_533, %sub3A_559 : i32
                    %le3A_561 = arith.cmpi sle, %sub3A_560, %shift_right_arithmetic3A_558 : i32
                    %select_n3A_562 = arith.select %le3A_561, %shift_right_arithmetic3A_558, %select_n3A_534 : i32
                    %select_n3A_563 = arith.select %and3A_543, %sub3A_560, %select_n3A_533 : i32
                    %select_n3A_564 = arith.select %and3A_543, %select_n3A_562, %select_n3A_534 : i32
                    %convert_element_type3A_565 = arith.extui %gt3A_538 : i1 to i32
                    %add3A_566 = arith.addi %add3A_536, %convert_element_type3A_565 : i32
                    %gt3A_567 = arith.constant 0 : i32
                    %gt3A_568 = arith.cmpi sgt, %select_n3A_563, %gt3A_567 : i32
                    %slice3A_569 = vector.extract_strided_slice %get3A_387 {offsets = [6], sizes = [1], strides = [1]} : vector<16xi32> to vector<1xi32>
                    %squeeze3A_570 = vector.extract %slice3A_569[0] : i32 from vector<1xi32>
                    %and3A_571 = arith.andi %squeeze3A_570, %select_n3A_564 : i32
                    %le3A_572 = arith.cmpi sle, %and3A_571, %select_n3A_563 : i32
                    %and3A_573 = arith.andi %gt3A_568, %le3A_572 : i1
                    %add3A_574 = arith.constant 0 : i32
                    %add3A_575 = arith.addi %add3A_574, %select_n3A_563 : i32
                    %add3A_576 = arith.constant 0 : i32
                    %add3A_577 = arith.addi %add3A_576, %and3A_571 : i32
                    %and3A_578 = vector.broadcast %and3A_573 : i1 to vector<16xi1>
                    %and3A_579 = arith.andi %lt3A_124, %and3A_578 : vector<16xi1>
                    %broadcast_in_dim3A_580 = vector.broadcast %add3A_575 : i32 to vector<16xi32>
                    %broadcast_in_dim3A_581 = vector.broadcast %add3A_577 : i32 to vector<16xi32>
                    %select_n3A_582 = arith.select %eq3A_122, %broadcast_in_dim3A_580, %broadcast_in_dim3A_581 : vector<16xi1>, vector<16xi32>
                    %broadcast_in_dim3A_583 = vector.broadcast %add3A_577 : i32 to vector<16xi32>
                    %broadcast_in_dim3A_584 = vector.broadcast %add3A_575 : i32 to vector<16xi32>
                    %select_n3A_585 = arith.select %eq3A_122, %broadcast_in_dim3A_583, %broadcast_in_dim3A_584 : vector<16xi1>, vector<16xi32>
                    %gather3A_586 = tpu.vector_load_idx %arg16[%select_n3A_582] masked %and3A_579 : memref<2912xi32, #tpu.memory_space<vmem>>[vector<16xi32>], vector<16xi32>, vector<16xi1>
                    tpu.vector_store_idx %arg16[%select_n3A_585], %gather3A_586 masked %and3A_579 : memref<2912xi32, #tpu.memory_space<vmem>>[vector<16xi32>], vector<16xi32>, vector<16xi1>
                    %shift_right_arithmetic3A_587 = arith.constant 1 : i32
                    %shift_right_arithmetic3A_588 = arith.shrsi %select_n3A_564, %shift_right_arithmetic3A_587 : i32
                    %sub3A_589 = arith.constant 1 : i32
                    %sub3A_590 = arith.subi %select_n3A_563, %sub3A_589 : i32
                    %le3A_591 = arith.cmpi sle, %sub3A_590, %shift_right_arithmetic3A_588 : i32
                    %select_n3A_592 = arith.select %le3A_591, %shift_right_arithmetic3A_588, %select_n3A_564 : i32
                    %select_n3A_593 = arith.select %and3A_573, %sub3A_590, %select_n3A_563 : i32
                    %select_n3A_594 = arith.select %and3A_573, %select_n3A_592, %select_n3A_564 : i32
                    %convert_element_type3A_595 = arith.extui %gt3A_568 : i1 to i32
                    %add3A_596 = arith.addi %add3A_566, %convert_element_type3A_595 : i32
                    %gt3A_597 = arith.constant 0 : i32
                    %gt3A_598 = arith.cmpi sgt, %select_n3A_593, %gt3A_597 : i32
                    %slice3A_599 = vector.extract_strided_slice %get3A_387 {offsets = [7], sizes = [1], strides = [1]} : vector<16xi32> to vector<1xi32>
                    %squeeze3A_600 = vector.extract %slice3A_599[0] : i32 from vector<1xi32>
                    %and3A_601 = arith.andi %squeeze3A_600, %select_n3A_594 : i32
                    %le3A_602 = arith.cmpi sle, %and3A_601, %select_n3A_593 : i32
                    %and3A_603 = arith.andi %gt3A_598, %le3A_602 : i1
                    %add3A_604 = arith.constant 0 : i32
                    %add3A_605 = arith.addi %add3A_604, %select_n3A_593 : i32
                    %add3A_606 = arith.constant 0 : i32
                    %add3A_607 = arith.addi %add3A_606, %and3A_601 : i32
                    %and3A_608 = vector.broadcast %and3A_603 : i1 to vector<16xi1>
                    %and3A_609 = arith.andi %lt3A_124, %and3A_608 : vector<16xi1>
                    %broadcast_in_dim3A_610 = vector.broadcast %add3A_605 : i32 to vector<16xi32>
                    %broadcast_in_dim3A_611 = vector.broadcast %add3A_607 : i32 to vector<16xi32>
                    %select_n3A_612 = arith.select %eq3A_122, %broadcast_in_dim3A_610, %broadcast_in_dim3A_611 : vector<16xi1>, vector<16xi32>
                    %broadcast_in_dim3A_613 = vector.broadcast %add3A_607 : i32 to vector<16xi32>
                    %broadcast_in_dim3A_614 = vector.broadcast %add3A_605 : i32 to vector<16xi32>
                    %select_n3A_615 = arith.select %eq3A_122, %broadcast_in_dim3A_613, %broadcast_in_dim3A_614 : vector<16xi1>, vector<16xi32>
                    %gather3A_616 = tpu.vector_load_idx %arg16[%select_n3A_612] masked %and3A_609 : memref<2912xi32, #tpu.memory_space<vmem>>[vector<16xi32>], vector<16xi32>, vector<16xi1>
                    tpu.vector_store_idx %arg16[%select_n3A_615], %gather3A_616 masked %and3A_609 : memref<2912xi32, #tpu.memory_space<vmem>>[vector<16xi32>], vector<16xi32>, vector<16xi1>
                    %shift_right_arithmetic3A_617 = arith.constant 1 : i32
                    %shift_right_arithmetic3A_618 = arith.shrsi %select_n3A_594, %shift_right_arithmetic3A_617 : i32
                    %sub3A_619 = arith.constant 1 : i32
                    %sub3A_620 = arith.subi %select_n3A_593, %sub3A_619 : i32
                    %le3A_621 = arith.cmpi sle, %sub3A_620, %shift_right_arithmetic3A_618 : i32
                    %select_n3A_622 = arith.select %le3A_621, %shift_right_arithmetic3A_618, %select_n3A_594 : i32
                    %select_n3A_623 = arith.select %and3A_603, %sub3A_620, %select_n3A_593 : i32
                    %select_n3A_624 = arith.select %and3A_603, %select_n3A_622, %select_n3A_594 : i32
                    %convert_element_type3A_625 = arith.extui %gt3A_598 : i1 to i32
                    %add3A_626 = arith.addi %add3A_596, %convert_element_type3A_625 : i32
                    %gt3A_627 = arith.constant 0 : i32
                    %gt3A_628 = arith.cmpi sgt, %select_n3A_623, %gt3A_627 : i32
                    %slice3A_629 = vector.extract_strided_slice %get3A_387 {offsets = [8], sizes = [1], strides = [1]} : vector<16xi32> to vector<1xi32>
                    %squeeze3A_630 = vector.extract %slice3A_629[0] : i32 from vector<1xi32>
                    %and3A_631 = arith.andi %squeeze3A_630, %select_n3A_624 : i32
                    %le3A_632 = arith.cmpi sle, %and3A_631, %select_n3A_623 : i32
                    %and3A_633 = arith.andi %gt3A_628, %le3A_632 : i1
                    %add3A_634 = arith.constant 0 : i32
                    %add3A_635 = arith.addi %add3A_634, %select_n3A_623 : i32
                    %add3A_636 = arith.constant 0 : i32
                    %add3A_637 = arith.addi %add3A_636, %and3A_631 : i32
                    %and3A_638 = vector.broadcast %and3A_633 : i1 to vector<16xi1>
                    %and3A_639 = arith.andi %lt3A_124, %and3A_638 : vector<16xi1>
                    %broadcast_in_dim3A_640 = vector.broadcast %add3A_635 : i32 to vector<16xi32>
                    %broadcast_in_dim3A_641 = vector.broadcast %add3A_637 : i32 to vector<16xi32>
                    %select_n3A_642 = arith.select %eq3A_122, %broadcast_in_dim3A_640, %broadcast_in_dim3A_641 : vector<16xi1>, vector<16xi32>
                    %broadcast_in_dim3A_643 = vector.broadcast %add3A_637 : i32 to vector<16xi32>
                    %broadcast_in_dim3A_644 = vector.broadcast %add3A_635 : i32 to vector<16xi32>
                    %select_n3A_645 = arith.select %eq3A_122, %broadcast_in_dim3A_643, %broadcast_in_dim3A_644 : vector<16xi1>, vector<16xi32>
                    %gather3A_646 = tpu.vector_load_idx %arg16[%select_n3A_642] masked %and3A_639 : memref<2912xi32, #tpu.memory_space<vmem>>[vector<16xi32>], vector<16xi32>, vector<16xi1>
                    tpu.vector_store_idx %arg16[%select_n3A_645], %gather3A_646 masked %and3A_639 : memref<2912xi32, #tpu.memory_space<vmem>>[vector<16xi32>], vector<16xi32>, vector<16xi1>
                    %shift_right_arithmetic3A_647 = arith.constant 1 : i32
                    %shift_right_arithmetic3A_648 = arith.shrsi %select_n3A_624, %shift_right_arithmetic3A_647 : i32
                    %sub3A_649 = arith.constant 1 : i32
                    %sub3A_650 = arith.subi %select_n3A_623, %sub3A_649 : i32
                    %le3A_651 = arith.cmpi sle, %sub3A_650, %shift_right_arithmetic3A_648 : i32
                    %select_n3A_652 = arith.select %le3A_651, %shift_right_arithmetic3A_648, %select_n3A_624 : i32
                    %select_n3A_653 = arith.select %and3A_633, %sub3A_650, %select_n3A_623 : i32
                    %select_n3A_654 = arith.select %and3A_633, %select_n3A_652, %select_n3A_624 : i32
                    %convert_element_type3A_655 = arith.extui %gt3A_628 : i1 to i32
                    %add3A_656 = arith.addi %add3A_626, %convert_element_type3A_655 : i32
                    %gt3A_657 = arith.constant 0 : i32
                    %gt3A_658 = arith.cmpi sgt, %select_n3A_653, %gt3A_657 : i32
                    %slice3A_659 = vector.extract_strided_slice %get3A_387 {offsets = [9], sizes = [1], strides = [1]} : vector<16xi32> to vector<1xi32>
                    %squeeze3A_660 = vector.extract %slice3A_659[0] : i32 from vector<1xi32>
                    %and3A_661 = arith.andi %squeeze3A_660, %select_n3A_654 : i32
                    %le3A_662 = arith.cmpi sle, %and3A_661, %select_n3A_653 : i32
                    %and3A_663 = arith.andi %gt3A_658, %le3A_662 : i1
                    %add3A_664 = arith.constant 0 : i32
                    %add3A_665 = arith.addi %add3A_664, %select_n3A_653 : i32
                    %add3A_666 = arith.constant 0 : i32
                    %add3A_667 = arith.addi %add3A_666, %and3A_661 : i32
                    %and3A_668 = vector.broadcast %and3A_663 : i1 to vector<16xi1>
                    %and3A_669 = arith.andi %lt3A_124, %and3A_668 : vector<16xi1>
                    %broadcast_in_dim3A_670 = vector.broadcast %add3A_665 : i32 to vector<16xi32>
                    %broadcast_in_dim3A_671 = vector.broadcast %add3A_667 : i32 to vector<16xi32>
                    %select_n3A_672 = arith.select %eq3A_122, %broadcast_in_dim3A_670, %broadcast_in_dim3A_671 : vector<16xi1>, vector<16xi32>
                    %broadcast_in_dim3A_673 = vector.broadcast %add3A_667 : i32 to vector<16xi32>
                    %broadcast_in_dim3A_674 = vector.broadcast %add3A_665 : i32 to vector<16xi32>
                    %select_n3A_675 = arith.select %eq3A_122, %broadcast_in_dim3A_673, %broadcast_in_dim3A_674 : vector<16xi1>, vector<16xi32>
                    %gather3A_676 = tpu.vector_load_idx %arg16[%select_n3A_672] masked %and3A_669 : memref<2912xi32, #tpu.memory_space<vmem>>[vector<16xi32>], vector<16xi32>, vector<16xi1>
                    tpu.vector_store_idx %arg16[%select_n3A_675], %gather3A_676 masked %and3A_669 : memref<2912xi32, #tpu.memory_space<vmem>>[vector<16xi32>], vector<16xi32>, vector<16xi1>
                    %shift_right_arithmetic3A_677 = arith.constant 1 : i32
                    %shift_right_arithmetic3A_678 = arith.shrsi %select_n3A_654, %shift_right_arithmetic3A_677 : i32
                    %sub3A_679 = arith.constant 1 : i32
                    %sub3A_680 = arith.subi %select_n3A_653, %sub3A_679 : i32
                    %le3A_681 = arith.cmpi sle, %sub3A_680, %shift_right_arithmetic3A_678 : i32
                    %select_n3A_682 = arith.select %le3A_681, %shift_right_arithmetic3A_678, %select_n3A_654 : i32
                    %select_n3A_683 = arith.select %and3A_663, %sub3A_680, %select_n3A_653 : i32
                    %select_n3A_684 = arith.select %and3A_663, %select_n3A_682, %select_n3A_654 : i32
                    %convert_element_type3A_685 = arith.extui %gt3A_658 : i1 to i32
                    %add3A_686 = arith.addi %add3A_656, %convert_element_type3A_685 : i32
                    %gt3A_687 = arith.constant 0 : i32
                    %gt3A_688 = arith.cmpi sgt, %select_n3A_683, %gt3A_687 : i32
                    %slice3A_689 = vector.extract_strided_slice %get3A_387 {offsets = [10], sizes = [1], strides = [1]} : vector<16xi32> to vector<1xi32>
                    %squeeze3A_690 = vector.extract %slice3A_689[0] : i32 from vector<1xi32>
                    %and3A_691 = arith.andi %squeeze3A_690, %select_n3A_684 : i32
                    %le3A_692 = arith.cmpi sle, %and3A_691, %select_n3A_683 : i32
                    %and3A_693 = arith.andi %gt3A_688, %le3A_692 : i1
                    %add3A_694 = arith.constant 0 : i32
                    %add3A_695 = arith.addi %add3A_694, %select_n3A_683 : i32
                    %add3A_696 = arith.constant 0 : i32
                    %add3A_697 = arith.addi %add3A_696, %and3A_691 : i32
                    %and3A_698 = vector.broadcast %and3A_693 : i1 to vector<16xi1>
                    %and3A_699 = arith.andi %lt3A_124, %and3A_698 : vector<16xi1>
                    %broadcast_in_dim3A_700 = vector.broadcast %add3A_695 : i32 to vector<16xi32>
                    %broadcast_in_dim3A_701 = vector.broadcast %add3A_697 : i32 to vector<16xi32>
                    %select_n3A_702 = arith.select %eq3A_122, %broadcast_in_dim3A_700, %broadcast_in_dim3A_701 : vector<16xi1>, vector<16xi32>
                    %broadcast_in_dim3A_703 = vector.broadcast %add3A_697 : i32 to vector<16xi32>
                    %broadcast_in_dim3A_704 = vector.broadcast %add3A_695 : i32 to vector<16xi32>
                    %select_n3A_705 = arith.select %eq3A_122, %broadcast_in_dim3A_703, %broadcast_in_dim3A_704 : vector<16xi1>, vector<16xi32>
                    %gather3A_706 = tpu.vector_load_idx %arg16[%select_n3A_702] masked %and3A_699 : memref<2912xi32, #tpu.memory_space<vmem>>[vector<16xi32>], vector<16xi32>, vector<16xi1>
                    tpu.vector_store_idx %arg16[%select_n3A_705], %gather3A_706 masked %and3A_699 : memref<2912xi32, #tpu.memory_space<vmem>>[vector<16xi32>], vector<16xi32>, vector<16xi1>
                    %shift_right_arithmetic3A_707 = arith.constant 1 : i32
                    %shift_right_arithmetic3A_708 = arith.shrsi %select_n3A_684, %shift_right_arithmetic3A_707 : i32
                    %sub3A_709 = arith.constant 1 : i32
                    %sub3A_710 = arith.subi %select_n3A_683, %sub3A_709 : i32
                    %le3A_711 = arith.cmpi sle, %sub3A_710, %shift_right_arithmetic3A_708 : i32
                    %select_n3A_712 = arith.select %le3A_711, %shift_right_arithmetic3A_708, %select_n3A_684 : i32
                    %select_n3A_713 = arith.select %and3A_693, %sub3A_710, %select_n3A_683 : i32
                    %select_n3A_714 = arith.select %and3A_693, %select_n3A_712, %select_n3A_684 : i32
                    %convert_element_type3A_715 = arith.extui %gt3A_688 : i1 to i32
                    %add3A_716 = arith.addi %add3A_686, %convert_element_type3A_715 : i32
                    %gt3A_717 = arith.constant 0 : i32
                    %gt3A_718 = arith.cmpi sgt, %select_n3A_713, %gt3A_717 : i32
                    %slice3A_719 = vector.extract_strided_slice %get3A_387 {offsets = [11], sizes = [1], strides = [1]} : vector<16xi32> to vector<1xi32>
                    %squeeze3A_720 = vector.extract %slice3A_719[0] : i32 from vector<1xi32>
                    %and3A_721 = arith.andi %squeeze3A_720, %select_n3A_714 : i32
                    %le3A_722 = arith.cmpi sle, %and3A_721, %select_n3A_713 : i32
                    %and3A_723 = arith.andi %gt3A_718, %le3A_722 : i1
                    %add3A_724 = arith.constant 0 : i32
                    %add3A_725 = arith.addi %add3A_724, %select_n3A_713 : i32
                    %add3A_726 = arith.constant 0 : i32
                    %add3A_727 = arith.addi %add3A_726, %and3A_721 : i32
                    %and3A_728 = vector.broadcast %and3A_723 : i1 to vector<16xi1>
                    %and3A_729 = arith.andi %lt3A_124, %and3A_728 : vector<16xi1>
                    %broadcast_in_dim3A_730 = vector.broadcast %add3A_725 : i32 to vector<16xi32>
                    %broadcast_in_dim3A_731 = vector.broadcast %add3A_727 : i32 to vector<16xi32>
                    %select_n3A_732 = arith.select %eq3A_122, %broadcast_in_dim3A_730, %broadcast_in_dim3A_731 : vector<16xi1>, vector<16xi32>
                    %broadcast_in_dim3A_733 = vector.broadcast %add3A_727 : i32 to vector<16xi32>
                    %broadcast_in_dim3A_734 = vector.broadcast %add3A_725 : i32 to vector<16xi32>
                    %select_n3A_735 = arith.select %eq3A_122, %broadcast_in_dim3A_733, %broadcast_in_dim3A_734 : vector<16xi1>, vector<16xi32>
                    %gather3A_736 = tpu.vector_load_idx %arg16[%select_n3A_732] masked %and3A_729 : memref<2912xi32, #tpu.memory_space<vmem>>[vector<16xi32>], vector<16xi32>, vector<16xi1>
                    tpu.vector_store_idx %arg16[%select_n3A_735], %gather3A_736 masked %and3A_729 : memref<2912xi32, #tpu.memory_space<vmem>>[vector<16xi32>], vector<16xi32>, vector<16xi1>
                    %shift_right_arithmetic3A_737 = arith.constant 1 : i32
                    %shift_right_arithmetic3A_738 = arith.shrsi %select_n3A_714, %shift_right_arithmetic3A_737 : i32
                    %sub3A_739 = arith.constant 1 : i32
                    %sub3A_740 = arith.subi %select_n3A_713, %sub3A_739 : i32
                    %le3A_741 = arith.cmpi sle, %sub3A_740, %shift_right_arithmetic3A_738 : i32
                    %select_n3A_742 = arith.select %le3A_741, %shift_right_arithmetic3A_738, %select_n3A_714 : i32
                    %select_n3A_743 = arith.select %and3A_723, %sub3A_740, %select_n3A_713 : i32
                    %select_n3A_744 = arith.select %and3A_723, %select_n3A_742, %select_n3A_714 : i32
                    %convert_element_type3A_745 = arith.extui %gt3A_718 : i1 to i32
                    %add3A_746 = arith.addi %add3A_716, %convert_element_type3A_745 : i32
                    %gt3A_747 = arith.constant 0 : i32
                    %gt3A_748 = arith.cmpi sgt, %select_n3A_743, %gt3A_747 : i32
                    %slice3A_749 = vector.extract_strided_slice %get3A_387 {offsets = [12], sizes = [1], strides = [1]} : vector<16xi32> to vector<1xi32>
                    %squeeze3A_750 = vector.extract %slice3A_749[0] : i32 from vector<1xi32>
                    %and3A_751 = arith.andi %squeeze3A_750, %select_n3A_744 : i32
                    %le3A_752 = arith.cmpi sle, %and3A_751, %select_n3A_743 : i32
                    %and3A_753 = arith.andi %gt3A_748, %le3A_752 : i1
                    %add3A_754 = arith.constant 0 : i32
                    %add3A_755 = arith.addi %add3A_754, %select_n3A_743 : i32
                    %add3A_756 = arith.constant 0 : i32
                    %add3A_757 = arith.addi %add3A_756, %and3A_751 : i32
                    %and3A_758 = vector.broadcast %and3A_753 : i1 to vector<16xi1>
                    %and3A_759 = arith.andi %lt3A_124, %and3A_758 : vector<16xi1>
                    %broadcast_in_dim3A_760 = vector.broadcast %add3A_755 : i32 to vector<16xi32>
                    %broadcast_in_dim3A_761 = vector.broadcast %add3A_757 : i32 to vector<16xi32>
                    %select_n3A_762 = arith.select %eq3A_122, %broadcast_in_dim3A_760, %broadcast_in_dim3A_761 : vector<16xi1>, vector<16xi32>
                    %broadcast_in_dim3A_763 = vector.broadcast %add3A_757 : i32 to vector<16xi32>
                    %broadcast_in_dim3A_764 = vector.broadcast %add3A_755 : i32 to vector<16xi32>
                    %select_n3A_765 = arith.select %eq3A_122, %broadcast_in_dim3A_763, %broadcast_in_dim3A_764 : vector<16xi1>, vector<16xi32>
                    %gather3A_766 = tpu.vector_load_idx %arg16[%select_n3A_762] masked %and3A_759 : memref<2912xi32, #tpu.memory_space<vmem>>[vector<16xi32>], vector<16xi32>, vector<16xi1>
                    tpu.vector_store_idx %arg16[%select_n3A_765], %gather3A_766 masked %and3A_759 : memref<2912xi32, #tpu.memory_space<vmem>>[vector<16xi32>], vector<16xi32>, vector<16xi1>
                    %shift_right_arithmetic3A_767 = arith.constant 1 : i32
                    %shift_right_arithmetic3A_768 = arith.shrsi %select_n3A_744, %shift_right_arithmetic3A_767 : i32
                    %sub3A_769 = arith.constant 1 : i32
                    %sub3A_770 = arith.subi %select_n3A_743, %sub3A_769 : i32
                    %le3A_771 = arith.cmpi sle, %sub3A_770, %shift_right_arithmetic3A_768 : i32
                    %select_n3A_772 = arith.select %le3A_771, %shift_right_arithmetic3A_768, %select_n3A_744 : i32
                    %select_n3A_773 = arith.select %and3A_753, %sub3A_770, %select_n3A_743 : i32
                    %select_n3A_774 = arith.select %and3A_753, %select_n3A_772, %select_n3A_744 : i32
                    %convert_element_type3A_775 = arith.extui %gt3A_748 : i1 to i32
                    %add3A_776 = arith.addi %add3A_746, %convert_element_type3A_775 : i32
                    %gt3A_777 = arith.constant 0 : i32
                    %gt3A_778 = arith.cmpi sgt, %select_n3A_773, %gt3A_777 : i32
                    %slice3A_779 = vector.extract_strided_slice %get3A_387 {offsets = [13], sizes = [1], strides = [1]} : vector<16xi32> to vector<1xi32>
                    %squeeze3A_780 = vector.extract %slice3A_779[0] : i32 from vector<1xi32>
                    %and3A_781 = arith.andi %squeeze3A_780, %select_n3A_774 : i32
                    %le3A_782 = arith.cmpi sle, %and3A_781, %select_n3A_773 : i32
                    %and3A_783 = arith.andi %gt3A_778, %le3A_782 : i1
                    %add3A_784 = arith.constant 0 : i32
                    %add3A_785 = arith.addi %add3A_784, %select_n3A_773 : i32
                    %add3A_786 = arith.constant 0 : i32
                    %add3A_787 = arith.addi %add3A_786, %and3A_781 : i32
                    %and3A_788 = vector.broadcast %and3A_783 : i1 to vector<16xi1>
                    %and3A_789 = arith.andi %lt3A_124, %and3A_788 : vector<16xi1>
                    %broadcast_in_dim3A_790 = vector.broadcast %add3A_785 : i32 to vector<16xi32>
                    %broadcast_in_dim3A_791 = vector.broadcast %add3A_787 : i32 to vector<16xi32>
                    %select_n3A_792 = arith.select %eq3A_122, %broadcast_in_dim3A_790, %broadcast_in_dim3A_791 : vector<16xi1>, vector<16xi32>
                    %broadcast_in_dim3A_793 = vector.broadcast %add3A_787 : i32 to vector<16xi32>
                    %broadcast_in_dim3A_794 = vector.broadcast %add3A_785 : i32 to vector<16xi32>
                    %select_n3A_795 = arith.select %eq3A_122, %broadcast_in_dim3A_793, %broadcast_in_dim3A_794 : vector<16xi1>, vector<16xi32>
                    %gather3A_796 = tpu.vector_load_idx %arg16[%select_n3A_792] masked %and3A_789 : memref<2912xi32, #tpu.memory_space<vmem>>[vector<16xi32>], vector<16xi32>, vector<16xi1>
                    tpu.vector_store_idx %arg16[%select_n3A_795], %gather3A_796 masked %and3A_789 : memref<2912xi32, #tpu.memory_space<vmem>>[vector<16xi32>], vector<16xi32>, vector<16xi1>
                    %shift_right_arithmetic3A_797 = arith.constant 1 : i32
                    %shift_right_arithmetic3A_798 = arith.shrsi %select_n3A_774, %shift_right_arithmetic3A_797 : i32
                    %sub3A_799 = arith.constant 1 : i32
                    %sub3A_800 = arith.subi %select_n3A_773, %sub3A_799 : i32
                    %le3A_801 = arith.cmpi sle, %sub3A_800, %shift_right_arithmetic3A_798 : i32
                    %select_n3A_802 = arith.select %le3A_801, %shift_right_arithmetic3A_798, %select_n3A_774 : i32
                    %select_n3A_803 = arith.select %and3A_783, %sub3A_800, %select_n3A_773 : i32
                    %select_n3A_804 = arith.select %and3A_783, %select_n3A_802, %select_n3A_774 : i32
                    %convert_element_type3A_805 = arith.extui %gt3A_778 : i1 to i32
                    %add3A_806 = arith.addi %add3A_776, %convert_element_type3A_805 : i32
                    %gt3A_807 = arith.constant 0 : i32
                    %gt3A_808 = arith.cmpi sgt, %select_n3A_803, %gt3A_807 : i32
                    %slice3A_809 = vector.extract_strided_slice %get3A_387 {offsets = [14], sizes = [1], strides = [1]} : vector<16xi32> to vector<1xi32>
                    %squeeze3A_810 = vector.extract %slice3A_809[0] : i32 from vector<1xi32>
                    %and3A_811 = arith.andi %squeeze3A_810, %select_n3A_804 : i32
                    %le3A_812 = arith.cmpi sle, %and3A_811, %select_n3A_803 : i32
                    %and3A_813 = arith.andi %gt3A_808, %le3A_812 : i1
                    %add3A_814 = arith.constant 0 : i32
                    %add3A_815 = arith.addi %add3A_814, %select_n3A_803 : i32
                    %add3A_816 = arith.constant 0 : i32
                    %add3A_817 = arith.addi %add3A_816, %and3A_811 : i32
                    %and3A_818 = vector.broadcast %and3A_813 : i1 to vector<16xi1>
                    %and3A_819 = arith.andi %lt3A_124, %and3A_818 : vector<16xi1>
                    %broadcast_in_dim3A_820 = vector.broadcast %add3A_815 : i32 to vector<16xi32>
                    %broadcast_in_dim3A_821 = vector.broadcast %add3A_817 : i32 to vector<16xi32>
                    %select_n3A_822 = arith.select %eq3A_122, %broadcast_in_dim3A_820, %broadcast_in_dim3A_821 : vector<16xi1>, vector<16xi32>
                    %broadcast_in_dim3A_823 = vector.broadcast %add3A_817 : i32 to vector<16xi32>
                    %broadcast_in_dim3A_824 = vector.broadcast %add3A_815 : i32 to vector<16xi32>
                    %select_n3A_825 = arith.select %eq3A_122, %broadcast_in_dim3A_823, %broadcast_in_dim3A_824 : vector<16xi1>, vector<16xi32>
                    %gather3A_826 = tpu.vector_load_idx %arg16[%select_n3A_822] masked %and3A_819 : memref<2912xi32, #tpu.memory_space<vmem>>[vector<16xi32>], vector<16xi32>, vector<16xi1>
                    tpu.vector_store_idx %arg16[%select_n3A_825], %gather3A_826 masked %and3A_819 : memref<2912xi32, #tpu.memory_space<vmem>>[vector<16xi32>], vector<16xi32>, vector<16xi1>
                    %shift_right_arithmetic3A_827 = arith.constant 1 : i32
                    %shift_right_arithmetic3A_828 = arith.shrsi %select_n3A_804, %shift_right_arithmetic3A_827 : i32
                    %sub3A_829 = arith.constant 1 : i32
                    %sub3A_830 = arith.subi %select_n3A_803, %sub3A_829 : i32
                    %le3A_831 = arith.cmpi sle, %sub3A_830, %shift_right_arithmetic3A_828 : i32
                    %select_n3A_832 = arith.select %le3A_831, %shift_right_arithmetic3A_828, %select_n3A_804 : i32
                    %select_n3A_833 = arith.select %and3A_813, %sub3A_830, %select_n3A_803 : i32
                    %select_n3A_834 = arith.select %and3A_813, %select_n3A_832, %select_n3A_804 : i32
                    %convert_element_type3A_835 = arith.extui %gt3A_808 : i1 to i32
                    %add3A_836 = arith.addi %add3A_806, %convert_element_type3A_835 : i32
                    %gt3A_837 = arith.constant 0 : i32
                    %gt3A_838 = arith.cmpi sgt, %select_n3A_833, %gt3A_837 : i32
                    %slice3A_839 = vector.extract_strided_slice %get3A_387 {offsets = [15], sizes = [1], strides = [1]} : vector<16xi32> to vector<1xi32>
                    %squeeze3A_840 = vector.extract %slice3A_839[0] : i32 from vector<1xi32>
                    %and3A_841 = arith.andi %squeeze3A_840, %select_n3A_834 : i32
                    %le3A_842 = arith.cmpi sle, %and3A_841, %select_n3A_833 : i32
                    %and3A_843 = arith.andi %gt3A_838, %le3A_842 : i1
                    %add3A_844 = arith.constant 0 : i32
                    %add3A_845 = arith.addi %add3A_844, %select_n3A_833 : i32
                    %add3A_846 = arith.constant 0 : i32
                    %add3A_847 = arith.addi %add3A_846, %and3A_841 : i32
                    %and3A_848 = vector.broadcast %and3A_843 : i1 to vector<16xi1>
                    %and3A_849 = arith.andi %lt3A_124, %and3A_848 : vector<16xi1>
                    %broadcast_in_dim3A_850 = vector.broadcast %add3A_845 : i32 to vector<16xi32>
                    %broadcast_in_dim3A_851 = vector.broadcast %add3A_847 : i32 to vector<16xi32>
                    %select_n3A_852 = arith.select %eq3A_122, %broadcast_in_dim3A_850, %broadcast_in_dim3A_851 : vector<16xi1>, vector<16xi32>
                    %broadcast_in_dim3A_853 = vector.broadcast %add3A_847 : i32 to vector<16xi32>
                    %broadcast_in_dim3A_854 = vector.broadcast %add3A_845 : i32 to vector<16xi32>
                    %select_n3A_855 = arith.select %eq3A_122, %broadcast_in_dim3A_853, %broadcast_in_dim3A_854 : vector<16xi1>, vector<16xi32>
                    %gather3A_856 = tpu.vector_load_idx %arg16[%select_n3A_852] masked %and3A_849 : memref<2912xi32, #tpu.memory_space<vmem>>[vector<16xi32>], vector<16xi32>, vector<16xi1>
                    tpu.vector_store_idx %arg16[%select_n3A_855], %gather3A_856 masked %and3A_849 : memref<2912xi32, #tpu.memory_space<vmem>>[vector<16xi32>], vector<16xi32>, vector<16xi1>
                    %shift_right_arithmetic3A_857 = arith.constant 1 : i32
                    %shift_right_arithmetic3A_858 = arith.shrsi %select_n3A_834, %shift_right_arithmetic3A_857 : i32
                    %sub3A_859 = arith.constant 1 : i32
                    %sub3A_860 = arith.subi %select_n3A_833, %sub3A_859 : i32
                    %le3A_861 = arith.cmpi sle, %sub3A_860, %shift_right_arithmetic3A_858 : i32
                    %select_n3A_862 = arith.select %le3A_861, %shift_right_arithmetic3A_858, %select_n3A_834 : i32
                    %select_n3A_863 = arith.select %and3A_843, %sub3A_860, %select_n3A_833 : i32
                    %select_n3A_864 = arith.select %and3A_843, %select_n3A_862, %select_n3A_834 : i32
                    %convert_element_type3A_865 = arith.extui %gt3A_838 : i1 to i32
                    %add3A_866 = arith.addi %add3A_836, %convert_element_type3A_865 : i32
                    scf.yield %select_n3A_863, %select_n3A_864, %add3A_866 : i32, i32, i32
                  }
                  %scan3A_375 = arith.constant 4 : i32
                  scf.yield %scan3A_374#0, %scan3A_374#1, %scan3A_374#2 : i32, i32, i32
                } else {
                  scf.yield %scan3A_361, %scan3A_362, %scan3A_363 : i32, i32, i32
                }
                scf.yield %cond3A_369#0, %cond3A_369#1, %cond3A_369#2 : i32, i32, i32
              }
              %scan3A_358 = arith.constant 16 : i32
              %add3A_359 = arith.addi %scan3A_319, %scan3A_357#2 : i32
              scf.yield %add3A_359, %scan3A_357#0, %scan3A_357#1 : i32, i32, i32
            } else {
              scf.yield %scan3A_319, %scan3A_320, %scan3A_321 : i32, i32, i32
            }
            scf.yield %cond3A_327#0, %cond3A_327#1, %cond3A_327#2 : i32, i32, i32
          }
          %scan3A_150 = arith.constant 8 : i32
          %gt3A_151 = arith.constant 0 : i32
          %gt3A_152 = arith.cmpi sgt, %sub3A_126, %gt3A_151 : i32
          %convert_element_type3A_153 = arith.extui %gt3A_152 : i1 to i32
          %cond3A_154 = arith.constant 0 : i32
          %cond3A_155 = arith.cmpi ne, %convert_element_type3A_153, %cond3A_154 : i32
          scf.if %cond3A_155 {
            %dma_wait3A_318 = arith.constant 0 : i32
            %dma_wait3A_319 = tpu.memref_slice %arg17[%dma_wait3A_318] : memref<2112xi32, #tpu.memory_space<vmem>> -> memref<1056xi32, #tpu.memory_space<vmem>>
            %dma_wait3A_320 = arith.constant 0 : i32
            %dma_wait3A_321 = tpu.memref_slice %arg2[%dma_wait3A_320] : memref<2097152xi32, #tpu.memory_space<hbm>> -> memref<1056xi32, #tpu.memory_space<hbm>>
            %dma_wait3A_322 = arith.constant 0 : i32
            %dma_wait3A_323 = tpu.memref_slice %arg17[%dma_wait3A_322] : memref<2112xi32, #tpu.memory_space<vmem>> -> memref<1056xi32, #tpu.memory_space<vmem>>
            %dma_wait3A_324 = arith.constant 0 : i32
            %dma_wait3A_325 = tpu.memref_slice %arg2[%dma_wait3A_324] : memref<2097152xi32, #tpu.memory_space<hbm>> -> memref<1056xi32, #tpu.memory_space<hbm>>
            tpu.wait_dma2 semaphore(%arg19 : memref<!tpu.dma_semaphore, #tpu.memory_space<semaphore_mem>>) src(%dma_wait3A_325 : memref<1056xi32, #tpu.memory_space<hbm>>) dst(%dma_wait3A_323 : memref<1056xi32, #tpu.memory_space<vmem>>)
          } else {
          }
          %sub3A_156 = arith.constant 1 : i32
          %sub3A_157 = arith.subi %scan3A_101#1, %sub3A_156 : i32
          %max3A = arith.constant 0 : i32
          %max3A_158 = arith.maxsi %sub3A_157, %max3A : i32
          %gt3A_159 = arith.constant 0 : i32
          %gt3A_160 = arith.cmpi sgt, %max3A_158, %gt3A_159 : i32
          %convert_element_type3A_161 = arith.extui %gt3A_160 : i1 to i32
          %cond3A_162 = arith.constant 0 : i32
          %cond3A_163 = arith.cmpi ne, %convert_element_type3A_161, %cond3A_162 : i32
          scf.if %cond3A_163 {
            %and3A_318 = arith.constant 7 : i32
            %and3A_319 = arith.andi %scan3A_149#0, %and3A_318 : i32
            %sub3A_320 = arith.subi %scan3A_149#0, %and3A_319 : i32
            %multiple_of3A = tpu.assume_multiple %sub3A_320, 8 : i32
            %dma_start3A_321 = arith.constant 0 : i32
            %dma_start3A_322 = tpu.memref_slice %arg17[%dma_start3A_321] : memref<2112xi32, #tpu.memory_space<vmem>> -> memref<1056xi32, #tpu.memory_space<vmem>>
            %dma_start3A_323 = tpu.memref_slice %arg2[%multiple_of3A] : memref<2097152xi32, #tpu.memory_space<hbm>> -> memref<1056xi32, #tpu.memory_space<hbm>>
            %dma_start3A_324 = arith.constant 0 : i32
            %dma_start3A_325 = tpu.memref_slice %arg17[%dma_start3A_324] : memref<2112xi32, #tpu.memory_space<vmem>> -> memref<1056xi32, #tpu.memory_space<vmem>>
            %dma_start3A_326 = tpu.memref_slice %arg2[%multiple_of3A] : memref<2097152xi32, #tpu.memory_space<hbm>> -> memref<1056xi32, #tpu.memory_space<hbm>>
            tpu.enqueue_dma source(%dma_start3A_326 : memref<1056xi32, #tpu.memory_space<hbm>>) target(%dma_start3A_325 : memref<1056xi32, #tpu.memory_space<vmem>>) target_semaphore(%arg19 : memref<!tpu.dma_semaphore, #tpu.memory_space<semaphore_mem>>)
          } else {
          }
          %shift_right_arithmetic3A_164 = arith.constant 1 : i32
          %shift_right_arithmetic3A_165 = arith.shrsi %max3A_158, %shift_right_arithmetic3A_164 : i32
          %or3A_166 = arith.ori %max3A_158, %shift_right_arithmetic3A_165 : i32
          %shift_right_arithmetic3A_167 = arith.constant 2 : i32
          %shift_right_arithmetic3A_168 = arith.shrsi %or3A_166, %shift_right_arithmetic3A_167 : i32
          %or3A_169 = arith.ori %or3A_166, %shift_right_arithmetic3A_168 : i32
          %shift_right_arithmetic3A_170 = arith.constant 4 : i32
          %shift_right_arithmetic3A_171 = arith.shrsi %or3A_169, %shift_right_arithmetic3A_170 : i32
          %or3A_172 = arith.ori %or3A_169, %shift_right_arithmetic3A_171 : i32
          %shift_right_arithmetic3A_173 = arith.constant 8 : i32
          %shift_right_arithmetic3A_174 = arith.shrsi %or3A_172, %shift_right_arithmetic3A_173 : i32
          %or3A_175 = arith.ori %or3A_172, %shift_right_arithmetic3A_174 : i32
          %shift_right_arithmetic3A_176 = arith.constant 16 : i32
          %shift_right_arithmetic3A_177 = arith.shrsi %or3A_175, %shift_right_arithmetic3A_176 : i32
          %or3A_178 = arith.ori %or3A_175, %shift_right_arithmetic3A_177 : i32
          %scan3A_179 = arith.constant 0 : i32
          %scan3A_180 = arith.constant 8 : i32
          %scan3A_181 = arith.addi %scan3A_179, %scan3A_180 : i32
          %scan3A_182 = arith.constant 1 : i32
          %scan3A_183:3 = scf.for %scan3A_318 = %scan3A_179 to %scan3A_181 step %scan3A_182 iter_args(%scan3A_319 = %scan3A_149#0, %scan3A_320 = %max3A_158, %scan3A_321 = %or3A_178) -> (i32, i32, i32)  : i32 {
            %gt3A_322 = arith.constant 0 : i32
            %gt3A_323 = arith.cmpi sgt, %scan3A_320, %gt3A_322 : i32
            %convert_element_type3A_324 = arith.extui %gt3A_323 : i1 to i32
            %cond3A_325 = arith.constant 0 : i32
            %cond3A_326 = arith.cmpi ne, %convert_element_type3A_324, %cond3A_325 : i32
            %cond3A_327:3 = scf.if %cond3A_326 -> (i32, i32, i32) {
              %and3A_328 = arith.constant 7 : i32
              %and3A_329 = arith.andi %scan3A_319, %and3A_328 : i32
              %sub3A_330 = arith.subi %scan3A_319, %and3A_329 : i32
              %multiple_of3A = tpu.assume_multiple %sub3A_330, 8 : i32
              %and3A_331 = arith.constant 1 : i32
              %and3A_332 = arith.andi %scan3A_318, %and3A_331 : i32
              %mul3A_333 = arith.constant 1056 : i32
              %mul3A_334 = arith.muli %and3A_332, %mul3A_333 : i32
              %dma_wait3A_335 = tpu.memref_slice %arg17[%mul3A_334] : memref<2112xi32, #tpu.memory_space<vmem>> -> memref<1056xi32, #tpu.memory_space<vmem>>
              %dma_wait3A_336 = tpu.memref_slice %arg2[%multiple_of3A] : memref<2097152xi32, #tpu.memory_space<hbm>> -> memref<1056xi32, #tpu.memory_space<hbm>>
              %dma_wait3A_337 = tpu.memref_slice %arg17[%mul3A_334] : memref<2112xi32, #tpu.memory_space<vmem>> -> memref<1056xi32, #tpu.memory_space<vmem>>
              %dma_wait3A_338 = tpu.memref_slice %arg2[%multiple_of3A] : memref<2097152xi32, #tpu.memory_space<hbm>> -> memref<1056xi32, #tpu.memory_space<hbm>>
              tpu.wait_dma2 semaphore(%arg19 : memref<!tpu.dma_semaphore, #tpu.memory_space<semaphore_mem>>) src(%dma_wait3A_338 : memref<1056xi32, #tpu.memory_space<hbm>>) dst(%dma_wait3A_337 : memref<1056xi32, #tpu.memory_space<vmem>>)
              %add3A_339 = arith.constant 1024 : i32
              %add3A_340 = arith.addi %multiple_of3A, %add3A_339 : i32
              %multiple_of3A_341 = tpu.assume_multiple %add3A_340, 8 : i32
              %sub3A_342 = arith.constant 1 : i32
              %sub3A_343 = arith.subi %sub3A_342, %and3A_332 : i32
              %mul3A_344 = arith.constant 1056 : i32
              %mul3A_345 = arith.muli %sub3A_343, %mul3A_344 : i32
              %dma_start3A_346 = tpu.memref_slice %arg17[%mul3A_345] : memref<2112xi32, #tpu.memory_space<vmem>> -> memref<1056xi32, #tpu.memory_space<vmem>>
              %dma_start3A_347 = tpu.memref_slice %arg2[%multiple_of3A_341] : memref<2097152xi32, #tpu.memory_space<hbm>> -> memref<1056xi32, #tpu.memory_space<hbm>>
              %dma_start3A_348 = tpu.memref_slice %arg17[%mul3A_345] : memref<2112xi32, #tpu.memory_space<vmem>> -> memref<1056xi32, #tpu.memory_space<vmem>>
              %dma_start3A_349 = tpu.memref_slice %arg2[%multiple_of3A_341] : memref<2097152xi32, #tpu.memory_space<hbm>> -> memref<1056xi32, #tpu.memory_space<hbm>>
              tpu.enqueue_dma source(%dma_start3A_349 : memref<1056xi32, #tpu.memory_space<hbm>>) target(%dma_start3A_348 : memref<1056xi32, #tpu.memory_space<vmem>>) target_semaphore(%arg19 : memref<!tpu.dma_semaphore, #tpu.memory_space<semaphore_mem>>)
              %sub3A_350 = arith.subi %scan3A_319, %multiple_of3A : i32
              %add3A_351 = arith.addi %sub3A_350, %mul3A_334 : i32
              %scan3A_352 = arith.constant 0 : i32
              %scan3A_353 = arith.constant 0 : i32
              %scan3A_354 = arith.constant 16 : i32
              %scan3A_355 = arith.addi %scan3A_353, %scan3A_354 : i32
              %scan3A_356 = arith.constant 1 : i32
              %scan3A_357:3 = scf.for %scan3A_360 = %scan3A_353 to %scan3A_355 step %scan3A_356 iter_args(%scan3A_361 = %scan3A_320, %scan3A_362 = %scan3A_321, %scan3A_363 = %scan3A_352) -> (i32, i32, i32)  : i32 {
                %gt3A_364 = arith.constant 0 : i32
                %gt3A_365 = arith.cmpi sgt, %scan3A_361, %gt3A_364 : i32
                %convert_element_type3A_366 = arith.extui %gt3A_365 : i1 to i32
                %cond3A_367 = arith.constant 0 : i32
                %cond3A_368 = arith.cmpi ne, %convert_element_type3A_366, %cond3A_367 : i32
                %cond3A_369:3 = scf.if %cond3A_368 -> (i32, i32, i32) {
                  %scan3A_370 = arith.constant 0 : i32
                  %scan3A_371 = arith.constant 4 : i32
                  %scan3A_372 = arith.addi %scan3A_370, %scan3A_371 : i32
                  %scan3A_373 = arith.constant 1 : i32
                  %scan3A_374:3 = scf.for %scan3A_376 = %scan3A_370 to %scan3A_372 step %scan3A_373 iter_args(%scan3A_377 = %scan3A_361, %scan3A_378 = %scan3A_362, %scan3A_379 = %scan3A_363) -> (i32, i32, i32)  : i32 {
                    %mul3A_380 = arith.constant 64 : i32
                    %mul3A_381 = arith.muli %scan3A_360, %mul3A_380 : i32
                    %add3A_382 = arith.addi %add3A_351, %mul3A_381 : i32
                    %mul3A_383 = arith.constant 16 : i32
                    %mul3A_384 = arith.muli %scan3A_376, %mul3A_383 : i32
                    %add3A_385 = arith.addi %add3A_382, %mul3A_384 : i32
                    %get3A_386 = arith.index_cast %add3A_385 : i32 to index
                    %get3A_387 = tpu.vector_load %arg17[%get3A_386] {strides = array<i32>} : memref<2112xi32, #tpu.memory_space<vmem>>, vector<16xi32>,
                    %gt3A_388 = arith.constant 0 : i32
                    %gt3A_389 = arith.cmpi sgt, %scan3A_377, %gt3A_388 : i32
                    %slice3A_390 = vector.extract_strided_slice %get3A_387 {offsets = [0], sizes = [1], strides = [1]} : vector<16xi32> to vector<1xi32>
                    %squeeze3A_391 = vector.extract %slice3A_390[0] : i32 from vector<1xi32>
                    %and3A_392 = arith.andi %squeeze3A_391, %scan3A_378 : i32
                    %le3A = arith.cmpi sle, %and3A_392, %scan3A_377 : i32
                    %and3A_393 = arith.andi %gt3A_389, %le3A : i1
                    %add3A_394 = arith.constant 1456 : i32
                    %add3A_395 = arith.addi %add3A_394, %scan3A_377 : i32
                    %add3A_396 = arith.constant 1456 : i32
                    %add3A_397 = arith.addi %add3A_396, %and3A_392 : i32
                    %and3A_398 = vector.broadcast %and3A_393 : i1 to vector<16xi1>
                    %and3A_399 = arith.andi %lt3A_124, %and3A_398 : vector<16xi1>
                    %broadcast_in_dim3A_400 = vector.broadcast %add3A_395 : i32 to vector<16xi32>
                    %broadcast_in_dim3A_401 = vector.broadcast %add3A_397 : i32 to vector<16xi32>
                    %select_n3A_402 = arith.select %eq3A_122, %broadcast_in_dim3A_400, %broadcast_in_dim3A_401 : vector<16xi1>, vector<16xi32>
                    %broadcast_in_dim3A_403 = vector.broadcast %add3A_397 : i32 to vector<16xi32>
                    %broadcast_in_dim3A_404 = vector.broadcast %add3A_395 : i32 to vector<16xi32>
                    %select_n3A_405 = arith.select %eq3A_122, %broadcast_in_dim3A_403, %broadcast_in_dim3A_404 : vector<16xi1>, vector<16xi32>
                    %gather3A_406 = tpu.vector_load_idx %arg16[%select_n3A_402] masked %and3A_399 : memref<2912xi32, #tpu.memory_space<vmem>>[vector<16xi32>], vector<16xi32>, vector<16xi1>
                    tpu.vector_store_idx %arg16[%select_n3A_405], %gather3A_406 masked %and3A_399 : memref<2912xi32, #tpu.memory_space<vmem>>[vector<16xi32>], vector<16xi32>, vector<16xi1>
                    %shift_right_arithmetic3A_407 = arith.constant 1 : i32
                    %shift_right_arithmetic3A_408 = arith.shrsi %scan3A_378, %shift_right_arithmetic3A_407 : i32
                    %sub3A_409 = arith.constant 1 : i32
                    %sub3A_410 = arith.subi %scan3A_377, %sub3A_409 : i32
                    %le3A_411 = arith.cmpi sle, %sub3A_410, %shift_right_arithmetic3A_408 : i32
                    %select_n3A_412 = arith.select %le3A_411, %shift_right_arithmetic3A_408, %scan3A_378 : i32
                    %select_n3A_413 = arith.select %and3A_393, %sub3A_410, %scan3A_377 : i32
                    %select_n3A_414 = arith.select %and3A_393, %select_n3A_412, %scan3A_378 : i32
                    %convert_element_type3A_415 = arith.extui %gt3A_389 : i1 to i32
                    %add3A_416 = arith.addi %scan3A_379, %convert_element_type3A_415 : i32
                    %gt3A_417 = arith.constant 0 : i32
                    %gt3A_418 = arith.cmpi sgt, %select_n3A_413, %gt3A_417 : i32
                    %slice3A_419 = vector.extract_strided_slice %get3A_387 {offsets = [1], sizes = [1], strides = [1]} : vector<16xi32> to vector<1xi32>
                    %squeeze3A_420 = vector.extract %slice3A_419[0] : i32 from vector<1xi32>
                    %and3A_421 = arith.andi %squeeze3A_420, %select_n3A_414 : i32
                    %le3A_422 = arith.cmpi sle, %and3A_421, %select_n3A_413 : i32
                    %and3A_423 = arith.andi %gt3A_418, %le3A_422 : i1
                    %add3A_424 = arith.constant 1456 : i32
                    %add3A_425 = arith.addi %add3A_424, %select_n3A_413 : i32
                    %add3A_426 = arith.constant 1456 : i32
                    %add3A_427 = arith.addi %add3A_426, %and3A_421 : i32
                    %and3A_428 = vector.broadcast %and3A_423 : i1 to vector<16xi1>
                    %and3A_429 = arith.andi %lt3A_124, %and3A_428 : vector<16xi1>
                    %broadcast_in_dim3A_430 = vector.broadcast %add3A_425 : i32 to vector<16xi32>
                    %broadcast_in_dim3A_431 = vector.broadcast %add3A_427 : i32 to vector<16xi32>
                    %select_n3A_432 = arith.select %eq3A_122, %broadcast_in_dim3A_430, %broadcast_in_dim3A_431 : vector<16xi1>, vector<16xi32>
                    %broadcast_in_dim3A_433 = vector.broadcast %add3A_427 : i32 to vector<16xi32>
                    %broadcast_in_dim3A_434 = vector.broadcast %add3A_425 : i32 to vector<16xi32>
                    %select_n3A_435 = arith.select %eq3A_122, %broadcast_in_dim3A_433, %broadcast_in_dim3A_434 : vector<16xi1>, vector<16xi32>
                    %gather3A_436 = tpu.vector_load_idx %arg16[%select_n3A_432] masked %and3A_429 : memref<2912xi32, #tpu.memory_space<vmem>>[vector<16xi32>], vector<16xi32>, vector<16xi1>
                    tpu.vector_store_idx %arg16[%select_n3A_435], %gather3A_436 masked %and3A_429 : memref<2912xi32, #tpu.memory_space<vmem>>[vector<16xi32>], vector<16xi32>, vector<16xi1>
                    %shift_right_arithmetic3A_437 = arith.constant 1 : i32
                    %shift_right_arithmetic3A_438 = arith.shrsi %select_n3A_414, %shift_right_arithmetic3A_437 : i32
                    %sub3A_439 = arith.constant 1 : i32
                    %sub3A_440 = arith.subi %select_n3A_413, %sub3A_439 : i32
                    %le3A_441 = arith.cmpi sle, %sub3A_440, %shift_right_arithmetic3A_438 : i32
                    %select_n3A_442 = arith.select %le3A_441, %shift_right_arithmetic3A_438, %select_n3A_414 : i32
                    %select_n3A_443 = arith.select %and3A_423, %sub3A_440, %select_n3A_413 : i32
                    %select_n3A_444 = arith.select %and3A_423, %select_n3A_442, %select_n3A_414 : i32
                    %convert_element_type3A_445 = arith.extui %gt3A_418 : i1 to i32
                    %add3A_446 = arith.addi %add3A_416, %convert_element_type3A_445 : i32
                    %gt3A_447 = arith.constant 0 : i32
                    %gt3A_448 = arith.cmpi sgt, %select_n3A_443, %gt3A_447 : i32
                    %slice3A_449 = vector.extract_strided_slice %get3A_387 {offsets = [2], sizes = [1], strides = [1]} : vector<16xi32> to vector<1xi32>
                    %squeeze3A_450 = vector.extract %slice3A_449[0] : i32 from vector<1xi32>
                    %and3A_451 = arith.andi %squeeze3A_450, %select_n3A_444 : i32
                    %le3A_452 = arith.cmpi sle, %and3A_451, %select_n3A_443 : i32
                    %and3A_453 = arith.andi %gt3A_448, %le3A_452 : i1
                    %add3A_454 = arith.constant 1456 : i32
                    %add3A_455 = arith.addi %add3A_454, %select_n3A_443 : i32
                    %add3A_456 = arith.constant 1456 : i32
                    %add3A_457 = arith.addi %add3A_456, %and3A_451 : i32
                    %and3A_458 = vector.broadcast %and3A_453 : i1 to vector<16xi1>
                    %and3A_459 = arith.andi %lt3A_124, %and3A_458 : vector<16xi1>
                    %broadcast_in_dim3A_460 = vector.broadcast %add3A_455 : i32 to vector<16xi32>
                    %broadcast_in_dim3A_461 = vector.broadcast %add3A_457 : i32 to vector<16xi32>
                    %select_n3A_462 = arith.select %eq3A_122, %broadcast_in_dim3A_460, %broadcast_in_dim3A_461 : vector<16xi1>, vector<16xi32>
                    %broadcast_in_dim3A_463 = vector.broadcast %add3A_457 : i32 to vector<16xi32>
                    %broadcast_in_dim3A_464 = vector.broadcast %add3A_455 : i32 to vector<16xi32>
                    %select_n3A_465 = arith.select %eq3A_122, %broadcast_in_dim3A_463, %broadcast_in_dim3A_464 : vector<16xi1>, vector<16xi32>
                    %gather3A_466 = tpu.vector_load_idx %arg16[%select_n3A_462] masked %and3A_459 : memref<2912xi32, #tpu.memory_space<vmem>>[vector<16xi32>], vector<16xi32>, vector<16xi1>
                    tpu.vector_store_idx %arg16[%select_n3A_465], %gather3A_466 masked %and3A_459 : memref<2912xi32, #tpu.memory_space<vmem>>[vector<16xi32>], vector<16xi32>, vector<16xi1>
                    %shift_right_arithmetic3A_467 = arith.constant 1 : i32
                    %shift_right_arithmetic3A_468 = arith.shrsi %select_n3A_444, %shift_right_arithmetic3A_467 : i32
                    %sub3A_469 = arith.constant 1 : i32
                    %sub3A_470 = arith.subi %select_n3A_443, %sub3A_469 : i32
                    %le3A_471 = arith.cmpi sle, %sub3A_470, %shift_right_arithmetic3A_468 : i32
                    %select_n3A_472 = arith.select %le3A_471, %shift_right_arithmetic3A_468, %select_n3A_444 : i32
                    %select_n3A_473 = arith.select %and3A_453, %sub3A_470, %select_n3A_443 : i32
                    %select_n3A_474 = arith.select %and3A_453, %select_n3A_472, %select_n3A_444 : i32
                    %convert_element_type3A_475 = arith.extui %gt3A_448 : i1 to i32
                    %add3A_476 = arith.addi %add3A_446, %convert_element_type3A_475 : i32
                    %gt3A_477 = arith.constant 0 : i32
                    %gt3A_478 = arith.cmpi sgt, %select_n3A_473, %gt3A_477 : i32
                    %slice3A_479 = vector.extract_strided_slice %get3A_387 {offsets = [3], sizes = [1], strides = [1]} : vector<16xi32> to vector<1xi32>
                    %squeeze3A_480 = vector.extract %slice3A_479[0] : i32 from vector<1xi32>
                    %and3A_481 = arith.andi %squeeze3A_480, %select_n3A_474 : i32
                    %le3A_482 = arith.cmpi sle, %and3A_481, %select_n3A_473 : i32
                    %and3A_483 = arith.andi %gt3A_478, %le3A_482 : i1
                    %add3A_484 = arith.constant 1456 : i32
                    %add3A_485 = arith.addi %add3A_484, %select_n3A_473 : i32
                    %add3A_486 = arith.constant 1456 : i32
                    %add3A_487 = arith.addi %add3A_486, %and3A_481 : i32
                    %and3A_488 = vector.broadcast %and3A_483 : i1 to vector<16xi1>
                    %and3A_489 = arith.andi %lt3A_124, %and3A_488 : vector<16xi1>
                    %broadcast_in_dim3A_490 = vector.broadcast %add3A_485 : i32 to vector<16xi32>
                    %broadcast_in_dim3A_491 = vector.broadcast %add3A_487 : i32 to vector<16xi32>
                    %select_n3A_492 = arith.select %eq3A_122, %broadcast_in_dim3A_490, %broadcast_in_dim3A_491 : vector<16xi1>, vector<16xi32>
                    %broadcast_in_dim3A_493 = vector.broadcast %add3A_487 : i32 to vector<16xi32>
                    %broadcast_in_dim3A_494 = vector.broadcast %add3A_485 : i32 to vector<16xi32>
                    %select_n3A_495 = arith.select %eq3A_122, %broadcast_in_dim3A_493, %broadcast_in_dim3A_494 : vector<16xi1>, vector<16xi32>
                    %gather3A_496 = tpu.vector_load_idx %arg16[%select_n3A_492] masked %and3A_489 : memref<2912xi32, #tpu.memory_space<vmem>>[vector<16xi32>], vector<16xi32>, vector<16xi1>
                    tpu.vector_store_idx %arg16[%select_n3A_495], %gather3A_496 masked %and3A_489 : memref<2912xi32, #tpu.memory_space<vmem>>[vector<16xi32>], vector<16xi32>, vector<16xi1>
                    %shift_right_arithmetic3A_497 = arith.constant 1 : i32
                    %shift_right_arithmetic3A_498 = arith.shrsi %select_n3A_474, %shift_right_arithmetic3A_497 : i32
                    %sub3A_499 = arith.constant 1 : i32
                    %sub3A_500 = arith.subi %select_n3A_473, %sub3A_499 : i32
                    %le3A_501 = arith.cmpi sle, %sub3A_500, %shift_right_arithmetic3A_498 : i32
                    %select_n3A_502 = arith.select %le3A_501, %shift_right_arithmetic3A_498, %select_n3A_474 : i32
                    %select_n3A_503 = arith.select %and3A_483, %sub3A_500, %select_n3A_473 : i32
                    %select_n3A_504 = arith.select %and3A_483, %select_n3A_502, %select_n3A_474 : i32
                    %convert_element_type3A_505 = arith.extui %gt3A_478 : i1 to i32
                    %add3A_506 = arith.addi %add3A_476, %convert_element_type3A_505 : i32
                    %gt3A_507 = arith.constant 0 : i32
                    %gt3A_508 = arith.cmpi sgt, %select_n3A_503, %gt3A_507 : i32
                    %slice3A_509 = vector.extract_strided_slice %get3A_387 {offsets = [4], sizes = [1], strides = [1]} : vector<16xi32> to vector<1xi32>
                    %squeeze3A_510 = vector.extract %slice3A_509[0] : i32 from vector<1xi32>
                    %and3A_511 = arith.andi %squeeze3A_510, %select_n3A_504 : i32
                    %le3A_512 = arith.cmpi sle, %and3A_511, %select_n3A_503 : i32
                    %and3A_513 = arith.andi %gt3A_508, %le3A_512 : i1
                    %add3A_514 = arith.constant 1456 : i32
                    %add3A_515 = arith.addi %add3A_514, %select_n3A_503 : i32
                    %add3A_516 = arith.constant 1456 : i32
                    %add3A_517 = arith.addi %add3A_516, %and3A_511 : i32
                    %and3A_518 = vector.broadcast %and3A_513 : i1 to vector<16xi1>
                    %and3A_519 = arith.andi %lt3A_124, %and3A_518 : vector<16xi1>
                    %broadcast_in_dim3A_520 = vector.broadcast %add3A_515 : i32 to vector<16xi32>
                    %broadcast_in_dim3A_521 = vector.broadcast %add3A_517 : i32 to vector<16xi32>
                    %select_n3A_522 = arith.select %eq3A_122, %broadcast_in_dim3A_520, %broadcast_in_dim3A_521 : vector<16xi1>, vector<16xi32>
                    %broadcast_in_dim3A_523 = vector.broadcast %add3A_517 : i32 to vector<16xi32>
                    %broadcast_in_dim3A_524 = vector.broadcast %add3A_515 : i32 to vector<16xi32>
                    %select_n3A_525 = arith.select %eq3A_122, %broadcast_in_dim3A_523, %broadcast_in_dim3A_524 : vector<16xi1>, vector<16xi32>
                    %gather3A_526 = tpu.vector_load_idx %arg16[%select_n3A_522] masked %and3A_519 : memref<2912xi32, #tpu.memory_space<vmem>>[vector<16xi32>], vector<16xi32>, vector<16xi1>
                    tpu.vector_store_idx %arg16[%select_n3A_525], %gather3A_526 masked %and3A_519 : memref<2912xi32, #tpu.memory_space<vmem>>[vector<16xi32>], vector<16xi32>, vector<16xi1>
                    %shift_right_arithmetic3A_527 = arith.constant 1 : i32
                    %shift_right_arithmetic3A_528 = arith.shrsi %select_n3A_504, %shift_right_arithmetic3A_527 : i32
                    %sub3A_529 = arith.constant 1 : i32
                    %sub3A_530 = arith.subi %select_n3A_503, %sub3A_529 : i32
                    %le3A_531 = arith.cmpi sle, %sub3A_530, %shift_right_arithmetic3A_528 : i32
                    %select_n3A_532 = arith.select %le3A_531, %shift_right_arithmetic3A_528, %select_n3A_504 : i32
                    %select_n3A_533 = arith.select %and3A_513, %sub3A_530, %select_n3A_503 : i32
                    %select_n3A_534 = arith.select %and3A_513, %select_n3A_532, %select_n3A_504 : i32
                    %convert_element_type3A_535 = arith.extui %gt3A_508 : i1 to i32
                    %add3A_536 = arith.addi %add3A_506, %convert_element_type3A_535 : i32
                    %gt3A_537 = arith.constant 0 : i32
                    %gt3A_538 = arith.cmpi sgt, %select_n3A_533, %gt3A_537 : i32
                    %slice3A_539 = vector.extract_strided_slice %get3A_387 {offsets = [5], sizes = [1], strides = [1]} : vector<16xi32> to vector<1xi32>
                    %squeeze3A_540 = vector.extract %slice3A_539[0] : i32 from vector<1xi32>
                    %and3A_541 = arith.andi %squeeze3A_540, %select_n3A_534 : i32
                    %le3A_542 = arith.cmpi sle, %and3A_541, %select_n3A_533 : i32
                    %and3A_543 = arith.andi %gt3A_538, %le3A_542 : i1
                    %add3A_544 = arith.constant 1456 : i32
                    %add3A_545 = arith.addi %add3A_544, %select_n3A_533 : i32
                    %add3A_546 = arith.constant 1456 : i32
                    %add3A_547 = arith.addi %add3A_546, %and3A_541 : i32
                    %and3A_548 = vector.broadcast %and3A_543 : i1 to vector<16xi1>
                    %and3A_549 = arith.andi %lt3A_124, %and3A_548 : vector<16xi1>
                    %broadcast_in_dim3A_550 = vector.broadcast %add3A_545 : i32 to vector<16xi32>
                    %broadcast_in_dim3A_551 = vector.broadcast %add3A_547 : i32 to vector<16xi32>
                    %select_n3A_552 = arith.select %eq3A_122, %broadcast_in_dim3A_550, %broadcast_in_dim3A_551 : vector<16xi1>, vector<16xi32>
                    %broadcast_in_dim3A_553 = vector.broadcast %add3A_547 : i32 to vector<16xi32>
                    %broadcast_in_dim3A_554 = vector.broadcast %add3A_545 : i32 to vector<16xi32>
                    %select_n3A_555 = arith.select %eq3A_122, %broadcast_in_dim3A_553, %broadcast_in_dim3A_554 : vector<16xi1>, vector<16xi32>
                    %gather3A_556 = tpu.vector_load_idx %arg16[%select_n3A_552] masked %and3A_549 : memref<2912xi32, #tpu.memory_space<vmem>>[vector<16xi32>], vector<16xi32>, vector<16xi1>
                    tpu.vector_store_idx %arg16[%select_n3A_555], %gather3A_556 masked %and3A_549 : memref<2912xi32, #tpu.memory_space<vmem>>[vector<16xi32>], vector<16xi32>, vector<16xi1>
                    %shift_right_arithmetic3A_557 = arith.constant 1 : i32
                    %shift_right_arithmetic3A_558 = arith.shrsi %select_n3A_534, %shift_right_arithmetic3A_557 : i32
                    %sub3A_559 = arith.constant 1 : i32
                    %sub3A_560 = arith.subi %select_n3A_533, %sub3A_559 : i32
                    %le3A_561 = arith.cmpi sle, %sub3A_560, %shift_right_arithmetic3A_558 : i32
                    %select_n3A_562 = arith.select %le3A_561, %shift_right_arithmetic3A_558, %select_n3A_534 : i32
                    %select_n3A_563 = arith.select %and3A_543, %sub3A_560, %select_n3A_533 : i32
                    %select_n3A_564 = arith.select %and3A_543, %select_n3A_562, %select_n3A_534 : i32
                    %convert_element_type3A_565 = arith.extui %gt3A_538 : i1 to i32
                    %add3A_566 = arith.addi %add3A_536, %convert_element_type3A_565 : i32
                    %gt3A_567 = arith.constant 0 : i32
                    %gt3A_568 = arith.cmpi sgt, %select_n3A_563, %gt3A_567 : i32
                    %slice3A_569 = vector.extract_strided_slice %get3A_387 {offsets = [6], sizes = [1], strides = [1]} : vector<16xi32> to vector<1xi32>
                    %squeeze3A_570 = vector.extract %slice3A_569[0] : i32 from vector<1xi32>
                    %and3A_571 = arith.andi %squeeze3A_570, %select_n3A_564 : i32
                    %le3A_572 = arith.cmpi sle, %and3A_571, %select_n3A_563 : i32
                    %and3A_573 = arith.andi %gt3A_568, %le3A_572 : i1
                    %add3A_574 = arith.constant 1456 : i32
                    %add3A_575 = arith.addi %add3A_574, %select_n3A_563 : i32
                    %add3A_576 = arith.constant 1456 : i32
                    %add3A_577 = arith.addi %add3A_576, %and3A_571 : i32
                    %and3A_578 = vector.broadcast %and3A_573 : i1 to vector<16xi1>
                    %and3A_579 = arith.andi %lt3A_124, %and3A_578 : vector<16xi1>
                    %broadcast_in_dim3A_580 = vector.broadcast %add3A_575 : i32 to vector<16xi32>
                    %broadcast_in_dim3A_581 = vector.broadcast %add3A_577 : i32 to vector<16xi32>
                    %select_n3A_582 = arith.select %eq3A_122, %broadcast_in_dim3A_580, %broadcast_in_dim3A_581 : vector<16xi1>, vector<16xi32>
                    %broadcast_in_dim3A_583 = vector.broadcast %add3A_577 : i32 to vector<16xi32>
                    %broadcast_in_dim3A_584 = vector.broadcast %add3A_575 : i32 to vector<16xi32>
                    %select_n3A_585 = arith.select %eq3A_122, %broadcast_in_dim3A_583, %broadcast_in_dim3A_584 : vector<16xi1>, vector<16xi32>
                    %gather3A_586 = tpu.vector_load_idx %arg16[%select_n3A_582] masked %and3A_579 : memref<2912xi32, #tpu.memory_space<vmem>>[vector<16xi32>], vector<16xi32>, vector<16xi1>
                    tpu.vector_store_idx %arg16[%select_n3A_585], %gather3A_586 masked %and3A_579 : memref<2912xi32, #tpu.memory_space<vmem>>[vector<16xi32>], vector<16xi32>, vector<16xi1>
                    %shift_right_arithmetic3A_587 = arith.constant 1 : i32
                    %shift_right_arithmetic3A_588 = arith.shrsi %select_n3A_564, %shift_right_arithmetic3A_587 : i32
                    %sub3A_589 = arith.constant 1 : i32
                    %sub3A_590 = arith.subi %select_n3A_563, %sub3A_589 : i32
                    %le3A_591 = arith.cmpi sle, %sub3A_590, %shift_right_arithmetic3A_588 : i32
                    %select_n3A_592 = arith.select %le3A_591, %shift_right_arithmetic3A_588, %select_n3A_564 : i32
                    %select_n3A_593 = arith.select %and3A_573, %sub3A_590, %select_n3A_563 : i32
                    %select_n3A_594 = arith.select %and3A_573, %select_n3A_592, %select_n3A_564 : i32
                    %convert_element_type3A_595 = arith.extui %gt3A_568 : i1 to i32
                    %add3A_596 = arith.addi %add3A_566, %convert_element_type3A_595 : i32
                    %gt3A_597 = arith.constant 0 : i32
                    %gt3A_598 = arith.cmpi sgt, %select_n3A_593, %gt3A_597 : i32
                    %slice3A_599 = vector.extract_strided_slice %get3A_387 {offsets = [7], sizes = [1], strides = [1]} : vector<16xi32> to vector<1xi32>
                    %squeeze3A_600 = vector.extract %slice3A_599[0] : i32 from vector<1xi32>
                    %and3A_601 = arith.andi %squeeze3A_600, %select_n3A_594 : i32
                    %le3A_602 = arith.cmpi sle, %and3A_601, %select_n3A_593 : i32
                    %and3A_603 = arith.andi %gt3A_598, %le3A_602 : i1
                    %add3A_604 = arith.constant 1456 : i32
                    %add3A_605 = arith.addi %add3A_604, %select_n3A_593 : i32
                    %add3A_606 = arith.constant 1456 : i32
                    %add3A_607 = arith.addi %add3A_606, %and3A_601 : i32
                    %and3A_608 = vector.broadcast %and3A_603 : i1 to vector<16xi1>
                    %and3A_609 = arith.andi %lt3A_124, %and3A_608 : vector<16xi1>
                    %broadcast_in_dim3A_610 = vector.broadcast %add3A_605 : i32 to vector<16xi32>
                    %broadcast_in_dim3A_611 = vector.broadcast %add3A_607 : i32 to vector<16xi32>
                    %select_n3A_612 = arith.select %eq3A_122, %broadcast_in_dim3A_610, %broadcast_in_dim3A_611 : vector<16xi1>, vector<16xi32>
                    %broadcast_in_dim3A_613 = vector.broadcast %add3A_607 : i32 to vector<16xi32>
                    %broadcast_in_dim3A_614 = vector.broadcast %add3A_605 : i32 to vector<16xi32>
                    %select_n3A_615 = arith.select %eq3A_122, %broadcast_in_dim3A_613, %broadcast_in_dim3A_614 : vector<16xi1>, vector<16xi32>
                    %gather3A_616 = tpu.vector_load_idx %arg16[%select_n3A_612] masked %and3A_609 : memref<2912xi32, #tpu.memory_space<vmem>>[vector<16xi32>], vector<16xi32>, vector<16xi1>
                    tpu.vector_store_idx %arg16[%select_n3A_615], %gather3A_616 masked %and3A_609 : memref<2912xi32, #tpu.memory_space<vmem>>[vector<16xi32>], vector<16xi32>, vector<16xi1>
                    %shift_right_arithmetic3A_617 = arith.constant 1 : i32
                    %shift_right_arithmetic3A_618 = arith.shrsi %select_n3A_594, %shift_right_arithmetic3A_617 : i32
                    %sub3A_619 = arith.constant 1 : i32
                    %sub3A_620 = arith.subi %select_n3A_593, %sub3A_619 : i32
                    %le3A_621 = arith.cmpi sle, %sub3A_620, %shift_right_arithmetic3A_618 : i32
                    %select_n3A_622 = arith.select %le3A_621, %shift_right_arithmetic3A_618, %select_n3A_594 : i32
                    %select_n3A_623 = arith.select %and3A_603, %sub3A_620, %select_n3A_593 : i32
                    %select_n3A_624 = arith.select %and3A_603, %select_n3A_622, %select_n3A_594 : i32
                    %convert_element_type3A_625 = arith.extui %gt3A_598 : i1 to i32
                    %add3A_626 = arith.addi %add3A_596, %convert_element_type3A_625 : i32
                    %gt3A_627 = arith.constant 0 : i32
                    %gt3A_628 = arith.cmpi sgt, %select_n3A_623, %gt3A_627 : i32
                    %slice3A_629 = vector.extract_strided_slice %get3A_387 {offsets = [8], sizes = [1], strides = [1]} : vector<16xi32> to vector<1xi32>
                    %squeeze3A_630 = vector.extract %slice3A_629[0] : i32 from vector<1xi32>
                    %and3A_631 = arith.andi %squeeze3A_630, %select_n3A_624 : i32
                    %le3A_632 = arith.cmpi sle, %and3A_631, %select_n3A_623 : i32
                    %and3A_633 = arith.andi %gt3A_628, %le3A_632 : i1
                    %add3A_634 = arith.constant 1456 : i32
                    %add3A_635 = arith.addi %add3A_634, %select_n3A_623 : i32
                    %add3A_636 = arith.constant 1456 : i32
                    %add3A_637 = arith.addi %add3A_636, %and3A_631 : i32
                    %and3A_638 = vector.broadcast %and3A_633 : i1 to vector<16xi1>
                    %and3A_639 = arith.andi %lt3A_124, %and3A_638 : vector<16xi1>
                    %broadcast_in_dim3A_640 = vector.broadcast %add3A_635 : i32 to vector<16xi32>
                    %broadcast_in_dim3A_641 = vector.broadcast %add3A_637 : i32 to vector<16xi32>
                    %select_n3A_642 = arith.select %eq3A_122, %broadcast_in_dim3A_640, %broadcast_in_dim3A_641 : vector<16xi1>, vector<16xi32>
                    %broadcast_in_dim3A_643 = vector.broadcast %add3A_637 : i32 to vector<16xi32>
                    %broadcast_in_dim3A_644 = vector.broadcast %add3A_635 : i32 to vector<16xi32>
                    %select_n3A_645 = arith.select %eq3A_122, %broadcast_in_dim3A_643, %broadcast_in_dim3A_644 : vector<16xi1>, vector<16xi32>
                    %gather3A_646 = tpu.vector_load_idx %arg16[%select_n3A_642] masked %and3A_639 : memref<2912xi32, #tpu.memory_space<vmem>>[vector<16xi32>], vector<16xi32>, vector<16xi1>
                    tpu.vector_store_idx %arg16[%select_n3A_645], %gather3A_646 masked %and3A_639 : memref<2912xi32, #tpu.memory_space<vmem>>[vector<16xi32>], vector<16xi32>, vector<16xi1>
                    %shift_right_arithmetic3A_647 = arith.constant 1 : i32
                    %shift_right_arithmetic3A_648 = arith.shrsi %select_n3A_624, %shift_right_arithmetic3A_647 : i32
                    %sub3A_649 = arith.constant 1 : i32
                    %sub3A_650 = arith.subi %select_n3A_623, %sub3A_649 : i32
                    %le3A_651 = arith.cmpi sle, %sub3A_650, %shift_right_arithmetic3A_648 : i32
                    %select_n3A_652 = arith.select %le3A_651, %shift_right_arithmetic3A_648, %select_n3A_624 : i32
                    %select_n3A_653 = arith.select %and3A_633, %sub3A_650, %select_n3A_623 : i32
                    %select_n3A_654 = arith.select %and3A_633, %select_n3A_652, %select_n3A_624 : i32
                    %convert_element_type3A_655 = arith.extui %gt3A_628 : i1 to i32
                    %add3A_656 = arith.addi %add3A_626, %convert_element_type3A_655 : i32
                    %gt3A_657 = arith.constant 0 : i32
                    %gt3A_658 = arith.cmpi sgt, %select_n3A_653, %gt3A_657 : i32
                    %slice3A_659 = vector.extract_strided_slice %get3A_387 {offsets = [9], sizes = [1], strides = [1]} : vector<16xi32> to vector<1xi32>
                    %squeeze3A_660 = vector.extract %slice3A_659[0] : i32 from vector<1xi32>
                    %and3A_661 = arith.andi %squeeze3A_660, %select_n3A_654 : i32
                    %le3A_662 = arith.cmpi sle, %and3A_661, %select_n3A_653 : i32
                    %and3A_663 = arith.andi %gt3A_658, %le3A_662 : i1
                    %add3A_664 = arith.constant 1456 : i32
                    %add3A_665 = arith.addi %add3A_664, %select_n3A_653 : i32
                    %add3A_666 = arith.constant 1456 : i32
                    %add3A_667 = arith.addi %add3A_666, %and3A_661 : i32
                    %and3A_668 = vector.broadcast %and3A_663 : i1 to vector<16xi1>
                    %and3A_669 = arith.andi %lt3A_124, %and3A_668 : vector<16xi1>
                    %broadcast_in_dim3A_670 = vector.broadcast %add3A_665 : i32 to vector<16xi32>
                    %broadcast_in_dim3A_671 = vector.broadcast %add3A_667 : i32 to vector<16xi32>
                    %select_n3A_672 = arith.select %eq3A_122, %broadcast_in_dim3A_670, %broadcast_in_dim3A_671 : vector<16xi1>, vector<16xi32>
                    %broadcast_in_dim3A_673 = vector.broadcast %add3A_667 : i32 to vector<16xi32>
                    %broadcast_in_dim3A_674 = vector.broadcast %add3A_665 : i32 to vector<16xi32>
                    %select_n3A_675 = arith.select %eq3A_122, %broadcast_in_dim3A_673, %broadcast_in_dim3A_674 : vector<16xi1>, vector<16xi32>
                    %gather3A_676 = tpu.vector_load_idx %arg16[%select_n3A_672] masked %and3A_669 : memref<2912xi32, #tpu.memory_space<vmem>>[vector<16xi32>], vector<16xi32>, vector<16xi1>
                    tpu.vector_store_idx %arg16[%select_n3A_675], %gather3A_676 masked %and3A_669 : memref<2912xi32, #tpu.memory_space<vmem>>[vector<16xi32>], vector<16xi32>, vector<16xi1>
                    %shift_right_arithmetic3A_677 = arith.constant 1 : i32
                    %shift_right_arithmetic3A_678 = arith.shrsi %select_n3A_654, %shift_right_arithmetic3A_677 : i32
                    %sub3A_679 = arith.constant 1 : i32
                    %sub3A_680 = arith.subi %select_n3A_653, %sub3A_679 : i32
                    %le3A_681 = arith.cmpi sle, %sub3A_680, %shift_right_arithmetic3A_678 : i32
                    %select_n3A_682 = arith.select %le3A_681, %shift_right_arithmetic3A_678, %select_n3A_654 : i32
                    %select_n3A_683 = arith.select %and3A_663, %sub3A_680, %select_n3A_653 : i32
                    %select_n3A_684 = arith.select %and3A_663, %select_n3A_682, %select_n3A_654 : i32
                    %convert_element_type3A_685 = arith.extui %gt3A_658 : i1 to i32
                    %add3A_686 = arith.addi %add3A_656, %convert_element_type3A_685 : i32
                    %gt3A_687 = arith.constant 0 : i32
                    %gt3A_688 = arith.cmpi sgt, %select_n3A_683, %gt3A_687 : i32
                    %slice3A_689 = vector.extract_strided_slice %get3A_387 {offsets = [10], sizes = [1], strides = [1]} : vector<16xi32> to vector<1xi32>
                    %squeeze3A_690 = vector.extract %slice3A_689[0] : i32 from vector<1xi32>
                    %and3A_691 = arith.andi %squeeze3A_690, %select_n3A_684 : i32
                    %le3A_692 = arith.cmpi sle, %and3A_691, %select_n3A_683 : i32
                    %and3A_693 = arith.andi %gt3A_688, %le3A_692 : i1
                    %add3A_694 = arith.constant 1456 : i32
                    %add3A_695 = arith.addi %add3A_694, %select_n3A_683 : i32
                    %add3A_696 = arith.constant 1456 : i32
                    %add3A_697 = arith.addi %add3A_696, %and3A_691 : i32
                    %and3A_698 = vector.broadcast %and3A_693 : i1 to vector<16xi1>
                    %and3A_699 = arith.andi %lt3A_124, %and3A_698 : vector<16xi1>
                    %broadcast_in_dim3A_700 = vector.broadcast %add3A_695 : i32 to vector<16xi32>
                    %broadcast_in_dim3A_701 = vector.broadcast %add3A_697 : i32 to vector<16xi32>
                    %select_n3A_702 = arith.select %eq3A_122, %broadcast_in_dim3A_700, %broadcast_in_dim3A_701 : vector<16xi1>, vector<16xi32>
                    %broadcast_in_dim3A_703 = vector.broadcast %add3A_697 : i32 to vector<16xi32>
                    %broadcast_in_dim3A_704 = vector.broadcast %add3A_695 : i32 to vector<16xi32>
                    %select_n3A_705 = arith.select %eq3A_122, %broadcast_in_dim3A_703, %broadcast_in_dim3A_704 : vector<16xi1>, vector<16xi32>
                    %gather3A_706 = tpu.vector_load_idx %arg16[%select_n3A_702] masked %and3A_699 : memref<2912xi32, #tpu.memory_space<vmem>>[vector<16xi32>], vector<16xi32>, vector<16xi1>
                    tpu.vector_store_idx %arg16[%select_n3A_705], %gather3A_706 masked %and3A_699 : memref<2912xi32, #tpu.memory_space<vmem>>[vector<16xi32>], vector<16xi32>, vector<16xi1>
                    %shift_right_arithmetic3A_707 = arith.constant 1 : i32
                    %shift_right_arithmetic3A_708 = arith.shrsi %select_n3A_684, %shift_right_arithmetic3A_707 : i32
                    %sub3A_709 = arith.constant 1 : i32
                    %sub3A_710 = arith.subi %select_n3A_683, %sub3A_709 : i32
                    %le3A_711 = arith.cmpi sle, %sub3A_710, %shift_right_arithmetic3A_708 : i32
                    %select_n3A_712 = arith.select %le3A_711, %shift_right_arithmetic3A_708, %select_n3A_684 : i32
                    %select_n3A_713 = arith.select %and3A_693, %sub3A_710, %select_n3A_683 : i32
                    %select_n3A_714 = arith.select %and3A_693, %select_n3A_712, %select_n3A_684 : i32
                    %convert_element_type3A_715 = arith.extui %gt3A_688 : i1 to i32
                    %add3A_716 = arith.addi %add3A_686, %convert_element_type3A_715 : i32
                    %gt3A_717 = arith.constant 0 : i32
                    %gt3A_718 = arith.cmpi sgt, %select_n3A_713, %gt3A_717 : i32
                    %slice3A_719 = vector.extract_strided_slice %get3A_387 {offsets = [11], sizes = [1], strides = [1]} : vector<16xi32> to vector<1xi32>
                    %squeeze3A_720 = vector.extract %slice3A_719[0] : i32 from vector<1xi32>
                    %and3A_721 = arith.andi %squeeze3A_720, %select_n3A_714 : i32
                    %le3A_722 = arith.cmpi sle, %and3A_721, %select_n3A_713 : i32
                    %and3A_723 = arith.andi %gt3A_718, %le3A_722 : i1
                    %add3A_724 = arith.constant 1456 : i32
                    %add3A_725 = arith.addi %add3A_724, %select_n3A_713 : i32
                    %add3A_726 = arith.constant 1456 : i32
                    %add3A_727 = arith.addi %add3A_726, %and3A_721 : i32
                    %and3A_728 = vector.broadcast %and3A_723 : i1 to vector<16xi1>
                    %and3A_729 = arith.andi %lt3A_124, %and3A_728 : vector<16xi1>
                    %broadcast_in_dim3A_730 = vector.broadcast %add3A_725 : i32 to vector<16xi32>
                    %broadcast_in_dim3A_731 = vector.broadcast %add3A_727 : i32 to vector<16xi32>
                    %select_n3A_732 = arith.select %eq3A_122, %broadcast_in_dim3A_730, %broadcast_in_dim3A_731 : vector<16xi1>, vector<16xi32>
                    %broadcast_in_dim3A_733 = vector.broadcast %add3A_727 : i32 to vector<16xi32>
                    %broadcast_in_dim3A_734 = vector.broadcast %add3A_725 : i32 to vector<16xi32>
                    %select_n3A_735 = arith.select %eq3A_122, %broadcast_in_dim3A_733, %broadcast_in_dim3A_734 : vector<16xi1>, vector<16xi32>
                    %gather3A_736 = tpu.vector_load_idx %arg16[%select_n3A_732] masked %and3A_729 : memref<2912xi32, #tpu.memory_space<vmem>>[vector<16xi32>], vector<16xi32>, vector<16xi1>
                    tpu.vector_store_idx %arg16[%select_n3A_735], %gather3A_736 masked %and3A_729 : memref<2912xi32, #tpu.memory_space<vmem>>[vector<16xi32>], vector<16xi32>, vector<16xi1>
                    %shift_right_arithmetic3A_737 = arith.constant 1 : i32
                    %shift_right_arithmetic3A_738 = arith.shrsi %select_n3A_714, %shift_right_arithmetic3A_737 : i32
                    %sub3A_739 = arith.constant 1 : i32
                    %sub3A_740 = arith.subi %select_n3A_713, %sub3A_739 : i32
                    %le3A_741 = arith.cmpi sle, %sub3A_740, %shift_right_arithmetic3A_738 : i32
                    %select_n3A_742 = arith.select %le3A_741, %shift_right_arithmetic3A_738, %select_n3A_714 : i32
                    %select_n3A_743 = arith.select %and3A_723, %sub3A_740, %select_n3A_713 : i32
                    %select_n3A_744 = arith.select %and3A_723, %select_n3A_742, %select_n3A_714 : i32
                    %convert_element_type3A_745 = arith.extui %gt3A_718 : i1 to i32
                    %add3A_746 = arith.addi %add3A_716, %convert_element_type3A_745 : i32
                    %gt3A_747 = arith.constant 0 : i32
                    %gt3A_748 = arith.cmpi sgt, %select_n3A_743, %gt3A_747 : i32
                    %slice3A_749 = vector.extract_strided_slice %get3A_387 {offsets = [12], sizes = [1], strides = [1]} : vector<16xi32> to vector<1xi32>
                    %squeeze3A_750 = vector.extract %slice3A_749[0] : i32 from vector<1xi32>
                    %and3A_751 = arith.andi %squeeze3A_750, %select_n3A_744 : i32
                    %le3A_752 = arith.cmpi sle, %and3A_751, %select_n3A_743 : i32
                    %and3A_753 = arith.andi %gt3A_748, %le3A_752 : i1
                    %add3A_754 = arith.constant 1456 : i32
                    %add3A_755 = arith.addi %add3A_754, %select_n3A_743 : i32
                    %add3A_756 = arith.constant 1456 : i32
                    %add3A_757 = arith.addi %add3A_756, %and3A_751 : i32
                    %and3A_758 = vector.broadcast %and3A_753 : i1 to vector<16xi1>
                    %and3A_759 = arith.andi %lt3A_124, %and3A_758 : vector<16xi1>
                    %broadcast_in_dim3A_760 = vector.broadcast %add3A_755 : i32 to vector<16xi32>
                    %broadcast_in_dim3A_761 = vector.broadcast %add3A_757 : i32 to vector<16xi32>
                    %select_n3A_762 = arith.select %eq3A_122, %broadcast_in_dim3A_760, %broadcast_in_dim3A_761 : vector<16xi1>, vector<16xi32>
                    %broadcast_in_dim3A_763 = vector.broadcast %add3A_757 : i32 to vector<16xi32>
                    %broadcast_in_dim3A_764 = vector.broadcast %add3A_755 : i32 to vector<16xi32>
                    %select_n3A_765 = arith.select %eq3A_122, %broadcast_in_dim3A_763, %broadcast_in_dim3A_764 : vector<16xi1>, vector<16xi32>
                    %gather3A_766 = tpu.vector_load_idx %arg16[%select_n3A_762] masked %and3A_759 : memref<2912xi32, #tpu.memory_space<vmem>>[vector<16xi32>], vector<16xi32>, vector<16xi1>
                    tpu.vector_store_idx %arg16[%select_n3A_765], %gather3A_766 masked %and3A_759 : memref<2912xi32, #tpu.memory_space<vmem>>[vector<16xi32>], vector<16xi32>, vector<16xi1>
                    %shift_right_arithmetic3A_767 = arith.constant 1 : i32
                    %shift_right_arithmetic3A_768 = arith.shrsi %select_n3A_744, %shift_right_arithmetic3A_767 : i32
                    %sub3A_769 = arith.constant 1 : i32
                    %sub3A_770 = arith.subi %select_n3A_743, %sub3A_769 : i32
                    %le3A_771 = arith.cmpi sle, %sub3A_770, %shift_right_arithmetic3A_768 : i32
                    %select_n3A_772 = arith.select %le3A_771, %shift_right_arithmetic3A_768, %select_n3A_744 : i32
                    %select_n3A_773 = arith.select %and3A_753, %sub3A_770, %select_n3A_743 : i32
                    %select_n3A_774 = arith.select %and3A_753, %select_n3A_772, %select_n3A_744 : i32
                    %convert_element_type3A_775 = arith.extui %gt3A_748 : i1 to i32
                    %add3A_776 = arith.addi %add3A_746, %convert_element_type3A_775 : i32
                    %gt3A_777 = arith.constant 0 : i32
                    %gt3A_778 = arith.cmpi sgt, %select_n3A_773, %gt3A_777 : i32
                    %slice3A_779 = vector.extract_strided_slice %get3A_387 {offsets = [13], sizes = [1], strides = [1]} : vector<16xi32> to vector<1xi32>
                    %squeeze3A_780 = vector.extract %slice3A_779[0] : i32 from vector<1xi32>
                    %and3A_781 = arith.andi %squeeze3A_780, %select_n3A_774 : i32
                    %le3A_782 = arith.cmpi sle, %and3A_781, %select_n3A_773 : i32
                    %and3A_783 = arith.andi %gt3A_778, %le3A_782 : i1
                    %add3A_784 = arith.constant 1456 : i32
                    %add3A_785 = arith.addi %add3A_784, %select_n3A_773 : i32
                    %add3A_786 = arith.constant 1456 : i32
                    %add3A_787 = arith.addi %add3A_786, %and3A_781 : i32
                    %and3A_788 = vector.broadcast %and3A_783 : i1 to vector<16xi1>
                    %and3A_789 = arith.andi %lt3A_124, %and3A_788 : vector<16xi1>
                    %broadcast_in_dim3A_790 = vector.broadcast %add3A_785 : i32 to vector<16xi32>
                    %broadcast_in_dim3A_791 = vector.broadcast %add3A_787 : i32 to vector<16xi32>
                    %select_n3A_792 = arith.select %eq3A_122, %broadcast_in_dim3A_790, %broadcast_in_dim3A_791 : vector<16xi1>, vector<16xi32>
                    %broadcast_in_dim3A_793 = vector.broadcast %add3A_787 : i32 to vector<16xi32>
                    %broadcast_in_dim3A_794 = vector.broadcast %add3A_785 : i32 to vector<16xi32>
                    %select_n3A_795 = arith.select %eq3A_122, %broadcast_in_dim3A_793, %broadcast_in_dim3A_794 : vector<16xi1>, vector<16xi32>
                    %gather3A_796 = tpu.vector_load_idx %arg16[%select_n3A_792] masked %and3A_789 : memref<2912xi32, #tpu.memory_space<vmem>>[vector<16xi32>], vector<16xi32>, vector<16xi1>
                    tpu.vector_store_idx %arg16[%select_n3A_795], %gather3A_796 masked %and3A_789 : memref<2912xi32, #tpu.memory_space<vmem>>[vector<16xi32>], vector<16xi32>, vector<16xi1>
                    %shift_right_arithmetic3A_797 = arith.constant 1 : i32
                    %shift_right_arithmetic3A_798 = arith.shrsi %select_n3A_774, %shift_right_arithmetic3A_797 : i32
                    %sub3A_799 = arith.constant 1 : i32
                    %sub3A_800 = arith.subi %select_n3A_773, %sub3A_799 : i32
                    %le3A_801 = arith.cmpi sle, %sub3A_800, %shift_right_arithmetic3A_798 : i32
                    %select_n3A_802 = arith.select %le3A_801, %shift_right_arithmetic3A_798, %select_n3A_774 : i32
                    %select_n3A_803 = arith.select %and3A_783, %sub3A_800, %select_n3A_773 : i32
                    %select_n3A_804 = arith.select %and3A_783, %select_n3A_802, %select_n3A_774 : i32
                    %convert_element_type3A_805 = arith.extui %gt3A_778 : i1 to i32
                    %add3A_806 = arith.addi %add3A_776, %convert_element_type3A_805 : i32
                    %gt3A_807 = arith.constant 0 : i32
                    %gt3A_808 = arith.cmpi sgt, %select_n3A_803, %gt3A_807 : i32
                    %slice3A_809 = vector.extract_strided_slice %get3A_387 {offsets = [14], sizes = [1], strides = [1]} : vector<16xi32> to vector<1xi32>
                    %squeeze3A_810 = vector.extract %slice3A_809[0] : i32 from vector<1xi32>
                    %and3A_811 = arith.andi %squeeze3A_810, %select_n3A_804 : i32
                    %le3A_812 = arith.cmpi sle, %and3A_811, %select_n3A_803 : i32
                    %and3A_813 = arith.andi %gt3A_808, %le3A_812 : i1
                    %add3A_814 = arith.constant 1456 : i32
                    %add3A_815 = arith.addi %add3A_814, %select_n3A_803 : i32
                    %add3A_816 = arith.constant 1456 : i32
                    %add3A_817 = arith.addi %add3A_816, %and3A_811 : i32
                    %and3A_818 = vector.broadcast %and3A_813 : i1 to vector<16xi1>
                    %and3A_819 = arith.andi %lt3A_124, %and3A_818 : vector<16xi1>
                    %broadcast_in_dim3A_820 = vector.broadcast %add3A_815 : i32 to vector<16xi32>
                    %broadcast_in_dim3A_821 = vector.broadcast %add3A_817 : i32 to vector<16xi32>
                    %select_n3A_822 = arith.select %eq3A_122, %broadcast_in_dim3A_820, %broadcast_in_dim3A_821 : vector<16xi1>, vector<16xi32>
                    %broadcast_in_dim3A_823 = vector.broadcast %add3A_817 : i32 to vector<16xi32>
                    %broadcast_in_dim3A_824 = vector.broadcast %add3A_815 : i32 to vector<16xi32>
                    %select_n3A_825 = arith.select %eq3A_122, %broadcast_in_dim3A_823, %broadcast_in_dim3A_824 : vector<16xi1>, vector<16xi32>
                    %gather3A_826 = tpu.vector_load_idx %arg16[%select_n3A_822] masked %and3A_819 : memref<2912xi32, #tpu.memory_space<vmem>>[vector<16xi32>], vector<16xi32>, vector<16xi1>
                    tpu.vector_store_idx %arg16[%select_n3A_825], %gather3A_826 masked %and3A_819 : memref<2912xi32, #tpu.memory_space<vmem>>[vector<16xi32>], vector<16xi32>, vector<16xi1>
                    %shift_right_arithmetic3A_827 = arith.constant 1 : i32
                    %shift_right_arithmetic3A_828 = arith.shrsi %select_n3A_804, %shift_right_arithmetic3A_827 : i32
                    %sub3A_829 = arith.constant 1 : i32
                    %sub3A_830 = arith.subi %select_n3A_803, %sub3A_829 : i32
                    %le3A_831 = arith.cmpi sle, %sub3A_830, %shift_right_arithmetic3A_828 : i32
                    %select_n3A_832 = arith.select %le3A_831, %shift_right_arithmetic3A_828, %select_n3A_804 : i32
                    %select_n3A_833 = arith.select %and3A_813, %sub3A_830, %select_n3A_803 : i32
                    %select_n3A_834 = arith.select %and3A_813, %select_n3A_832, %select_n3A_804 : i32
                    %convert_element_type3A_835 = arith.extui %gt3A_808 : i1 to i32
                    %add3A_836 = arith.addi %add3A_806, %convert_element_type3A_835 : i32
                    %gt3A_837 = arith.constant 0 : i32
                    %gt3A_838 = arith.cmpi sgt, %select_n3A_833, %gt3A_837 : i32
                    %slice3A_839 = vector.extract_strided_slice %get3A_387 {offsets = [15], sizes = [1], strides = [1]} : vector<16xi32> to vector<1xi32>
                    %squeeze3A_840 = vector.extract %slice3A_839[0] : i32 from vector<1xi32>
                    %and3A_841 = arith.andi %squeeze3A_840, %select_n3A_834 : i32
                    %le3A_842 = arith.cmpi sle, %and3A_841, %select_n3A_833 : i32
                    %and3A_843 = arith.andi %gt3A_838, %le3A_842 : i1
                    %add3A_844 = arith.constant 1456 : i32
                    %add3A_845 = arith.addi %add3A_844, %select_n3A_833 : i32
                    %add3A_846 = arith.constant 1456 : i32
                    %add3A_847 = arith.addi %add3A_846, %and3A_841 : i32
                    %and3A_848 = vector.broadcast %and3A_843 : i1 to vector<16xi1>
                    %and3A_849 = arith.andi %lt3A_124, %and3A_848 : vector<16xi1>
                    %broadcast_in_dim3A_850 = vector.broadcast %add3A_845 : i32 to vector<16xi32>
                    %broadcast_in_dim3A_851 = vector.broadcast %add3A_847 : i32 to vector<16xi32>
                    %select_n3A_852 = arith.select %eq3A_122, %broadcast_in_dim3A_850, %broadcast_in_dim3A_851 : vector<16xi1>, vector<16xi32>
                    %broadcast_in_dim3A_853 = vector.broadcast %add3A_847 : i32 to vector<16xi32>
                    %broadcast_in_dim3A_854 = vector.broadcast %add3A_845 : i32 to vector<16xi32>
                    %select_n3A_855 = arith.select %eq3A_122, %broadcast_in_dim3A_853, %broadcast_in_dim3A_854 : vector<16xi1>, vector<16xi32>
                    %gather3A_856 = tpu.vector_load_idx %arg16[%select_n3A_852] masked %and3A_849 : memref<2912xi32, #tpu.memory_space<vmem>>[vector<16xi32>], vector<16xi32>, vector<16xi1>
                    tpu.vector_store_idx %arg16[%select_n3A_855], %gather3A_856 masked %and3A_849 : memref<2912xi32, #tpu.memory_space<vmem>>[vector<16xi32>], vector<16xi32>, vector<16xi1>
                    %shift_right_arithmetic3A_857 = arith.constant 1 : i32
                    %shift_right_arithmetic3A_858 = arith.shrsi %select_n3A_834, %shift_right_arithmetic3A_857 : i32
                    %sub3A_859 = arith.constant 1 : i32
                    %sub3A_860 = arith.subi %select_n3A_833, %sub3A_859 : i32
                    %le3A_861 = arith.cmpi sle, %sub3A_860, %shift_right_arithmetic3A_858 : i32
                    %select_n3A_862 = arith.select %le3A_861, %shift_right_arithmetic3A_858, %select_n3A_834 : i32
                    %select_n3A_863 = arith.select %and3A_843, %sub3A_860, %select_n3A_833 : i32
                    %select_n3A_864 = arith.select %and3A_843, %select_n3A_862, %select_n3A_834 : i32
                    %convert_element_type3A_865 = arith.extui %gt3A_838 : i1 to i32
                    %add3A_866 = arith.addi %add3A_836, %convert_element_type3A_865 : i32
                    scf.yield %select_n3A_863, %select_n3A_864, %add3A_866 : i32, i32, i32
                  }
                  %scan3A_375 = arith.constant 4 : i32
                  scf.yield %scan3A_374#0, %scan3A_374#1, %scan3A_374#2 : i32, i32, i32
                } else {
                  scf.yield %scan3A_361, %scan3A_362, %scan3A_363 : i32, i32, i32
                }
                scf.yield %cond3A_369#0, %cond3A_369#1, %cond3A_369#2 : i32, i32, i32
              }
              %scan3A_358 = arith.constant 16 : i32
              %add3A_359 = arith.addi %scan3A_319, %scan3A_357#2 : i32
              scf.yield %add3A_359, %scan3A_357#0, %scan3A_357#1 : i32, i32, i32
            } else {
              scf.yield %scan3A_319, %scan3A_320, %scan3A_321 : i32, i32, i32
            }
            scf.yield %cond3A_327#0, %cond3A_327#1, %cond3A_327#2 : i32, i32, i32
          }
          %scan3A_184 = arith.constant 8 : i32
          %gt3A_185 = arith.constant 0 : i32
          %gt3A_186 = arith.cmpi sgt, %max3A_158, %gt3A_185 : i32
          %convert_element_type3A_187 = arith.extui %gt3A_186 : i1 to i32
          %cond3A_188 = arith.constant 0 : i32
          %cond3A_189 = arith.cmpi ne, %convert_element_type3A_187, %cond3A_188 : i32
          scf.if %cond3A_189 {
            %dma_wait3A_318 = arith.constant 0 : i32
            %dma_wait3A_319 = tpu.memref_slice %arg17[%dma_wait3A_318] : memref<2112xi32, #tpu.memory_space<vmem>> -> memref<1056xi32, #tpu.memory_space<vmem>>
            %dma_wait3A_320 = arith.constant 0 : i32
            %dma_wait3A_321 = tpu.memref_slice %arg2[%dma_wait3A_320] : memref<2097152xi32, #tpu.memory_space<hbm>> -> memref<1056xi32, #tpu.memory_space<hbm>>
            %dma_wait3A_322 = arith.constant 0 : i32
            %dma_wait3A_323 = tpu.memref_slice %arg17[%dma_wait3A_322] : memref<2112xi32, #tpu.memory_space<vmem>> -> memref<1056xi32, #tpu.memory_space<vmem>>
            %dma_wait3A_324 = arith.constant 0 : i32
            %dma_wait3A_325 = tpu.memref_slice %arg2[%dma_wait3A_324] : memref<2097152xi32, #tpu.memory_space<hbm>> -> memref<1056xi32, #tpu.memory_space<hbm>>
            tpu.wait_dma2 semaphore(%arg19 : memref<!tpu.dma_semaphore, #tpu.memory_space<semaphore_mem>>) src(%dma_wait3A_325 : memref<1056xi32, #tpu.memory_space<hbm>>) dst(%dma_wait3A_323 : memref<1056xi32, #tpu.memory_space<vmem>>)
          } else {
          }
          %broadcast_in_dim3A_190 = arith.constant 0.000000e+00 : f32
          %broadcast_in_dim3A_191 = vector.broadcast %broadcast_in_dim3A_190 : f32 to vector<16xf32>
          %scan3A_192 = arith.constant 0 : i32
          %scan3A_193 = arith.constant 13 : i32
          %scan3A_194 = arith.addi %scan3A_192, %scan3A_193 : i32
          %scan3A_195 = arith.constant 1 : i32
          %scan3A_196 = scf.for %scan3A_318 = %scan3A_192 to %scan3A_194 step %scan3A_195 iter_args(%scan3A_319 = %broadcast_in_dim3A_191) -> (vector<16xf32>)  : i32 {
            %mul3A_320 = arith.constant 7 : i32
            %mul3A_321 = arith.muli %scan3A_318, %mul3A_320 : i32
            %mul3A_322 = arith.constant 16 : i32
            %mul3A_323 = arith.muli %mul3A_321, %mul3A_322 : i32
            %lt3A_324 = arith.cmpi slt, %mul3A_323, %scan3A_101#0 : i32
            %convert_element_type3A_325 = arith.extui %lt3A_324 : i1 to i32
            %cond3A_326 = arith.constant 0 : i32
            %cond3A_327 = arith.cmpi ne, %convert_element_type3A_325, %cond3A_326 : i32
            %cond3A_328 = scf.if %cond3A_327 -> (vector<16xf32>) {
              %mul3A_329 = arith.constant 7 : i32
              %mul3A_330 = arith.muli %scan3A_318, %mul3A_329 : i32
              %mul3A_331 = arith.constant 7 : i32
              %mul3A_332 = arith.muli %scan3A_318, %mul3A_331 : i32
              %add3A_333 = arith.constant 7 : i32
              %add3A_334 = arith.addi %mul3A_332, %add3A_333 : i32
              %while3A = arith.subi %add3A_334, %mul3A_330 : i32
              %while3A_335 = arith.addi %mul3A_330, %while3A : i32
              %while3A_336 = arith.constant 1 : i32
              %while3A_337 = arith.divsi %while3A, %while3A_336 : i32
              %while3A_338 = arith.muli %while3A_337, %while3A_336 : i32
              %while3A_339 = arith.addi %mul3A_330, %while3A_338 : i32
              %while3A_340 = arith.constant 1 : i32
              %while3A_341 = scf.for %while3A_344 = %mul3A_330 to %while3A_339 step %while3A_340 iter_args(%while3A_345 = %scan3A_319) -> (vector<16xf32>)  : i32 {
                %mul3A_346 = arith.constant 16 : i32
                %mul3A_347 = arith.muli %while3A_344, %mul3A_346 : i32
                %lt3A_348 = arith.cmpi slt, %mul3A_347, %scan3A_101#0 : i32
                %convert_element_type3A_349 = arith.extui %lt3A_348 : i1 to i32
                %cond3A_350 = arith.constant 0 : i32
                %cond3A_351 = arith.cmpi ne, %convert_element_type3A_349, %cond3A_350 : i32
                %cond3A_352 = scf.if %cond3A_351 -> (vector<16xf32>) {
                  %mul3A_353 = arith.constant 16 : i32
                  %mul3A_354 = arith.muli %while3A_344, %mul3A_353 : i32
                  %add3A_355 = vector.broadcast %mul3A_354 : i32 to vector<16xi32>
                  %add3A_356 = arith.addi %add3A_355, %iota3A : vector<16xi32>
                  %lt3A_357 = vector.broadcast %scan3A_101#0 : i32 to vector<16xi32>
                  %lt3A_358 = arith.cmpi slt, %add3A_356, %lt3A_357 : vector<16xi32>
                  %mul3A_359 = arith.constant 16 : i32
                  %mul3A_360 = arith.muli %while3A_344, %mul3A_359 : i32
                  %get3A_361 = arith.index_cast %mul3A_360 : i32 to index
                  %get3A_362 = tpu.vector_load %arg14[%get3A_361] {strides = array<i32>} : memref<1472xi32, #tpu.memory_space<vmem>>, vector<16xi32>,
                  %mul3A_363 = arith.constant 4 : i32
                  %mul3A_364 = vector.broadcast %mul3A_363 : i32 to vector<16xi32>
                  %mul3A_365 = arith.muli %get3A_362, %mul3A_364 : vector<16xi32>
                  %gather3A_366 = tpu.vector_load_idx %arg12[%mul3A_365] masked %lt3A_358 : memref<5780xf32, #tpu.memory_space<vmem>>[vector<16xi32>], vector<16xf32>, vector<16xi1>
                  %add3A_367 = arith.constant 1 : i32
                  %add3A_368 = vector.broadcast %add3A_367 : i32 to vector<16xi32>
                  %add3A_369 = arith.addi %mul3A_365, %add3A_368 : vector<16xi32>
                  %gather3A_370 = tpu.vector_load_idx %arg12[%add3A_369] masked %lt3A_358 : memref<5780xf32, #tpu.memory_space<vmem>>[vector<16xi32>], vector<16xf32>, vector<16xi1>
                  %add3A_371 = arith.constant 2 : i32
                  %add3A_372 = vector.broadcast %add3A_371 : i32 to vector<16xi32>
                  %add3A_373 = arith.addi %mul3A_365, %add3A_372 : vector<16xi32>
                  %gather3A_374 = tpu.vector_load_idx %arg12[%add3A_373] masked %lt3A_358 : memref<5780xf32, #tpu.memory_space<vmem>>[vector<16xi32>], vector<16xf32>, vector<16xi1>
                  %add3A_375 = arith.constant 3 : i32
                  %add3A_376 = vector.broadcast %add3A_375 : i32 to vector<16xi32>
                  %add3A_377 = arith.addi %mul3A_365, %add3A_376 : vector<16xi32>
                  %gather3A_378 = tpu.vector_load_idx %arg12[%add3A_377] masked %lt3A_358 : memref<5780xf32, #tpu.memory_space<vmem>>[vector<16xi32>], vector<16xf32>, vector<16xi1>
                  %jit3A_379 = arith.constant 1.000000e+00 : f32
                  %broadcast_in_dim3A_380 = vector.broadcast %jit3A_379 : f32 to vector<16xf32>
                  %select_n3A_381 = arith.select %lt3A_358, %gather3A_374, %broadcast_in_dim3A_380 : vector<16xi1>, vector<16xf32>
                  %jit3A_382 = arith.constant 1.000000e+00 : f32
                  %broadcast_in_dim3A_383 = vector.broadcast %jit3A_382 : f32 to vector<16xf32>
                  %select_n3A_384 = arith.select %lt3A_358, %gather3A_378, %broadcast_in_dim3A_383 : vector<16xi1>, vector<16xf32>
                  %sub3A_385 = arith.subf %gather3A, %gather3A_366 : vector<16xf32>
                  %div3A_386 = arith.divf %sub3A_385, %select_n3A_381 : vector<16xf32>
                  %sub3A_387 = arith.subf %gather3A_81, %gather3A_370 : vector<16xf32>
                  %div3A_388 = arith.divf %sub3A_387, %select_n3A_384 : vector<16xf32>
                  %sub3A_389 = arith.subf %gather3A_85, %gather3A_366 : vector<16xf32>
                  %div3A_390 = arith.divf %sub3A_389, %select_n3A_381 : vector<16xf32>
                  %sub3A_391 = arith.subf %gather3A_89, %gather3A_370 : vector<16xf32>
                  %div3A_392 = arith.divf %sub3A_391, %select_n3A_384 : vector<16xf32>
                  %mul3A_393 = arith.constant 5780 : i32
                  %mul3A_394 = arith.muli %scan3A_46, %mul3A_393 : i32
                  %add3A_395 = vector.broadcast %mul3A_394 : i32 to vector<16xi32>
                  %add3A_396 = arith.addi %add3A_395, %get3A_362 : vector<16xi32>
                  %broadcast_in_dim3A_397 = arith.constant 0.000000e+00 : f32
                  %broadcast_in_dim3A_398 = vector.broadcast %broadcast_in_dim3A_397 : f32 to vector<16xf32>
                  %add3A_399 = arith.constant 0 : i32
                  %add3A_400 = vector.broadcast %add3A_399 : i32 to vector<16xi32>
                  %add3A_401 = arith.addi %add3A_396, %add3A_400 : vector<16xi32>
                  %gather3A_402 = tpu.vector_load_idx %arg10[%add3A_401] masked %lt3A_358 : memref<92480xf32, #tpu.memory_space<vmem>>[vector<16xi32>], vector<16xf32>, vector<16xi1>
                  %sub3A_403 = arith.subf %gather3A_402, %div3A_386 : vector<16xf32>
                  %abs3A = math.absf %sub3A_403 : vector<16xf32>
                  %lt3A_404 = arith.constant 1.000000e+00 : f32
                  %lt3A_405 = vector.broadcast %lt3A_404 : f32 to vector<16xf32>
                  %lt3A_406 = arith.cmpf olt, %abs3A, %lt3A_405 : vector<16xf32>
                  %mul3A_407 = arith.constant 5.000000e-01 : f32
                  %mul3A_408 = vector.broadcast %mul3A_407 : f32 to vector<16xf32>
                  %mul3A_409 = arith.mulf %mul3A_408, %sub3A_403 : vector<16xf32>
                  %mul3A_410 = arith.mulf %mul3A_409, %sub3A_403 : vector<16xf32>
                  %sub3A_411 = arith.constant 5.000000e-01 : f32
                  %sub3A_412 = vector.broadcast %sub3A_411 : f32 to vector<16xf32>
                  %sub3A_413 = arith.subf %abs3A, %sub3A_412 : vector<16xf32>
                  %select_n3A_414 = arith.select %lt3A_406, %mul3A_410, %sub3A_413 : vector<16xi1>, vector<16xf32>
                  %add3A_415 = arith.addf %broadcast_in_dim3A_398, %select_n3A_414 : vector<16xf32>
                  %add3A_416 = arith.constant 1445 : i32
                  %add3A_417 = vector.broadcast %add3A_416 : i32 to vector<16xi32>
                  %add3A_418 = arith.addi %add3A_396, %add3A_417 : vector<16xi32>
                  %gather3A_419 = tpu.vector_load_idx %arg10[%add3A_418] masked %lt3A_358 : memref<92480xf32, #tpu.memory_space<vmem>>[vector<16xi32>], vector<16xf32>, vector<16xi1>
                  %sub3A_420 = arith.subf %gather3A_419, %div3A_388 : vector<16xf32>
                  %abs3A_421 = math.absf %sub3A_420 : vector<16xf32>
                  %lt3A_422 = arith.constant 1.000000e+00 : f32
                  %lt3A_423 = vector.broadcast %lt3A_422 : f32 to vector<16xf32>
                  %lt3A_424 = arith.cmpf olt, %abs3A_421, %lt3A_423 : vector<16xf32>
                  %mul3A_425 = arith.constant 5.000000e-01 : f32
                  %mul3A_426 = vector.broadcast %mul3A_425 : f32 to vector<16xf32>
                  %mul3A_427 = arith.mulf %mul3A_426, %sub3A_420 : vector<16xf32>
                  %mul3A_428 = arith.mulf %mul3A_427, %sub3A_420 : vector<16xf32>
                  %sub3A_429 = arith.constant 5.000000e-01 : f32
                  %sub3A_430 = vector.broadcast %sub3A_429 : f32 to vector<16xf32>
                  %sub3A_431 = arith.subf %abs3A_421, %sub3A_430 : vector<16xf32>
                  %select_n3A_432 = arith.select %lt3A_424, %mul3A_428, %sub3A_431 : vector<16xi1>, vector<16xf32>
                  %add3A_433 = arith.addf %add3A_415, %select_n3A_432 : vector<16xf32>
                  %add3A_434 = arith.constant 2890 : i32
                  %add3A_435 = vector.broadcast %add3A_434 : i32 to vector<16xi32>
                  %add3A_436 = arith.addi %add3A_396, %add3A_435 : vector<16xi32>
                  %gather3A_437 = tpu.vector_load_idx %arg10[%add3A_436] masked %lt3A_358 : memref<92480xf32, #tpu.memory_space<vmem>>[vector<16xi32>], vector<16xf32>, vector<16xi1>
                  %sub3A_438 = arith.subf %gather3A_437, %div3A_390 : vector<16xf32>
                  %abs3A_439 = math.absf %sub3A_438 : vector<16xf32>
                  %lt3A_440 = arith.constant 1.000000e+00 : f32
                  %lt3A_441 = vector.broadcast %lt3A_440 : f32 to vector<16xf32>
                  %lt3A_442 = arith.cmpf olt, %abs3A_439, %lt3A_441 : vector<16xf32>
                  %mul3A_443 = arith.constant 5.000000e-01 : f32
                  %mul3A_444 = vector.broadcast %mul3A_443 : f32 to vector<16xf32>
                  %mul3A_445 = arith.mulf %mul3A_444, %sub3A_438 : vector<16xf32>
                  %mul3A_446 = arith.mulf %mul3A_445, %sub3A_438 : vector<16xf32>
                  %sub3A_447 = arith.constant 5.000000e-01 : f32
                  %sub3A_448 = vector.broadcast %sub3A_447 : f32 to vector<16xf32>
                  %sub3A_449 = arith.subf %abs3A_439, %sub3A_448 : vector<16xf32>
                  %select_n3A_450 = arith.select %lt3A_442, %mul3A_446, %sub3A_449 : vector<16xi1>, vector<16xf32>
                  %add3A_451 = arith.addf %add3A_433, %select_n3A_450 : vector<16xf32>
                  %add3A_452 = arith.constant 4335 : i32
                  %add3A_453 = vector.broadcast %add3A_452 : i32 to vector<16xi32>
                  %add3A_454 = arith.addi %add3A_396, %add3A_453 : vector<16xi32>
                  %gather3A_455 = tpu.vector_load_idx %arg10[%add3A_454] masked %lt3A_358 : memref<92480xf32, #tpu.memory_space<vmem>>[vector<16xi32>], vector<16xf32>, vector<16xi1>
                  %sub3A_456 = arith.subf %gather3A_455, %div3A_392 : vector<16xf32>
                  %abs3A_457 = math.absf %sub3A_456 : vector<16xf32>
                  %lt3A_458 = arith.constant 1.000000e+00 : f32
                  %lt3A_459 = vector.broadcast %lt3A_458 : f32 to vector<16xf32>
                  %lt3A_460 = arith.cmpf olt, %abs3A_457, %lt3A_459 : vector<16xf32>
                  %mul3A_461 = arith.constant 5.000000e-01 : f32
                  %mul3A_462 = vector.broadcast %mul3A_461 : f32 to vector<16xf32>
                  %mul3A_463 = arith.mulf %mul3A_462, %sub3A_456 : vector<16xf32>
                  %mul3A_464 = arith.mulf %mul3A_463, %sub3A_456 : vector<16xf32>
                  %sub3A_465 = arith.constant 5.000000e-01 : f32
                  %sub3A_466 = vector.broadcast %sub3A_465 : f32 to vector<16xf32>
                  %sub3A_467 = arith.subf %abs3A_457, %sub3A_466 : vector<16xf32>
                  %select_n3A_468 = arith.select %lt3A_460, %mul3A_464, %sub3A_467 : vector<16xi1>, vector<16xf32>
                  %add3A_469 = arith.addf %add3A_451, %select_n3A_468 : vector<16xf32>
                  %jit3A_470 = arith.constant 0.000000e+00 : f32
                  %broadcast_in_dim3A_471 = vector.broadcast %jit3A_470 : f32 to vector<16xf32>
                  %select_n3A_472 = arith.select %lt3A_358, %add3A_469, %broadcast_in_dim3A_471 : vector<16xi1>, vector<16xf32>
                  %add3A_473 = arith.addf %while3A_345, %select_n3A_472 : vector<16xf32>
                  scf.yield %add3A_473 : vector<16xf32>
                } else {
                  scf.yield %while3A_345 : vector<16xf32>
                }
                scf.yield %cond3A_352 : vector<16xf32>
              }
              %while3A_342 = arith.constant 1 : i32
              %while3A_343 = scf.for %while3A_344 = %while3A_339 to %while3A_335 step %while3A_342 iter_args(%while3A_345 = %while3A_341) -> (vector<16xf32>)  : i32 {
                %mul3A_346 = arith.constant 16 : i32
                %mul3A_347 = arith.muli %while3A_344, %mul3A_346 : i32
                %lt3A_348 = arith.cmpi slt, %mul3A_347, %scan3A_101#0 : i32
                %convert_element_type3A_349 = arith.extui %lt3A_348 : i1 to i32
                %cond3A_350 = arith.constant 0 : i32
                %cond3A_351 = arith.cmpi ne, %convert_element_type3A_349, %cond3A_350 : i32
                %cond3A_352 = scf.if %cond3A_351 -> (vector<16xf32>) {
                  %mul3A_353 = arith.constant 16 : i32
                  %mul3A_354 = arith.muli %while3A_344, %mul3A_353 : i32
                  %add3A_355 = vector.broadcast %mul3A_354 : i32 to vector<16xi32>
                  %add3A_356 = arith.addi %add3A_355, %iota3A : vector<16xi32>
                  %lt3A_357 = vector.broadcast %scan3A_101#0 : i32 to vector<16xi32>
                  %lt3A_358 = arith.cmpi slt, %add3A_356, %lt3A_357 : vector<16xi32>
                  %mul3A_359 = arith.constant 16 : i32
                  %mul3A_360 = arith.muli %while3A_344, %mul3A_359 : i32
                  %get3A_361 = arith.index_cast %mul3A_360 : i32 to index
                  %get3A_362 = tpu.vector_load %arg14[%get3A_361] {strides = array<i32>} : memref<1472xi32, #tpu.memory_space<vmem>>, vector<16xi32>,
                  %mul3A_363 = arith.constant 4 : i32
                  %mul3A_364 = vector.broadcast %mul3A_363 : i32 to vector<16xi32>
                  %mul3A_365 = arith.muli %get3A_362, %mul3A_364 : vector<16xi32>
                  %gather3A_366 = tpu.vector_load_idx %arg12[%mul3A_365] masked %lt3A_358 : memref<5780xf32, #tpu.memory_space<vmem>>[vector<16xi32>], vector<16xf32>, vector<16xi1>
                  %add3A_367 = arith.constant 1 : i32
                  %add3A_368 = vector.broadcast %add3A_367 : i32 to vector<16xi32>
                  %add3A_369 = arith.addi %mul3A_365, %add3A_368 : vector<16xi32>
                  %gather3A_370 = tpu.vector_load_idx %arg12[%add3A_369] masked %lt3A_358 : memref<5780xf32, #tpu.memory_space<vmem>>[vector<16xi32>], vector<16xf32>, vector<16xi1>
                  %add3A_371 = arith.constant 2 : i32
                  %add3A_372 = vector.broadcast %add3A_371 : i32 to vector<16xi32>
                  %add3A_373 = arith.addi %mul3A_365, %add3A_372 : vector<16xi32>
                  %gather3A_374 = tpu.vector_load_idx %arg12[%add3A_373] masked %lt3A_358 : memref<5780xf32, #tpu.memory_space<vmem>>[vector<16xi32>], vector<16xf32>, vector<16xi1>
                  %add3A_375 = arith.constant 3 : i32
                  %add3A_376 = vector.broadcast %add3A_375 : i32 to vector<16xi32>
                  %add3A_377 = arith.addi %mul3A_365, %add3A_376 : vector<16xi32>
                  %gather3A_378 = tpu.vector_load_idx %arg12[%add3A_377] masked %lt3A_358 : memref<5780xf32, #tpu.memory_space<vmem>>[vector<16xi32>], vector<16xf32>, vector<16xi1>
                  %jit3A_379 = arith.constant 1.000000e+00 : f32
                  %broadcast_in_dim3A_380 = vector.broadcast %jit3A_379 : f32 to vector<16xf32>
                  %select_n3A_381 = arith.select %lt3A_358, %gather3A_374, %broadcast_in_dim3A_380 : vector<16xi1>, vector<16xf32>
                  %jit3A_382 = arith.constant 1.000000e+00 : f32
                  %broadcast_in_dim3A_383 = vector.broadcast %jit3A_382 : f32 to vector<16xf32>
                  %select_n3A_384 = arith.select %lt3A_358, %gather3A_378, %broadcast_in_dim3A_383 : vector<16xi1>, vector<16xf32>
                  %sub3A_385 = arith.subf %gather3A, %gather3A_366 : vector<16xf32>
                  %div3A_386 = arith.divf %sub3A_385, %select_n3A_381 : vector<16xf32>
                  %sub3A_387 = arith.subf %gather3A_81, %gather3A_370 : vector<16xf32>
                  %div3A_388 = arith.divf %sub3A_387, %select_n3A_384 : vector<16xf32>
                  %sub3A_389 = arith.subf %gather3A_85, %gather3A_366 : vector<16xf32>
                  %div3A_390 = arith.divf %sub3A_389, %select_n3A_381 : vector<16xf32>
                  %sub3A_391 = arith.subf %gather3A_89, %gather3A_370 : vector<16xf32>
                  %div3A_392 = arith.divf %sub3A_391, %select_n3A_384 : vector<16xf32>
                  %mul3A_393 = arith.constant 5780 : i32
                  %mul3A_394 = arith.muli %scan3A_46, %mul3A_393 : i32
                  %add3A_395 = vector.broadcast %mul3A_394 : i32 to vector<16xi32>
                  %add3A_396 = arith.addi %add3A_395, %get3A_362 : vector<16xi32>
                  %broadcast_in_dim3A_397 = arith.constant 0.000000e+00 : f32
                  %broadcast_in_dim3A_398 = vector.broadcast %broadcast_in_dim3A_397 : f32 to vector<16xf32>
                  %add3A_399 = arith.constant 0 : i32
                  %add3A_400 = vector.broadcast %add3A_399 : i32 to vector<16xi32>
                  %add3A_401 = arith.addi %add3A_396, %add3A_400 : vector<16xi32>
                  %gather3A_402 = tpu.vector_load_idx %arg10[%add3A_401] masked %lt3A_358 : memref<92480xf32, #tpu.memory_space<vmem>>[vector<16xi32>], vector<16xf32>, vector<16xi1>
                  %sub3A_403 = arith.subf %gather3A_402, %div3A_386 : vector<16xf32>
                  %abs3A = math.absf %sub3A_403 : vector<16xf32>
                  %lt3A_404 = arith.constant 1.000000e+00 : f32
                  %lt3A_405 = vector.broadcast %lt3A_404 : f32 to vector<16xf32>
                  %lt3A_406 = arith.cmpf olt, %abs3A, %lt3A_405 : vector<16xf32>
                  %mul3A_407 = arith.constant 5.000000e-01 : f32
                  %mul3A_408 = vector.broadcast %mul3A_407 : f32 to vector<16xf32>
                  %mul3A_409 = arith.mulf %mul3A_408, %sub3A_403 : vector<16xf32>
                  %mul3A_410 = arith.mulf %mul3A_409, %sub3A_403 : vector<16xf32>
                  %sub3A_411 = arith.constant 5.000000e-01 : f32
                  %sub3A_412 = vector.broadcast %sub3A_411 : f32 to vector<16xf32>
                  %sub3A_413 = arith.subf %abs3A, %sub3A_412 : vector<16xf32>
                  %select_n3A_414 = arith.select %lt3A_406, %mul3A_410, %sub3A_413 : vector<16xi1>, vector<16xf32>
                  %add3A_415 = arith.addf %broadcast_in_dim3A_398, %select_n3A_414 : vector<16xf32>
                  %add3A_416 = arith.constant 1445 : i32
                  %add3A_417 = vector.broadcast %add3A_416 : i32 to vector<16xi32>
                  %add3A_418 = arith.addi %add3A_396, %add3A_417 : vector<16xi32>
                  %gather3A_419 = tpu.vector_load_idx %arg10[%add3A_418] masked %lt3A_358 : memref<92480xf32, #tpu.memory_space<vmem>>[vector<16xi32>], vector<16xf32>, vector<16xi1>
                  %sub3A_420 = arith.subf %gather3A_419, %div3A_388 : vector<16xf32>
                  %abs3A_421 = math.absf %sub3A_420 : vector<16xf32>
                  %lt3A_422 = arith.constant 1.000000e+00 : f32
                  %lt3A_423 = vector.broadcast %lt3A_422 : f32 to vector<16xf32>
                  %lt3A_424 = arith.cmpf olt, %abs3A_421, %lt3A_423 : vector<16xf32>
                  %mul3A_425 = arith.constant 5.000000e-01 : f32
                  %mul3A_426 = vector.broadcast %mul3A_425 : f32 to vector<16xf32>
                  %mul3A_427 = arith.mulf %mul3A_426, %sub3A_420 : vector<16xf32>
                  %mul3A_428 = arith.mulf %mul3A_427, %sub3A_420 : vector<16xf32>
                  %sub3A_429 = arith.constant 5.000000e-01 : f32
                  %sub3A_430 = vector.broadcast %sub3A_429 : f32 to vector<16xf32>
                  %sub3A_431 = arith.subf %abs3A_421, %sub3A_430 : vector<16xf32>
                  %select_n3A_432 = arith.select %lt3A_424, %mul3A_428, %sub3A_431 : vector<16xi1>, vector<16xf32>
                  %add3A_433 = arith.addf %add3A_415, %select_n3A_432 : vector<16xf32>
                  %add3A_434 = arith.constant 2890 : i32
                  %add3A_435 = vector.broadcast %add3A_434 : i32 to vector<16xi32>
                  %add3A_436 = arith.addi %add3A_396, %add3A_435 : vector<16xi32>
                  %gather3A_437 = tpu.vector_load_idx %arg10[%add3A_436] masked %lt3A_358 : memref<92480xf32, #tpu.memory_space<vmem>>[vector<16xi32>], vector<16xf32>, vector<16xi1>
                  %sub3A_438 = arith.subf %gather3A_437, %div3A_390 : vector<16xf32>
                  %abs3A_439 = math.absf %sub3A_438 : vector<16xf32>
                  %lt3A_440 = arith.constant 1.000000e+00 : f32
                  %lt3A_441 = vector.broadcast %lt3A_440 : f32 to vector<16xf32>
                  %lt3A_442 = arith.cmpf olt, %abs3A_439, %lt3A_441 : vector<16xf32>
                  %mul3A_443 = arith.constant 5.000000e-01 : f32
                  %mul3A_444 = vector.broadcast %mul3A_443 : f32 to vector<16xf32>
                  %mul3A_445 = arith.mulf %mul3A_444, %sub3A_438 : vector<16xf32>
                  %mul3A_446 = arith.mulf %mul3A_445, %sub3A_438 : vector<16xf32>
                  %sub3A_447 = arith.constant 5.000000e-01 : f32
                  %sub3A_448 = vector.broadcast %sub3A_447 : f32 to vector<16xf32>
                  %sub3A_449 = arith.subf %abs3A_439, %sub3A_448 : vector<16xf32>
                  %select_n3A_450 = arith.select %lt3A_442, %mul3A_446, %sub3A_449 : vector<16xi1>, vector<16xf32>
                  %add3A_451 = arith.addf %add3A_433, %select_n3A_450 : vector<16xf32>
                  %add3A_452 = arith.constant 4335 : i32
                  %add3A_453 = vector.broadcast %add3A_452 : i32 to vector<16xi32>
                  %add3A_454 = arith.addi %add3A_396, %add3A_453 : vector<16xi32>
                  %gather3A_455 = tpu.vector_load_idx %arg10[%add3A_454] masked %lt3A_358 : memref<92480xf32, #tpu.memory_space<vmem>>[vector<16xi32>], vector<16xf32>, vector<16xi1>
                  %sub3A_456 = arith.subf %gather3A_455, %div3A_392 : vector<16xf32>
                  %abs3A_457 = math.absf %sub3A_456 : vector<16xf32>
                  %lt3A_458 = arith.constant 1.000000e+00 : f32
                  %lt3A_459 = vector.broadcast %lt3A_458 : f32 to vector<16xf32>
                  %lt3A_460 = arith.cmpf olt, %abs3A_457, %lt3A_459 : vector<16xf32>
                  %mul3A_461 = arith.constant 5.000000e-01 : f32
                  %mul3A_462 = vector.broadcast %mul3A_461 : f32 to vector<16xf32>
                  %mul3A_463 = arith.mulf %mul3A_462, %sub3A_456 : vector<16xf32>
                  %mul3A_464 = arith.mulf %mul3A_463, %sub3A_456 : vector<16xf32>
                  %sub3A_465 = arith.constant 5.000000e-01 : f32
                  %sub3A_466 = vector.broadcast %sub3A_465 : f32 to vector<16xf32>
                  %sub3A_467 = arith.subf %abs3A_457, %sub3A_466 : vector<16xf32>
                  %select_n3A_468 = arith.select %lt3A_460, %mul3A_464, %sub3A_467 : vector<16xi1>, vector<16xf32>
                  %add3A_469 = arith.addf %add3A_451, %select_n3A_468 : vector<16xf32>
                  %jit3A_470 = arith.constant 0.000000e+00 : f32
                  %broadcast_in_dim3A_471 = vector.broadcast %jit3A_470 : f32 to vector<16xf32>
                  %select_n3A_472 = arith.select %lt3A_358, %add3A_469, %broadcast_in_dim3A_471 : vector<16xi1>, vector<16xf32>
                  %add3A_473 = arith.addf %while3A_345, %select_n3A_472 : vector<16xf32>
                  scf.yield %add3A_473 : vector<16xf32>
                } else {
                  scf.yield %while3A_345 : vector<16xf32>
                }
                scf.yield %cond3A_352 : vector<16xf32>
              }
              scf.yield %while3A_343 : vector<16xf32>
            } else {
              scf.yield %scan3A_319 : vector<16xf32>
            }
            scf.yield %cond3A_328 : vector<16xf32>
          }
          %scan3A_197 = arith.constant 13 : i32
          %get3A = arith.constant 0 : index
          %get3A_198 = tpu.vector_load %arg16[%get3A] {strides = array<i32>} : memref<2912xi32, #tpu.memory_space<vmem>>, vector<16xi32>,
          %min3A_199 = arith.constant 16 : i32
          %min3A_200 = arith.minsi %scan3A_101#0, %min3A_199 : i32
          %lt3A_201 = vector.broadcast %min3A_200 : i32 to vector<16xi32>
          %lt3A_202 = arith.cmpi slt, %iota3A, %lt3A_201 : vector<16xi32>
          %gather3A_203 = tpu.vector_load_idx %arg14[%get3A_198] masked %lt3A_202 : memref<1472xi32, #tpu.memory_space<vmem>>[vector<16xi32>], vector<16xi32>, vector<16xi1>
          %add3A_204 = vector.broadcast %mul3A_54 : i32 to vector<16xi32>
          %add3A_205 = arith.addi %gather3A_203, %add3A_204 : vector<16xi32>
          %gather3A_206 = tpu.vector_load_idx %arg9[%add3A_205] masked %lt3A_202 : memref<2912xf32, #tpu.memory_space<vmem>>[vector<16xi32>], vector<16xf32>, vector<16xi1>
          %jit3A = arith.constant 9.99999996E-13 : f32
          %jit3A_207 = arith.constant 1.000000e+00 : f32
          %max3A_208 = vector.broadcast %jit3A : f32 to vector<16xf32>
          %max3A_209 = arith.maximumf %max3A_208, %gather3A_206 : vector<16xf32>
          %min3A_210 = vector.broadcast %jit3A_207 : f32 to vector<16xf32>
          %min3A_211 = arith.minimumf %min3A_210, %max3A_209 : vector<16xf32>
          %bitcast_convert_type3A = tpu.bitcast %min3A_211 : vector<16xf32> -> vector<16xi32>
          %shift_right_arithmetic3A_212 = arith.constant 23 : i32
          %shift_right_arithmetic3A_213 = vector.broadcast %shift_right_arithmetic3A_212 : i32 to vector<16xi32>
          %shift_right_arithmetic3A_214 = arith.shrsi %bitcast_convert_type3A, %shift_right_arithmetic3A_213 : vector<16xi32>
          %and3A_215 = arith.constant 255 : i32
          %and3A_216 = vector.broadcast %and3A_215 : i32 to vector<16xi32>
          %and3A_217 = arith.andi %shift_right_arithmetic3A_214, %and3A_216 : vector<16xi32>
          %sub3A_218 = arith.constant 127 : i32
          %sub3A_219 = vector.broadcast %sub3A_218 : i32 to vector<16xi32>
          %sub3A_220 = arith.subi %and3A_217, %sub3A_219 : vector<16xi32>
          %and3A_221 = arith.constant 8388607 : i32
          %and3A_222 = vector.broadcast %and3A_221 : i32 to vector<16xi32>
          %and3A_223 = arith.andi %bitcast_convert_type3A, %and3A_222 : vector<16xi32>
          %or3A_224 = arith.constant 1065353216 : i32
          %or3A_225 = vector.broadcast %or3A_224 : i32 to vector<16xi32>
          %or3A_226 = arith.ori %and3A_223, %or3A_225 : vector<16xi32>
          %bitcast_convert_type3A_227 = tpu.bitcast %or3A_226 : vector<16xi32> -> vector<16xf32>
          %gt3A_228 = arith.constant 1.33333337 : f32
          %gt3A_229 = vector.broadcast %gt3A_228 : f32 to vector<16xf32>
          %gt3A_230 = arith.cmpf ogt, %bitcast_convert_type3A_227, %gt3A_229 : vector<16xf32>
          %mul3A_231 = arith.constant 5.000000e-01 : f32
          %mul3A_232 = vector.broadcast %mul3A_231 : f32 to vector<16xf32>
          %mul3A_233 = arith.mulf %bitcast_convert_type3A_227, %mul3A_232 : vector<16xf32>
          %select_n3A_234 = arith.select %gt3A_230, %mul3A_233, %bitcast_convert_type3A_227 : vector<16xi1>, vector<16xf32>
          %convert_element_type3A_235 = arith.extui %gt3A_230 : vector<16xi1> to vector<16xi32>
          %add3A_236 = arith.addi %sub3A_220, %convert_element_type3A_235 : vector<16xi32>
          %convert_element_type3A_237 = arith.sitofp %add3A_236 : vector<16xi32> to vector<16xf32>
          %sub3A_238 = arith.constant 1.000000e+00 : f32
          %sub3A_239 = vector.broadcast %sub3A_238 : f32 to vector<16xf32>
          %sub3A_240 = arith.subf %select_n3A_234, %sub3A_239 : vector<16xf32>
          %add3A_241 = arith.constant 1.000000e+00 : f32
          %add3A_242 = vector.broadcast %add3A_241 : f32 to vector<16xf32>
          %add3A_243 = arith.addf %select_n3A_234, %add3A_242 : vector<16xf32>
          %div3A = arith.divf %sub3A_240, %add3A_243 : vector<16xf32>
          %mul3A_244 = arith.mulf %div3A, %div3A : vector<16xf32>
          %mul3A_245 = arith.constant 2.000000e+00 : f32
          %mul3A_246 = vector.broadcast %mul3A_245 : f32 to vector<16xf32>
          %mul3A_247 = arith.mulf %mul3A_246, %div3A : vector<16xf32>
          %mul3A_248 = arith.constant 0.0909090936 : f32
          %mul3A_249 = vector.broadcast %mul3A_248 : f32 to vector<16xf32>
          %mul3A_250 = arith.mulf %mul3A_244, %mul3A_249 : vector<16xf32>
          %add3A_251 = arith.constant 0.111111112 : f32
          %add3A_252 = vector.broadcast %add3A_251 : f32 to vector<16xf32>
          %add3A_253 = arith.addf %add3A_252, %mul3A_250 : vector<16xf32>
          %mul3A_254 = arith.mulf %mul3A_244, %add3A_253 : vector<16xf32>
          %add3A_255 = arith.constant 0.142857149 : f32
          %add3A_256 = vector.broadcast %add3A_255 : f32 to vector<16xf32>
          %add3A_257 = arith.addf %add3A_256, %mul3A_254 : vector<16xf32>
          %mul3A_258 = arith.mulf %mul3A_244, %add3A_257 : vector<16xf32>
          %add3A_259 = arith.constant 2.000000e-01 : f32
          %add3A_260 = vector.broadcast %add3A_259 : f32 to vector<16xf32>
          %add3A_261 = arith.addf %add3A_260, %mul3A_258 : vector<16xf32>
          %mul3A_262 = arith.mulf %mul3A_244, %add3A_261 : vector<16xf32>
          %add3A_263 = arith.constant 0.333333343 : f32
          %add3A_264 = vector.broadcast %add3A_263 : f32 to vector<16xf32>
          %add3A_265 = arith.addf %add3A_264, %mul3A_262 : vector<16xf32>
          %mul3A_266 = arith.mulf %mul3A_244, %add3A_265 : vector<16xf32>
          %add3A_267 = arith.constant 1.000000e+00 : f32
          %add3A_268 = vector.broadcast %add3A_267 : f32 to vector<16xf32>
          %add3A_269 = arith.addf %add3A_268, %mul3A_266 : vector<16xf32>
          %mul3A_270 = arith.mulf %mul3A_247, %add3A_269 : vector<16xf32>
          %mul3A_271 = arith.constant 0.693147182 : f32
          %mul3A_272 = vector.broadcast %mul3A_271 : f32 to vector<16xf32>
          %mul3A_273 = arith.mulf %convert_element_type3A_237, %mul3A_272 : vector<16xf32>
          %add3A_274 = arith.addf %mul3A_273, %mul3A_270 : vector<16xf32>
          %neg3A = arith.constant 0.000000e+00 : f32
          %neg3A_275 = vector.broadcast %neg3A : f32 to vector<16xf32>
          %neg3A_276 = arith.subf %neg3A_275, %add3A_274 : vector<16xf32>
          %jit3A_277 = arith.constant 0.000000e+00 : f32
          %broadcast_in_dim3A_278 = vector.broadcast %jit3A_277 : f32 to vector<16xf32>
          %select_n3A_279 = arith.select %lt3A_202, %neg3A_276, %broadcast_in_dim3A_278 : vector<16xi1>, vector<16xf32>
          %reduce_sum3A = arith.constant true
          %reduce_sum3A_280 = vector.broadcast %reduce_sum3A : i1 to vector<16xi1>
          %reduce_sum3A_281 = tpu.scan <sum>, %select_n3A_279 masked %reduce_sum3A_280 : vector<16xf32>, vector<16xi1> -> vector<16xf32>
          %reduce_sum3A_282 = vector.extract %reduce_sum3A_281[15] : f32 from vector<16xf32>
          %mul3A_283 = arith.constant 3 : i32
          %mul3A_284 = arith.muli %scan3A_101#0, %mul3A_283 : i32
          %min3A_285 = arith.minsi %scan3A_101#1, %mul3A_284 : i32
          %broadcast_in_dim3A_286 = arith.constant 0.000000e+00 : f32
          %broadcast_in_dim3A_287 = vector.broadcast %broadcast_in_dim3A_286 : f32 to vector<16xf32>
          %scan3A_288 = arith.constant 0 : i32
          %scan3A_289 = arith.constant 13 : i32
          %scan3A_290 = arith.addi %scan3A_288, %scan3A_289 : i32
          %scan3A_291 = arith.constant 1 : i32
          %scan3A_292 = scf.for %scan3A_318 = %scan3A_288 to %scan3A_290 step %scan3A_291 iter_args(%scan3A_319 = %broadcast_in_dim3A_287) -> (vector<16xf32>)  : i32 {
            %mul3A_320 = arith.constant 7 : i32
            %mul3A_321 = arith.muli %scan3A_318, %mul3A_320 : i32
            %mul3A_322 = arith.constant 16 : i32
            %mul3A_323 = arith.muli %mul3A_321, %mul3A_322 : i32
            %lt3A_324 = arith.cmpi slt, %mul3A_323, %min3A_285 : i32
            %convert_element_type3A_325 = arith.extui %lt3A_324 : i1 to i32
            %cond3A_326 = arith.constant 0 : i32
            %cond3A_327 = arith.cmpi ne, %convert_element_type3A_325, %cond3A_326 : i32
            %cond3A_328 = scf.if %cond3A_327 -> (vector<16xf32>) {
              %mul3A_329 = arith.constant 7 : i32
              %mul3A_330 = arith.muli %scan3A_318, %mul3A_329 : i32
              %mul3A_331 = arith.constant 7 : i32
              %mul3A_332 = arith.muli %scan3A_318, %mul3A_331 : i32
              %add3A_333 = arith.constant 7 : i32
              %add3A_334 = arith.addi %mul3A_332, %add3A_333 : i32
              %while3A = arith.subi %add3A_334, %mul3A_330 : i32
              %while3A_335 = arith.addi %mul3A_330, %while3A : i32
              %while3A_336 = arith.constant 1 : i32
              %while3A_337 = arith.divsi %while3A, %while3A_336 : i32
              %while3A_338 = arith.muli %while3A_337, %while3A_336 : i32
              %while3A_339 = arith.addi %mul3A_330, %while3A_338 : i32
              %while3A_340 = arith.constant 1 : i32
              %while3A_341 = scf.for %while3A_344 = %mul3A_330 to %while3A_339 step %while3A_340 iter_args(%while3A_345 = %scan3A_319) -> (vector<16xf32>)  : i32 {
                %mul3A_346 = arith.constant 16 : i32
                %mul3A_347 = arith.muli %while3A_344, %mul3A_346 : i32
                %lt3A_348 = arith.cmpi slt, %mul3A_347, %min3A_285 : i32
                %convert_element_type3A_349 = arith.extui %lt3A_348 : i1 to i32
                %cond3A_350 = arith.constant 0 : i32
                %cond3A_351 = arith.cmpi ne, %convert_element_type3A_349, %cond3A_350 : i32
                %cond3A_352 = scf.if %cond3A_351 -> (vector<16xf32>) {
                  %mul3A_353 = arith.constant 16 : i32
                  %mul3A_354 = arith.muli %while3A_344, %mul3A_353 : i32
                  %add3A_355 = arith.constant 1456 : i32
                  %add3A_356 = arith.addi %add3A_355, %mul3A_354 : i32
                  %get3A_357 = arith.index_cast %add3A_356 : i32 to index
                  %get3A_358 = tpu.vector_load %arg16[%get3A_357] {strides = array<i32>} : memref<2912xi32, #tpu.memory_space<vmem>>, vector<16xi32>,
                  %mul3A_359 = arith.constant 16 : i32
                  %mul3A_360 = arith.muli %while3A_344, %mul3A_359 : i32
                  %add3A_361 = vector.broadcast %mul3A_360 : i32 to vector<16xi32>
                  %add3A_362 = arith.addi %add3A_361, %iota3A : vector<16xi32>
                  %lt3A_363 = vector.broadcast %min3A_285 : i32 to vector<16xi32>
                  %lt3A_364 = arith.cmpi slt, %add3A_362, %lt3A_363 : vector<16xi32>
                  %gather3A_365 = tpu.vector_load_idx %arg15[%get3A_358] masked %lt3A_364 : memref<1472xi32, #tpu.memory_space<vmem>>[vector<16xi32>], vector<16xi32>, vector<16xi1>
                  %add3A_366 = vector.broadcast %mul3A_54 : i32 to vector<16xi32>
                  %add3A_367 = arith.addi %gather3A_365, %add3A_366 : vector<16xi32>
                  %gather3A_368 = tpu.vector_load_idx %arg9[%add3A_367] masked %lt3A_364 : memref<2912xf32, #tpu.memory_space<vmem>>[vector<16xi32>], vector<16xf32>, vector<16xi1>
                  %jit3A_369 = arith.constant 9.99999996E-13 : f32
                  %jit3A_370 = arith.constant 1.000000e+00 : f32
                  %max3A_371 = vector.broadcast %jit3A_369 : f32 to vector<16xf32>
                  %max3A_372 = arith.maximumf %max3A_371, %gather3A_368 : vector<16xf32>
                  %min3A_373 = vector.broadcast %jit3A_370 : f32 to vector<16xf32>
                  %min3A_374 = arith.minimumf %min3A_373, %max3A_372 : vector<16xf32>
                  %sub3A_375 = arith.constant 1.000000e+00 : f32
                  %sub3A_376 = vector.broadcast %sub3A_375 : f32 to vector<16xf32>
                  %sub3A_377 = arith.subf %sub3A_376, %min3A_374 : vector<16xf32>
                  %bitcast_convert_type3A_378 = tpu.bitcast %sub3A_377 : vector<16xf32> -> vector<16xi32>
                  %shift_right_arithmetic3A_379 = arith.constant 23 : i32
                  %shift_right_arithmetic3A_380 = vector.broadcast %shift_right_arithmetic3A_379 : i32 to vector<16xi32>
                  %shift_right_arithmetic3A_381 = arith.shrsi %bitcast_convert_type3A_378, %shift_right_arithmetic3A_380 : vector<16xi32>
                  %and3A_382 = arith.constant 255 : i32
                  %and3A_383 = vector.broadcast %and3A_382 : i32 to vector<16xi32>
                  %and3A_384 = arith.andi %shift_right_arithmetic3A_381, %and3A_383 : vector<16xi32>
                  %sub3A_385 = arith.constant 127 : i32
                  %sub3A_386 = vector.broadcast %sub3A_385 : i32 to vector<16xi32>
                  %sub3A_387 = arith.subi %and3A_384, %sub3A_386 : vector<16xi32>
                  %and3A_388 = arith.constant 8388607 : i32
                  %and3A_389 = vector.broadcast %and3A_388 : i32 to vector<16xi32>
                  %and3A_390 = arith.andi %bitcast_convert_type3A_378, %and3A_389 : vector<16xi32>
                  %or3A_391 = arith.constant 1065353216 : i32
                  %or3A_392 = vector.broadcast %or3A_391 : i32 to vector<16xi32>
                  %or3A_393 = arith.ori %and3A_390, %or3A_392 : vector<16xi32>
                  %bitcast_convert_type3A_394 = tpu.bitcast %or3A_393 : vector<16xi32> -> vector<16xf32>
                  %gt3A_395 = arith.constant 1.33333337 : f32
                  %gt3A_396 = vector.broadcast %gt3A_395 : f32 to vector<16xf32>
                  %gt3A_397 = arith.cmpf ogt, %bitcast_convert_type3A_394, %gt3A_396 : vector<16xf32>
                  %mul3A_398 = arith.constant 5.000000e-01 : f32
                  %mul3A_399 = vector.broadcast %mul3A_398 : f32 to vector<16xf32>
                  %mul3A_400 = arith.mulf %bitcast_convert_type3A_394, %mul3A_399 : vector<16xf32>
                  %select_n3A_401 = arith.select %gt3A_397, %mul3A_400, %bitcast_convert_type3A_394 : vector<16xi1>, vector<16xf32>
                  %convert_element_type3A_402 = arith.extui %gt3A_397 : vector<16xi1> to vector<16xi32>
                  %add3A_403 = arith.addi %sub3A_387, %convert_element_type3A_402 : vector<16xi32>
                  %convert_element_type3A_404 = arith.sitofp %add3A_403 : vector<16xi32> to vector<16xf32>
                  %sub3A_405 = arith.constant 1.000000e+00 : f32
                  %sub3A_406 = vector.broadcast %sub3A_405 : f32 to vector<16xf32>
                  %sub3A_407 = arith.subf %select_n3A_401, %sub3A_406 : vector<16xf32>
                  %add3A_408 = arith.constant 1.000000e+00 : f32
                  %add3A_409 = vector.broadcast %add3A_408 : f32 to vector<16xf32>
                  %add3A_410 = arith.addf %select_n3A_401, %add3A_409 : vector<16xf32>
                  %div3A_411 = arith.divf %sub3A_407, %add3A_410 : vector<16xf32>
                  %mul3A_412 = arith.mulf %div3A_411, %div3A_411 : vector<16xf32>
                  %mul3A_413 = arith.constant 2.000000e+00 : f32
                  %mul3A_414 = vector.broadcast %mul3A_413 : f32 to vector<16xf32>
                  %mul3A_415 = arith.mulf %mul3A_414, %div3A_411 : vector<16xf32>
                  %mul3A_416 = arith.constant 0.0909090936 : f32
                  %mul3A_417 = vector.broadcast %mul3A_416 : f32 to vector<16xf32>
                  %mul3A_418 = arith.mulf %mul3A_412, %mul3A_417 : vector<16xf32>
                  %add3A_419 = arith.constant 0.111111112 : f32
                  %add3A_420 = vector.broadcast %add3A_419 : f32 to vector<16xf32>
                  %add3A_421 = arith.addf %add3A_420, %mul3A_418 : vector<16xf32>
                  %mul3A_422 = arith.mulf %mul3A_412, %add3A_421 : vector<16xf32>
                  %add3A_423 = arith.constant 0.142857149 : f32
                  %add3A_424 = vector.broadcast %add3A_423 : f32 to vector<16xf32>
                  %add3A_425 = arith.addf %add3A_424, %mul3A_422 : vector<16xf32>
                  %mul3A_426 = arith.mulf %mul3A_412, %add3A_425 : vector<16xf32>
                  %add3A_427 = arith.constant 2.000000e-01 : f32
                  %add3A_428 = vector.broadcast %add3A_427 : f32 to vector<16xf32>
                  %add3A_429 = arith.addf %add3A_428, %mul3A_426 : vector<16xf32>
                  %mul3A_430 = arith.mulf %mul3A_412, %add3A_429 : vector<16xf32>
                  %add3A_431 = arith.constant 0.333333343 : f32
                  %add3A_432 = vector.broadcast %add3A_431 : f32 to vector<16xf32>
                  %add3A_433 = arith.addf %add3A_432, %mul3A_430 : vector<16xf32>
                  %mul3A_434 = arith.mulf %mul3A_412, %add3A_433 : vector<16xf32>
                  %add3A_435 = arith.constant 1.000000e+00 : f32
                  %add3A_436 = vector.broadcast %add3A_435 : f32 to vector<16xf32>
                  %add3A_437 = arith.addf %add3A_436, %mul3A_434 : vector<16xf32>
                  %mul3A_438 = arith.mulf %mul3A_415, %add3A_437 : vector<16xf32>
                  %mul3A_439 = arith.constant 0.693147182 : f32
                  %mul3A_440 = vector.broadcast %mul3A_439 : f32 to vector<16xf32>
                  %mul3A_441 = arith.mulf %convert_element_type3A_404, %mul3A_440 : vector<16xf32>
                  %add3A_442 = arith.addf %mul3A_441, %mul3A_438 : vector<16xf32>
                  %neg3A_443 = arith.constant 0.000000e+00 : f32
                  %neg3A_444 = vector.broadcast %neg3A_443 : f32 to vector<16xf32>
                  %neg3A_445 = arith.subf %neg3A_444, %add3A_442 : vector<16xf32>
                  %jit3A_446 = arith.constant 0.000000e+00 : f32
                  %broadcast_in_dim3A_447 = vector.broadcast %jit3A_446 : f32 to vector<16xf32>
                  %select_n3A_448 = arith.select %lt3A_364, %neg3A_445, %broadcast_in_dim3A_447 : vector<16xi1>, vector<16xf32>
                  %add3A_449 = arith.addf %while3A_345, %select_n3A_448 : vector<16xf32>
                  scf.yield %add3A_449 : vector<16xf32>
                } else {
                  scf.yield %while3A_345 : vector<16xf32>
                }
                scf.yield %cond3A_352 : vector<16xf32>
              }
              %while3A_342 = arith.constant 1 : i32
              %while3A_343 = scf.for %while3A_344 = %while3A_339 to %while3A_335 step %while3A_342 iter_args(%while3A_345 = %while3A_341) -> (vector<16xf32>)  : i32 {
                %mul3A_346 = arith.constant 16 : i32
                %mul3A_347 = arith.muli %while3A_344, %mul3A_346 : i32
                %lt3A_348 = arith.cmpi slt, %mul3A_347, %min3A_285 : i32
                %convert_element_type3A_349 = arith.extui %lt3A_348 : i1 to i32
                %cond3A_350 = arith.constant 0 : i32
                %cond3A_351 = arith.cmpi ne, %convert_element_type3A_349, %cond3A_350 : i32
                %cond3A_352 = scf.if %cond3A_351 -> (vector<16xf32>) {
                  %mul3A_353 = arith.constant 16 : i32
                  %mul3A_354 = arith.muli %while3A_344, %mul3A_353 : i32
                  %add3A_355 = arith.constant 1456 : i32
                  %add3A_356 = arith.addi %add3A_355, %mul3A_354 : i32
                  %get3A_357 = arith.index_cast %add3A_356 : i32 to index
                  %get3A_358 = tpu.vector_load %arg16[%get3A_357] {strides = array<i32>} : memref<2912xi32, #tpu.memory_space<vmem>>, vector<16xi32>,
                  %mul3A_359 = arith.constant 16 : i32
                  %mul3A_360 = arith.muli %while3A_344, %mul3A_359 : i32
                  %add3A_361 = vector.broadcast %mul3A_360 : i32 to vector<16xi32>
                  %add3A_362 = arith.addi %add3A_361, %iota3A : vector<16xi32>
                  %lt3A_363 = vector.broadcast %min3A_285 : i32 to vector<16xi32>
                  %lt3A_364 = arith.cmpi slt, %add3A_362, %lt3A_363 : vector<16xi32>
                  %gather3A_365 = tpu.vector_load_idx %arg15[%get3A_358] masked %lt3A_364 : memref<1472xi32, #tpu.memory_space<vmem>>[vector<16xi32>], vector<16xi32>, vector<16xi1>
                  %add3A_366 = vector.broadcast %mul3A_54 : i32 to vector<16xi32>
                  %add3A_367 = arith.addi %gather3A_365, %add3A_366 : vector<16xi32>
                  %gather3A_368 = tpu.vector_load_idx %arg9[%add3A_367] masked %lt3A_364 : memref<2912xf32, #tpu.memory_space<vmem>>[vector<16xi32>], vector<16xf32>, vector<16xi1>
                  %jit3A_369 = arith.constant 9.99999996E-13 : f32
                  %jit3A_370 = arith.constant 1.000000e+00 : f32
                  %max3A_371 = vector.broadcast %jit3A_369 : f32 to vector<16xf32>
                  %max3A_372 = arith.maximumf %max3A_371, %gather3A_368 : vector<16xf32>
                  %min3A_373 = vector.broadcast %jit3A_370 : f32 to vector<16xf32>
                  %min3A_374 = arith.minimumf %min3A_373, %max3A_372 : vector<16xf32>
                  %sub3A_375 = arith.constant 1.000000e+00 : f32
                  %sub3A_376 = vector.broadcast %sub3A_375 : f32 to vector<16xf32>
                  %sub3A_377 = arith.subf %sub3A_376, %min3A_374 : vector<16xf32>
                  %bitcast_convert_type3A_378 = tpu.bitcast %sub3A_377 : vector<16xf32> -> vector<16xi32>
                  %shift_right_arithmetic3A_379 = arith.constant 23 : i32
                  %shift_right_arithmetic3A_380 = vector.broadcast %shift_right_arithmetic3A_379 : i32 to vector<16xi32>
                  %shift_right_arithmetic3A_381 = arith.shrsi %bitcast_convert_type3A_378, %shift_right_arithmetic3A_380 : vector<16xi32>
                  %and3A_382 = arith.constant 255 : i32
                  %and3A_383 = vector.broadcast %and3A_382 : i32 to vector<16xi32>
                  %and3A_384 = arith.andi %shift_right_arithmetic3A_381, %and3A_383 : vector<16xi32>
                  %sub3A_385 = arith.constant 127 : i32
                  %sub3A_386 = vector.broadcast %sub3A_385 : i32 to vector<16xi32>
                  %sub3A_387 = arith.subi %and3A_384, %sub3A_386 : vector<16xi32>
                  %and3A_388 = arith.constant 8388607 : i32
                  %and3A_389 = vector.broadcast %and3A_388 : i32 to vector<16xi32>
                  %and3A_390 = arith.andi %bitcast_convert_type3A_378, %and3A_389 : vector<16xi32>
                  %or3A_391 = arith.constant 1065353216 : i32
                  %or3A_392 = vector.broadcast %or3A_391 : i32 to vector<16xi32>
                  %or3A_393 = arith.ori %and3A_390, %or3A_392 : vector<16xi32>
                  %bitcast_convert_type3A_394 = tpu.bitcast %or3A_393 : vector<16xi32> -> vector<16xf32>
                  %gt3A_395 = arith.constant 1.33333337 : f32
                  %gt3A_396 = vector.broadcast %gt3A_395 : f32 to vector<16xf32>
                  %gt3A_397 = arith.cmpf ogt, %bitcast_convert_type3A_394, %gt3A_396 : vector<16xf32>
                  %mul3A_398 = arith.constant 5.000000e-01 : f32
                  %mul3A_399 = vector.broadcast %mul3A_398 : f32 to vector<16xf32>
                  %mul3A_400 = arith.mulf %bitcast_convert_type3A_394, %mul3A_399 : vector<16xf32>
                  %select_n3A_401 = arith.select %gt3A_397, %mul3A_400, %bitcast_convert_type3A_394 : vector<16xi1>, vector<16xf32>
                  %convert_element_type3A_402 = arith.extui %gt3A_397 : vector<16xi1> to vector<16xi32>
                  %add3A_403 = arith.addi %sub3A_387, %convert_element_type3A_402 : vector<16xi32>
                  %convert_element_type3A_404 = arith.sitofp %add3A_403 : vector<16xi32> to vector<16xf32>
                  %sub3A_405 = arith.constant 1.000000e+00 : f32
                  %sub3A_406 = vector.broadcast %sub3A_405 : f32 to vector<16xf32>
                  %sub3A_407 = arith.subf %select_n3A_401, %sub3A_406 : vector<16xf32>
                  %add3A_408 = arith.constant 1.000000e+00 : f32
                  %add3A_409 = vector.broadcast %add3A_408 : f32 to vector<16xf32>
                  %add3A_410 = arith.addf %select_n3A_401, %add3A_409 : vector<16xf32>
                  %div3A_411 = arith.divf %sub3A_407, %add3A_410 : vector<16xf32>
                  %mul3A_412 = arith.mulf %div3A_411, %div3A_411 : vector<16xf32>
                  %mul3A_413 = arith.constant 2.000000e+00 : f32
                  %mul3A_414 = vector.broadcast %mul3A_413 : f32 to vector<16xf32>
                  %mul3A_415 = arith.mulf %mul3A_414, %div3A_411 : vector<16xf32>
                  %mul3A_416 = arith.constant 0.0909090936 : f32
                  %mul3A_417 = vector.broadcast %mul3A_416 : f32 to vector<16xf32>
                  %mul3A_418 = arith.mulf %mul3A_412, %mul3A_417 : vector<16xf32>
                  %add3A_419 = arith.constant 0.111111112 : f32
                  %add3A_420 = vector.broadcast %add3A_419 : f32 to vector<16xf32>
                  %add3A_421 = arith.addf %add3A_420, %mul3A_418 : vector<16xf32>
                  %mul3A_422 = arith.mulf %mul3A_412, %add3A_421 : vector<16xf32>
                  %add3A_423 = arith.constant 0.142857149 : f32
                  %add3A_424 = vector.broadcast %add3A_423 : f32 to vector<16xf32>
                  %add3A_425 = arith.addf %add3A_424, %mul3A_422 : vector<16xf32>
                  %mul3A_426 = arith.mulf %mul3A_412, %add3A_425 : vector<16xf32>
                  %add3A_427 = arith.constant 2.000000e-01 : f32
                  %add3A_428 = vector.broadcast %add3A_427 : f32 to vector<16xf32>
                  %add3A_429 = arith.addf %add3A_428, %mul3A_426 : vector<16xf32>
                  %mul3A_430 = arith.mulf %mul3A_412, %add3A_429 : vector<16xf32>
                  %add3A_431 = arith.constant 0.333333343 : f32
                  %add3A_432 = vector.broadcast %add3A_431 : f32 to vector<16xf32>
                  %add3A_433 = arith.addf %add3A_432, %mul3A_430 : vector<16xf32>
                  %mul3A_434 = arith.mulf %mul3A_412, %add3A_433 : vector<16xf32>
                  %add3A_435 = arith.constant 1.000000e+00 : f32
                  %add3A_436 = vector.broadcast %add3A_435 : f32 to vector<16xf32>
                  %add3A_437 = arith.addf %add3A_436, %mul3A_434 : vector<16xf32>
                  %mul3A_438 = arith.mulf %mul3A_415, %add3A_437 : vector<16xf32>
                  %mul3A_439 = arith.constant 0.693147182 : f32
                  %mul3A_440 = vector.broadcast %mul3A_439 : f32 to vector<16xf32>
                  %mul3A_441 = arith.mulf %convert_element_type3A_404, %mul3A_440 : vector<16xf32>
                  %add3A_442 = arith.addf %mul3A_441, %mul3A_438 : vector<16xf32>
                  %neg3A_443 = arith.constant 0.000000e+00 : f32
                  %neg3A_444 = vector.broadcast %neg3A_443 : f32 to vector<16xf32>
                  %neg3A_445 = arith.subf %neg3A_444, %add3A_442 : vector<16xf32>
                  %jit3A_446 = arith.constant 0.000000e+00 : f32
                  %broadcast_in_dim3A_447 = vector.broadcast %jit3A_446 : f32 to vector<16xf32>
                  %select_n3A_448 = arith.select %lt3A_364, %neg3A_445, %broadcast_in_dim3A_447 : vector<16xi1>, vector<16xf32>
                  %add3A_449 = arith.addf %while3A_345, %select_n3A_448 : vector<16xf32>
                  scf.yield %add3A_449 : vector<16xf32>
                } else {
                  scf.yield %while3A_345 : vector<16xf32>
                }
                scf.yield %cond3A_352 : vector<16xf32>
              }
              scf.yield %while3A_343 : vector<16xf32>
            } else {
              scf.yield %scan3A_319 : vector<16xf32>
            }
            scf.yield %cond3A_328 : vector<16xf32>
          }
          %scan3A_293 = arith.constant 13 : i32
          %reduce_sum3A_294 = arith.constant true
          %reduce_sum3A_295 = vector.broadcast %reduce_sum3A_294 : i1 to vector<16xi1>
          %reduce_sum3A_296 = tpu.scan <sum>, %scan3A_292 masked %reduce_sum3A_295 : vector<16xf32>, vector<16xi1> -> vector<16xf32>
          %reduce_sum3A_297 = vector.extract %reduce_sum3A_296[15] : f32 from vector<16xf32>
          %add3A_298 = arith.addf %reduce_sum3A_282, %reduce_sum3A_297 : f32
          %add3A_299 = arith.addi %min3A_200, %min3A_285 : i32
          %convert_element_type3A_300 = arith.sitofp %add3A_299 : i32 to f32
          %broadcast_in_dim3A_301 = vector.broadcast %add3A_298 : f32 to vector<16xf32>
          %broadcast_in_dim3A_302 = vector.broadcast %convert_element_type3A_300 : f32 to vector<16xf32>
          %div3A_303 = arith.divf %broadcast_in_dim3A_301, %broadcast_in_dim3A_302 : vector<16xf32>
          %slice3A_304 = vector.extract_strided_slice %div3A_303 {offsets = [0], sizes = [1], strides = [1]} : vector<16xf32> to vector<1xf32>
          %squeeze3A_305 = vector.extract %slice3A_304[0] : f32 from vector<1xf32>
          %reduce_sum3A_306 = arith.constant true
          %reduce_sum3A_307 = vector.broadcast %reduce_sum3A_306 : i1 to vector<16xi1>
          %reduce_sum3A_308 = tpu.scan <sum>, %scan3A_196 masked %reduce_sum3A_307 : vector<16xf32>, vector<16xi1> -> vector<16xf32>
          %reduce_sum3A_309 = vector.extract %reduce_sum3A_308[15] : f32 from vector<16xf32>
          %convert_element_type3A_310 = arith.sitofp %scan3A_101#0 : i32 to f32
          %mul3A_311 = arith.constant 4.000000e+00 : f32
          %mul3A_312 = arith.mulf %mul3A_311, %convert_element_type3A_310 : f32
          %broadcast_in_dim3A_313 = vector.broadcast %reduce_sum3A_309 : f32 to vector<16xf32>
          %broadcast_in_dim3A_314 = vector.broadcast %mul3A_312 : f32 to vector<16xf32>
          %div3A_315 = arith.divf %broadcast_in_dim3A_313, %broadcast_in_dim3A_314 : vector<16xf32>
          %slice3A_316 = vector.extract_strided_slice %div3A_315 {offsets = [0], sizes = [1], strides = [1]} : vector<16xf32> to vector<1xf32>
          %squeeze3A_317 = vector.extract %slice3A_316[0] : f32 from vector<1xf32>
          scf.yield %scan3A_183#0, %squeeze3A_305, %squeeze3A_317 : i32, f32, f32
        } else {
          %cond3A_114 = arith.constant 0.000000e+00 : f32
          %cond3A_115 = arith.constant 0.000000e+00 : f32
          scf.yield %scan3A_47, %cond3A_114, %cond3A_115 : i32, f32, f32
        }
        %add3A_112 = arith.addf %scan3A_48, %cond3A_111#1 : f32
        %add3A_113 = arith.addf %scan3A_49, %cond3A_111#2 : f32
        scf.yield %cond3A_111#0, %add3A_112, %add3A_113, %add3A_106 : i32, f32, f32, f32
      }
      %scan3A_21 = arith.constant 16 : i32
      %dma_wait3A = arith.constant 0 : i32
      %dma_wait3A_22 = tpu.memref_slice %arg9[%dma_wait3A] : memref<2912xf32, #tpu.memory_space<vmem>> -> memref<1456xf32, #tpu.memory_space<vmem>>
      %dma_wait3A_23 = arith.constant 0 : i32
      %dma_wait3A_24 = tpu.memref_slice %arg3[%dma_wait3A_23] : memref<23296xf32, #tpu.memory_space<hbm>> -> memref<1456xf32, #tpu.memory_space<hbm>>
      %dma_wait3A_25 = arith.constant 0 : i32
      %dma_wait3A_26 = tpu.memref_slice %arg9[%dma_wait3A_25] : memref<2912xf32, #tpu.memory_space<vmem>> -> memref<1456xf32, #tpu.memory_space<vmem>>
      %dma_wait3A_27 = arith.constant 0 : i32
      %dma_wait3A_28 = tpu.memref_slice %arg3[%dma_wait3A_27] : memref<23296xf32, #tpu.memory_space<hbm>> -> memref<1456xf32, #tpu.memory_space<hbm>>
      tpu.wait_dma2 semaphore(%arg20 : memref<!tpu.dma_semaphore, #tpu.memory_space<semaphore_mem>>) src(%dma_wait3A_28 : memref<1456xf32, #tpu.memory_space<hbm>>) dst(%dma_wait3A_26 : memref<1456xf32, #tpu.memory_space<vmem>>)
      %mul3A_29 = arith.constant 6.250000e-02 : f32
      %mul3A_30 = arith.mulf %scan3A_20#3, %mul3A_29 : f32
      %eq3A_31 = arith.constant 0 : i32
      %eq3A_32 = vector.broadcast %eq3A_31 : i32 to vector<16xi32>
      %eq3A_33 = arith.cmpi eq, %iota3A, %eq3A_32 : vector<16xi32>
      %add3A = arith.addf %scan3A_20#1, %scan3A_20#2 : f32
      %eq3A_34 = arith.constant 1 : i32
      %eq3A_35 = vector.broadcast %eq3A_34 : i32 to vector<16xi32>
      %eq3A_36 = arith.cmpi eq, %iota3A, %eq3A_35 : vector<16xi32>
      %eq3A_37 = arith.constant 2 : i32
      %eq3A_38 = vector.broadcast %eq3A_37 : i32 to vector<16xi32>
      %eq3A_39 = arith.cmpi eq, %iota3A, %eq3A_38 : vector<16xi32>
      %broadcast_in_dim3A = vector.broadcast %scan3A_20#2 : f32 to vector<16xf32>
      %broadcast_in_dim3A_40 = vector.broadcast %mul3A_30 : f32 to vector<16xf32>
      %select_n3A = arith.select %eq3A_39, %broadcast_in_dim3A, %broadcast_in_dim3A_40 : vector<16xi1>, vector<16xf32>
      %broadcast_in_dim3A_41 = vector.broadcast %scan3A_20#1 : f32 to vector<16xf32>
      %select_n3A_42 = arith.select %eq3A_36, %broadcast_in_dim3A_41, %select_n3A : vector<16xi1>, vector<16xf32>
      %broadcast_in_dim3A_43 = vector.broadcast %add3A : f32 to vector<16xf32>
      %select_n3A_44 = arith.select %eq3A_33, %broadcast_in_dim3A_43, %select_n3A_42 : vector<16xi1>, vector<16xf32>
      %swap3A = arith.constant 0 : index
      %swap3A_45 = tpu.vector_load %arg18[%swap3A] {strides = array<i32>} : memref<16xf32, #tpu.memory_space<vmem>>, vector<16xf32>,
      tpu.vector_store %arg18[%swap3A], %select_n3A_44 {strides = array<i32>} : memref<16xf32, #tpu.memory_space<vmem>>, vector<16xf32>,
      "tpu.region"() ({
        %run_scoped3A = tpu.sem_alloc : memref<!tpu.dma_semaphore, #tpu.memory_space<semaphore_mem>>
        tpu.enqueue_dma source(%arg18 : memref<16xf32, #tpu.memory_space<vmem>>) target(%arg8 : memref<16xf32, #tpu.memory_space<hbm>>) target_semaphore(%run_scoped3A : memref<!tpu.dma_semaphore, #tpu.memory_space<semaphore_mem>>)
        tpu.wait_dma2 semaphore(%run_scoped3A : memref<!tpu.dma_semaphore, #tpu.memory_space<semaphore_mem>>) src(%arg18 : memref<16xf32, #tpu.memory_space<vmem>>) dst(%arg8 : memref<16xf32, #tpu.memory_space<hbm>>)
        tpu.yield
      }) : () -> ()
    } else {
    }
    return
  }
}

</mosaic_0001>

<sc_bundles>
// kernel: kernel.3.cloned.1.call-start
scs
__scs_entry_jumppad:
0x0: {  	(pc) =	sbr.rel $0x88, $3  }
0x1: {  	(tag) =	ssettag $0x0;
	lr =	simm.s32 $0x1  }
0x2: {  	[smem:$0x3F9C] =	sst lr;
	_ =	strace $0xD0000000  }
0x3: {  	_ = 	snop  }
0x4: {  	_ = 	snop  }
0x5: {  	_ = 	snop  }
0x6: {  	_ = 	snop  }
0x7: {  	_ = 	snop  }
__scs_overlays_trampoline_lowered:
0x8: {  	[smem:$0x3FAB] =	sst s0  }
0x9: {  	[smem:$0x3FAC] =	sst s1  }
0xa: {  	[smem:$0x3FAD] =	sst s2  }
0xb: {  	[smem:$0x3FAE] =	sst s3  }
0xc: {  	[smem:$0x3FAF] =	sst s4  }
0xd: {  	[smem:$0x3FB0] =	sst s5  }
0xe: {  	[smem:$0x3FB1] =	sst s6  }
0xf: {  	[smem:$0x3FB2] =	sst s7  }
0x10: {  	[smem:$0x3FB3] =	sst s8  }
0x11: {  	[smem:$0x3FB4] =	sst s9;
	s0 =	simm.s32 @!p0 $0x0  }
0x12: {  	s1 =	sld [smem:$0x3F9A];
	s0 =	simm.s32 @p0 $0x1  }
0x13: {  	[smem:$0x3FB5] =	sst s0;
	s0 =	simm.s32 @!p1 $0x0  }
0x14: {  	s2 =	sld [smem:$0x3F99];
	s0 =	simm.s32 @p1 $0x1  }
0x15: {  	[smem:$0x3FB6] =	sst s0;
	s0 =	simm.s32 @!p2 $0x0  }
0x16: {  	s3 =	sld [smem:$0x3FDB];
	s0 =	simm.s32 @p2 $0x1  }
0x17: {  	s4 =	simm.s32 $0x1BF5;
	[smem:$0x3FB8] =	sst s0  }
0x18: {  	s0 =	sld [smem:$0x3F9B];
	_ =	swait.ge [sflag:s4], $0x0  }
0x19: {  	s7 =	sld [smem:$0x3F9C]  }
0x1a: {  	s8 =	sadd.s32 $0xFFFFE003, lr  }
0x1b: {  	s9 =	sadd.s32 $0xFFFFFEF7, lr;
	s5 =	simm.s32 $0xFFFFFFFF;
	p2 =	slt.u32 s8, $0xFFFFF086  }
0x1c: {  	p1 =	slt.u32 s9, $0xF7A;
	s5 =	simm.s32 @!p2 $0x0  }
0x1d: {  	s5 =	simm.s32 @p1 $0x1;
	p0 =	seq.s32 s7, s2  }
0x1e: {  	s7 =	smul.u32 @!p0 $0xF7A, s2;
	p2 =	seq.s32 @!p0 s5, $0x0  }
0x1f: {  	s9 =	smul.u32 $0xF7A, s1;
	s8 =	simm.s32 @!p0 $0x1BF5;
	p2 =	por !p2, p0  }
0x20: {  	[sflag:s8] =	ssyncset.s32 @!p0 $0xFFFFF086;
	s6 =	sadd.s32 @!p0 s3, s7;
	s7 =	simm.s32 @!p0 $0x108  }
0x21: {  	s3 =	sadd.s32 s3, s9;
	s6 =	sadd.s32 @!p0 $0x88, s6;
	s7 =	simm.s32 @p2 $0x1082  }
0x22: {  	[simem:s7], [sflag:s8] =	dma.local @!p0 [hbm:s6], $0xF7A  }
0x23: {  	s9 =	sor.u32 $0xD0000000, s2;
	s6 =	simm.s32 $0x108;
	_ =	swait.ge @!p0 [sflag:s8], $0x0  }
0x24: {  	s3 =	sadd.s32 $0x88, s3;
	s6 =	simm.s32 @!p1 $0x1082;
	[sflag:s4] =	ssyncset.s32 $0xFFFFF086  }
0x25: {  	[simem:s6], [sflag:s4] =	dma.local [hbm:s3], $0xF7A  }
0x26: {  	[smem:$0x3F9C] =	sst s1;
	(tag) =	ssettag s2;
	_ =	strace s9  }
0x27: {  	s1 =	sld [smem:$0x3FAC]  }
0x28: {  	s2 =	sld [smem:$0x3FAD]  }
0x29: {  	s4 =	sld [smem:$0x3FAF]  }
0x2a: {  	p0 =	seq.s32 s5, $0x0;
	s5 =	sld [smem:$0x3FB0]  }
0x2b: {  	s6 =	sld [smem:$0x3FB1]  }
0x2c: {  	s7 =	sld [smem:$0x3FB2]  }
0x2d: {  	s3 =	simm.s32 $0x108;
	s8 =	sld [smem:$0x3FB3]  }
0x2e: {  	s3 =	simm.s32 @!p0 $0x1082;
	s9 =	sld [smem:$0x3FB4]  }
0x2f: {  	lr =	sadd.s32 s0, s3;
	s0 =	sld [smem:$0x3FAB]  }
0x30: {  	s3 =	sld [smem:$0x3FAE]  }
0x31: {  	[smem:$0x3FB7] =	sst s10  }
0x32: {  	s10 =	sld [smem:$0x3FB5];
	_ =	sdelay $0x3  }
0x33: {  	p0 =	seq.s32 s10, $0x1;
	s10 =	sld [smem:$0x3FB7];
	_ =	sdelay $0x3  }
0x34: {  	[smem:$0x3FB7] =	sst s10  }
0x35: {  	s10 =	sld [smem:$0x3FB6];
	_ =	sdelay $0x3  }
0x36: {  	p1 =	seq.s32 s10, $0x1;
	s10 =	sld [smem:$0x3FB7];
	_ =	sdelay $0x3  }
0x37: {  	[smem:$0x3FB7] =	sst s10  }
0x38: {  	s10 =	sld [smem:$0x3FB8]  }
0x39: {  	_ = 	snop;
	(pc) =	sbr.ind lr, $3  }
0x3a: {  	_ = 	snop  }
0x3b: {  	_ = 	snop  }
0x3c: {  	p2 =	seq.s32 s10, $0x1;
	s10 =	sld [smem:$0x3FB7]  }
0x3d: {  	_ =	shalt  }
0x3e: {  	_ =	shalt  }
0x3f: {  	_ =	shalt  }
0x40: {  	_ =	shalt  }
0x41: {  	_ =	shalt  }
0x42: {  	_ =	shalt  }
0x43: {  	_ =	shalt  }
0x44: {  	_ =	shalt  }
0x45: {  	_ =	shalt  }
0x46: {  	_ =	shalt  }
0x47: {  	_ =	shalt  }
0x48: {  	_ =	shalt  }
0x49: {  	_ =	shalt  }
0x4a: {  	_ =	shalt  }
0x4b: {  	_ =	shalt  }
0x4c: {  	_ =	shalt  }
0x4d: {  	_ =	shalt  }
0x4e: {  	_ =	shalt  }
0x4f: {  	_ =	shalt  }
0x50: {  	_ =	shalt  }
0x51: {  	_ =	shalt  }
0x52: {  	_ =	shalt  }
0x53: {  	_ =	shalt  }
0x54: {  	_ =	shalt  }
0x55: {  	_ =	shalt  }
0x56: {  	_ =	shalt  }
0x57: {  	_ =	shalt  }
0x58: {  	_ =	shalt  }
0x59: {  	_ =	shalt  }
0x5a: {  	_ =	shalt  }
0x5b: {  	_ =	shalt  }
0x5c: {  	_ =	shalt  }
0x5d: {  	_ =	shalt  }
0x5e: {  	_ =	shalt  }
0x5f: {  	_ =	shalt  }
0x60: {  	_ =	shalt  }
0x61: {  	_ =	shalt  }
0x62: {  	_ =	shalt  }
0x63: {  	_ =	shalt  }
0x64: {  	_ =	shalt  }
0x65: {  	_ =	shalt  }
0x66: {  	_ =	shalt  }
0x67: {  	_ =	shalt  }
0x68: {  	_ =	shalt  }
0x69: {  	_ =	shalt  }
0x6a: {  	_ =	shalt  }
0x6b: {  	_ =	shalt  }
0x6c: {  	_ =	shalt  }
0x6d: {  	_ =	shalt  }
0x6e: {  	_ =	shalt  }
0x6f: {  	_ =	shalt  }
0x70: {  	_ =	shalt  }
0x71: {  	_ =	shalt  }
0x72: {  	_ =	shalt  }
0x73: {  	_ =	shalt  }
0x74: {  	_ =	shalt  }
0x75: {  	_ =	shalt  }
0x76: {  	_ =	shalt  }
0x77: {  	_ =	shalt  }
0x78: {  	_ =	shalt  }
0x79: {  	_ =	shalt  }
0x7a: {  	_ =	shalt  }
0x7b: {  	_ =	shalt  }
0x7c: {  	_ =	shalt  }
0x7d: {  	_ =	shalt  }
0x7e: {  	_ =	shalt  }
0x7f: {  	_ =	shalt  }
0x80: {  	_ =	shalt  }
0x81: {  	_ =	shalt  }
0x82: {  	_ =	shalt  }
0x83: {  	_ =	shalt  }
0x84: {  	_ =	shalt  }
0x85: {  	_ =	shalt  }
0x86: {  	_ =	shalt  }
0x87: {  	_ =	shalt  }
.Lfunc_end0:
.L_simem_size_0:
called_computation_lowered:
.L_overlay_start_0:
0x88: {  	s2 =	sld [smem:$0x3FD9]  }
0x89: {  	s3 =	sld [smem:$0x3FFE];
	_ =	sdelay $0x1  }
0x8a: {  	s1 =	srdreg.scid  }
0x8b: {  	s0 =	sand.u32 $0x1, s1  }
0x8c: {  	s17 =	sshll.u32 s0, $0xA;
	s2 =	sadd.s32 s3, s2  }
0x8d: {  	s2 =	sadd.s32 s2, s17  }
0x8e: {  	[smem:$0x3FC3] =	sst s2  }
0x8f: {  	_ = 	snop  }
0x90: {  	s2 =	sld [smem:$0x3FD0];
	(tm) =	ssettm $0x1  }
0x91: {  	s18 =	sld [smem:$0x3FFB];
	_ =	sdelay $0x3  }
0x92: {  	_ =	strace s18  }
0x93: {  	s3 =	sld [smem:$0x3FFC];
	_ =	sdelay $0x3  }
0x94: {  	_ =	strace s3  }
0x95: {  	s3 =	sld [smem:$0x3FFD];
	_ =	sdelay $0x3  }
0x96: {  	_ =	strace s3  }
0x97: {  	_ =	strace $0x8FFFFFFF  }
0x98: {  	s19 =	sld [smem:$0x3FDB];
	_ =	sdelay $0x1  }
0x99: {  	s4 =	simm.s32 $_scs_section_size  }
0x9a: {  	s5 =	simm.s32 $_size__tile_overlayer_lowered;
	s6 =	simm.s32 $_tile_overlayer_lowered  }
0x9b: {  	s22 =	simm.s32 $0x1BFF;
	s21 =	sshll.u32 s6, $0x1;
	s3 =	sadd.s32 s4, s19  }
0x9c: {  	s7 =	simm.s32 $0x0;
	s20 =	sshll.u32 s5, $0x1;
	s5 =	sadd.s32 s21, s3  }
0x9d: {  	[timem:s7], [sflag:s22] =	dma.local [hbm:s5], s20  }
0x9e: {  	_ =	swait.ge [sflag:s22], s20  }
0x9f: {  	s4 =	ssub.s32 $0x0, s20;
	[sflag:s22] =	ssyncset.done $0x0  }
0xa0: {  	[sflag:s22] =	ssyncadd.s32 s4;
	_ =	sdelay $0x1  }
0xa1: {  	s23 =	simm.s32 $0x1B8B  }
0xa2: {  	_ =	swait.ge [sflag:s23], $0x1  }
0xa3: {  	[sflag:s23] =	ssyncset.done $0x0  }
0xa4: {  	s25 =	simm.s32 $0x1B8E;
	s24 =	sld [smem:$0x3FFE];
	[sflag:s23] =	ssyncadd.s32 $0xFFFFFFFF  }
0xa5: {  	s26 =	simm.s32 $execute0_lowered;
	[smem:$0x3FD2] =	sst s25  }
0xa6: {  	s5 =	sshll.u32 s26, $0x1;
	_ =	strace $0x80000046;
	[dreg:$0x1] =	wrdreg $0xFFFFFFFF  }
0xa7: {  	s28 =	simm.s32 $_size_execute0_lowered;
	s3 =	sadd.s32 s3, s5;
	[dreg:$0x0] =	wrdreg $0x0  }
0xa8: {  	s5 =	sshll.u32 s28, $0x1;
	[dreg:$0x2] =	wrdreg s3  }
0xa9: {  	[dreg:$0x3] =	wrdreg s5  }
0xaa: {  	[dreg:$0x4] =	wrdreg $0xC0  }
0xab: {  	_ =	task [dreg:s7], $0x5FFFF  }
0xac: {  	[dreg:$0x1] =	wrdreg $0xFFFFFFFF  }
0xad: {  	[dreg:$0x0] =	wrdreg $0x60  }
0xae: {  	[dreg:$0x2] =	wrdreg s24  }
0xaf: {  	[dreg:$0x3] =	wrdreg s2  }
0xb0: {  	[dreg:$0x4] =	wrdreg $0x9  }
0xb1: {  	_ =	task.clear_ibuf [dreg:s7], $0x5FFFF;
	_ =	strace $0x90000046  }
0xb2: {  	s29 =	simm.s32 $0x9;
	_ =	strace $0x80000048  }
0xb3: {  	_ =	swait.ge [sflag:s29], $0x1  }
0xb4: {  	[sflag:s29] =	ssyncadd.s32 $0xFFFFFFFF  }
0xb5: {  	_ =	strace $0x90000048  }
0xb6: {  	_ =	sfence  }
0xb7: {  	s30 =	sld [smem:$0x0];
	_ =	sdelay $0x2  }
0xb8: {  	s31 =	sshll.u32 s1, $0xD;
	s1 =	sshrl.u32 s1, $0x2  }
0xb9: {  	s3 =	sand.u32 $0x4000, s31;
	s1 =	sadd.s32 s1, s30  }
0xba: {  	s0 =	sor.u32 s3, s0;
	s1 =	sshll.u32 s1, $0x11  }
0xbb: {  	s0 =	sor.u32 s1, s0  }
0xbc: {  	s0 =	sadd.s32 $0x8F2B, s0  }
0xbd: {  	[sflag:s0] =	ssyncadd.remote.s32 $0x1  }
0xbe: {  	_ =	sfence.sel $0xFFFF  }
0xbf: {  	[dreg:$0x0] =	wrdreg $0xFFFFFFFF;
	(pc) =	sbr.abs _section_cstart, $3  }
0xc0: {  	[dreg:$0x1] =	wrdreg $0xFFFFFFFF  }
0xc1: {  	_ =	task.clear_ibuf [dreg:s7], $0x2FFFF;
	_ =	strace $0x9FFFFFFF  }
0xc2: {  	(tm) =	ssettm $0x7FFFFFFF  }
0xc3: {  	_ =	shalt  }
tec
execute0_lowered:
.L_overlay_start_1:
0x0: {  	(tag) =	ssettag $0x1  }
0x1: {  	s1 =	srdreg.scid  }
0x2: {  	s2 =	stileid.u32;
	s1 =	sand.u32 $0x1, s1  }
0x3: {  	s2 =	sor.u32 s2, s1  }
0x4: {  	p0 =	sne.s32 s2, $0x0  }
.Ltmp0:
0x5: {  	_ = 	snop;
	(pc) =	sbr.rel @!p0 .LBB2_1-.Ltmp0, $4  }
0x6: {  	_ = 	snop  }
0x7: {  	s3 =	simm.s32 $0x0  }
0x8: {  	[smem:$0x7FF] =	sst s3  }
0x9: {  	s0 =	rddreg [dreg:$0x0];
	_ =	strace $0x80000047  }
.LBB2_44:
0xa: {  	_ =	sfence.sel $0x180000  }
0xb: {  	[bflag:$0x0] =	sbarrier.arrive $0xFFFF  }
0xc: {  	_ =	strace $0x90000047  }
0xd: {  	s0 =	stileid.u32;
	[bflag:$0x2] =	sbarrier.arrive $0xFFFF  }
0xe: {  	p0 =	sne.s32 s0, $0x0;
	s0 =	rddreg [dreg:$0x2]  }
0xf: {  	s0 =	sadd.s32 @!p0 $0x100000, s0  }
0x10: {  	[sflag:s0] =	ssyncadd.tile.s32 @!p0 $0x1;
	_ =	shalt  }
.LBB2_1:
0x11: {  	s2 =	sadd.s32 $0x5800, s0  }
0x12: {  	s25 =	sadd.s32 $0x4200, s0;
	s1 =	ssub.s32 $0x2, s1;
	s26 =	sadd.s32 $0x1400, s0  }
0x13: {  	s28 =	sadd.s32 $0x5600, s0;
	s3 =	sadd.s32 $0x4E00, s0;
	[dreg:$0x3] =	wrdreg s2  }
0x14: {  	s30 =	sadd.s32 $0x5200, s0;
	s11 =	simm.s32 $0x17500;
	[dreg:$0x4] =	wrdreg s25  }
.Ltmp1:
0x15: {  	s8 =	simm.s32 $0x18C00;
	[dreg:$0x5] =	wrdreg s26;
	(pc) =	sbr.rel .LBB2_2-.Ltmp1, $4  }
0x16: {  	v0 =	vlaneseq.u32;
	s15 =	simm.s32 $0xB80;
	s18 =	simm.s32 $0x1A380;
	[dreg:$0x6] =	wrdreg s28  }
0x17: {  	v5 =	vimm.s32 $0x0;
	s19 =	simm.s32 $0x1A980;
	s29 =	sshrl.u32 s1, $0x1;
	[dreg:$0x7] =	wrdreg s3;
	v1 =	vmul.u32 $0x4, v0  }
0x18: {  	vm0 =	vmxor vm0, vm0;
	vm1 =	vmmov $0x3;
	vm2 =	vmmov $0x1;
	s20 =	simm.s32 $0x1AF80;
	[dreg:$0x8] =	wrdreg s30;
	s31 =	ssub.s32 s1, s29  }
0x19: {  	s2 =	simm.s32 $0x0;
	s1 =	simm.s32 $0x3;
	[dreg:$0x9] =	wrdreg s31;
	v2 =	vor.u32 $0x1, v1;
	v3 =	vor.u32 $0x2, v1;
	v4 =	vor.u32 $0x3, v1  }
.LBB2_43:
0x1a: {  	s0 =	smul.f32 $6.250000000e-02, s5  }
0x1b: {  	s1 =	sadd.f32 s3, s4  }
0x1c: {  	vm3 =	veq.s32 v0, $0x0;
	s28 =	simm.s32 $0x2;
	v6 =	vmov s0  }
0x1d: {  	_ =	swait.ge [sflag:s28], $0x5B0;
	v6 =	vsel vm3, s1, v6;
	vm3 =	veq.s32 v0, $0x1  }
0x1e: {  	[sflag:s28] =	ssyncset.done $0x0;
	v6 =	vsel vm3, s4, v6;
	vm3 =	veq.s32 v0, $0x2  }
0x1f: {  	s29 =	simm.s32 $0x0;
	[sflag:s28] =	ssyncadd.s32 $0xFFFFFA50;
	v6 =	vsel vm3, s3, v6  }
0x20: {  	s2 =	simm.s32 $0x1C380;
	s1 =	simm.s32 $0x3;
	s0 =	rddreg [dreg:$0x1];
	[tilespmem:$0x1C380] =	vst v6  }
0x21: {  	[hbm4b:s0+s29] =	stream.linear.scatter [tilespmem:s2], [sflag:$0x3], $0x80, $0x38;
	[tilespmem:$0x1C400] =	vst v63  }
0x22: {  	_ =	swait.ge [sflag:s1], $0x80  }
0x23: {  	s30 =	rddreg [dreg:$0xa]  }
0x24: {  	s31 =	rddreg [dreg:$0x9];
	s2 =	sadd.s32 $0x1, s30  }
0x25: {  	p0 =	sne.s32 s2, s31  }
.Ltmp2:
0x26: {  	_ = 	snop;
	(pc) =	sbr.rel @!p0 .LBB2_44-.Ltmp2, $3  }
0x27: {  	_ =	sdelay $0x1  }
0x28: {  	[sflag:s1] =	ssyncset.done $0x0  }
0x29: {  	[sflag:s1] =	ssyncadd.s32 $0xFFFFFF80  }
.LBB2_2:
0x2a: {  	[dreg:$0xa] =	wrdreg s2  }
0x2b: {  	s3 =	simm.s32 $0x0;
	s0 =	rddreg [dreg:$0x7]  }
0x2c: {  	[tilespmem:s11], [sflag:$0x3] =	stream.linear.gather [hbm4b:s0+s3], $0x1700, $0x38;
	[tilespmem:$0x1C400] =	vst v63  }
0x2d: {  	_ =	swait.ge [sflag:s1], $0x1700  }
0x2e: {  	[sflag:s1] =	ssyncset.done $0x0  }
0x2f: {  	s26 =	rddreg [dreg:$0x8];
	[sflag:s1] =	ssyncadd.s32 $0xFFFFE900  }
0x30: {  	[tilespmem:s8], [sflag:$0x3] =	stream.linear.gather [hbm4b:s26+s3], $0x1700, $0x38;
	[tilespmem:$0x1C400] =	vst v63  }
0x31: {  	_ =	swait.ge [sflag:s1], $0x1700  }
0x32: {  	[sflag:s1] =	ssyncset.done $0x0  }
0x33: {  	s29 =	simm.s32 $0x1A300;
	s28 =	rddreg [dreg:$0x6];
	[sflag:s1] =	ssyncadd.s32 $0xFFFFE900  }
0x34: {  	[tilespmem:s29], [sflag:$0x3] =	stream.linear.gather [hbm4b:s28+s3], $0x80, $0x38;
	[tilespmem:$0x1C400] =	vst v63  }
0x35: {  	_ =	swait.ge [sflag:s1], $0x80  }
0x36: {  	[sflag:s1] =	ssyncset.done $0x0  }
0x37: {  	s30 =	rddreg [dreg:$0x4];
	[sflag:s1] =	ssyncadd.s32 $0xFFFFFF80  }
0x38: {  	[tilespmem:s3], [sflag:$0x2] =	stream.linear.gather [hbm4b:s30+s3], $0x5B0, $0x38;
	[tilespmem:$0x1C400] =	vst v63  }
.Ltmp3:
0x39: {  	s31 =	rddreg [dreg:$0x5];
	(pc) =	sbr.rel .LBB2_3-.Ltmp3, $4  }
0x3a: {  	[tilespmem:s15], [sflag:$0x3] =	stream.linear.gather [hbm4b:s31+s3], $0x16980, $0x38;
	[tilespmem:$0x1C400] =	vst v63  }
0x3b: {  	s5 =	simm.f32 $0.0e+00;
	p1 =	por $0x0, $0x0;
	_ =	swait.ge [sflag:s1], $0x16980  }
0x3c: {  	s4 =	simm.f32 $0.0e+00;
	s9 =	simm.s32 $0x0;
	[sflag:s1] =	ssyncset.done $0x0  }
0x3d: {  	s6 =	simm.s32 $0x0;
	s3 =	simm.f32 $0.0e+00;
	[sflag:s1] =	ssyncadd.s32 $0xFFFE9680  }
.LBB2_41:
0x3e: {  	v6 =	vmax.f32 v6, $9.999999960e-13  }
0x3f: {  	v6 =	vmin.f32 v6, $1.000000000e+00  }
0x40: {  	v7 =	vand.u32 $0x7FFFFF, v6  }
0x41: {  	v7 =	vor.u32 $0x3F800000, v7  }
0x42: {  	v8 =	vmul.f32 $5.000000000e-01, v7  }
0x43: {  	vm4 =	vgt.f32 v7, $1.333333370e+00  }
0x44: {  	v7 =	vsel vm4, v8, v7  }
0x45: {  	v8 =	vadd.f32 $1.000000000e+00, v7;
	_ =	sdelay $0x1  }
0x46: {  	(erf) = vrcp.f32 v8;
	_ =	sdelay $0x7  }
0x47: {  	v7 =	vadd.f32 $-1.000000000e+00, v7  }
0x48: {  	v8 =	vpop (erf)  }
0x49: {  	v7 =	vmul.f32 v8, v7;
	_ =	sdelay $0x1  }
0x4a: {  	v8 =	vmul.f32 v7, v7;
	_ =	sdelay $0x1  }
0x4b: {  	v11 =	vmul.f32 $9.090909360e-02, v8;
	_ =	sdelay $0x1  }
0x4c: {  	v11 =	vadd.f32 $1.111111120e-01, v11;
	_ =	sdelay $0x1  }
0x4d: {  	v11 =	vmul.f32 v11, v8;
	_ =	sdelay $0x1  }
0x4e: {  	v11 =	vadd.f32 $1.428571490e-01, v11;
	_ =	sdelay $0x1  }
0x4f: {  	v11 =	vmul.f32 v11, v8;
	_ =	sdelay $0x1  }
0x50: {  	v11 =	vadd.f32 $2.000000030e-01, v11;
	_ =	sdelay $0x1  }
0x51: {  	v11 =	vmul.f32 v11, v8;
	_ =	sdelay $0x1  }
0x52: {  	v6 =	vshrl.u32 v6, $0x17;
	v11 =	vadd.f32 $3.333333430e-01, v11  }
0x53: {  	v6 =	vand.u32 $0xFF, v6;
	v12 =	vsel vm4, $0x1, v5  }
0x54: {  	v6 =	vadd.s32 v12, v6;
	v8 =	vmul.f32 v11, v8  }
0x55: {  	v6 =	vadd.s32 $0xFFFFFF81, v6  }
0x56: {  	v6 =	vcvt.s32.f32 v6;
	v7 =	vadd.f32 v7, v7;
	v8 =	vadd.f32 $1.000000000e+00, v8;
	_ =	sdelay $0x1  }
0x57: {  	v6 =	vmul.f32 $6.931471820e-01, v6;
	v7 =	vmul.f32 v8, v7;
	_ =	sdelay $0x1  }
0x58: {  	v6 =	vadd.f32 v7, v6;
	_ =	sdelay $0x1  }
0x59: {  	v6 =	vsub.f32 $0.0e+00, v6;
	_ =	sdelay $0x1  }
0x5a: {  	v6 =	vnsel vm3, $0x0, v6  }
0x5b: {  	s0 =	sadd.s32 s2, s3;
	s1 =	scvt.s32.f32 s31;
	(xrf2) =	vadd.scan.msk.f32 $0xffff, v6  }
0x5c: {  	s0 =	scvt.s32.f32 s0;
	(xrf2) =	vadd.scan.msk.f32 $0xffff, v9  }
0x5d: {  	s1 =	smul.f32 $4.000000000e+00, s1;
	(xrf2) =	vadd.scan.msk.f32 $0xffff, v10  }
0x5e: {  	v6 =	vmov s0  }
0x5f: {  	(erf) = vrcp.f32 v6;
	v6 =	vmov s1  }
0x60: {  	(erf) = vrcp.f32 v6;
	_ =	sdelay $0x4  }
0x61: {  	v6, _, _ =	vpop (xrf2)  }
0x62: {  	v7, _, _ =	vpop (xrf2)  }
0x63: {  	v62, _, _ =	vpop (xrf2)  }
0x64: {  	v63 =	vpop (erf);
	(v2sf) =	vpush v6, $0xF;
	v6 =	vbroadcast v62, $0xF  }
0x65: {  	(v2sf) =	vpush v7, $0xF;
	v7 =	vpop (erf)  }
0x66: {  	v6 =	vmul.f32 v6, v7  }
0x67: {  	(v2sf) =	vpush v63, $0x0  }
0x68: {  	(v2sf) =	vpush v6, $0x0;
	_ =	sdelay $0x8  }
0x69: {  	s3 =	rddreg [dreg:$0xb]  }
0x6a: {  	s4 =	rddreg [dreg:$0xc]  }
0x6b: {  	s5 =	rddreg [dreg:$0xd];
	s29 =	spop (v2sf)  }
0x6c: {  	s6 =	rddreg [dreg:$0xf];
	s30 =	spop (v2sf)  }
0x6d: {  	s0 =	sadd.f32 s30, s29  }
0x6e: {  	s2 =	rddreg [dreg:$0x10];
	s31 =	spop (v2sf)  }
0x6f: {  	s0 =	smul.f32 s0, s31;
	s1 =	spop (v2sf)  }
.LBB2_42:
0x70: {  	s2 =	scvt.s32.f32 s2;
	p0 =	sne.s32 s6, $0x10  }
.Ltmp4:
0x71: {  	_ = 	snop;
	(pc) =	sbr.rel @!p0 .LBB2_43-.Ltmp4, $4  }
0x72: {  	s2 =	smul.f32 $6.920415330e-04, s2  }
0x73: {  	s3 =	sadd.f32 s1, s3  }
0x74: {  	s5 =	sadd.f32 s2, s5  }
0x75: {  	p1 =	por !p1, !p1;
	s4 =	sadd.f32 s0, s4  }
.LBB2_3:
0x76: {  	[dreg:$0xd] =	wrdreg s5  }
0x77: {  	[dreg:$0xb] =	wrdreg s3  }
0x78: {  	s1 =	sshll.u32 s6, $0x2;
	s0 =	sand.u32 $0x1, s6;
	s17 =	sadd.s32 $0x1, s6  }
0x79: {  	s24 =	simm.s32 $0x2;
	s26 =	sshllo.u32 s6, $0x2;
	s28 =	simm.s32 $0x0  }
0x7a: {  	s30 =	simm.s32 $0x1A300;
	[dreg:$0xc] =	wrdreg s4;
	v6 =	vmov s1;
	s21 =	sxor.u32 $0x1, s0  }
0x7b: {  	[dreg:$0xf] =	wrdreg s17;
	s23 =	smin.u32 s17, $0xF;
	v11 =	vor.u32 s28, v0;
	v9 =	vmov s26;
	v6 =	vbroadcast v6, $0x0;
	s22 =	smul.u32 $0x16C0, s21  }
0x7c: {  	s2 =	sor.u32 $0x1, s1;
	_ =	swait.ge [sflag:s24], $0x5B0;
	s25 =	smul.u32 $0xB6, s23;
	vm3 =	vlt.u32 v11, $0x5A5  }
0x7d: {  	s1 =	sor.u32 $0x2, s1;
	v10 =	vor.u32 s28, v4;
	[sflag:s24] =	ssyncset.done $0x0;
	s29 =	rddreg [dreg:$0x4]  }
0x7e: {  	v12 =	vor.u32 s28, v2;
	v7 =	vmov s2;
	v8 =	vmov s1;
	[sflag:s24] =	ssyncadd.s32 $0xFFFFFA50;
	s2 =	sshrl.u32 s22, $0x2;
	s1 =	sadd.s32 s29, s25  }
0x7f: {  	v13 =	vor.u32 s28, v3;
	[tilespmem:s2], [sflag:$0x2] =	stream.linear.gather [hbm4b:s1+s28], $0x5B0, $0x38;
	[tilespmem:$0x1C400] =	vst v63  }
0x80: {  	v14 =	vor.u32 s28, v1;
	v8 =	vbroadcast v8, $0x0;
	v9 =	vld.idx.msk [tilespmem:v9+s30+$0x0], $0xffff  }
0x81: {  	v7 =	vbroadcast v7, $0x0;
	v6 =	vld.idx.msk [tilespmem:v6+s30+$0x0], $0xffff  }
0x82: {  	v10 =	vld.idx.msk [tilespmem:v10+s11+$0x0], vm3  }
0x83: {  	v12 =	vld.idx.msk [tilespmem:v12+s11+$0x0], vm3  }
0x84: {  	v13 =	vld.idx.msk [tilespmem:v13+s11+$0x0], vm3  }
0x85: {  	v14 =	vld.idx.msk [tilespmem:v14+s11+$0x0], vm3  }
0x86: {  	v8 =	vld.idx.msk [tilespmem:v8+s30+$0x0], $0xffff  }
0x87: {  	v7 =	vld.idx.msk [tilespmem:v7+s30+$0x0], $0xffff;
	_ =	sdelay $0x2  }
0x88: {  	v17 =	vmin.f32 v10, v9;
	v10 =	vsub.f32 v10, v12  }
0x89: {  	v19 =	vmax.f32 v14, v6;
	v14 =	vsub.f32 v13, v14;
	v15 =	vsub.f32 v8, v6  }
0x8a: {  	v16 =	vsub.f32 v9, v7;
	v18 =	vmax.f32 v12, v7;
	v12 =	vmin.f32 v13, v8  }
0x8b: {  	v12 =	vsub.f32 v12, v19;
	v17 =	vsub.f32 v17, v18  }
0x8c: {  	v10 =	vmul.f32 v10, v14;
	v13 =	vmul.f32 v16, v15  }
0x8d: {  	v12 =	vmax.f32 v12, $0.0e+00;
	v14 =	vmax.f32 v17, $0.0e+00  }
0x8e: {  	v12 =	vmul.f32 v14, v12;
	v10 =	vadd.f32 v10, v13;
	_ =	sdelay $0x1  }
0x8f: {  	v10 =	vsub.f32 v10, v12;
	_ =	sdelay $0x1  }
0x90: {  	(erf) = vrcp.f32 v10;
	_ =	sdelay $0x8  }
0x91: {  	v10 =	vpop (erf)  }
0x92: {  	v10 =	vmul.f32 v10, v12;
	_ =	sdelay $0x1  }
0x93: {  	vm3 =	vmmov vm3;
	vm4 =	vgt.f32 v10, $6.000000240e-01  }
0x94: {  	vm5 =	vlt.f32 v10, $3.000000120e-01;
	vm6 =	vmand vm3, vm4  }
0x95: {  	vm7 =	vmand vm3, vm5;
	v10 =	vsel vm6, $0x1, v5  }
0x96: {  	v12 =	vsel vm7, $0x1, v5;
	(xrf0) =	vadd.scan.msk.s32 $0xffff, v10  }
0x97: {  	(xrf0) =	vadd.scan.msk.s32 $0xffff, v12;
	_ =	sdelay $0x1  }
0x98: {  	v10 =	vmov s28  }
0x99: {  	v10 =	vadd.s32 $0xFFFFFFFF, v10  }
0x9a: {  	v16 =	vbroadcast v10, $0x0  }
0x9b: {  	s31 =	simm.s32 $0x10;
	s1 =	simm.s32 $0x1;
	v17, _, _ =	vpop (xrf0)  }
0x9c: {  	s1 =	simm.s32 @!p1 $0x0;
	v14 =	vor.u32 s31, v0;
	v15 =	vadd.s32 v17, v16;
	v18, _, _ =	vpop (xrf0);
	(v2sf) =	vpush v17, $0xF  }
0x9d: {  	s2 =	simm.s32 $0x40;
	s1 =	smul.u32 $0x16C0, s1;
	vm5 =	vlt.u32 v14, $0x5A5;
	v16 =	vadd.s32 v18, v16;
	(v2sf) =	vpush v18, $0xF  }
0x9e: {  	s7 =	smov.u32 s6;
	v17 =	vor.u32 s2, v4  }
0x9f: {  	s3 =	simm.s32 $0x0;
	s6 =	simm.s32 $0x0;
	s1 =	sshrl.u32 s1, $0x2;
	v18 =	vor.u32 s2, v2  }
0xa0: {  	s5 =	simm.s32 $0x0;
	s4 =	smul.u32 $0x5B0, s0;
	s0 =	simm.s32 $0x20;
	v19 =	vor.u32 s2, v3;
	v12 =	vmov s1;
	v10 =	vimm.s32 $0x0  }
.LBB2_4:
0xa1: {  	p0 =	sne.s32 s0, $0x5A0;
	v20 =	vor.u32 s2, v1;
	[tilespmem:v15+s18+$0x0] =	vst.idx.msk vm6, v11  }
0xa2: {  	[tilespmem:v16+s19+$0x0] =	vst.idx.msk vm7, v11;
	v11 =	vmov v14  }
0xa3: {  	v14 =	vld.idx.msk [tilespmem:v17+s11+$0x0], vm5  }
0xa4: {  	v15 =	vld.idx.msk [tilespmem:v18+s11+$0x0], vm5  }
0xa5: {  	v16 =	vld.idx.msk [tilespmem:v19+s11+$0x0], vm5  }
0xa6: {  	s1 =	sshra.s32 s3, $0x2;
	s3 =	smov.u32 s2;
	v17 =	vld.idx.msk [tilespmem:v20+s11+$0x0], vm5  }
0xa7: {  	v18 =	vld.idx.msk [tilespmem:v12+s1+$0x0 ss:$0x1], $0xffff;
	_ =	sdelay $0x3  }
0xa8: {  	v19 =	vmin.f32 v14, v9;
	v20 =	vmax.f32 v15, v7;
	v14 =	vsub.f32 v14, v15;
	s1 =	spop (v2sf)  }
0xa9: {  	v15 =	vmin.f32 v16, v8;
	v21 =	vmax.f32 v17, v6;
	v16 =	vsub.f32 v16, v17;
	s6 =	sadd.s32 s6, s1;
	s1 =	spop (v2sf)  }
0xaa: {  	v17 =	vsub.f32 v19, v20;
	v15 =	vsub.f32 v15, v21;
	vm6 =	vlt.f32 v18, $6.000000240e-01;
	s5 =	sadd.s32 s5, s1  }
0xab: {  	v14 =	vmul.f32 v14, v16;
	vm4 =	vmxor vm6, vm4  }
0xac: {  	v16 =	vmax.f32 v17, $0.0e+00;
	v15 =	vmax.f32 v15, $0.0e+00;
	vm3 =	vmand vm3, vm4  }
0xad: {  	v15 =	vmul.f32 v16, v15;
	v14 =	vadd.f32 v14, v13;
	v16 =	vmpcnt.ones.xlane vm3  }
0xae: {  	vm3 =	vmmov vm5  }
0xaf: {  	v14 =	vsub.f32 v14, v15;
	v10 =	vadd.s32 v10, v16;
	_ =	sdelay $0x1  }
0xb0: {  	(erf) = vrcp.f32 v14;
	_ =	sdelay $0x8  }
0xb1: {  	v14 =	vpop (erf)  }
0xb2: {  	v14 =	vmul.f32 v14, v15;
	_ =	sdelay $0x1  }
0xb3: {  	vm4 =	vgt.f32 v14, $6.000000240e-01  }
0xb4: {  	vm5 =	vlt.f32 v14, $3.000000120e-01;
	vm6 =	vmand vm3, vm4  }
0xb5: {  	vm7 =	vmand vm3, vm5;
	v14 =	vsel vm6, $0x1, v5  }
0xb6: {  	v15 =	vsel vm7, $0x1, v5;
	(xrf0) =	vadd.scan.msk.s32 $0xffff, v14  }
0xb7: {  	(xrf0) =	vadd.scan.msk.s32 $0xffff, v15;
	_ =	sdelay $0x1  }
0xb8: {  	v14 =	vmov s6  }
0xb9: {  	v14 =	vadd.s32 $0xFFFFFFFF, v14;
	v15 =	vmov s5  }
0xba: {  	v16 =	vbroadcast v14, $0x0;
	v14 =	vadd.s32 $0xFFFFFFFF, v15  }
0xbb: {  	v17 =	vbroadcast v14, $0x0;
	v18, _, _ =	vpop (xrf0)  }
.Ltmp5:
0xbc: {  	v14 =	vor.u32 s0, v0;
	v15 =	vadd.s32 v18, v16;
	v19, _, _ =	vpop (xrf0);
	(v2sf) =	vpush v18, $0xF;
	(pc) =	sbr.rel @p0 .LBB2_4-.Ltmp5, $4  }
0xbd: {  	s2 =	sadd.s32 $0x40, s2;
	vm5 =	vlt.u32 v14, $0x5A5;
	v16 =	vadd.s32 v19, v17;
	(v2sf) =	vpush v19, $0xF  }
0xbe: {  	v17 =	vor.u32 s2, v4  }
0xbf: {  	v18 =	vor.u32 s2, v2  }
0xc0: {  	s0 =	sadd.s32 $0x10, s0;
	v19 =	vor.u32 s2, v3  }
0xc1: {  	_ =	sdelay $0x4  }
0xc2: {  	v20 =	vor.u32 s2, v1;
	[tilespmem:v15+s18+$0x0] =	vst.idx.msk vm6, v11  }
0xc3: {  	[tilespmem:v16+s19+$0x0] =	vst.idx.msk vm7, v11  }
0xc4: {  	v11 =	vld.idx.msk [tilespmem:v17+s11+$0x0], vm5  }
0xc5: {  	v15 =	vld.idx.msk [tilespmem:v18+s11+$0x0], vm5  }
0xc6: {  	v16 =	vld.idx.msk [tilespmem:v19+s11+$0x0], vm5  }
0xc7: {  	v52 =	vld.idx.msk [tilespmem:v20+s11+$0x0], vm5;
	_ =	sdelay $0x3  }
0xc8: {  	v53 =	vmin.f32 v11, v9;
	v54 =	vmax.f32 v15, v7;
	v11 =	vsub.f32 v11, v15  }
0xc9: {  	v55 =	vmin.f32 v16, v8;
	v20 =	vmax.f32 v52, v6;
	v16 =	vsub.f32 v16, v52  }
0xca: {  	v56 =	vsub.f32 v53, v54;
	v15 =	vsub.f32 v55, v20  }
0xcb: {  	v11 =	vmul.f32 v11, v16  }
0xcc: {  	v57 =	vmax.f32 v56, $0.0e+00;
	v15 =	vmax.f32 v15, $0.0e+00  }
0xcd: {  	v15 =	vmul.f32 v57, v15;
	v11 =	vadd.f32 v11, v13;
	_ =	sdelay $0x1  }
0xce: {  	v11 =	vsub.f32 v11, v15;
	_ =	sdelay $0x1  }
0xcf: {  	(erf) = vrcp.f32 v11;
	_ =	sdelay $0x8  }
0xd0: {  	v11 =	vpop (erf)  }
0xd1: {  	v11 =	vmul.f32 v11, v15;
	_ =	sdelay $0x1  }
0xd2: {  	vm5 =	vmmov vm5;
	vm15 =	vgt.f32 v11, $6.000000240e-01  }
0xd3: {  	vm8 =	vlt.f32 v11, $3.000000120e-01;
	vm12 =	vmand vm5, vm15  }
0xd4: {  	vm8 =	vmand vm5, vm8;
	v11 =	vsel vm12, $0x1, v5  }
0xd5: {  	v58 =	vsel vm8, $0x1, v5;
	(xrf0) =	vadd.scan.msk.s32 $0xffff, v11  }
0xd6: {  	s0 =	spop (v2sf);
	(xrf0) =	vadd.scan.msk.s32 $0xffff, v58  }
0xd7: {  	s0 =	sadd.s32 s6, s0;
	s1 =	spop (v2sf)  }
0xd8: {  	s1 =	sadd.s32 s5, s1;
	v11 =	vmov s0  }
0xd9: {  	v59 =	vmov s1;
	v11 =	vadd.s32 $0xFFFFFFFF, v11  }
0xda: {  	v13 =	vadd.s32 $0xFFFFFFFF, v59;
	v11 =	vbroadcast v11, $0x0  }
0xdb: {  	v13 =	vbroadcast v13, $0x0;
	v60, _, _ =	vpop (xrf0)  }
0xdc: {  	v11 =	vadd.s32 v60, v11;
	v61, _, _ =	vpop (xrf0)  }
0xdd: {  	v13 =	vadd.s32 v61, v13;
	_ =	sdelay $0x2  }
0xde: {  	s3 =	sshra.s32 s3, $0x2  }
0xdf: {  	v62 =	vld.idx.msk [tilespmem:v12+s3+$0x0 ss:$0x1], $0xffff;
	[tilespmem:v11+s18+$0x0] =	vst.idx.msk vm12, v14  }
0xe0: {  	s28 =	sshra.s32 s2, $0x2;
	[tilespmem:v13+s19+$0x0] =	vst.idx.msk vm8, v14  }
0xe1: {  	v11 =	vld.idx.msk [tilespmem:v12+s28+$0x0 ss:$0x1], $0xffff;
	_ =	sdelay $0x3  }
0xe2: {  	vm13 =	vlt.f32 v62, $6.000000240e-01;
	(v2sf) =	vpush v60, $0xF  }
0xe3: {  	vm4 =	vmxor vm13, vm4;
	vm14 =	vlt.f32 v11, $6.000000240e-01  }
0xe4: {  	vm3 =	vmand vm3, vm4;
	vm15 =	vmxor vm14, vm15  }
0xe5: {  	v11 =	vmpcnt.ones.xlane vm3;
	vm3 =	vmand vm5, vm15  }
0xe6: {  	v63 =	vmpcnt.ones.xlane vm3  }
0xe7: {  	(v2sf) =	vpush v61, $0xF;
	v10 =	vadd.s32 v10, v11  }
0xe8: {  	v10 =	vadd.s32 v10, v63  }
0xe9: {  	(v2sf) =	vpush v10, $0x0;
	_ =	sdelay $0x7  }
0xea: {  	s29 =	spop (v2sf)  }
0xeb: {  	s31 =	sadd.s32 s0, s29  }
0xec: {  	p0 =	slt.s32 s31, $0x1  }
.Ltmp6:
0xed: {  	_ = 	snop;
	(pc) =	sbr.rel @p0 .LBB2_6-.Ltmp6, $4  }
0xee: {  	_ = 	snop  }
0xef: {  	s30 =	spop (v2sf)  }
0xf0: {  	s0 =	sadd.s32 s1, s30  }
0xf1: {  	[dreg:$0x13] =	wrdreg s0;
	s2 =	spop (v2sf)  }
0xf2: {  	s1 =	simm.s32 $0x0  }
0xf3: {  	s0 =	simm.s32 $0x1B530;
	v10 =	vor.u32 s1, v0  }
0xf4: {  	[tilespmem:s0+$0x0] =	vst v10  }
0xf5: {  	[dreg:$0x10] =	wrdreg s2;
	s1 =	simm.s32 $0x10;
	[tilespmem:s0+$0xFFFFFA50] =	vst v10  }
.LBB2_8:
0xf6: {  	p0 =	sne.s32 s1, $0x5A0  }
.Ltmp7:
0xf7: {  	_ = 	snop;
	(pc) =	sbr.rel @p0 .LBB2_8-.Ltmp7, $4  }
0xf8: {  	_ = 	snop  }
0xf9: {  	v10 =	vor.u32 s1, v0;
	s1 =	sadd.s32 $0x10, s1;
	s0 =	sadd.s32 $0x10, s0  }
0xfa: {  	[tilespmem:s0+$0x0] =	vst v10  }
0xfb: {  	[tilespmem:s0+$0xFFFFFA50] =	vst v10  }
0xfc: {  	p0 =	seq.s32 s31, $0x1;
	s8 =	sadd.s32 $0xFFFFFFFF, s31  }
0xfd: {  	s1 =	rddreg [dreg:$0x3];
	s0 =	sshrl.u32 @!p0 s9, $0x3;
	s2 =	simm.s32 @!p0 $0x1BB00  }
0xfe: {  	s29 =	sshrl.u32 s8, $0x1;
	s0 =	sadd.s32 @!p0 s1, s0;
	s1 =	simm.s32 @!p0 $0x0  }
0xff: {  	[tilespmem:s2], [sflag:$0x1] =	stream.linear.gather @!p0 [hbm4b:s0+s1], $0x420, $0x38;
	[tilespmem:$0x1C400] =	vst v63  }
0x100: {  	s0 =	sor.u32 s8, s29  }
0x101: {  	s30 =	sshrl.u32 s0, $0x2  }
0x102: {  	s0 =	sor.u32 s0, s30  }
0x103: {  	s1 =	sshrl.u32 s0, $0x4  }
0x104: {  	s0 =	sor.u32 s0, s1  }
0x105: {  	s1 =	sshrl.u32 s0, $0x8  }
0x106: {  	[dreg:$0x12] =	wrdreg s7;
	s3 =	simm.s32 @!p0 $0x0;
	s0 =	sor.u32 s0, s1  }
0x107: {  	s3 =	simm.s32 @p0 $0x1;
	p0 =	por $0x0, $0x0;
	s1 =	sshrl.u32 s0, $0x10  }
.Ltmp8:
0x108: {  	s2 =	sor.u32 s0, s1;
	s0 =	simm.s32 @!p0 $0x0;
	(pc) =	sbr.rel .LBB2_10-.Ltmp8, $4  }
0x109: {  	[dreg:$0x11] =	wrdreg s4;
	s0 =	simm.s32 @p0 $0x1  }
0x10a: {  	[smem:$0x7FC] =	sst s0;
	s0 =	simm.s32 @!p1 $0x0  }
0x10b: {  	[smem:$0x7FB] =	sst s3;
	s0 =	simm.s32 @p1 $0x1  }
0x10c: {  	s3 =	simm.s32 $0x0;
	[smem:$0x7FD] =	sst s0  }
.LBB2_17:
0x10d: {  	s9 =	sadd.s32 s13, s5  }
.LBB2_18:
0x10e: {  	s0 =	sld [smem:$0x7FC]  }
0x10f: {  	s3 =	sadd.s32 $0x1, s3  }
0x110: {  	p0 =	sne.s32 s3, $0x8  }
.Ltmp9:
0x111: {  	p2 =	seq.s32 s0, $0x1;
	(pc) =	sbr.rel @!p0 .LBB2_19-.Ltmp9, $4  }
0x112: {  	p2 =	por !p2, !p2  }
0x113: {  	s0 =	simm.s32 @!p2 $0x0  }
0x114: {  	s0 =	simm.s32 @p2 $0x1  }
0x115: {  	[smem:$0x7FC] =	sst s0  }
.LBB2_10:
0x116: {  	p0 =	slt.s32 s8, $0x1  }
.Ltmp10:
0x117: {  	_ = 	snop;
	(pc) =	sbr.rel @p0 .LBB2_18-.Ltmp10, $1  }
0x118: {  	_ =	sdelay $0x3  }
0x119: {  	s0 =	simm.s32 $0x1;
	s1 =	sld [smem:$0x7FC]  }
0x11a: {  	s28 =	sxor.u32 $0xFFFFFFFF, s3;
	s4 =	simm.s32 $0x1;
	s5 =	sadd.s32 $0x400, s9  }
0x11b: {  	s6 =	sand.u32 $0x7, s9;
	_ =	swait.ge [sflag:s4], $0x420;
	s5 =	sshrl.u32 s5, $0x3  }
0x11c: {  	s30 =	sshll.u32 s6, $0x2;
	p0 =	seq.s32 s1, $0x1;
	s1 =	sand.u32 $0x1, s28  }
0x11d: {  	[sflag:s4] =	ssyncset.done $0x0;
	s0 =	simm.s32 @!p0 $0x0;
	s1 =	smul.u32 $0x1080, s1  }
0x11e: {  	s29 =	rddreg [dreg:$0x3];
	[sflag:s4] =	ssyncadd.s32 $0xFFFFFBE0;
	s0 =	smul.u32 $0x1080, s0  }
.Ltmp11:
0x11f: {  	s7 =	sadd.s32 s29, s5;
	s1 =	sshrl.u32 s1, $0x2;
	(pc) =	sbr.rel .LBB2_12-.Ltmp11, $4  }
0x120: {  	s5 =	simm.s32 $0x0;
	s1 =	sadd.s32 $0x1BB00, s1;
	s0 =	sadd.s32 s30, s0  }
0x121: {  	[tilespmem:s1], [sflag:$0x1] =	stream.linear.gather [hbm4b:s7+s5], $0x420, $0x38;
	[tilespmem:$0x1C400] =	vst v63  }
0x122: {  	s0 =	sshrl.u32 s0, $0x2  }
0x123: {  	s13 =	smov.u32 s9;
	s7 =	simm.s32 $0x0;
	s6 =	sadd.s32 $0x1BB00, s0  }
.LBB2_16:
0x124: {  	s7 =	sadd.s32 $0x1, s7  }
0x125: {  	p0 =	sne.s32 s7, $0x10  }
.Ltmp12:
0x126: {  	_ = 	snop;
	(pc) =	sbr.rel @!p0 .LBB2_17-.Ltmp12, $2  }
0x127: {  	_ =	sdelay $0x2  }
0x128: {  	s6 =	sadd.s32 $0x40, s6  }
.LBB2_12:
0x129: {  	p0 =	slt.s32 s8, $0x1  }
.Ltmp13:
0x12a: {  	_ = 	snop;
	(pc) =	sbr.rel @p0 .LBB2_16-.Ltmp13, $1  }
0x12b: {  	_ =	sdelay $0x3  }
0x12c: {  	s0 =	sadd.s32 $0x0, s6  }
0x12d: {  	v10 =	vld [tilespmem:s0+$0x0];
	_ =	sdelay $0x4  }
0x12e: {  	(v2sf) =	vpush v10, $0x0;
	_ =	sdelay $0x2  }
0x12f: {  	(v2sf) =	vpush v10, $0x1  }
0x130: {  	(v2sf) =	vpush v10, $0x2;
	_ =	sdelay $0xa  }
0x131: {  	s26 =	spop (v2sf)  }
0x132: {  	p3 =	sgt.s32 s8, $0x0;
	s1 =	sshrl.u32 s2, $0x1;
	(v2sf) =	vpush v10, $0x3;
	s0 =	sand.u32 s2, s26  }
0x133: {  	s10 =	sadd.s32 $0xFFFFFFFF, s8;
	s9 =	smov.u32 s2;
	p0 =	sle.s32 s0, s8  }
0x134: {  	p1 =	sle.s32 s10, s1;
	s28 =	spop (v2sf);
	(v2sf) =	vpush v10, $0x4;
	p0 =	por !p3, !p0  }
0x135: {  	vm3 =	vmmov vm0;
	s9 =	smov.u32 @p1 s1;
	s29 =	spop (v2sf);
	(v2sf) =	vpush v10, $0x5;
	p0 =	por !p0, !p0  }
0x136: {  	vm3 =	vmneg @p0 vm3;
	s2 =	smov.u32 @p0 s9;
	s9 =	smov.u32 s8  }
0x137: {  	v11 =	vmov s0;
	vm3 =	vmand vm3, vm1;
	s9 =	smov.u32 @p0 s10;
	s1 =	sand.u32 s28, s2;
	s10 =	sshrl.u32 s2, $0x1  }
0x138: {  	v11 =	vsel vm2, s8, v11;
	p5 =	sgt.s32 s9, $0x0;
	p0 =	sle.s32 s1, s9;
	s12 =	sadd.s32 $0xFFFFFFFF, s9  }
0x139: {  	s14 =	smov.u32 s2;
	p0 =	por !p5, !p0;
	p1 =	sle.s32 s12, s10  }
0x13a: {  	p0 =	por !p0, !p0;
	s14 =	smov.u32 @p1 s10  }
0x13b: {  	vm4 =	vmmov vm0;
	v14 =	vmov s8;
	v13 =	vmov s1;
	s2 =	smov.u32 @p0 s14  }
0x13c: {  	v12 =	vmov s9;
	v13 =	vsel vm2, s9, v13;
	vm4 =	vmneg @p0 vm4;
	s9 =	smov.u32 @p0 s12;
	s30 =	sand.u32 s29, s2  }
0x13d: {  	v14 =	vsel vm2, s0, v14;
	vm4 =	vmand vm4, vm1;
	p1 =	sgt.s32 s9, $0x0;
	s8 =	sshrl.u32 s2, $0x1;
	s10 =	sadd.s32 $0xFFFFFFFF, s9;
	v11 =	vld.idx.msk [tilespmem:v11+s20+$0x0], vm3  }
0x13e: {  	s12 =	smov.u32 s2;
	s4 =	simm.s32 @!p1 $0x0;
	p0 =	sle.s32 s30, s9  }
0x13f: {  	s4 =	simm.s32 @p1 $0x1;
	p0 =	por !p1, !p0;
	p1 =	sle.s32 s10, s8  }
0x140: {  	p0 =	por !p0, !p0;
	s12 =	smov.u32 @p1 s8  }
0x141: {  	vm5 =	vmmov vm0;
	v12 =	vsel vm2, s1, v12;
	s8 =	spop (v2sf);
	s2 =	smov.u32 @p0 s12  }
0x142: {  	v15 =	vmov s30;
	[smem:$0x7F4] =	sst s4;
	vm5 =	vmneg @p0 vm5;
	(v2sf) =	vpush v10, $0x6;
	s1 =	sand.u32 s8, s2;
	[tilespmem:v14+s20+$0x0] =	vst.idx.msk vm3, v11  }
0x143: {  	s8 =	sshrl.u32 s2, $0x1;
	s14 =	spop (v2sf);
	v11 =	vmov s9;
	v14 =	vsel vm2, s9, v15;
	vm3 =	vmand vm5, vm1;
	s9 =	smov.u32 @p0 s10;
	v13 =	vld.idx.msk [tilespmem:v13+s20+$0x0], vm4  }
0x144: {  	s12 =	smov.u32 s2;
	(v2sf) =	vpush v10, $0x7;
	s16 =	spop (v2sf);
	p1 =	sgt.s32 s9, $0x0  }
0x145: {  	(v2sf) =	vpush v10, $0x8;
	p0 =	sle.s32 s1, s9;
	s10 =	sadd.s32 $0xFFFFFFFF, s9;
	s4 =	simm.s32 @!p1 $0x0  }
0x146: {  	p0 =	por !p1, !p0;
	s4 =	simm.s32 @p1 $0x1;
	p1 =	sle.s32 s10, s8  }
0x147: {  	vm5 =	vmmov vm0;
	p0 =	por !p0, !p0;
	s12 =	smov.u32 @p1 s8  }
0x148: {  	v15 =	vmov s1;
	v11 =	vsel vm2, s30, v11;
	vm5 =	vmneg @p0 vm5;
	s2 =	smov.u32 @p0 s12;
	[tilespmem:v12+s20+$0x0] =	vst.idx.msk vm4, v13  }
0x149: {  	[smem:$0x7F5] =	sst s4;
	v12 =	vmov s9;
	v13 =	vsel vm2, s9, v15;
	vm4 =	vmand vm5, vm1;
	s9 =	smov.u32 @p0 s10;
	s0 =	sand.u32 s14, s2;
	v14 =	vld.idx.msk [tilespmem:v14+s20+$0x0], vm3  }
0x14a: {  	s8 =	sshrl.u32 s2, $0x1;
	s12 =	smov.u32 s2;
	p1 =	sgt.s32 s9, $0x0  }
0x14b: {  	p0 =	sle.s32 s0, s9;
	s10 =	sadd.s32 $0xFFFFFFFF, s9;
	s4 =	simm.s32 @!p1 $0x0  }
0x14c: {  	p0 =	por !p1, !p0;
	s4 =	simm.s32 @p1 $0x1;
	p1 =	sle.s32 s10, s8  }
0x14d: {  	vm5 =	vmmov vm0;
	p0 =	por !p0, !p0;
	s12 =	smov.u32 @p1 s8  }
0x14e: {  	v12 =	vsel vm2, s1, v12;
	v15 =	vmov s0;
	[smem:$0x7F6] =	sst s4;
	vm5 =	vmneg @p0 vm5;
	s2 =	smov.u32 @p0 s12;
	[tilespmem:v11+s20+$0x0] =	vst.idx.msk vm3, v14  }
0x14f: {  	v11 =	vmov s9;
	v14 =	vsel vm2, s9, v15;
	vm3 =	vmand vm5, vm1;
	s9 =	smov.u32 @p0 s10;
	s1 =	sand.u32 s16, s2;
	s8 =	sshrl.u32 s2, $0x1;
	v13 =	vld.idx.msk [tilespmem:v13+s20+$0x0], vm4  }
0x150: {  	s12 =	smov.u32 s2;
	p1 =	sgt.s32 s9, $0x0;
	p0 =	sle.s32 s1, s9  }
0x151: {  	s10 =	sadd.s32 $0xFFFFFFFF, s9;
	s17 =	spop (v2sf);
	(v2sf) =	vpush v10, $0x9;
	s4 =	simm.s32 @!p1 $0x0  }
0x152: {  	p0 =	por !p1, !p0;
	s4 =	simm.s32 @p1 $0x1;
	p1 =	sle.s32 s10, s8  }
0x153: {  	vm5 =	vmmov vm0;
	s21 =	spop (v2sf);
	p0 =	por !p0, !p0;
	s12 =	smov.u32 @p1 s8  }
0x154: {  	v11 =	vsel vm2, s0, v11;
	v15 =	vmov s1;
	s22 =	spop (v2sf);
	vm5 =	vmneg @p0 vm5;
	s2 =	smov.u32 @p0 s12;
	[tilespmem:v12+s20+$0x0] =	vst.idx.msk vm4, v13  }
0x155: {  	[smem:$0x7F7] =	sst s4;
	v12 =	vmov s9;
	v13 =	vsel vm2, s9, v15;
	vm4 =	vmand vm5, vm1;
	s9 =	smov.u32 @p0 s10;
	s0 =	sand.u32 s17, s2;
	v14 =	vld.idx.msk [tilespmem:v14+s20+$0x0], vm3  }
0x156: {  	(v2sf) =	vpush v10, $0xA;
	s8 =	sshrl.u32 s2, $0x1;
	s12 =	smov.u32 s2;
	p1 =	sgt.s32 s9, $0x0  }
0x157: {  	(v2sf) =	vpush v10, $0xB;
	p0 =	sle.s32 s0, s9;
	s10 =	sadd.s32 $0xFFFFFFFF, s9;
	s4 =	simm.s32 @!p1 $0x0  }
0x158: {  	p0 =	por !p1, !p0;
	s4 =	simm.s32 @p1 $0x1;
	p1 =	sle.s32 s10, s8  }
0x159: {  	s25 =	sld [smem:$0x7F4];
	vm5 =	vmmov vm0;
	p0 =	por !p0, !p0;
	s12 =	smov.u32 @p1 s8  }
0x15a: {  	s28 =	sld [smem:$0x7F5];
	v12 =	vsel vm2, s1, v12;
	v15 =	vmov s0;
	vm5 =	vmneg @p0 vm5;
	s2 =	smov.u32 @p0 s12;
	[tilespmem:v11+s20+$0x0] =	vst.idx.msk vm3, v14  }
0x15b: {  	[smem:$0x7F8] =	sst s4;
	vm5 =	vmand vm5, vm1;
	v11 =	vmov s9;
	v14 =	vsel vm2, s9, v15;
	s9 =	smov.u32 @p0 s10;
	s1 =	sand.u32 s21, s2;
	v13 =	vld.idx.msk [tilespmem:v13+s20+$0x0], vm4  }
0x15c: {  	s8 =	sshrl.u32 s2, $0x1;
	s12 =	smov.u32 s2;
	p1 =	sgt.s32 s9, $0x0  }
0x15d: {  	p0 =	sle.s32 s1, s9;
	s10 =	sadd.s32 $0xFFFFFFFF, s9;
	s4 =	simm.s32 @!p1 $0x0  }
0x15e: {  	p0 =	por !p1, !p0;
	s4 =	simm.s32 @p1 $0x1;
	p1 =	sle.s32 s10, s8  }
0x15f: {  	s30 =	sld [smem:$0x7F6];
	vm3 =	vmmov vm0;
	p0 =	por !p0, !p0;
	s12 =	smov.u32 @p1 s8  }
0x160: {  	s16 =	sld [smem:$0x7F8];
	v11 =	vsel vm2, s0, v11;
	v15 =	vmov s1;
	vm3 =	vmneg @p0 vm3;
	s23 =	spop (v2sf);
	s2 =	smov.u32 @p0 s12;
	[tilespmem:v12+s20+$0x0] =	vst.idx.msk vm4, v13  }
0x161: {  	vm3 =	vmand vm3, vm1;
	v12 =	vmov s9;
	v13 =	vsel vm2, s9, v15;
	s9 =	smov.u32 @p0 s10;
	s0 =	sand.u32 s22, s2;
	s8 =	sshrl.u32 s2, $0x1;
	v14 =	vld.idx.msk [tilespmem:v14+s20+$0x0], vm5  }
0x162: {  	p2 =	sgt.s32 s9, $0x0;
	p0 =	sle.s32 s0, s9;
	s10 =	sadd.s32 $0xFFFFFFFF, s9  }
0x163: {  	(v2sf) =	vpush v10, $0xC;
	s12 =	smov.u32 s2;
	p0 =	por !p2, !p0;
	p1 =	sle.s32 s10, s8  }
0x164: {  	[smem:$0x7F9] =	sst s4;
	p0 =	por !p0, !p0;
	s12 =	smov.u32 @p1 s8  }
0x165: {  	s24 =	spop (v2sf);
	vm4 =	vmmov vm0;
	s8 =	simm.s32 $0x1;
	s2 =	smov.u32 @p0 s12  }
0x166: {  	s26 =	spop (v2sf);
	v12 =	vsel vm2, s1, v12;
	v15 =	vmov s0;
	vm4 =	vmneg @p0 vm4;
	s8 =	simm.s32 @!p3 $0x0;
	s1 =	sand.u32 s23, s2;
	[tilespmem:v11+s20+$0x0] =	vst.idx.msk vm5, v14  }
0x167: {  	vm4 =	vmand vm4, vm1;
	s14 =	smov.u32 s2;
	s5 =	sadd.s32 s8, s5;
	v11 =	vmov s9;
	v14 =	vsel vm2, s9, v15;
	s9 =	smov.u32 @p0 s10;
	v13 =	vld.idx.msk [tilespmem:v13+s20+$0x0], vm3  }
0x168: {  	s10 =	sshrl.u32 s2, $0x1;
	p1 =	sgt.s32 s9, $0x0;
	p0 =	sle.s32 s1, s9  }
0x169: {  	s12 =	sadd.s32 $0xFFFFFFFF, s9;
	s4 =	simm.s32 @!p1 $0x0;
	p0 =	por !p1, !p0  }
0x16a: {  	s4 =	simm.s32 @p1 $0x1;
	p0 =	por !p0, !p0;
	p1 =	sle.s32 s12, s10  }
0x16b: {  	vm5 =	vmmov vm0;
	s14 =	smov.u32 @p1 s10;
	s10 =	simm.s32 $0x1;
	p1 =	seq.s32 s25, $0x1  }
0x16c: {  	v15 =	vmov s1;
	v11 =	vsel vm2, s0, v11;
	[smem:$0x7FA] =	sst s4;
	vm5 =	vmneg @p0 vm5;
	s2 =	smov.u32 @p0 s14;
	s10 =	simm.s32 @!p1 $0x0;
	[tilespmem:v12+s20+$0x0] =	vst.idx.msk vm3, v13  }
0x16d: {  	p1 =	seq.s32 s28, $0x1;
	v12 =	vmov s9;
	v13 =	vsel vm2, s9, v15;
	vm3 =	vmand vm5, vm1;
	s9 =	smov.u32 @p0 s12;
	s12 =	simm.s32 $0x1;
	v14 =	vld.idx.msk [tilespmem:v14+s20+$0x0], vm4  }
0x16e: {  	s14 =	sand.u32 s24, s2;
	s0 =	sshrl.u32 s2, $0x1;
	s21 =	smov.u32 s2  }
0x16f: {  	(v2sf) =	vpush v10, $0xD;
	s24 =	sld [smem:$0x7F9];
	p6 =	sgt.s32 s9, $0x0;
	p0 =	sle.s32 s14, s9  }
0x170: {  	s12 =	simm.s32 @!p5 $0x0;
	s17 =	sadd.s32 $0xFFFFFFFF, s9;
	p0 =	por !p6, !p0  }
0x171: {  	vm5 =	vmmov vm0;
	v12 =	vsel vm2, s1, v12;
	s1 =	simm.s32 $0x1;
	p3 =	sle.s32 s17, s0;
	p0 =	por !p0, !p0  }
0x172: {  	s4 =	spop (v2sf);
	s12 =	sadd.s32 s12, s5;
	s21 =	smov.u32 @p3 s0;
	vm5 =	vmneg @p0 vm5;
	[tilespmem:v11+s20+$0x0] =	vst.idx.msk vm4, v14  }
0x173: {  	v15 =	vmov s14;
	s5 =	simm.s32 $0x1;
	s0 =	simm.s32 $0x1;
	s2 =	smov.u32 @p0 s21;
	vm4 =	vmand vm5, vm1;
	v13 =	vld.idx.msk [tilespmem:v13+s20+$0x0], vm3  }
0x174: {  	s10 =	sadd.s32 s10, s12;
	s29 =	sand.u32 s26, s2;
	v11 =	vmov s9;
	v14 =	vsel vm2, s9, v15;
	s9 =	smov.u32 @p0 s17  }
0x175: {  	s21 =	sshrl.u32 s2, $0x1;
	p3 =	sgt.s32 s9, $0x0;
	p0 =	sle.s32 s29, s9  }
0x176: {  	(v2sf) =	vpush v10, $0xE;
	s23 =	smov.u32 s2;
	s22 =	sadd.s32 $0xFFFFFFFF, s9;
	p0 =	por !p3, !p0  }
0x177: {  	vm5 =	vmmov vm0;
	v11 =	vsel vm2, s14, v11;
	s14 =	sld [smem:$0x7F7];
	p5 =	sle.s32 s22, s21;
	p0 =	por !p0, !p0  }
0x178: {  	s0 =	simm.s32 @!p1 $0x0;
	p1 =	seq.s32 s30, $0x1;
	s23 =	smov.u32 @p5 s21;
	vm5 =	vmneg @p0 vm5;
	[tilespmem:v12+s20+$0x0] =	vst.idx.msk vm3, v13  }
0x179: {  	s12 =	simm.s32 $0x1;
	s1 =	simm.s32 @!p1 $0x0;
	v15 =	vmov s29;
	s2 =	smov.u32 @p0 s23;
	vm3 =	vmand vm5, vm1;
	v12 =	vld.idx.msk [tilespmem:v14+s20+$0x0], vm4  }
0x17a: {  	v16 =	vmov s9;
	v15 =	vsel vm2, s9, v15;
	s9 =	smov.u32 @p0 s22;
	p0 =	seq.s32 s14, $0x1;
	s8 =	sand.u32 s4, s2  }
0x17b: {  	s5 =	simm.s32 @!p0 $0x0;
	p5 =	sgt.s32 s9, $0x0;
	p4 =	sle.s32 s8, s9  }
0x17c: {  	(v2sf) =	vpush v10, $0xF;
	s14 =	sshrl.u32 s2, $0x1;
	s21 =	sadd.s32 $0xFFFFFFFF, s9;
	p0 =	por !p5, !p4  }
0x17d: {  	s23 =	smov.u32 s2;
	vm5 =	vmmov vm0;
	p1 =	sle.s32 s21, s14;
	p0 =	por !p0, !p0  }
0x17e: {  	s17 =	spop (v2sf);
	s22 =	simm.s32 $0x1;
	v13 =	vmov s8;
	s23 =	smov.u32 @p1 s14;
	vm5 =	vmneg @p0 vm5;
	[tilespmem:v11+s20+$0x0] =	vst.idx.msk vm4, v12  }
0x17f: {  	v10 =	vsel vm2, s29, v16;
	p4 =	seq.s32 s16, $0x1;
	p1 =	seq.s32 s24, $0x1;
	s2 =	smov.u32 @p0 s23;
	v12 =	vsel vm2, s9, v13;
	vm4 =	vmand vm5, vm1;
	v13 =	vld.idx.msk [tilespmem:v15+s20+$0x0], vm3  }
0x180: {  	s22 =	simm.s32 @!p4 $0x0;
	s14 =	sand.u32 s17, s2;
	v11 =	vmov s9;
	s9 =	smov.u32 @p0 s21  }
0x181: {  	s12 =	simm.s32 @!p1 $0x0;
	p4 =	sgt.s32 s9, $0x0;
	p0 =	sle.s32 s14, s9  }
0x182: {  	s21 =	sshrl.u32 s2, $0x1;
	s23 =	sadd.s32 $0xFFFFFFFF, s9;
	p0 =	por !p4, !p0  }
0x183: {  	s24 =	smov.u32 s2;
	vm5 =	vmmov vm0;
	p1 =	sle.s32 s23, s21;
	p0 =	por !p0, !p0  }
0x184: {  	s28 =	sld [smem:$0x7FA];
	s0 =	sadd.s32 s0, s10;
	s24 =	smov.u32 @p1 s21;
	vm5 =	vmneg @p0 vm5;
	[tilespmem:v10+s20+$0x0] =	vst.idx.msk vm3, v13  }
0x185: {  	s0 =	sadd.s32 s1, s0;
	s25 =	spop (v2sf);
	v14 =	vmov s14;
	s2 =	smov.u32 @p0 s24;
	v10 =	vsel vm2, s8, v11;
	vm3 =	vmand vm5, vm1;
	v11 =	vld.idx.msk [tilespmem:v12+s20+$0x0], vm4  }
0x186: {  	s17 =	simm.s32 $0x1;
	v15 =	vmov s9;
	v14 =	vsel vm2, s9, v14;
	s9 =	smov.u32 @p0 s23;
	s26 =	sand.u32 s25, s2  }
0x187: {  	s17 =	simm.s32 @!p2 $0x0;
	p2 =	sgt.s32 s9, $0x0;
	p0 =	sle.s32 s26, s9  }
0x188: {  	s10 =	sadd.s32 $0xFFFFFFFF, s9;
	s8 =	sshrl.u32 s2, $0x1;
	p0 =	por !p2, !p0  }
0x189: {  	s21 =	smov.u32 s2;
	vm5 =	vmmov vm0;
	p1 =	sle.s32 s10, s8;
	p0 =	por !p0, !p0  }
0x18a: {  	s0 =	sadd.s32 s5, s0;
	v13 =	vmov s26;
	s21 =	smov.u32 @p1 s8;
	vm5 =	vmneg @p0 vm5;
	[tilespmem:v10+s20+$0x0] =	vst.idx.msk vm4, v11  }
0x18b: {  	s5 =	simm.s32 $0x1;
	s29 =	spop (v2sf);
	v12 =	vsel vm2, s14, v15;
	s2 =	smov.u32 @p0 s21;
	v11 =	vsel vm2, s9, v13;
	vm4 =	vmand vm5, vm1;
	v13 =	vld.idx.msk [tilespmem:v14+s20+$0x0], vm3  }
0x18c: {  	p1 =	seq.s32 s28, $0x1;
	s30 =	sand.u32 s29, s2;
	v10 =	vmov s9;
	s9 =	smov.u32 @p0 s10  }
0x18d: {  	s5 =	simm.s32 @!p1 $0x0;
	p1 =	sgt.s32 s9, $0x0;
	p0 =	sle.s32 s30, s9  }
0x18e: {  	p0 =	por !p1, !p0  }
0x18f: {  	s0 =	sadd.s32 s22, s0;
	vm5 =	vmmov vm0;
	p0 =	por !p0, !p0  }
0x190: {  	s0 =	sadd.s32 s12, s0;
	vm5 =	vmneg @p0 vm5;
	[tilespmem:v12+s20+$0x0] =	vst.idx.msk vm3, v13  }
0x191: {  	s1 =	simm.s32 $0x1;
	s0 =	sadd.s32 s17, s0;
	s8 =	simm.s32 $0x1;
	v10 =	vsel vm2, s26, v10;
	v12 =	vmov s30;
	vm3 =	vmand vm5, vm1;
	v11 =	vld.idx.msk [tilespmem:v11+s20+$0x0], vm4  }
0x192: {  	s12 =	simm.s32 $0x1;
	s8 =	simm.s32 @!p6 $0x0;
	s0 =	sadd.s32 s5, s0;
	v13 =	vsel vm2, s9, v12  }
0x193: {  	s12 =	simm.s32 @!p3 $0x0;
	s5 =	simm.s32 $0x1;
	s0 =	sadd.s32 s8, s0  }
0x194: {  	s5 =	simm.s32 @!p5 $0x0;
	s8 =	simm.s32 $0x1;
	s0 =	sadd.s32 s12, s0  }
0x195: {  	s1 =	simm.s32 @!p2 $0x0;
	s8 =	simm.s32 @!p4 $0x0;
	s0 =	sadd.s32 s5, s0  }
0x196: {  	s5 =	sshrl.u32 s2, $0x1;
	s0 =	sadd.s32 s8, s0;
	s8 =	sadd.s32 $0xFFFFFFFF, s9;
	v12 =	vmov s9;
	[tilespmem:v10+s20+$0x0] =	vst.idx.msk vm4, v11  }
0x197: {  	s14 =	simm.s32 $0x1;
	s17 =	smov.u32 s2;
	p2 =	sle.s32 s8, s5;
	v12 =	vsel vm2, s30, v12;
	v10 =	vld.idx.msk [tilespmem:v13+s20+$0x0], vm3  }
0x198: {  	s14 =	simm.s32 @!p1 $0x0;
	s0 =	sadd.s32 s1, s0;
	s17 =	smov.u32 @p2 s5  }
0x199: {  	s12 =	simm.s32 $0x80;
	s22 =	sadd.s32 s14, s0;
	s2 =	smov.u32 @p0 s17  }
0x19a: {  	s0 =	simm.s32 $0x10;
	s5 =	sshrl.u32 s2, $0x1;
	s9 =	smov.u32 @p0 s8  }
.LBB2_14:
0x19b: {  	p3 =	sne.s32 s12, $0xC0  }
0x19c: {  	s0 =	sadd.s32 s0, s6;
	[tilespmem:v12+s20+$0x0] =	vst.idx.msk vm3, v10;
	s10 =	smov.u32 s12;
	s12 =	sadd.s32 $0x40, s12  }
0x19d: {  	v10 =	vld [tilespmem:s0+$0x0];
	_ =	sdelay $0x4  }
0x19e: {  	(v2sf) =	vpush v10, $0x0;
	_ =	sdelay $0x4  }
0x19f: {  	(v2sf) =	vpush v10, $0x1;
	_ =	sdelay $0x3  }
0x1a0: {  	(v2sf) =	vpush v10, $0x2;
	_ =	sdelay $0x4  }
0x1a1: {  	(v2sf) =	vpush v10, $0x3  }
0x1a2: {  	p0 =	sgt.s32 s9, $0x0;
	s0 =	spop (v2sf)  }
0x1a3: {  	s1 =	sadd.s32 $0xFFFFFFFF, s9;
	s8 =	simm.s32 $0x1;
	s0 =	sand.u32 s2, s0  }
0x1a4: {  	s14 =	smov.u32 s2;
	p2 =	sle.s32 s1, s5;
	p1 =	sle.s32 s0, s9;
	v11 =	vmov s0  }
0x1a5: {  	s8 =	simm.s32 @!p0 $0x0;
	s14 =	smov.u32 @p2 s5;
	p1 =	por !p0, !p1  }
0x1a6: {  	s5 =	sadd.s32 s8, s22;
	s8 =	smov.u32 s9;
	p0 =	por !p1, !p1;
	(v2sf) =	vpush v10, $0x4  }
0x1a7: {  	vm3 =	vmmov vm0;
	s2 =	smov.u32 @p0 s14;
	s14 =	spop (v2sf);
	s8 =	smov.u32 @p0 s1  }
0x1a8: {  	vm3 =	vmneg @p0 vm3;
	s1 =	sand.u32 s14, s2;
	s14 =	sshrl.u32 s2, $0x1;
	p0 =	sgt.s32 s8, $0x0  }
0x1a9: {  	vm3 =	vmand vm3, vm1;
	v12 =	vmov s8;
	s17 =	sadd.s32 $0xFFFFFFFF, s8;
	s21 =	smov.u32 s2;
	p1 =	sle.s32 s1, s8  }
0x1aa: {  	v11 =	vsel vm2, s9, v11;
	v13 =	vmov s1;
	v14 =	vsel vm2, s1, v12;
	p2 =	sle.s32 s17, s14;
	s1 =	simm.s32 $0x1;
	p1 =	por !p0, !p1  }
0x1ab: {  	v13 =	vsel vm2, s8, v13;
	s1 =	simm.s32 @!p0 $0x0;
	s21 =	smov.u32 @p2 s14;
	p0 =	por !p1, !p1  }
0x1ac: {  	s14 =	spop (v2sf);
	s2 =	smov.u32 @p0 s21  }
0x1ad: {  	vm4 =	vmmov vm0;
	(v2sf) =	vpush v10, $0x5;
	s1 =	sadd.s32 s1, s5;
	s8 =	smov.u32 @p0 s17;
	s5 =	sand.u32 s14, s2  }
0x1ae: {  	v15 =	vmov s9;
	vm4 =	vmneg @p0 vm4;
	v12 =	vmov s8;
	s14 =	sshrl.u32 s2, $0x1;
	s17 =	sadd.s32 $0xFFFFFFFF, s8;
	p0 =	sgt.s32 s8, $0x0  }
0x1af: {  	v15 =	vsel vm2, s0, v15;
	s0 =	smov.u32 s2;
	p1 =	sle.s32 s5, s8;
	v16 =	vmov s5;
	v17 =	vsel vm2, s5, v12;
	s5 =	simm.s32 $0x1  }
0x1b0: {  	v11 =	vld.idx.msk [tilespmem:v11+s20+$0x0], vm3;
	p2 =	sle.s32 s17, s14;
	p1 =	por !p0, !p1;
	s5 =	simm.s32 @!p0 $0x0  }
0x1b1: {  	vm4 =	vmand vm4, vm1;
	v16 =	vsel vm2, s8, v16;
	s0 =	smov.u32 @p2 s14;
	p0 =	por !p1, !p1;
	s1 =	sadd.s32 s5, s1  }
0x1b2: {  	s5 =	spop (v2sf);
	s8 =	smov.u32 @p0 s17;
	s2 =	smov.u32 @p0 s0  }
0x1b3: {  	vm5 =	vmmov vm0;
	(v2sf) =	vpush v10, $0x6;
	s0 =	sand.u32 s5, s2;
	v12 =	vmov s8;
	s5 =	sshrl.u32 s2, $0x1;
	s9 =	sadd.s32 $0xFFFFFFFF, s8  }
0x1b4: {  	vm5 =	vmneg @p0 vm5;
	p1 =	sle.s32 s0, s8;
	v18 =	vmov s0;
	v12 =	vsel vm2, s0, v12;
	p2 =	sle.s32 s9, s5;
	s0 =	smov.u32 s2  }
0x1b5: {  	p0 =	sgt.s32 s8, $0x0;
	s0 =	smov.u32 @p2 s5;
	s5 =	simm.s32 $0x1  }
0x1b6: {  	p1 =	por !p0, !p1;
	s5 =	simm.s32 @!p0 $0x0  }
0x1b7: {  	[tilespmem:v15+s20+$0x0] =	vst.idx.msk vm3, v11;
	v18 =	vsel vm2, s8, v18;
	p0 =	por !p1, !p1;
	s1 =	sadd.s32 s5, s1  }
0x1b8: {  	vm3 =	vmmov vm0;
	v13 =	vld.idx.msk [tilespmem:v13+s20+$0x0], vm4;
	s5 =	spop (v2sf);
	(v2sf) =	vpush v10, $0x7;
	s8 =	smov.u32 @p0 s9;
	s2 =	smov.u32 @p0 s0  }
0x1b9: {  	vm5 =	vmand vm5, vm1;
	vm3 =	vmneg @p0 vm3;
	s0 =	sand.u32 s5, s2;
	v11 =	vmov s8;
	s5 =	sshrl.u32 s2, $0x1;
	s9 =	sadd.s32 $0xFFFFFFFF, s8  }
0x1ba: {  	p1 =	sle.s32 s0, s8;
	v15 =	vmov s0;
	v11 =	vsel vm2, s0, v11;
	p2 =	sle.s32 s9, s5;
	s0 =	smov.u32 s2  }
0x1bb: {  	p0 =	sgt.s32 s8, $0x0;
	s0 =	smov.u32 @p2 s5;
	s5 =	simm.s32 $0x1  }
0x1bc: {  	p1 =	por !p0, !p1;
	v19 =	vsel vm2, s8, v15;
	s5 =	simm.s32 @!p0 $0x0  }
0x1bd: {  	p0 =	por !p1, !p1;
	s14 =	spop (v2sf);
	(v2sf) =	vpush v10, $0x8  }
0x1be: {  	s8 =	smov.u32 @p0 s9;
	s2 =	smov.u32 @p0 s0;
	s0 =	sadd.s32 s5, s1;
	[tilespmem:v14+s20+$0x0] =	vst.idx.msk vm4, v13;
	vm4 =	vmmov vm0  }
0x1bf: {  	s1 =	sand.u32 s14, s2;
	v14 =	vmov s8;
	s5 =	sshrl.u32 s2, $0x1;
	s9 =	sadd.s32 $0xFFFFFFFF, s8;
	vm4 =	vmneg @p0 vm4  }
0x1c0: {  	p1 =	sle.s32 s1, s8;
	v15 =	vsel vm2, s1, v14;
	p2 =	sle.s32 s9, s5;
	v13 =	vld.idx.msk [tilespmem:v16+s20+$0x0], vm5;
	v16 =	vmov s1;
	s1 =	smov.u32 s2  }
0x1c1: {  	vm3 =	vmand vm3, vm1;
	p0 =	sgt.s32 s8, $0x0;
	s1 =	smov.u32 @p2 s5;
	s5 =	simm.s32 $0x1  }
0x1c2: {  	p1 =	por !p0, !p1;
	v20 =	vsel vm2, s8, v16;
	s5 =	simm.s32 @!p0 $0x0  }
0x1c3: {  	vm6 =	vmmov vm0;
	p0 =	por !p1, !p1;
	s0 =	sadd.s32 s5, s0;
	s5 =	spop (v2sf);
	(v2sf) =	vpush v10, $0x9  }
0x1c4: {  	vm6 =	vmneg @p0 vm6;
	s8 =	smov.u32 @p0 s9;
	s2 =	smov.u32 @p0 s1  }
0x1c5: {  	s1 =	sand.u32 s5, s2;
	v14 =	vmov s8;
	s5 =	sshrl.u32 s2, $0x1;
	s9 =	sadd.s32 $0xFFFFFFFF, s8  }
0x1c6: {  	p1 =	sle.s32 s1, s8;
	v16 =	vsel vm2, s1, v14;
	p2 =	sle.s32 s9, s5;
	[tilespmem:v17+s20+$0x0] =	vst.idx.msk vm5, v13;
	v13 =	vmov s1;
	s1 =	smov.u32 s2  }
0x1c7: {  	p0 =	sgt.s32 s8, $0x0;
	s1 =	smov.u32 @p2 s5;
	s5 =	simm.s32 $0x1  }
0x1c8: {  	p1 =	por !p0, !p1;
	s5 =	simm.s32 @!p0 $0x0  }
0x1c9: {  	v17 =	vld.idx.msk [tilespmem:v18+s20+$0x0], vm3;
	v18 =	vsel vm2, s8, v13;
	p0 =	por !p1, !p1;
	s0 =	sadd.s32 s5, s0  }
0x1ca: {  	vm5 =	vmand vm4, vm1;
	vm4 =	vmmov vm0;
	s5 =	spop (v2sf);
	(v2sf) =	vpush v10, $0xA;
	s8 =	smov.u32 @p0 s9;
	s2 =	smov.u32 @p0 s1  }
0x1cb: {  	vm4 =	vmneg @p0 vm4;
	s1 =	sand.u32 s5, s2;
	s5 =	sshrl.u32 s2, $0x1;
	s9 =	sadd.s32 $0xFFFFFFFF, s8  }
0x1cc: {  	v13 =	vmov s8;
	p0 =	sgt.s32 s8, $0x0;
	s14 =	smov.u32 s2;
	p1 =	sle.s32 s1, s8  }
0x1cd: {  	v21 =	vmov s1;
	v14 =	vsel vm2, s1, v13;
	p2 =	sle.s32 s9, s5;
	s1 =	simm.s32 $0x1;
	p1 =	por !p0, !p1  }
0x1ce: {  	v21 =	vsel vm2, s8, v21;
	s14 =	smov.u32 @p2 s5;
	s1 =	simm.s32 @!p0 $0x0;
	p0 =	por !p1, !p1  }
0x1cf: {  	[tilespmem:v12+s20+$0x0] =	vst.idx.msk vm3, v17;
	s5 =	spop (v2sf);
	(v2sf) =	vpush v10, $0xB;
	vm3 =	vmmov vm0;
	s8 =	smov.u32 @p0 s9;
	s2 =	smov.u32 @p0 s14  }
0x1d0: {  	v13 =	vld.idx.msk [tilespmem:v19+s20+$0x0], vm5;
	vm3 =	vmneg @p0 vm3;
	s5 =	sand.u32 s5, s2;
	s9 =	sshrl.u32 s2, $0x1;
	s14 =	sadd.s32 $0xFFFFFFFF, s8  }
0x1d1: {  	vm8 =	vmand vm6, vm1;
	v12 =	vmov s8;
	p0 =	sgt.s32 s8, $0x0;
	s17 =	smov.u32 s2;
	p1 =	sle.s32 s5, s8  }
0x1d2: {  	v17 =	vmov s5;
	v12 =	vsel vm2, s5, v12;
	p2 =	sle.s32 s14, s9;
	s5 =	simm.s32 $0x1;
	p1 =	por !p0, !p1  }
0x1d3: {  	v19 =	vsel vm2, s8, v17;
	s17 =	smov.u32 @p2 s9;
	s5 =	simm.s32 @!p0 $0x0;
	p0 =	por !p1, !p1  }
0x1d4: {  	vm6 =	vmmov vm0;
	s9 =	spop (v2sf);
	(v2sf) =	vpush v10, $0xC;
	s8 =	smov.u32 @p0 s14;
	s2 =	smov.u32 @p0 s17  }
0x1d5: {  	vm6 =	vmneg @p0 vm6;
	s9 =	sand.u32 s9, s2;
	s14 =	sshrl.u32 s2, $0x1;
	p0 =	sgt.s32 s8, $0x0  }
0x1d6: {  	s17 =	sadd.s32 $0xFFFFFFFF, s8;
	s21 =	smov.u32 s2;
	[tilespmem:v11+s20+$0x0] =	vst.idx.msk vm5, v13;
	v11 =	vmov s8;
	p1 =	sle.s32 s9, s8  }
0x1d7: {  	v13 =	vmov s9;
	p2 =	sle.s32 s17, s14;
	v20 =	vld.idx.msk [tilespmem:v20+s20+$0x0], vm8;
	v11 =	vsel vm2, s9, v11;
	p1 =	por !p0, !p1;
	s9 =	simm.s32 $0x1  }
0x1d8: {  	vm7 =	vmand vm4, vm1;
	v17 =	vsel vm2, s8, v13;
	s21 =	smov.u32 @p2 s14;
	s9 =	simm.s32 @!p0 $0x0;
	p0 =	por !p1, !p1  }
0x1d9: {  	s14 =	spop (v2sf);
	s2 =	smov.u32 @p0 s21  }
0x1da: {  	vm5 =	vmmov vm0;
	(v2sf) =	vpush v10, $0xD;
	s8 =	smov.u32 @p0 s17;
	s14 =	sand.u32 s14, s2  }
0x1db: {  	vm5 =	vmneg @p0 vm5;
	v13 =	vmov s8;
	s17 =	sshrl.u32 s2, $0x1;
	s21 =	sadd.s32 $0xFFFFFFFF, s8;
	p0 =	sgt.s32 s8, $0x0  }
0x1dc: {  	p1 =	sle.s32 s14, s8;
	v22 =	vmov s14;
	v13 =	vsel vm2, s14, v13;
	p2 =	sle.s32 s21, s17;
	s14 =	smov.u32 s2  }
0x1dd: {  	p1 =	por !p0, !p1;
	s14 =	smov.u32 @p2 s17;
	s17 =	simm.s32 $0x1  }
0x1de: {  	[tilespmem:v15+s20+$0x0] =	vst.idx.msk vm8, v20;
	v15 =	vsel vm2, s8, v22;
	s17 =	simm.s32 @!p0 $0x0;
	p0 =	por !p1, !p1  }
0x1df: {  	s0 =	sadd.s32 s1, s0;
	s1 =	spop (v2sf);
	s2 =	smov.u32 @p0 s14  }
0x1e0: {  	vm4 =	vmmov vm0;
	s0 =	sadd.s32 s5, s0;
	v22 =	vld.idx.msk [tilespmem:v18+s20+$0x0], vm7;
	(v2sf) =	vpush v10, $0xE;
	s8 =	smov.u32 @p0 s21;
	s1 =	sand.u32 s1, s2  }
0x1e1: {  	vm8 =	vmand vm3, vm1;
	vm4 =	vmneg @p0 vm4;
	v18 =	vmov s8;
	s5 =	sshrl.u32 s2, $0x1;
	s14 =	sadd.s32 $0xFFFFFFFF, s8;
	p0 =	sgt.s32 s8, $0x0  }
0x1e2: {  	p1 =	sle.s32 s1, s8;
	v20 =	vmov s1;
	v18 =	vsel vm2, s1, v18;
	p2 =	sle.s32 s14, s5;
	s1 =	smov.u32 s2  }
0x1e3: {  	p1 =	por !p0, !p1;
	s1 =	smov.u32 @p2 s5;
	s5 =	simm.s32 $0x1  }
0x1e4: {  	v20 =	vsel vm2, s8, v20;
	s5 =	simm.s32 @!p0 $0x0;
	p0 =	por !p1, !p1  }
0x1e5: {  	s0 =	sadd.s32 s9, s0;
	s9 =	spop (v2sf);
	s2 =	smov.u32 @p0 s1  }
0x1e6: {  	vm3 =	vmmov vm0;
	s0 =	sadd.s32 s17, s0;
	(v2sf) =	vpush v10, $0xF;
	s8 =	smov.u32 @p0 s14;
	s1 =	sand.u32 s9, s2  }
0x1e7: {  	vm3 =	vmneg @p0 vm3;
	[tilespmem:v16+s20+$0x0] =	vst.idx.msk vm7, v22;
	v10 =	vmov s8;
	s9 =	sshrl.u32 s2, $0x1;
	s14 =	sadd.s32 $0xFFFFFFFF, s8;
	p0 =	sgt.s32 s8, $0x0  }
0x1e8: {  	v16 =	vld.idx.msk [tilespmem:v21+s20+$0x0], vm8;
	p1 =	sle.s32 s1, s8;
	v21 =	vmov s1;
	v10 =	vsel vm2, s1, v10;
	p2 =	sle.s32 s14, s9;
	s1 =	smov.u32 s2  }
0x1e9: {  	vm7 =	vmand vm6, vm1;
	p1 =	por !p0, !p1;
	s1 =	smov.u32 @p2 s9;
	s9 =	simm.s32 $0x1  }
0x1ea: {  	v21 =	vsel vm2, s8, v21;
	s9 =	simm.s32 @!p0 $0x0;
	p0 =	por !p1, !p1  }
0x1eb: {  	s0 =	sadd.s32 s5, s0;
	vm6 =	vmmov vm0;
	s5 =	spop (v2sf);
	s2 =	smov.u32 @p0 s1  }
0x1ec: {  	vm6 =	vmneg @p0 vm6;
	s8 =	smov.u32 @p0 s14;
	s0 =	sadd.s32 s9, s0;
	s1 =	sand.u32 s5, s2  }
0x1ed: {  	v22 =	vmov s8;
	s5 =	sshrl.u32 s2, $0x1;
	s9 =	sadd.s32 $0xFFFFFFFF, s8;
	p0 =	sgt.s32 s8, $0x0  }
0x1ee: {  	p1 =	sle.s32 s1, s8;
	p2 =	sle.s32 s9, s5;
	[tilespmem:v14+s20+$0x0] =	vst.idx.msk vm8, v16;
	v14 =	vmov s1;
	v16 =	vsel vm2, s1, v22;
	s1 =	smov.u32 s2  }
0x1ef: {  	p1 =	por !p0, !p1;
	s1 =	smov.u32 @p2 s5;
	s5 =	simm.s32 $0x1  }
0x1f0: {  	v19 =	vld.idx.msk [tilespmem:v19+s20+$0x0], vm7;
	v14 =	vsel vm2, s8, v14;
	s5 =	simm.s32 @!p0 $0x0;
	p0 =	por !p1, !p1  }
0x1f1: {  	s0 =	sadd.s32 s5, s0;
	s5 =	spop (v2sf);
	s2 =	smov.u32 @p0 s1  }
0x1f2: {  	vm8 =	vmand vm5, vm1;
	vm5 =	vmmov vm0;
	s8 =	smov.u32 @p0 s9;
	s1 =	sand.u32 s5, s2  }
0x1f3: {  	vm5 =	vmneg @p0 vm5;
	v22 =	vmov s8;
	s5 =	sshrl.u32 s2, $0x1;
	s9 =	sadd.s32 $0xFFFFFFFF, s8;
	p0 =	sgt.s32 s8, $0x0  }
0x1f4: {  	p1 =	sle.s32 s1, s8;
	v23 =	vmov s1;
	v22 =	vsel vm2, s1, v22;
	p2 =	sle.s32 s9, s5;
	s1 =	smov.u32 s2  }
0x1f5: {  	p1 =	por !p0, !p1;
	s1 =	smov.u32 @p2 s5;
	s5 =	simm.s32 $0x1  }
0x1f6: {  	v23 =	vsel vm2, s8, v23;
	s5 =	simm.s32 @!p0 $0x0;
	p0 =	por !p1, !p1  }
0x1f7: {  	[tilespmem:v12+s20+$0x0] =	vst.idx.msk vm7, v19;
	s0 =	sadd.s32 s5, s0;
	s5 =	spop (v2sf);
	vm7 =	vmmov vm0;
	s2 =	smov.u32 @p0 s1  }
0x1f8: {  	s8 =	smov.u32 @p0 s9;
	s9 =	simm.s32 $0x1;
	v17 =	vld.idx.msk [tilespmem:v17+s20+$0x0], vm8;
	vm7 =	vmneg @p0 vm7;
	s1 =	sand.u32 s5, s2  }
0x1f9: {  	vm9 =	vmand vm4, vm1;
	v12 =	vmov s8;
	s5 =	sshrl.u32 s2, $0x1;
	p0 =	sgt.s32 s8, $0x0;
	s14 =	smov.u32 s2  }
0x1fa: {  	p1 =	sle.s32 s1, s8;
	v19 =	vmov s1;
	v12 =	vsel vm2, s1, v12;
	s1 =	sadd.s32 $0xFFFFFFFF, s8;
	s9 =	simm.s32 @!p0 $0x0  }
0x1fb: {  	p1 =	por !p0, !p1;
	v19 =	vsel vm2, s8, v19;
	p2 =	sle.s32 s1, s5;
	s22 =	sadd.s32 s9, s0  }
0x1fc: {  	vm4 =	vmmov vm0;
	s9 =	smov.u32 s8;
	p0 =	por !p1, !p1;
	s14 =	smov.u32 @p2 s5  }
0x1fd: {  	vm4 =	vmneg @p0 vm4;
	s9 =	smov.u32 @p0 s1;
	s2 =	smov.u32 @p0 s14  }
0x1fe: {  	s5 =	sshrl.u32 s2, $0x1;
	[tilespmem:v11+s20+$0x0] =	vst.idx.msk vm8, v17  }
0x1ff: {  	v11 =	vld.idx.msk [tilespmem:v15+s20+$0x0], vm9  }
0x200: {  	vm3 =	vmand vm3, vm1;
	_ =	sdelay $0x4  }
0x201: {  	[tilespmem:v13+s20+$0x0] =	vst.idx.msk vm9, v11  }
0x202: {  	v11 =	vld.idx.msk [tilespmem:v20+s20+$0x0], vm3  }
0x203: {  	vm6 =	vmand vm6, vm1;
	_ =	sdelay $0x4  }
0x204: {  	[tilespmem:v18+s20+$0x0] =	vst.idx.msk vm3, v11  }
0x205: {  	v11 =	vld.idx.msk [tilespmem:v21+s20+$0x0], vm6  }
0x206: {  	vm3 =	vmand vm5, vm1;
	_ =	sdelay $0x4  }
0x207: {  	[tilespmem:v10+s20+$0x0] =	vst.idx.msk vm6, v11  }
0x208: {  	v10 =	vld.idx.msk [tilespmem:v14+s20+$0x0], vm3  }
0x209: {  	vm5 =	vmand vm7, vm1;
	_ =	sdelay $0x4  }
0x20a: {  	[tilespmem:v16+s20+$0x0] =	vst.idx.msk vm3, v10  }
0x20b: {  	v10 =	vld.idx.msk [tilespmem:v23+s20+$0x0], vm5  }
0x20c: {  	vm3 =	vmand vm4, vm1;
	_ =	sdelay $0x4  }
0x20d: {  	[tilespmem:v22+s20+$0x0] =	vst.idx.msk vm5, v10  }
0x20e: {  	v10 =	vld.idx.msk [tilespmem:v19+s20+$0x0], vm3  }
.Ltmp14:
0x20f: {  	(pc) =	sbr.rel @p3 .LBB2_14-.Ltmp14, $2  }
0x210: {  	_ =	sdelay $0x2  }
0x211: {  	s0 =	sshra.s32 s10, $0x2  }
0x212: {  	_ =	sdelay $0x4  }
0x213: {  	s0 =	sadd.s32 s0, s6;
	[tilespmem:v12+s20+$0x0] =	vst.idx.msk vm3, v10  }
0x214: {  	v10 =	vld [tilespmem:s0+$0x0];
	_ =	sdelay $0x4  }
0x215: {  	(v2sf) =	vpush v10, $0x0;
	_ =	sdelay $0x5  }
0x216: {  	(v2sf) =	vpush v10, $0x1;
	_ =	sdelay $0x3  }
0x217: {  	(v2sf) =	vpush v10, $0x2;
	_ =	sdelay $0x4  }
0x218: {  	s25 =	spop (v2sf)  }
0x219: {  	(v2sf) =	vpush v10, $0x3;
	s0 =	sand.u32 s2, s25  }
0x21a: {  	p2 =	sgt.s32 s9, $0x0;
	p0 =	sle.s32 s0, s9  }
0x21b: {  	s1 =	sadd.s32 $0xFFFFFFFF, s9;
	p0 =	por !p2, !p0  }
0x21c: {  	s8 =	smov.u32 s2;
	vm3 =	vmmov vm0;
	p1 =	sle.s32 s1, s5;
	p0 =	por !p0, !p0  }
0x21d: {  	s8 =	smov.u32 @p1 s5;
	vm3 =	vmneg @p0 vm3  }
0x21e: {  	s26 =	spop (v2sf);
	v11 =	vmov s0;
	s2 =	smov.u32 @p0 s8;
	s8 =	smov.u32 s9;
	vm3 =	vmand vm3, vm1  }
0x21f: {  	v11 =	vsel vm2, s9, v11;
	s8 =	smov.u32 @p0 s1;
	s28 =	sand.u32 s26, s2;
	s5 =	sshrl.u32 s2, $0x1  }
0x220: {  	(v2sf) =	vpush v10, $0x4;
	p6 =	sgt.s32 s8, $0x0;
	p0 =	sle.s32 s28, s8;
	s10 =	sadd.s32 $0xFFFFFFFF, s8  }
0x221: {  	s12 =	smov.u32 s2;
	p0 =	por !p6, !p0;
	p1 =	sle.s32 s10, s5  }
0x222: {  	vm4 =	vmmov vm0;
	v14 =	vmov s9;
	s29 =	spop (v2sf);
	(v2sf) =	vpush v10, $0x5;
	p0 =	por !p0, !p0;
	s12 =	smov.u32 @p1 s5  }
0x223: {  	v14 =	vsel vm2, s0, v14;
	v13 =	vmov s28;
	vm4 =	vmneg @p0 vm4;
	s2 =	smov.u32 @p0 s12  }
0x224: {  	v31 =	vmov s8;
	v13 =	vsel vm2, s8, v13;
	s8 =	smov.u32 @p0 s10;
	vm4 =	vmand vm4, vm1;
	s30 =	sand.u32 s29, s2;
	v11 =	vld.idx.msk [tilespmem:v11+s20+$0x0], vm3  }
0x225: {  	p1 =	sgt.s32 s8, $0x0;
	s5 =	sshrl.u32 s2, $0x1;
	s9 =	sadd.s32 $0xFFFFFFFF, s8  }
0x226: {  	s10 =	smov.u32 s2;
	s4 =	simm.s32 @!p1 $0x0;
	p0 =	sle.s32 s30, s8  }
0x227: {  	s4 =	simm.s32 @p1 $0x1;
	p0 =	por !p1, !p0;
	p1 =	sle.s32 s9, s5  }
0x228: {  	vm5 =	vmmov vm0;
	[smem:$0x7EB] =	sst s4;
	p0 =	por !p0, !p0;
	s4 =	spop (v2sf);
	(v2sf) =	vpush v10, $0x6  }
0x229: {  	v12 =	vsel vm2, s28, v31;
	v15 =	vmov s30;
	s10 =	smov.u32 @p1 s5;
	vm5 =	vmneg @p0 vm5;
	[tilespmem:v14+s20+$0x0] =	vst.idx.msk vm3, v11  }
0x22a: {  	v32 =	vsel vm2, s8, v15;
	s2 =	smov.u32 @p0 s10;
	v11 =	vmov s8;
	vm3 =	vmand vm5, vm1;
	s8 =	smov.u32 @p0 s9;
	v13 =	vld.idx.msk [tilespmem:v13+s20+$0x0], vm4  }
0x22b: {  	s1 =	sand.u32 s4, s2;
	s5 =	sshrl.u32 s2, $0x1;
	p1 =	sgt.s32 s8, $0x0  }
0x22c: {  	s10 =	smov.u32 s2;
	p0 =	sle.s32 s1, s8;
	s4 =	simm.s32 @!p1 $0x0  }
0x22d: {  	s9 =	sadd.s32 $0xFFFFFFFF, s8;
	p0 =	por !p1, !p0;
	s4 =	simm.s32 @p1 $0x1  }
0x22e: {  	vm5 =	vmmov vm0;
	v33 =	vmov s1;
	v34 =	vmov s8;
	p1 =	sle.s32 s9, s5;
	p0 =	por !p0, !p0;
	[smem:$0x7EC] =	sst s4  }
0x22f: {  	v35 =	vsel vm2, s8, v33;
	s10 =	smov.u32 @p1 s5;
	vm5 =	vmneg @p0 vm5;
	s5 =	spop (v2sf);
	s8 =	smov.u32 @p0 s9;
	(v2sf) =	vpush v10, $0x7;
	[tilespmem:v12+s20+$0x0] =	vst.idx.msk vm4, v13  }
0x230: {  	v11 =	vsel vm2, s30, v11;
	s2 =	smov.u32 @p0 s10;
	vm9 =	vmand vm5, vm1;
	p1 =	sgt.s32 s8, $0x0;
	s9 =	sadd.s32 $0xFFFFFFFF, s8;
	v14 =	vld.idx.msk [tilespmem:v32+s20+$0x0], vm3  }
0x231: {  	s12 =	spop (v2sf);
	(v2sf) =	vpush v10, $0x8;
	s0 =	sand.u32 s5, s2;
	s4 =	simm.s32 @!p1 $0x0  }
0x232: {  	s5 =	sshrl.u32 s2, $0x1;
	s10 =	smov.u32 s2;
	p0 =	sle.s32 s0, s8  }
0x233: {  	s4 =	simm.s32 @p1 $0x1;
	p0 =	por !p1, !p0;
	p1 =	sle.s32 s9, s5  }
0x234: {  	vm5 =	vmmov vm0;
	p0 =	por !p0, !p0;
	s10 =	smov.u32 @p1 s5  }
0x235: {  	vm5 =	vmneg @p0 vm5;
	s2 =	smov.u32 @p0 s10;
	[tilespmem:v11+s20+$0x0] =	vst.idx.msk vm3, v14  }
0x236: {  	v12 =	vsel vm2, s1, v34;
	v36 =	vmov s0;
	[smem:$0x7ED] =	sst s4;
	s1 =	sand.u32 s12, s2;
	vm3 =	vmand vm5, vm1;
	v13 =	vld.idx.msk [tilespmem:v35+s20+$0x0], vm9  }
0x237: {  	v37 =	vsel vm2, s8, v36;
	s5 =	sshrl.u32 s2, $0x1;
	v11 =	vmov s8;
	s8 =	smov.u32 @p0 s9;
	s14 =	spop (v2sf);
	(v2sf) =	vpush v10, $0x9  }
0x238: {  	s10 =	smov.u32 s2;
	p1 =	sgt.s32 s8, $0x0;
	p0 =	sle.s32 s1, s8  }
0x239: {  	s9 =	sadd.s32 $0xFFFFFFFF, s8;
	s4 =	simm.s32 @!p1 $0x0;
	p0 =	por !p1, !p0  }
0x23a: {  	vm5 =	vmmov vm0;
	v38 =	vmov s1;
	s4 =	simm.s32 @p1 $0x1;
	p0 =	por !p0, !p0;
	p1 =	sle.s32 s9, s5  }
0x23b: {  	v39 =	vmov s8;
	v40 =	vsel vm2, s8, v38;
	[smem:$0x7EE] =	sst s4;
	s10 =	smov.u32 @p1 s5;
	vm5 =	vmneg @p0 vm5;
	s8 =	smov.u32 @p0 s9;
	[tilespmem:v12+s20+$0x0] =	vst.idx.msk vm9, v13  }
0x23c: {  	v11 =	vsel vm2, s0, v11;
	s2 =	smov.u32 @p0 s10;
	vm10 =	vmand vm5, vm1;
	p1 =	sgt.s32 s8, $0x0;
	s9 =	sadd.s32 $0xFFFFFFFF, s8;
	v14 =	vld.idx.msk [tilespmem:v37+s20+$0x0], vm3  }
0x23d: {  	s0 =	sand.u32 s14, s2;
	s4 =	simm.s32 @!p1 $0x0;
	s5 =	sshrl.u32 s2, $0x1  }
0x23e: {  	s10 =	smov.u32 s2;
	p0 =	sle.s32 s0, s8;
	s16 =	spop (v2sf);
	(v2sf) =	vpush v10, $0xA  }
0x23f: {  	s4 =	simm.s32 @p1 $0x1;
	p0 =	por !p1, !p0;
	p1 =	sle.s32 s9, s5  }
0x240: {  	vm5 =	vmmov vm0;
	s17 =	spop (v2sf);
	(v2sf) =	vpush v10, $0xB;
	p0 =	por !p0, !p0;
	s10 =	smov.u32 @p1 s5  }
0x241: {  	v12 =	vsel vm2, s1, v39;
	v41 =	vmov s0;
	[smem:$0x7EF] =	sst s4;
	vm5 =	vmneg @p0 vm5;
	s2 =	smov.u32 @p0 s10;
	[tilespmem:v11+s20+$0x0] =	vst.idx.msk vm3, v14  }
0x242: {  	v42 =	vsel vm2, s8, v41;
	s1 =	sand.u32 s16, s2;
	s5 =	sshrl.u32 s2, $0x1;
	v11 =	vmov s8;
	vm3 =	vmand vm5, vm1;
	s8 =	smov.u32 @p0 s9;
	v13 =	vld.idx.msk [tilespmem:v40+s20+$0x0], vm10  }
0x243: {  	s10 =	smov.u32 s2;
	p1 =	sgt.s32 s8, $0x0;
	p0 =	sle.s32 s1, s8  }
0x244: {  	s9 =	sadd.s32 $0xFFFFFFFF, s8;
	s4 =	simm.s32 @!p1 $0x0;
	p0 =	por !p1, !p0  }
0x245: {  	vm5 =	vmmov vm0;
	v43 =	vmov s1;
	s4 =	simm.s32 @p1 $0x1;
	p0 =	por !p0, !p0;
	p1 =	sle.s32 s9, s5  }
0x246: {  	v44 =	vmov s8;
	v45 =	vsel vm2, s8, v43;
	s10 =	smov.u32 @p1 s5;
	s8 =	smov.u32 @p0 s9;
	s21 =	spop (v2sf);
	(v2sf) =	vpush v10, $0xC  }
0x247: {  	[smem:$0x7F0] =	sst s4;
	vm5 =	vmneg @p0 vm5;
	s2 =	smov.u32 @p0 s10;
	p1 =	sgt.s32 s8, $0x0;
	[tilespmem:v12+s20+$0x0] =	vst.idx.msk vm10, v13  }
0x248: {  	v11 =	vsel vm2, s0, v11;
	vm11 =	vmand vm5, vm1;
	s9 =	sadd.s32 $0xFFFFFFFF, s8;
	s0 =	sand.u32 s17, s2;
	s4 =	simm.s32 @!p1 $0x0;
	v14 =	vld.idx.msk [tilespmem:v42+s20+$0x0], vm3  }
0x249: {  	s5 =	sshrl.u32 s2, $0x1;
	s10 =	smov.u32 s2;
	p0 =	sle.s32 s0, s8  }
0x24a: {  	s4 =	simm.s32 @p1 $0x1;
	p0 =	por !p1, !p0;
	p1 =	sle.s32 s9, s5  }
0x24b: {  	s29 =	sld [smem:$0x7EB];
	p0 =	por !p0, !p0;
	s10 =	smov.u32 @p1 s5  }
0x24c: {  	s30 =	sld [smem:$0x7EC];
	vm5 =	vmmov vm0;
	s2 =	smov.u32 @p0 s10  }
0x24d: {  	v12 =	vsel vm2, s1, v44;
	v46 =	vmov s0;
	[smem:$0x7F1] =	sst s4;
	vm5 =	vmneg @p0 vm5;
	s23 =	spop (v2sf);
	s1 =	sand.u32 s21, s2;
	[tilespmem:v11+s20+$0x0] =	vst.idx.msk vm3, v14  }
0x24e: {  	v47 =	vsel vm2, s8, v46;
	s5 =	sshrl.u32 s2, $0x1;
	s10 =	smov.u32 s2;
	v11 =	vmov s8;
	vm3 =	vmand vm5, vm1;
	s8 =	smov.u32 @p0 s9;
	v13 =	vld.idx.msk [tilespmem:v45+s20+$0x0], vm11  }
0x24f: {  	(v2sf) =	vpush v10, $0xD;
	s24 =	spop (v2sf);
	p1 =	sgt.s32 s8, $0x0;
	p0 =	sle.s32 s1, s8  }
0x250: {  	s9 =	sadd.s32 $0xFFFFFFFF, s8;
	s4 =	simm.s32 @!p1 $0x0;
	p0 =	por !p1, !p0  }
0x251: {  	v48 =	vmov s1;
	s4 =	simm.s32 @p1 $0x1;
	p0 =	por !p0, !p0;
	p1 =	sle.s32 s9, s5  }
0x252: {  	vm5 =	vmmov vm0;
	v49 =	vmov s8;
	v50 =	vsel vm2, s8, v48;
	[smem:$0x7F2] =	sst s4;
	s10 =	smov.u32 @p1 s5;
	s8 =	smov.u32 @p0 s9  }
0x253: {  	(v2sf) =	vpush v10, $0xE;
	vm5 =	vmneg @p0 vm5;
	s2 =	smov.u32 @p0 s10;
	p1 =	sgt.s32 s8, $0x0;
	s9 =	sadd.s32 $0xFFFFFFFF, s8;
	[tilespmem:v12+s20+$0x0] =	vst.idx.msk vm11, v13  }
0x254: {  	v11 =	vsel vm2, s0, v11;
	vm12 =	vmand vm5, vm1;
	s0 =	sand.u32 s23, s2;
	s4 =	simm.s32 @!p1 $0x0;
	s5 =	sshrl.u32 s2, $0x1;
	v14 =	vld.idx.msk [tilespmem:v47+s20+$0x0], vm3  }
0x255: {  	s10 =	smov.u32 s2;
	p0 =	sle.s32 s0, s8;
	s25 =	spop (v2sf);
	(v2sf) =	vpush v10, $0xF  }
0x256: {  	s4 =	simm.s32 @p1 $0x1;
	p0 =	por !p1, !p0;
	p1 =	sle.s32 s9, s5  }
0x257: {  	s16 =	sld [smem:$0x7ED];
	p0 =	por !p0, !p0;
	s10 =	smov.u32 @p1 s5  }
0x258: {  	s21 =	simm.s32 $0x1;
	vm5 =	vmmov vm0;
	v12 =	vsel vm2, s1, v49;
	s23 =	sld [smem:$0x7EE];
	v51 =	vmov s0;
	s2 =	smov.u32 @p0 s10  }
0x259: {  	v52 =	vsel vm2, s8, v51;
	vm5 =	vmneg @p0 vm5;
	s1 =	sand.u32 s24, s2;
	s5 =	sshrl.u32 s2, $0x1;
	[tilespmem:v11+s20+$0x0] =	vst.idx.msk vm3, v14;
	v11 =	vmov s8;
	s8 =	smov.u32 @p0 s9  }
0x25a: {  	vm3 =	vmand vm5, vm1;
	v13 =	vld.idx.msk [tilespmem:v50+s20+$0x0], vm12;
	p5 =	sgt.s32 s8, $0x0;
	p0 =	sle.s32 s1, s8;
	s9 =	sadd.s32 $0xFFFFFFFF, s8  }
0x25b: {  	s10 =	smov.u32 s2;
	p0 =	por !p5, !p0;
	p1 =	sle.s32 s9, s5  }
0x25c: {  	[smem:$0x7F3] =	sst s4;
	v53 =	vmov s1;
	p0 =	por !p0, !p0;
	s10 =	smov.u32 @p1 s5  }
0x25d: {  	s24 =	sld [smem:$0x7EF];
	v54 =	vmov s8;
	v55 =	vsel vm2, s8, v53;
	s2 =	smov.u32 @p0 s10;
	s8 =	smov.u32 @p0 s9  }
0x25e: {  	vm5 =	vmmov vm0;
	v11 =	vsel vm2, s0, v11;
	s26 =	spop (v2sf);
	s0 =	sand.u32 s25, s2;
	p4 =	sgt.s32 s8, $0x0  }
0x25f: {  	vm5 =	vmneg @p0 vm5;
	s5 =	sshrl.u32 s2, $0x1;
	s9 =	sadd.s32 $0xFFFFFFFF, s8;
	[tilespmem:v12+s20+$0x0] =	vst.idx.msk vm12, v13;
	p0 =	sle.s32 s0, s8  }
0x260: {  	vm13 =	vmand vm5, vm1;
	s10 =	smov.u32 s2;
	p1 =	sle.s32 s9, s5;
	v14 =	vld.idx.msk [tilespmem:v52+s20+$0x0], vm3;
	p0 =	por !p4, !p0  }
0x261: {  	v10 =	vsel vm2, s1, v54;
	s1 =	simm.s32 $0x1;
	s10 =	smov.u32 @p1 s5;
	p0 =	por !p0, !p0  }
0x262: {  	s28 =	spop (v2sf);
	s1 =	simm.s32 @!p2 $0x0;
	s2 =	smov.u32 @p0 s10  }
0x263: {  	s1 =	sadd.s32 s1, s22;
	s25 =	sld [smem:$0x7F0];
	s5 =	sand.u32 s26, s2  }
0x264: {  	vm5 =	vmmov vm0;
	v56 =	vmov s0;
	s10 =	sshrl.u32 s2, $0x1;
	s14 =	smov.u32 s2;
	s22 =	spop (v2sf)  }
0x265: {  	v12 =	vsel vm2, s8, v56;
	vm5 =	vmneg @p0 vm5;
	s26 =	sld [smem:$0x7F1];
	[tilespmem:v11+s20+$0x0] =	vst.idx.msk vm3, v14;
	v11 =	vmov s8;
	s8 =	smov.u32 @p0 s9;
	s9 =	simm.s32 $0x1  }
0x266: {  	vm3 =	vmand vm5, vm1;
	v13 =	vld.idx.msk [tilespmem:v55+s20+$0x0], vm13;
	p3 =	sgt.s32 s8, $0x0;
	p0 =	sle.s32 s5, s8;
	s12 =	sadd.s32 $0xFFFFFFFF, s8  }
0x267: {  	s9 =	simm.s32 @!p6 $0x0;
	p6 =	seq.s32 s29, $0x1;
	s29 =	sld [smem:$0x7F3]  }
0x268: {  	p0 =	por !p3, !p0;
	p1 =	sle.s32 s12, s10;
	s1 =	sadd.s32 s9, s1  }
0x269: {  	v57 =	vmov s5;
	s9 =	simm.s32 $0x1;
	p0 =	por !p0, !p0;
	s14 =	smov.u32 @p1 s10  }
0x26a: {  	vm5 =	vmmov vm0;
	v58 =	vmov s8;
	v14 =	vsel vm2, s8, v57;
	s10 =	simm.s32 $0x1;
	s8 =	smov.u32 @p0 s12;
	s2 =	smov.u32 @p0 s14  }
0x26b: {  	vm5 =	vmneg @p0 vm5;
	s10 =	simm.s32 @!p6 $0x0;
	p6 =	seq.s32 s23, $0x1;
	s12 =	sshrl.u32 s2, $0x1;
	[tilespmem:v10+s20+$0x0] =	vst.idx.msk vm13, v13  }
0x26c: {  	vm14 =	vmand vm5, vm1;
	s14 =	sadd.s32 $0xFFFFFFFF, s8;
	s17 =	smov.u32 s2;
	p2 =	sgt.s32 s8, $0x0;
	v10 =	vsel vm2, s0, v11;
	v11 =	vld.idx.msk [tilespmem:v12+s20+$0x0], vm3  }
0x26d: {  	s1 =	sadd.s32 s10, s1;
	s9 =	simm.s32 @!p6 $0x0;
	s0 =	sand.u32 s28, s2  }
0x26e: {  	s10 =	simm.s32 $0x1;
	p1 =	sle.s32 s14, s12;
	p0 =	sle.s32 s0, s8  }
0x26f: {  	p6 =	seq.s32 s24, $0x1;
	s17 =	smov.u32 @p1 s12;
	p0 =	por !p2, !p0  }
0x270: {  	vm5 =	vmmov vm0;
	s12 =	simm.s32 $0x1;
	p1 =	seq.s32 s30, $0x1;
	p0 =	por !p0, !p0  }
0x271: {  	s10 =	simm.s32 @!p6 $0x0;
	s12 =	simm.s32 @!p1 $0x0;
	p1 =	seq.s32 s16, $0x1;
	vm5 =	vmneg @p0 vm5;
	[tilespmem:v10+s20+$0x0] =	vst.idx.msk vm3, v11  }
0x272: {  	v59 =	vsel vm2, s5, v58;
	p6 =	seq.s32 s25, $0x1;
	v60 =	vmov s0;
	s21 =	simm.s32 @!p1 $0x0;
	s2 =	smov.u32 @p0 s17;
	vm3 =	vmand vm5, vm1;
	v61 =	vld.idx.msk [tilespmem:v14+s20+$0x0], vm14  }
0x273: {  	s1 =	sadd.s32 s12, s1;
	s5 =	sand.u32 s22, s2;
	v10 =	vmov s8;
	v11 =	vsel vm2, s8, v60;
	s8 =	smov.u32 @p0 s14  }
0x274: {  	s1 =	sadd.s32 s21, s1;
	p1 =	sgt.s32 s8, $0x0;
	p0 =	sle.s32 s5, s8  }
0x275: {  	s1 =	sadd.s32 s9, s1;
	s9 =	simm.s32 $0x1;
	p0 =	por !p1, !p0  }
0x276: {  	s28 =	sld [smem:$0x7F2];
	vm5 =	vmmov vm0;
	s9 =	simm.s32 @!p6 $0x0;
	p0 =	por !p0, !p0  }
0x277: {  	s1 =	sadd.s32 s10, s1;
	s10 =	simm.s32 $0x1;
	p6 =	seq.s32 s26, $0x1;
	vm5 =	vmneg @p0 vm5;
	[tilespmem:v59+s20+$0x0] =	vst.idx.msk vm14, v61  }
0x278: {  	s30 =	sld [smem:$0x7FD];
	s12 =	smov.u32 s2;
	v62 =	vmov s5;
	v10 =	vsel vm2, s0, v10;
	s10 =	simm.s32 @!p6 $0x0;
	vm15 =	vmand vm5, vm1;
	v11 =	vld.idx.msk [tilespmem:v11+s20+$0x0], vm3  }
0x279: {  	s0 =	simm.s32 $0x1;
	s1 =	sadd.s32 s9, s1;
	v12 =	vsel vm2, s8, v62;
	p6 =	seq.s32 s28, $0x1  }
0x27a: {  	s9 =	simm.s32 $0x1;
	s0 =	simm.s32 @!p6 $0x0;
	p6 =	seq.s32 s29, $0x1  }
0x27b: {  	s1 =	sadd.s32 s10, s1;
	s10 =	simm.s32 $0x1;
	s9 =	simm.s32 @!p6 $0x0  }
0x27c: {  	s0 =	sadd.s32 s0, s1;
	s10 =	simm.s32 @!p5 $0x0;
	s1 =	simm.s32 $0x1  }
0x27d: {  	v63 =	vmov s8;
	s0 =	sadd.s32 s9, s0;
	s1 =	simm.s32 @!p4 $0x0;
	s9 =	simm.s32 $0x1;
	[tilespmem:v10+s20+$0x0] =	vst.idx.msk vm3, v11  }
0x27e: {  	s0 =	sadd.s32 s10, s0;
	s9 =	simm.s32 @!p3 $0x0;
	s10 =	simm.s32 $0x1;
	v10 =	vsel vm2, s5, v63;
	v11 =	vld.idx.msk [tilespmem:v12+s20+$0x0], vm15  }
.Ltmp15:
0x27f: {  	s0 =	sadd.s32 s1, s0;
	s1 =	simm.s32 $0x1;
	(pc) =	sbr.rel .LBB2_16-.Ltmp15, $4  }
0x280: {  	s0 =	sadd.s32 s9, s0;
	s9 =	sadd.s32 $0xFFFFFFFF, s8;
	s5 =	sshrl.u32 s2, $0x1  }
0x281: {  	s10 =	simm.s32 @!p1 $0x0;
	s1 =	simm.s32 @!p2 $0x0;
	p2 =	sle.s32 s9, s5  }
0x282: {  	p1 =	seq.s32 s30, $0x1;
	s0 =	sadd.s32 s1, s0;
	s12 =	smov.u32 @p2 s5  }
0x283: {  	s8 =	smov.u32 @p0 s9;
	s5 =	sadd.s32 s10, s0;
	s2 =	smov.u32 @p0 s12;
	[tilespmem:v10+s20+$0x0] =	vst.idx.msk vm15, v11  }
.LBB2_19:
0x284: {  	s0 =	sld [smem:$0x7FB];
	_ =	sdelay $0x2  }
0x285: {  	p3 =	seq.s32 s0, $0x1  }
0x286: {  	s0 =	simm.s32 @!p3 $0x1  }
0x287: {  	_ =	swait.ge @!p3 [sflag:s0], $0x420  }
0x288: {  	s1 =	rddreg [dreg:$0x13];
	[sflag:s0] =	ssyncset.done @!p3 $0x0  }
0x289: {  	s5 =	sadd.s32 $0xFFFFFFFF, s1;
	[sflag:s0] =	ssyncadd.s32 @!p3 $0xFFFFFBE0  }
0x28a: {  	s1 =	rddreg [dreg:$0x3];
	p0 =	sgt.s32 s5, $0x0;
	p2 =	slt.s32 s5, $0x1  }
0x28b: {  	s5 =	simm.s32 @!p0 $0x0;
	s0 =	sshrl.u32 @!p2 s9, $0x3;
	s2 =	simm.s32 @!p2 $0x1BB00  }
0x28c: {  	s0 =	sadd.s32 @!p2 s1, s0;
	s1 =	simm.s32 @!p2 $0x0;
	s29 =	sshrl.u32 s5, $0x1  }
0x28d: {  	[tilespmem:s2], [sflag:$0x1] =	stream.linear.gather @!p2 [hbm4b:s0+s1], $0x420, $0x38;
	[tilespmem:$0x1C400] =	vst v63  }
0x28e: {  	s0 =	sor.u32 s5, s29  }
0x28f: {  	s30 =	sshrl.u32 s0, $0x2  }
0x290: {  	s0 =	sor.u32 s0, s30  }
0x291: {  	s1 =	sshrl.u32 s0, $0x4  }
0x292: {  	s0 =	sor.u32 s0, s1  }
0x293: {  	s1 =	sshrl.u32 s0, $0x8  }
.Ltmp16:
0x294: {  	s0 =	sor.u32 s0, s1;
	(pc) =	sbr.rel .LBB2_20-.Ltmp16, $4  }
0x295: {  	s3 =	simm.s32 @!p2 $0x0;
	p0 =	por $0x0, $0x0;
	s1 =	sshrl.u32 s0, $0x10  }
0x296: {  	s3 =	simm.s32 @p2 $0x1;
	s10 =	sor.u32 s0, s1;
	s0 =	simm.s32 @!p0 $0x0  }
0x297: {  	[smem:$0x7E9] =	sst s3;
	s0 =	simm.s32 @p0 $0x1  }
0x298: {  	s3 =	simm.s32 $0x0;
	[smem:$0x7EA] =	sst s0  }
.LBB2_27:
0x299: {  	s9 =	rddreg [dreg:$0xe]  }
0x29a: {  	s9 =	sadd.s32 s9, s2  }
.LBB2_28:
0x29b: {  	s0 =	sld [smem:$0x7EA]  }
0x29c: {  	s3 =	sadd.s32 $0x1, s3  }
0x29d: {  	p0 =	sne.s32 s3, $0x8  }
.Ltmp17:
0x29e: {  	p2 =	seq.s32 s0, $0x1;
	(pc) =	sbr.rel @!p0 .LBB2_29-.Ltmp17, $4  }
0x29f: {  	p2 =	por !p2, !p2  }
0x2a0: {  	s0 =	simm.s32 @!p2 $0x0  }
0x2a1: {  	s0 =	simm.s32 @p2 $0x1  }
0x2a2: {  	[smem:$0x7EA] =	sst s0  }
.LBB2_20:
0x2a3: {  	p0 =	slt.s32 s5, $0x1  }
.Ltmp18:
0x2a4: {  	_ = 	snop;
	(pc) =	sbr.rel @p0 .LBB2_28-.Ltmp18, $1  }
0x2a5: {  	_ =	sdelay $0x3  }
0x2a6: {  	s0 =	simm.s32 $0x1;
	s1 =	sld [smem:$0x7EA]  }
0x2a7: {  	s28 =	sxor.u32 $0xFFFFFFFF, s3;
	s2 =	simm.s32 $0x1;
	s7 =	sadd.s32 $0x400, s9  }
0x2a8: {  	s6 =	sand.u32 $0x7, s9;
	_ =	swait.ge [sflag:s2], $0x420;
	s7 =	sshrl.u32 s7, $0x3  }
0x2a9: {  	s30 =	sshll.u32 s6, $0x2;
	p0 =	seq.s32 s1, $0x1;
	s1 =	sand.u32 $0x1, s28  }
0x2aa: {  	[sflag:s2] =	ssyncset.done $0x0;
	s0 =	simm.s32 @!p0 $0x0;
	s1 =	smul.u32 $0x1080, s1  }
0x2ab: {  	s29 =	rddreg [dreg:$0x3];
	[sflag:s2] =	ssyncadd.s32 $0xFFFFFBE0;
	s0 =	smul.u32 $0x1080, s0  }
.Ltmp19:
0x2ac: {  	s7 =	sadd.s32 s29, s7;
	s1 =	sshrl.u32 s1, $0x2;
	(pc) =	sbr.rel .LBB2_22-.Ltmp19, $4  }
0x2ad: {  	s2 =	simm.s32 $0x0;
	s1 =	sadd.s32 $0x1BB00, s1;
	s0 =	sadd.s32 s30, s0  }
0x2ae: {  	[tilespmem:s1], [sflag:$0x1] =	stream.linear.gather [hbm4b:s7+s2], $0x420, $0x38;
	[tilespmem:$0x1C400] =	vst v63  }
0x2af: {  	s0 =	sshrl.u32 s0, $0x2  }
0x2b0: {  	[dreg:$0xe] =	wrdreg s9;
	s7 =	simm.s32 $0x0;
	s6 =	sadd.s32 $0x1BB00, s0  }
.LBB2_26:
0x2b1: {  	s7 =	sadd.s32 $0x1, s7  }
0x2b2: {  	p0 =	sne.s32 s7, $0x10  }
.Ltmp20:
0x2b3: {  	_ = 	snop;
	(pc) =	sbr.rel @!p0 .LBB2_27-.Ltmp20, $2  }
0x2b4: {  	_ =	sdelay $0x2  }
0x2b5: {  	s6 =	sadd.s32 $0x40, s6  }
.LBB2_22:
0x2b6: {  	p0 =	slt.s32 s5, $0x1  }
.Ltmp21:
0x2b7: {  	_ = 	snop;
	(pc) =	sbr.rel @p0 .LBB2_26-.Ltmp21, $1  }
0x2b8: {  	_ =	sdelay $0x3  }
0x2b9: {  	s0 =	sadd.s32 $0x0, s6  }
0x2ba: {  	v10 =	vld [tilespmem:s0+$0x0];
	_ =	sdelay $0x4  }
0x2bb: {  	(v2sf) =	vpush v10, $0x0;
	_ =	sdelay $0x1  }
0x2bc: {  	(v2sf) =	vpush v10, $0xF;
	_ =	sdelay $0x1  }
0x2bd: {  	(v2sf) =	vpush v10, $0xE  }
0x2be: {  	(v2sf) =	vpush v10, $0x1  }
0x2bf: {  	(v2sf) =	vpush v10, $0x2;
	_ =	sdelay $0x8  }
0x2c0: {  	p6 =	sgt.s32 s5, $0x0;
	s1 =	sshrl.u32 s10, $0x1;
	s14 =	spop (v2sf)  }
0x2c1: {  	s12 =	sadd.s32 $0xFFFFFFFF, s5;
	s16 =	sadd.s32 $0x5B0, s5;
	s0 =	sand.u32 s10, s14  }
0x2c2: {  	p1 =	sle.s32 s12, s1;
	(v2sf) =	vpush v10, $0x3;
	s8 =	spop (v2sf);
	p0 =	sle.s32 s0, s5  }
0x2c3: {  	s14 =	smov.u32 s10;
	(v2sf) =	vpush v10, $0xD;
	s0 =	sadd.s32 $0x5B0, s0;
	p0 =	por !p6, !p0  }
0x2c4: {  	s14 =	smov.u32 @p1 s1;
	s9 =	spop (v2sf);
	p0 =	por !p0, !p0  }
0x2c5: {  	(v2sf) =	vpush v10, $0x4;
	s21 =	spop (v2sf);
	s10 =	smov.u32 @p0 s14;
	s5 =	smov.u32 @p0 s12  }
0x2c6: {  	s23 =	spop (v2sf);
	s22 =	sand.u32 s21, s10;
	p1 =	sgt.s32 s5, $0x0  }
0x2c7: {  	vm3 =	vmmov vm0;
	(v2sf) =	vpush v10, $0x5;
	s14 =	sshrl.u32 s10, $0x1;
	s17 =	sadd.s32 $0xFFFFFFFF, s5;
	s21 =	smov.u32 s10  }
0x2c8: {  	vm3 =	vmneg @p0 vm3;
	s24 =	sadd.s32 $0x5B0, s5;
	s4 =	simm.s32 @!p1 $0x0;
	p0 =	sle.s32 s22, s5  }
0x2c9: {  	s4 =	simm.s32 @p1 $0x1;
	p0 =	por !p1, !p0;
	p1 =	sle.s32 s17, s14  }
0x2ca: {  	s12 =	sadd.s32 $0x5B0, s22;
	p0 =	por !p0, !p0;
	s21 =	smov.u32 @p1 s14  }
0x2cb: {  	v11 =	vmov s0;
	vm4 =	vmand vm3, vm1;
	[smem:$0x7E4] =	sst s4;
	s10 =	smov.u32 @p0 s21;
	s5 =	smov.u32 @p0 s17  }
0x2cc: {  	v11 =	vsel vm2, s16, v11;
	s25 =	sand.u32 s23, s10;
	p1 =	sgt.s32 s5, $0x0;
	s17 =	sadd.s32 $0xFFFFFFFF, s5  }
0x2cd: {  	vm3 =	vmmov vm0;
	s21 =	smov.u32 s10;
	s14 =	smov.u32 s5;
	s1 =	simm.s32 @!p1 $0x0  }
0x2ce: {  	vm3 =	vmneg @p0 vm3;
	s28 =	sadd.s32 $0x5B0, s5;
	p0 =	sle.s32 s25, s5;
	s1 =	simm.s32 @p1 $0x1  }
0x2cf: {  	v12 =	vmov s16;
	p0 =	por !p1, !p0;
	[smem:$0x7E5] =	sst s1;
	s1 =	sshrl.u32 s10, $0x1  }
0x2d0: {  	v12 =	vsel vm2, s0, v12;
	s0 =	sadd.s32 $0x5B0, s25;
	p0 =	por !p0, !p0;
	p1 =	sle.s32 s17, s1  }
0x2d1: {  	v13 =	vmov s12;
	vm3 =	vmand vm3, vm1;
	v11 =	vld.idx.msk [tilespmem:v11+s20+$0x0], vm4;
	s26 =	spop (v2sf);
	s14 =	smov.u32 @p0 s17;
	s21 =	smov.u32 @p1 s1  }
0x2d2: {  	v13 =	vsel vm2, s24, v13;
	p1 =	sgt.s32 s14, $0x0;
	s5 =	spop (v2sf);
	s30 =	sadd.s32 $0x5B0, s14  }
0x2d3: {  	s10 =	smov.u32 @p0 s21;
	s4 =	simm.s32 @!p1 $0x0;
	s21 =	sadd.s32 $0xFFFFFFFF, s14  }
0x2d4: {  	vm5 =	vmmov vm0;
	(v2sf) =	vpush v10, $0x6;
	s29 =	spop (v2sf);
	s1 =	sand.u32 s26, s10;
	s4 =	simm.s32 @p1 $0x1  }
0x2d5: {  	vm5 =	vmneg @p0 vm5;
	(v2sf) =	vpush v10, $0x7;
	s17 =	sshrl.u32 s10, $0x1;
	s22 =	smov.u32 s10;
	p0 =	sle.s32 s1, s14  }
0x2d6: {  	[tilespmem:v12+s20+$0x0] =	vst.idx.msk vm4, v11;
	v11 =	vmov s24;
	(v2sf) =	vpush v10, $0x8;
	s13 =	spop (v2sf);
	p0 =	por !p1, !p0;
	p1 =	sle.s32 s21, s17  }
0x2d7: {  	v42 =	vmov s0;
	vm5 =	vmand vm5, vm1;
	v13 =	vld.idx.msk [tilespmem:v13+s20+$0x0], vm3;
	v11 =	vsel vm2, s12, v11;
	p0 =	por !p0, !p0;
	s22 =	smov.u32 @p1 s17;
	s17 =	smov.u32 s14  }
0x2d8: {  	v12 =	vsel vm2, s28, v42;
	[smem:$0x7E7] =	sst s4;
	s10 =	smov.u32 @p0 s22;
	s17 =	smov.u32 @p0 s21  }
0x2d9: {  	s1 =	sadd.s32 $0x5B0, s1;
	s12 =	sand.u32 s29, s10;
	p1 =	sgt.s32 s17, $0x0  }
0x2da: {  	vm4 =	vmmov vm0;
	s14 =	sadd.s32 $0xFFFFFFFF, s17;
	s21 =	sshrl.u32 s10, $0x1;
	s4 =	simm.s32 @!p1 $0x0  }
0x2db: {  	vm4 =	vmneg @p0 vm4;
	s22 =	smov.u32 s10;
	p0 =	sle.s32 s12, s17;
	s4 =	simm.s32 @p1 $0x1  }
0x2dc: {  	v14 =	vmov s28;
	[tilespmem:v11+s20+$0x0] =	vst.idx.msk vm3, v13;
	p0 =	por !p1, !p0;
	p1 =	sle.s32 s14, s21;
	[smem:$0x7E6] =	sst s4  }
0x2dd: {  	v43 =	vsel vm2, s0, v14;
	v12 =	vld.idx.msk [tilespmem:v12+s20+$0x0], vm5;
	p0 =	por !p0, !p0;
	s22 =	smov.u32 @p1 s21;
	s21 =	smov.u32 s17  }
0x2de: {  	v11 =	vmov s1;
	vm4 =	vmand vm4, vm1;
	s4 =	sadd.s32 $0x5B0, s12;
	s10 =	smov.u32 @p0 s22;
	s21 =	smov.u32 @p0 s14  }
0x2df: {  	v11 =	vsel vm2, s30, v11;
	s17 =	sadd.s32 $0x5B0, s17;
	s16 =	sand.u32 s13, s10;
	p5 =	sgt.s32 s21, $0x0  }
0x2e0: {  	v44 =	vmov s30;
	vm3 =	vmmov vm0;
	v45 =	vmov s4;
	s12 =	sshrl.u32 s10, $0x1;
	s14 =	sadd.s32 $0xFFFFFFFF, s21;
	s22 =	smov.u32 s10  }
0x2e1: {  	vm3 =	vmneg @p0 vm3;
	v46 =	vmov s17;
	v13 =	vsel vm2, s17, v45;
	s17 =	smov.u32 s21;
	s24 =	sadd.s32 $0x5B0, s21;
	p0 =	sle.s32 s16, s21  }
0x2e2: {  	[tilespmem:v43+s20+$0x0] =	vst.idx.msk vm5, v12;
	v12 =	vsel vm2, s1, v44;
	p1 =	sle.s32 s14, s12;
	s1 =	sadd.s32 $0x5B0, s16;
	p0 =	por !p5, !p0  }
0x2e3: {  	s22 =	smov.u32 @p1 s12;
	s23 =	spop (v2sf);
	p0 =	por !p0, !p0  }
0x2e4: {  	vm3 =	vmand vm3, vm1;
	v11 =	vld.idx.msk [tilespmem:v11+s20+$0x0], vm4;
	s25 =	spop (v2sf);
	s10 =	smov.u32 @p0 s22;
	s17 =	smov.u32 @p0 s14  }
0x2e5: {  	vm5 =	vmmov vm0;
	s30 =	spop (v2sf);
	s12 =	sand.u32 s23, s10;
	p2 =	sgt.s32 s17, $0x0  }
0x2e6: {  	vm5 =	vmneg @p0 vm5;
	s14 =	sshrl.u32 s10, $0x1;
	s21 =	sadd.s32 $0xFFFFFFFF, s17;
	p0 =	sle.s32 s12, s17  }
0x2e7: {  	(v2sf) =	vpush v10, $0x9;
	s22 =	smov.u32 s10;
	p1 =	sle.s32 s21, s14;
	p0 =	por !p2, !p0  }
0x2e8: {  	s22 =	smov.u32 @p1 s14;
	s14 =	smov.u32 s17;
	p0 =	por !p0, !p0  }
0x2e9: {  	v47 =	vsel vm2, s4, v46;
	(v2sf) =	vpush v10, $0xB;
	s26 =	sadd.s32 $0x5B0, s17;
	[tilespmem:v12+s20+$0x0] =	vst.idx.msk vm4, v11;
	s10 =	smov.u32 @p0 s22;
	s14 =	smov.u32 @p0 s21  }
0x2ea: {  	s12 =	sadd.s32 $0x5B0, s12;
	v11 =	vmov s1;
	vm4 =	vmand vm5, vm1;
	vm5 =	vmmov vm0;
	v12 =	vld.idx.msk [tilespmem:v13+s20+$0x0], vm3;
	s0 =	sand.u32 s25, s10;
	p3 =	sgt.s32 s14, $0x0  }
0x2eb: {  	v11 =	vsel vm2, s24, v11;
	vm5 =	vmneg @p0 vm5;
	s17 =	sshrl.u32 s10, $0x1;
	s21 =	sadd.s32 $0xFFFFFFFF, s14;
	p0 =	sle.s32 s0, s14  }
0x2ec: {  	v48 =	vmov s24;
	s22 =	smov.u32 s10;
	p1 =	sle.s32 s21, s17;
	p0 =	por !p3, !p0  }
0x2ed: {  	v50 =	vsel vm2, s1, v48;
	(v2sf) =	vpush v10, $0xA;
	s1 =	smov.u32 s14;
	s22 =	smov.u32 @p1 s17;
	p0 =	por !p0, !p0  }
0x2ee: {  	s4 =	sadd.s32 $0x5B0, s14;
	s10 =	smov.u32 @p0 s22;
	s1 =	smov.u32 @p0 s21  }
0x2ef: {  	s28 =	sadd.s32 $0x5B0, s0;
	[tilespmem:v47+s20+$0x0] =	vst.idx.msk vm3, v12;
	s13 =	sand.u32 s30, s10;
	p1 =	sgt.s32 s1, $0x0  }
0x2f0: {  	v49 =	vmov s12;
	vm3 =	vmand vm5, vm1;
	v11 =	vld.idx.msk [tilespmem:v11+s20+$0x0], vm4;
	s21 =	sadd.s32 $0xFFFFFFFF, s1;
	s22 =	sshrl.u32 s10, $0x1;
	s23 =	smov.u32 s10  }
0x2f1: {  	v12 =	vsel vm2, s26, v49;
	vm5 =	vmmov vm0;
	s29 =	smov.u32 s1;
	s30 =	sld [smem:$0x7E4];
	s0 =	simm.s32 @!p1 $0x0  }
0x2f2: {  	vm5 =	vmneg @p0 vm5;
	p0 =	sle.s32 s13, s1;
	s16 =	sadd.s32 $0x5B0, s13;
	s1 =	sadd.s32 $0x5B0, s1  }
0x2f3: {  	s0 =	simm.s32 @p1 $0x1;
	p0 =	por !p1, !p0;
	p1 =	sle.s32 s21, s22  }
0x2f4: {  	[smem:$0x7E8] =	sst s0;
	s0 =	simm.s32 $0x1;
	p0 =	por !p0, !p0  }
0x2f5: {  	s23 =	smov.u32 @p1 s22;
	p4 =	seq.s32 s30, $0x1;
	s30 =	sld [smem:$0x7E6];
	[tilespmem:v50+s20+$0x0] =	vst.idx.msk vm4, v11;
	v11 =	vmov s26  }
0x2f6: {  	v51 =	vmov s28;
	s22 =	simm.s32 $0x1;
	vm4 =	vmand vm5, vm1;
	s0 =	simm.s32 @!p6 $0x0;
	s26 =	spop (v2sf);
	v12 =	vld.idx.msk [tilespmem:v12+s20+$0x0], vm3;
	v11 =	vsel vm2, s12, v11  }
0x2f7: {  	v13 =	vsel vm2, s4, v51;
	s10 =	smov.u32 @p0 s23;
	s29 =	smov.u32 @p0 s21;
	s22 =	simm.s32 @!p5 $0x0  }
0x2f8: {  	s14 =	sshrl.u32 s10, $0x1;
	s21 =	sadd.s32 $0xFFFFFFFF, s29;
	p6 =	sgt.s32 s29, $0x0  }
0x2f9: {  	v52 =	vmov s4;
	s12 =	simm.s32 $0x1;
	s23 =	smov.u32 s10;
	s25 =	spop (v2sf)  }
0x2fa: {  	vm5 =	vmmov vm0;
	(v2sf) =	vpush v10, $0xC;
	v10 =	vmov s1;
	s24 =	smov.u32 s29;
	s0 =	sadd.s32 s0, s2;
	s12 =	simm.s32 @!p4 $0x0  }
0x2fb: {  	v53 =	vmov s16;
	vm5 =	vmneg @p0 vm5;
	v10 =	vsel vm2, s16, v10;
	s16 =	sadd.s32 $0x5B0, s29;
	s0 =	sadd.s32 s12, s0;
	s12 =	simm.s32 $0x1;
	[tilespmem:v11+s20+$0x0] =	vst.idx.msk vm3, v12  }
0x2fc: {  	s13 =	spop (v2sf);
	s12 =	simm.s32 @!p3 $0x0;
	v11 =	vsel vm2, s28, v52;
	vm3 =	vmand vm5, vm1;
	s28 =	sand.u32 s26, s10;
	v12 =	vld.idx.msk [tilespmem:v13+s20+$0x0], vm4  }
0x2fd: {  	v13 =	vsel vm2, s1, v53;
	p0 =	sle.s32 s28, s29;
	s26 =	sadd.s32 $0x5B0, s28;
	s28 =	sld [smem:$0x7E5]  }
0x2fe: {  	s1 =	simm.s32 $0x1;
	p1 =	por !p6, !p0;
	p0 =	sle.s32 s21, s14  }
0x2ff: {  	s23 =	smov.u32 @p0 s14;
	p0 =	por !p1, !p1;
	s14 =	simm.s32 $0x1  }
0x300: {  	vm5 =	vmmov vm0;
	s10 =	smov.u32 @p0 s23;
	p1 =	seq.s32 s28, $0x1;
	s24 =	smov.u32 @p0 s21  }
0x301: {  	vm5 =	vmneg @p0 vm5;
	s21 =	simm.s32 $0x1;
	s14 =	simm.s32 @!p1 $0x0;
	s29 =	sand.u32 s13, s10;
	[tilespmem:v11+s20+$0x0] =	vst.idx.msk vm4, v12  }
0x302: {  	p0 =	sgt.s32 s24, $0x0;
	s17 =	sshrl.u32 s10, $0x1;
	s23 =	sadd.s32 $0xFFFFFFFF, s24;
	v11 =	vmov s26;
	vm4 =	vmand vm5, vm1;
	v12 =	vld.idx.msk [tilespmem:v13+s20+$0x0], vm3  }
0x303: {  	s4 =	smov.u32 s10;
	s13 =	sld [smem:$0x7E7];
	s21 =	simm.s32 @!p2 $0x0;
	v11 =	vsel vm2, s16, v11  }
0x304: {  	p4 =	sle.s32 s29, s24;
	s29 =	sadd.s32 $0x5B0, s29;
	s0 =	sadd.s32 s14, s0  }
0x305: {  	s14 =	simm.s32 $0x1;
	p1 =	por !p0, !p4;
	p4 =	seq.s32 s30, $0x1  }
0x306: {  	vm5 =	vmmov vm0;
	s1 =	simm.s32 @!p4 $0x0;
	p4 =	por !p1, !p1;
	p1 =	sle.s32 s23, s17  }
0x307: {  	v54 =	vmov s16;
	s30 =	smov.u32 s24;
	s4 =	smov.u32 @p1 s17;
	s17 =	simm.s32 $0x1;
	vm5 =	vmneg @p4 vm5;
	[tilespmem:v10+s20+$0x0] =	vst.idx.msk vm3, v12  }
0x308: {  	v55 =	vsel vm2, s26, v54;
	p1 =	seq.s32 s13, $0x1;
	s13 =	sadd.s32 $0x5B0, s24;
	s10 =	smov.u32 @p4 s4;
	vm5 =	vmand vm5, vm1;
	v10 =	vmov s29;
	v11 =	vld.idx.msk [tilespmem:v11+s20+$0x0], vm4  }
0x309: {  	s30 =	smov.u32 @p4 s23;
	s28 =	spop (v2sf);
	s16 =	sand.u32 s25, s10;
	v10 =	vsel vm2, s13, v10  }
0x30a: {  	s17 =	simm.s32 @!p1 $0x0;
	p4 =	sgt.s32 s30, $0x0;
	p5 =	sle.s32 s16, s30  }
0x30b: {  	s24 =	sshrl.u32 s10, $0x1;
	s25 =	sadd.s32 $0xFFFFFFFF, s30;
	p1 =	por !p4, !p5  }
0x30c: {  	s26 =	smov.u32 s10;
	vm3 =	vmmov vm0;
	p5 =	por !p1, !p1;
	p1 =	sle.s32 s25, s24  }
0x30d: {  	s4 =	smov.u32 s30;
	s23 =	sadd.s32 $0x5B0, s16;
	vm3 =	vmneg @p5 vm3;
	s26 =	smov.u32 @p1 s24;
	[tilespmem:v55+s20+$0x0] =	vst.idx.msk vm4, v11;
	v11 =	vmov s13  }
0x30e: {  	v56 =	vmov s23;
	s4 =	smov.u32 @p5 s25;
	s10 =	smov.u32 @p5 s26;
	vm3 =	vmand vm3, vm1;
	s13 =	sadd.s32 $0x5B0, s30;
	v10 =	vld.idx.msk [tilespmem:v10+s20+$0x0], vm5;
	v11 =	vsel vm2, s29, v11  }
0x30f: {  	s0 =	sadd.s32 s17, s0;
	p2 =	sgt.s32 s4, $0x0;
	s24 =	sand.u32 s28, s10;
	v12 =	vsel vm2, s13, v56  }
0x310: {  	s25 =	sshrl.u32 s10, $0x1;
	p5 =	sle.s32 s24, s4;
	s29 =	sadd.s32 $0xFFFFFFFF, s4  }
0x311: {  	s2 =	smov.u32 s10;
	p1 =	por !p2, !p5;
	p5 =	sle.s32 s29, s25  }
0x312: {  	s0 =	sadd.s32 s1, s0;
	vm4 =	vmmov vm0;
	s2 =	smov.u32 @p5 s25;
	p5 =	por !p1, !p1  }
0x313: {  	s14 =	simm.s32 @!p6 $0x0;
	s0 =	sadd.s32 s22, s0;
	s16 =	sadd.s32 $0x5B0, s24;
	vm4 =	vmneg @p5 vm4;
	[tilespmem:v11+s20+$0x0] =	vst.idx.msk vm5, v10;
	v10 =	vmov s13  }
0x314: {  	s24 =	smov.u32 s4;
	s4 =	sadd.s32 $0x5B0, s4;
	s10 =	smov.u32 @p5 s2;
	vm4 =	vmand vm4, vm1;
	v11 =	vmov s16;
	v12 =	vld.idx.msk [tilespmem:v12+s20+$0x0], vm3;
	v10 =	vsel vm2, s23, v10  }
0x315: {  	s24 =	smov.u32 @p5 s29;
	s5 =	sand.u32 s5, s10;
	s2 =	sshrl.u32 s10, $0x1;
	v11 =	vsel vm2, s4, v11  }
0x316: {  	p3 =	sgt.s32 s24, $0x0;
	p5 =	sle.s32 s5, s24;
	s23 =	sadd.s32 $0xFFFFFFFF, s24  }
0x317: {  	s17 =	smov.u32 s10;
	p1 =	por !p3, !p5;
	p5 =	sle.s32 s23, s2  }
0x318: {  	s25 =	sld [smem:$0x7E8];
	vm5 =	vmmov vm0;
	s17 =	smov.u32 @p5 s2;
	p5 =	por !p1, !p1  }
0x319: {  	s1 =	simm.s32 $0x1;
	s0 =	sadd.s32 s21, s0;
	v57 =	vmov s4;
	s5 =	sadd.s32 $0x5B0, s5;
	vm5 =	vmneg @p5 vm5;
	[tilespmem:v10+s20+$0x0] =	vst.idx.msk vm3, v12  }
0x31a: {  	v58 =	vsel vm2, s16, v57;
	s26 =	sadd.s32 $0x5B0, s24;
	s4 =	smov.u32 s24;
	s10 =	smov.u32 @p5 s17;
	v10 =	vmov s5;
	vm3 =	vmand vm5, vm1;
	v11 =	vld.idx.msk [tilespmem:v11+s20+$0x0], vm4  }
0x31b: {  	p1 =	seq.s32 s25, $0x1;
	s4 =	smov.u32 @p5 s23;
	s9 =	sand.u32 s9, s10;
	v10 =	vsel vm2, s26, v10  }
0x31c: {  	s1 =	simm.s32 @!p1 $0x0;
	p5 =	sgt.s32 s4, $0x0;
	p1 =	sle.s32 s9, s4  }
0x31d: {  	s17 =	sshrl.u32 s10, $0x1;
	s21 =	sadd.s32 $0xFFFFFFFF, s4;
	p1 =	por !p5, !p1  }
0x31e: {  	s22 =	smov.u32 s10;
	p6 =	sle.s32 s21, s17;
	vm5 =	vmmov vm0;
	p1 =	por !p1, !p1  }
0x31f: {  	s0 =	sadd.s32 s12, s0;
	v59 =	vmov s26;
	s9 =	sadd.s32 $0x5B0, s9;
	s22 =	smov.u32 @p6 s17;
	vm5 =	vmneg @p1 vm5;
	[tilespmem:v58+s20+$0x0] =	vst.idx.msk vm4, v11  }
0x320: {  	v60 =	vsel vm2, s5, v59;
	s12 =	smov.u32 s4;
	s4 =	sadd.s32 $0x5B0, s4;
	s10 =	smov.u32 @p1 s22;
	v11 =	vmov s9;
	vm4 =	vmand vm5, vm1;
	v10 =	vld.idx.msk [tilespmem:v10+s20+$0x0], vm3  }
0x321: {  	s2 =	simm.s32 $0x1;
	s12 =	smov.u32 @p1 s21;
	s28 =	sand.u32 s8, s10;
	v11 =	vsel vm2, s4, v11  }
0x322: {  	s2 =	simm.s32 @!p0 $0x0;
	p0 =	sgt.s32 s12, $0x0;
	p1 =	sle.s32 s28, s12  }
0x323: {  	p1 =	por !p0, !p1  }
0x324: {  	vm5 =	vmmov vm0;
	p1 =	por !p1, !p1  }
0x325: {  	s0 =	sadd.s32 s1, s0;
	v61 =	vmov s4;
	s29 =	sadd.s32 $0x5B0, s28;
	vm5 =	vmneg @p1 vm5;
	[tilespmem:v60+s20+$0x0] =	vst.idx.msk vm3, v10  }
0x326: {  	s1 =	simm.s32 $0x1;
	s0 =	sadd.s32 s14, s0;
	v62 =	vsel vm2, s9, v61;
	s30 =	sadd.s32 $0x5B0, s12;
	v10 =	vmov s29;
	vm3 =	vmand vm5, vm1;
	v11 =	vld.idx.msk [tilespmem:v11+s20+$0x0], vm4  }
0x327: {  	s1 =	simm.s32 @!p2 $0x0;
	s0 =	sadd.s32 s2, s0;
	v63 =	vsel vm2, s30, v10  }
0x328: {  	s21 =	simm.s32 $0x1;
	s8 =	simm.s32 $0x1;
	s5 =	sshrl.u32 s10, $0x1  }
0x329: {  	s14 =	sadd.s32 $0xFFFFFFFF, s12;
	s17 =	smov.u32 s10;
	s8 =	simm.s32 @!p4 $0x0  }
0x32a: {  	p2 =	sle.s32 s14, s5;
	s21 =	simm.s32 @!p0 $0x0;
	s0 =	sadd.s32 s8, s0  }
0x32b: {  	s8 =	simm.s32 $0x80;
	s17 =	smov.u32 @p2 s5;
	s4 =	simm.s32 $0x1;
	v10 =	vmov s30;
	[tilespmem:v62+s20+$0x0] =	vst.idx.msk vm4, v11  }
0x32c: {  	s0 =	sadd.s32 s1, s0;
	s1 =	simm.s32 $0x1;
	s4 =	simm.s32 @!p3 $0x0;
	v10 =	vsel vm2, s29, v10;
	v11 =	vld.idx.msk [tilespmem:v63+s20+$0x0], vm3  }
0x32d: {  	s5 =	smov.u32 s12;
	s1 =	simm.s32 @!p5 $0x0;
	s0 =	sadd.s32 s4, s0  }
0x32e: {  	s5 =	smov.u32 @p1 s14;
	s10 =	smov.u32 @p1 s17;
	s0 =	sadd.s32 s1, s0  }
0x32f: {  	s12 =	sshrl.u32 s10, $0x1;
	s9 =	sadd.s32 s21, s0;
	s0 =	simm.s32 $0x10  }
.LBB2_24:
0x330: {  	p3 =	sne.s32 s8, $0xC0  }
0x331: {  	s0 =	sadd.s32 s0, s6;
	[tilespmem:v10+s20+$0x0] =	vst.idx.msk vm3, v11;
	s13 =	smov.u32 s8;
	s8 =	sadd.s32 $0x40, s8  }
0x332: {  	v10 =	vld [tilespmem:s0+$0x0];
	_ =	sdelay $0x4  }
0x333: {  	(v2sf) =	vpush v10, $0x0  }
0x334: {  	(v2sf) =	vpush v10, $0xF;
	_ =	sdelay $0x2  }
0x335: {  	(v2sf) =	vpush v10, $0xE  }
0x336: {  	(v2sf) =	vpush v10, $0x1;
	_ =	sdelay $0x3  }
0x337: {  	(v2sf) =	vpush v10, $0x2;
	_ =	sdelay $0x4  }
0x338: {  	s1 =	sadd.s32 $0xFFFFFFFF, s5;
	(v2sf) =	vpush v10, $0x3  }
0x339: {  	p0 =	sgt.s32 s5, $0x0;
	s14 =	smov.u32 s10;
	s0 =	spop (v2sf)  }
0x33a: {  	s17 =	sadd.s32 $0x5B0, s5;
	s0 =	sand.u32 s10, s0;
	s22 =	spop (v2sf)  }
0x33b: {  	p1 =	sle.s32 s0, s5;
	s4 =	sadd.s32 $0x5B0, s0;
	s0 =	simm.s32 $0x1  }
0x33c: {  	p2 =	sle.s32 s1, s12;
	p1 =	por !p0, !p1;
	v11 =	vmov s4;
	s0 =	simm.s32 @!p0 $0x0;
	(v2sf) =	vpush v10, $0xD  }
0x33d: {  	s14 =	smov.u32 @p2 s12;
	p0 =	por !p1, !p1;
	(v2sf) =	vpush v10, $0x4;
	s12 =	spop (v2sf)  }
0x33e: {  	s16 =	simm.s32 $0x1;
	s10 =	smov.u32 @p0 s14;
	s14 =	spop (v2sf)  }
0x33f: {  	vm3 =	vmmov vm0;
	s0 =	sadd.s32 s0, s9;
	s5 =	smov.u32 @p0 s1;
	s1 =	sand.u32 s14, s10  }
0x340: {  	vm3 =	vmneg @p0 vm3;
	s14 =	sshrl.u32 s10, $0x1;
	p1 =	sgt.s32 s5, $0x0;
	s21 =	sadd.s32 $0xFFFFFFFF, s5  }
0x341: {  	v13 =	vmov s17;
	vm4 =	vmand vm3, vm1;
	s23 =	smov.u32 s10;
	s24 =	smov.u32 s5;
	p0 =	sle.s32 s1, s5  }
0x342: {  	v13 =	vsel vm2, s4, v13;
	v11 =	vsel vm2, s17, v11;
	s4 =	sadd.s32 $0x5B0, s5;
	p2 =	sle.s32 s21, s14;
	p0 =	por !p1, !p0  }
0x343: {  	s1 =	sadd.s32 $0x5B0, s1;
	s23 =	smov.u32 @p2 s14;
	p0 =	por !p0, !p0  }
0x344: {  	vm3 =	vmmov vm0;
	v12 =	vmov s1;
	s14 =	spop (v2sf);
	(v2sf) =	vpush v10, $0x5;
	s24 =	smov.u32 @p0 s21;
	s10 =	smov.u32 @p0 s23  }
0x345: {  	vm3 =	vmneg @p0 vm3;
	s14 =	sand.u32 s14, s10;
	s21 =	sshrl.u32 s10, $0x1;
	s23 =	sadd.s32 $0xFFFFFFFF, s24  }
0x346: {  	p0 =	sgt.s32 s24, $0x0;
	s5 =	smov.u32 s10;
	p2 =	sle.s32 s14, s24  }
0x347: {  	s17 =	smov.u32 s24;
	v11 =	vld.idx.msk [tilespmem:v11+s20+$0x0], vm4;
	p4 =	sle.s32 s23, s21;
	p2 =	por !p0, !p2  }
0x348: {  	vm3 =	vmand vm3, vm1;
	s25 =	sadd.s32 $0x5B0, s14;
	s5 =	smov.u32 @p4 s21;
	p2 =	por !p2, !p2  }
0x349: {  	vm5 =	vmmov vm0;
	v12 =	vsel vm2, s4, v12;
	s24 =	sadd.s32 $0x5B0, s24;
	s14 =	spop (v2sf);
	(v2sf) =	vpush v10, $0x6;
	s10 =	smov.u32 @p2 s5  }
0x34a: {  	v14 =	vmov s25;
	vm5 =	vmneg @p2 vm5;
	s17 =	smov.u32 @p2 s23;
	s5 =	sand.u32 s14, s10;
	s21 =	sshrl.u32 s10, $0x1  }
0x34b: {  	s23 =	sadd.s32 $0xFFFFFFFF, s17;
	p2 =	sgt.s32 s17, $0x0;
	p4 =	sle.s32 s5, s17  }
0x34c: {  	v15 =	vmov s24;
	v14 =	vsel vm2, s24, v14;
	s24 =	simm.s32 $0x1;
	s14 =	sadd.s32 $0x5B0, s5;
	p5 =	por !p2, !p4  }
0x34d: {  	[tilespmem:v13+s20+$0x0] =	vst.idx.msk vm4, v11;
	p4 =	sle.s32 s23, s21;
	s5 =	spop (v2sf);
	v11 =	vmov s4;
	s4 =	simm.s32 $0x1  }
0x34e: {  	s4 =	simm.s32 @!p1 $0x0;
	p1 =	por !p5, !p5;
	v11 =	vsel vm2, s1, v11;
	s1 =	smov.u32 s17  }
0x34f: {  	s26 =	spop (v2sf);
	s1 =	smov.u32 @p1 s23;
	s23 =	smov.u32 s10  }
0x350: {  	s0 =	sadd.s32 s4, s0;
	s23 =	smov.u32 @p4 s21;
	s9 =	sadd.s32 $0xFFFFFFFF, s1  }
0x351: {  	vm6 =	vmmov vm0;
	s21 =	simm.s32 $0x1;
	s30 =	sadd.s32 $0x5B0, s1;
	s10 =	smov.u32 @p1 s23  }
0x352: {  	vm6 =	vmneg @p1 vm6;
	p1 =	sgt.s32 s1, $0x0;
	s21 =	simm.s32 @!p0 $0x0;
	s4 =	sand.u32 s26, s10  }
0x353: {  	v13 =	vmov s14;
	v12 =	vld.idx.msk [tilespmem:v12+s20+$0x0], vm3;
	(v2sf) =	vpush v10, $0x7;
	s23 =	sshrl.u32 s10, $0x1;
	s24 =	simm.s32 @!p1 $0x0;
	s0 =	sadd.s32 s21, s0  }
0x354: {  	vm4 =	vmand vm5, vm1;
	s26 =	sadd.s32 $0x5B0, s17;
	s17 =	simm.s32 $0x1;
	s21 =	smov.u32 s10  }
0x355: {  	p0 =	sle.s32 s4, s1;
	s17 =	simm.s32 @!p2 $0x0;
	s4 =	sadd.s32 $0x5B0, s4  }
0x356: {  	v15 =	vsel vm2, s25, v15;
	p0 =	por !p1, !p0;
	p1 =	sle.s32 s9, s23;
	s0 =	sadd.s32 s17, s0  }
0x357: {  	s17 =	smov.u32 s1;
	p0 =	por !p0, !p0;
	s21 =	smov.u32 @p1 s23  }
0x358: {  	vm5 =	vmmov vm0;
	s25 =	spop (v2sf);
	(v2sf) =	vpush v10, $0x8;
	s17 =	smov.u32 @p0 s9;
	s10 =	smov.u32 @p0 s21  }
0x359: {  	[tilespmem:v11+s20+$0x0] =	vst.idx.msk vm3, v12;
	s0 =	sadd.s32 s24, s0;
	vm5 =	vmneg @p0 vm5;
	p0 =	sgt.s32 s17, $0x0;
	s9 =	sshrl.u32 s10, $0x1  }
0x35a: {  	v11 =	vld.idx.msk [tilespmem:v14+s20+$0x0], vm4;
	s21 =	sand.u32 s25, s10;
	s24 =	sadd.s32 $0xFFFFFFFF, s17;
	s29 =	smov.u32 s10  }
0x35b: {  	vm3 =	vmand vm6, vm1;
	s23 =	smov.u32 s17;
	p1 =	sle.s32 s21, s17;
	p2 =	sle.s32 s24, s9  }
0x35c: {  	v12 =	vsel vm2, s26, v13;
	p1 =	por !p0, !p1;
	s29 =	smov.u32 @p2 s9;
	s9 =	simm.s32 $0x1  }
0x35d: {  	s25 =	spop (v2sf);
	(v2sf) =	vpush v10, $0x9;
	s9 =	simm.s32 @!p0 $0x0;
	p0 =	por !p1, !p1  }
0x35e: {  	s21 =	sadd.s32 $0x5B0, s21;
	s1 =	sadd.s32 s9, s0;
	s10 =	smov.u32 @p0 s29  }
0x35f: {  	vm6 =	vmmov vm0;
	v13 =	vmov s21;
	(v2sf) =	vpush v10, $0xB;
	s23 =	smov.u32 @p0 s24;
	s0 =	sand.u32 s25, s10;
	s9 =	sshrl.u32 s10, $0x1  }
0x360: {  	vm6 =	vmneg @p0 vm6;
	[tilespmem:v15+s20+$0x0] =	vst.idx.msk vm4, v11;
	v11 =	vmov s26;
	p0 =	sgt.s32 s23, $0x0;
	s25 =	sadd.s32 $0xFFFFFFFF, s23;
	s26 =	smov.u32 s10  }
0x361: {  	s28 =	sadd.s32 $0x5B0, s23;
	v12 =	vld.idx.msk [tilespmem:v12+s20+$0x0], vm3;
	p1 =	sle.s32 s0, s23;
	s0 =	sadd.s32 $0x5B0, s0  }
0x362: {  	v14 =	vmov s4;
	vm4 =	vmand vm5, vm1;
	v11 =	vsel vm2, s14, v11;
	p2 =	sle.s32 s25, s9;
	s24 =	spop (v2sf);
	p1 =	por !p0, !p1  }
0x363: {  	v14 =	vsel vm2, s30, v14;
	v15 =	vmov s30;
	s14 =	simm.s32 $0x1;
	s26 =	smov.u32 @p2 s9;
	p1 =	por !p1, !p1  }
0x364: {  	s14 =	simm.s32 @!p0 $0x0;
	s9 =	smov.u32 s23;
	s10 =	smov.u32 @p1 s26  }
0x365: {  	vm5 =	vmmov vm0;
	v16 =	vmov s0;
	s9 =	smov.u32 @p1 s25;
	s24 =	sand.u32 s24, s10;
	s25 =	sshrl.u32 s10, $0x1  }
0x366: {  	vm5 =	vmneg @p1 vm5;
	p0 =	sgt.s32 s9, $0x0;
	s30 =	sadd.s32 $0xFFFFFFFF, s9;
	p1 =	sle.s32 s24, s9  }
0x367: {  	s26 =	sadd.s32 $0x5B0, s24;
	[tilespmem:v11+s20+$0x0] =	vst.idx.msk vm3, v12;
	s29 =	spop (v2sf);
	v12 =	vsel vm2, s4, v15;
	s4 =	sadd.s32 $0x5B0, s17  }
0x368: {  	p2 =	sle.s32 s30, s25;
	p1 =	por !p0, !p1;
	s17 =	smov.u32 s9;
	v11 =	vld.idx.msk [tilespmem:v14+s20+$0x0], vm4;
	(v2sf) =	vpush v10, $0xA;
	v14 =	vmov s4  }
0x369: {  	vm7 =	vmand vm6, vm1;
	v13 =	vsel vm2, s4, v13;
	p1 =	por !p1, !p1;
	s4 =	simm.s32 $0x1;
	v14 =	vsel vm2, s21, v14;
	s21 =	smov.u32 s10  }
0x36a: {  	vm6 =	vmmov vm0;
	s4 =	simm.s32 @!p0 $0x0;
	s17 =	smov.u32 @p1 s30;
	s21 =	smov.u32 @p2 s25  }
0x36b: {  	s1 =	sadd.s32 s14, s1;
	v15 =	vmov s26;
	vm6 =	vmneg @p1 vm6;
	p0 =	sgt.s32 s17, $0x0;
	s10 =	smov.u32 @p1 s21  }
0x36c: {  	s23 =	smov.u32 s17;
	s25 =	spop (v2sf);
	s21 =	sand.u32 s29, s10  }
0x36d: {  	s16 =	simm.s32 @!p0 $0x0;
	s29 =	sadd.s32 $0xFFFFFFFF, s17;
	p1 =	sle.s32 s21, s17  }
0x36e: {  	s30 =	sshrl.u32 s10, $0x1;
	[tilespmem:v12+s20+$0x0] =	vst.idx.msk vm4, v11;
	s24 =	spop (v2sf);
	p1 =	por !p0, !p1  }
0x36f: {  	s2 =	smov.u32 s10;
	p2 =	sle.s32 s29, s30;
	v11 =	vld.idx.msk [tilespmem:v13+s20+$0x0], vm7;
	p0 =	por !p1, !p1  }
0x370: {  	vm5 =	vmand vm5, vm1;
	vm3 =	vmmov vm0;
	s1 =	sadd.s32 s4, s1;
	s2 =	smov.u32 @p2 s30;
	s23 =	smov.u32 @p0 s29  }
0x371: {  	s17 =	sadd.s32 $0x5B0, s17;
	v12 =	vsel vm2, s28, v16;
	vm3 =	vmneg @p0 vm3;
	s10 =	smov.u32 @p0 s2;
	p0 =	sgt.s32 s23, $0x0  }
0x372: {  	s2 =	sand.u32 s25, s10;
	s4 =	sshrl.u32 s10, $0x1;
	s25 =	sadd.s32 s16, s1  }
0x373: {  	s16 =	sadd.s32 $0xFFFFFFFF, s23;
	p1 =	sle.s32 s2, s23;
	s1 =	sadd.s32 $0x5B0, s2;
	(v2sf) =	vpush v10, $0xC  }
0x374: {  	p2 =	sle.s32 s16, s4;
	s2 =	smov.u32 s10;
	p1 =	por !p0, !p1  }
0x375: {  	vm4 =	vmmov vm0;
	s14 =	smov.u32 s23;
	v10 =	vmov s28;
	s2 =	smov.u32 @p2 s4;
	p1 =	por !p1, !p1;
	[tilespmem:v14+s20+$0x0] =	vst.idx.msk vm7, v11  }
0x376: {  	v10 =	vsel vm2, s0, v10;
	s0 =	sadd.s32 $0x5B0, s9;
	vm4 =	vmneg @p1 vm4;
	s14 =	smov.u32 @p1 s16;
	s10 =	smov.u32 @p1 s2;
	v11 =	vld.idx.msk [tilespmem:v12+s20+$0x0], vm5;
	v12 =	vmov s1  }
0x377: {  	s16 =	simm.s32 $0x1;
	s4 =	sadd.s32 $0xFFFFFFFF, s14;
	s2 =	spop (v2sf)  }
0x378: {  	vm7 =	vmand vm6, vm1;
	v13 =	vmov s0;
	v14 =	vsel vm2, s0, v15;
	p1 =	sgt.s32 s14, $0x0;
	s30 =	smov.u32 s14;
	s0 =	sand.u32 s2, s10  }
0x379: {  	v13 =	vsel vm2, s26, v13;
	s26 =	simm.s32 $0x1;
	s2 =	sshrl.u32 s10, $0x1;
	p2 =	sle.s32 s0, s14  }
0x37a: {  	p4 =	sle.s32 s4, s2;
	s9 =	sadd.s32 $0x5B0, s0;
	s0 =	smov.u32 s10  }
0x37b: {  	p2 =	por !p1, !p2;
	s0 =	smov.u32 @p4 s2;
	s2 =	simm.s32 $0x1  }
0x37c: {  	s16 =	simm.s32 @!p1 $0x0;
	v15 =	vmov s9;
	s2 =	simm.s32 @!p0 $0x0;
	p0 =	por !p2, !p2  }
0x37d: {  	[tilespmem:v10+s20+$0x0] =	vst.idx.msk vm5, v11;
	vm5 =	vmmov vm0;
	s30 =	smov.u32 @p0 s4;
	s10 =	smov.u32 @p0 s0;
	s0 =	sadd.s32 $0x5B0, s21  }
0x37e: {  	s2 =	sadd.s32 s2, s25;
	vm5 =	vmneg @p0 vm5;
	p0 =	sgt.s32 s30, $0x0;
	s4 =	sand.u32 s24, s10  }
0x37f: {  	v11 =	vmov s0;
	s24 =	sshrl.u32 s10, $0x1;
	s21 =	smov.u32 s30;
	v10 =	vld.idx.msk [tilespmem:v14+s20+$0x0], vm7;
	p1 =	sle.s32 s4, s30  }
0x380: {  	vm6 =	vmand vm3, vm1;
	s2 =	sadd.s32 s16, s2;
	v14 =	vmov s17;
	v11 =	vsel vm2, s17, v11;
	s17 =	sadd.s32 $0x5B0, s4;
	p1 =	por !p0, !p1  }
0x381: {  	s4 =	sadd.s32 $0xFFFFFFFF, s30;
	s26 =	simm.s32 @!p0 $0x0;
	p1 =	por !p1, !p1  }
0x382: {  	vm3 =	vmmov vm0;
	v16 =	vmov s17;
	p2 =	sle.s32 s4, s24;
	s21 =	smov.u32 @p1 s4;
	s4 =	smov.u32 s10  }
0x383: {  	s2 =	sadd.s32 s26, s2;
	vm3 =	vmneg @p1 vm3;
	s4 =	smov.u32 @p2 s24;
	s24 =	sadd.s32 $0xFFFFFFFF, s21  }
0x384: {  	p0 =	sgt.s32 s21, $0x0;
	s10 =	smov.u32 @p1 s4;
	s4 =	spop (v2sf)  }
0x385: {  	[tilespmem:v13+s20+$0x0] =	vst.idx.msk vm7, v10;
	s4 =	sand.u32 s4, s10;
	s16 =	sshrl.u32 s10, $0x1;
	s25 =	smov.u32 s10  }
0x386: {  	v10 =	vld.idx.msk [tilespmem:v11+s20+$0x0], vm6;
	p1 =	sle.s32 s4, s21;
	p2 =	sle.s32 s24, s16;
	v11 =	vsel vm2, s0, v14;
	s0 =	sadd.s32 $0x5B0, s23  }
0x387: {  	s23 =	sadd.s32 $0x5B0, s4;
	s4 =	simm.s32 $0x1;
	p1 =	por !p0, !p1  }
0x388: {  	s25 =	smov.u32 @p2 s16;
	s4 =	simm.s32 @!p0 $0x0;
	p1 =	por !p1, !p1  }
0x389: {  	v13 =	vmov s0;
	v12 =	vsel vm2, s0, v12;
	s0 =	smov.u32 s21;
	s2 =	sadd.s32 s4, s2;
	s10 =	smov.u32 @p1 s25  }
0x38a: {  	vm7 =	vmand vm4, vm1;
	v13 =	vsel vm2, s1, v13;
	s4 =	simm.s32 $0x1;
	s0 =	smov.u32 @p1 s24;
	s1 =	sand.u32 s5, s10  }
0x38b: {  	vm4 =	vmmov vm0;
	s5 =	sshrl.u32 s10, $0x1;
	s16 =	sadd.s32 $0xFFFFFFFF, s0;
	p0 =	sgt.s32 s0, $0x0  }
0x38c: {  	v14 =	vmov s23;
	vm4 =	vmneg @p1 vm4;
	s24 =	smov.u32 s10;
	p1 =	sle.s32 s1, s0;
	p2 =	sle.s32 s16, s5  }
0x38d: {  	s1 =	sadd.s32 $0x5B0, s1;
	s4 =	simm.s32 @!p0 $0x0;
	p1 =	por !p0, !p1  }
0x38e: {  	s24 =	smov.u32 @p2 s5;
	s5 =	sadd.s32 $0x5B0, s14;
	p1 =	por !p1, !p1  }
0x38f: {  	[tilespmem:v11+s20+$0x0] =	vst.idx.msk vm6, v10;
	s14 =	smov.u32 s0;
	s2 =	sadd.s32 s4, s2;
	s10 =	smov.u32 @p1 s24  }
0x390: {  	vm8 =	vmand vm5, vm1;
	vm5 =	vmmov vm0;
	v11 =	vmov s1;
	s4 =	simm.s32 $0x1;
	v10 =	vld.idx.msk [tilespmem:v12+s20+$0x0], vm7;
	s14 =	smov.u32 @p1 s16;
	s12 =	sand.u32 s12, s10  }
0x391: {  	vm5 =	vmneg @p1 vm5;
	s16 =	sshrl.u32 s10, $0x1;
	s25 =	sadd.s32 $0xFFFFFFFF, s14;
	p0 =	sgt.s32 s14, $0x0  }
0x392: {  	v12 =	vsel vm2, s5, v15;
	s24 =	smov.u32 s14;
	p1 =	sle.s32 s12, s14;
	p2 =	sle.s32 s25, s16  }
0x393: {  	s26 =	sadd.s32 $0x5B0, s12;
	s12 =	smov.u32 s10;
	p1 =	por !p0, !p1  }
0x394: {  	s4 =	simm.s32 @!p0 $0x0;
	s12 =	smov.u32 @p2 s16;
	p1 =	por !p1, !p1  }
0x395: {  	vm6 =	vmmov vm0;
	v15 =	vmov s26;
	s2 =	sadd.s32 s4, s2;
	s16 =	sadd.s32 $0x5B0, s30;
	s10 =	smov.u32 @p1 s12  }
0x396: {  	[tilespmem:v13+s20+$0x0] =	vst.idx.msk vm7, v10;
	vm6 =	vmneg @p1 vm6;
	s24 =	smov.u32 @p1 s25;
	v10 =	vmov s5;
	s4 =	sand.u32 s22, s10;
	s5 =	sshrl.u32 s10, $0x1  }
0x397: {  	v12 =	vld.idx.msk [tilespmem:v12+s20+$0x0], vm8;
	s12 =	sadd.s32 $0xFFFFFFFF, s24;
	v10 =	vsel vm2, s9, v10;
	p0 =	sgt.s32 s24, $0x0;
	s9 =	simm.s32 $0x1  }
0x398: {  	vm7 =	vmand vm3, vm1;
	p1 =	sle.s32 s4, s24;
	s22 =	sadd.s32 $0x5B0, s4;
	p2 =	sle.s32 s12, s5  }
0x399: {  	v13 =	vsel vm2, s16, v16;
	s4 =	smov.u32 s10;
	s9 =	simm.s32 @!p0 $0x0;
	p1 =	por !p0, !p1  }
0x39a: {  	vm3 =	vmmov vm0;
	v16 =	vmov s22;
	s4 =	smov.u32 @p2 s5;
	s5 =	smov.u32 s24;
	p1 =	por !p1, !p1  }
0x39b: {  	s9 =	sadd.s32 s9, s2;
	vm3 =	vmneg @p1 vm3;
	s5 =	smov.u32 @p1 s12;
	s10 =	smov.u32 @p1 s4  }
0x39c: {  	s12 =	sshrl.u32 s10, $0x1  }
0x39d: {  	[tilespmem:v10+s20+$0x0] =	vst.idx.msk vm8, v12  }
0x39e: {  	v10 =	vmov s16;
	v12 =	vld.idx.msk [tilespmem:v13+s20+$0x0], vm7  }
0x39f: {  	vm4 =	vmand vm4, vm1;
	s2 =	sadd.s32 $0x5B0, s21;
	v10 =	vsel vm2, s17, v10  }
0x3a0: {  	v14 =	vsel vm2, s2, v14;
	v13 =	vmov s2  }
0x3a1: {  	v13 =	vsel vm2, s23, v13;
	_ =	sdelay $0x2  }
0x3a2: {  	[tilespmem:v10+s20+$0x0] =	vst.idx.msk vm7, v12  }
0x3a3: {  	v10 =	vld.idx.msk [tilespmem:v14+s20+$0x0], vm4  }
0x3a4: {  	s0 =	sadd.s32 $0x5B0, s0;
	vm5 =	vmand vm5, vm1  }
0x3a5: {  	v11 =	vsel vm2, s0, v11;
	v12 =	vmov s0  }
0x3a6: {  	v12 =	vsel vm2, s1, v12;
	_ =	sdelay $0x2  }
0x3a7: {  	[tilespmem:v13+s20+$0x0] =	vst.idx.msk vm4, v10  }
0x3a8: {  	v10 =	vld.idx.msk [tilespmem:v11+s20+$0x0], vm5  }
0x3a9: {  	s0 =	sadd.s32 $0x5B0, s14;
	vm4 =	vmand vm6, vm1  }
0x3aa: {  	v13 =	vsel vm2, s0, v15;
	v11 =	vmov s0  }
0x3ab: {  	v11 =	vsel vm2, s26, v11;
	_ =	sdelay $0x2  }
0x3ac: {  	[tilespmem:v12+s20+$0x0] =	vst.idx.msk vm5, v10  }
0x3ad: {  	v12 =	vld.idx.msk [tilespmem:v13+s20+$0x0], vm4  }
0x3ae: {  	vm3 =	vmand vm3, vm1;
	s0 =	sadd.s32 $0x5B0, s24  }
0x3af: {  	v10 =	vmov s0;
	v13 =	vsel vm2, s0, v16  }
0x3b0: {  	v10 =	vsel vm2, s22, v10;
	_ =	sdelay $0x2  }
0x3b1: {  	[tilespmem:v11+s20+$0x0] =	vst.idx.msk vm4, v12  }
0x3b2: {  	v11 =	vld.idx.msk [tilespmem:v13+s20+$0x0], vm3  }
.Ltmp22:
0x3b3: {  	(pc) =	sbr.rel @p3 .LBB2_24-.Ltmp22, $2  }
0x3b4: {  	_ =	sdelay $0x2  }
0x3b5: {  	s0 =	sshra.s32 s13, $0x2  }
0x3b6: {  	_ =	sdelay $0x4  }
0x3b7: {  	s0 =	sadd.s32 s0, s6;
	[tilespmem:v10+s20+$0x0] =	vst.idx.msk vm3, v11  }
0x3b8: {  	v10 =	vld [tilespmem:s0+$0x0];
	_ =	sdelay $0x4  }
0x3b9: {  	(v2sf) =	vpush v10, $0x0;
	_ =	sdelay $0x2  }
0x3ba: {  	(v2sf) =	vpush v10, $0xF  }
0x3bb: {  	(v2sf) =	vpush v10, $0xE  }
0x3bc: {  	(v2sf) =	vpush v10, $0x1;
	_ =	sdelay $0x3  }
0x3bd: {  	(v2sf) =	vpush v10, $0x2;
	_ =	sdelay $0x5  }
0x3be: {  	s26 =	spop (v2sf)  }
0x3bf: {  	p2 =	sgt.s32 s5, $0x0;
	s1 =	sadd.s32 $0xFFFFFFFF, s5;
	s0 =	sand.u32 s10, s26  }
0x3c0: {  	s4 =	smov.u32 s10;
	s28 =	sadd.s32 $0x5B0, s5;
	(v2sf) =	vpush v10, $0x3;
	p0 =	sle.s32 s0, s5  }
0x3c1: {  	p1 =	sle.s32 s1, s12;
	s8 =	spop (v2sf);
	p0 =	por !p2, !p0  }
0x3c2: {  	s4 =	smov.u32 @p1 s12;
	s2 =	spop (v2sf);
	p0 =	por !p0, !p0  }
0x3c3: {  	s29 =	spop (v2sf);
	s10 =	smov.u32 @p0 s4;
	s5 =	smov.u32 @p0 s1  }
0x3c4: {  	vm3 =	vmmov vm0;
	s0 =	sadd.s32 $0x5B0, s0;
	s30 =	sand.u32 s29, s10;
	p3 =	sgt.s32 s5, $0x0  }
0x3c5: {  	(v2sf) =	vpush v10, $0xD;
	vm3 =	vmneg @p0 vm3;
	s4 =	sshrl.u32 s10, $0x1;
	s13 =	sadd.s32 $0xFFFFFFFF, s5;
	p0 =	sle.s32 s30, s5  }
0x3c6: {  	s14 =	smov.u32 s10;
	p1 =	sle.s32 s13, s4;
	p0 =	por !p3, !p0  }
0x3c7: {  	(v2sf) =	vpush v10, $0x4;
	v11 =	vmov s0;
	s16 =	spop (v2sf);
	vm4 =	vmand vm3, vm1;
	s14 =	smov.u32 @p1 s4;
	p0 =	por !p0, !p0  }
0x3c8: {  	v11 =	vsel vm2, s28, v11;
	s17 =	sadd.s32 $0x5B0, s5;
	s10 =	smov.u32 @p0 s14;
	s5 =	smov.u32 @p0 s13  }
0x3c9: {  	s1 =	sadd.s32 $0x5B0, s30;
	s21 =	sand.u32 s16, s10;
	p1 =	sgt.s32 s5, $0x0  }
0x3ca: {  	vm3 =	vmmov vm0;
	s13 =	sadd.s32 $0xFFFFFFFF, s5;
	s14 =	smov.u32 s10;
	s4 =	simm.s32 @!p1 $0x0  }
0x3cb: {  	(v2sf) =	vpush v10, $0x5;
	vm3 =	vmneg @p0 vm3;
	s12 =	smov.u32 s5;
	p0 =	sle.s32 s21, s5;
	s4 =	simm.s32 @p1 $0x1  }
0x3cc: {  	v12 =	vmov s28;
	p0 =	por !p1, !p0;
	[smem:$0x7DB] =	sst s4;
	s4 =	sshrl.u32 s10, $0x1  }
0x3cd: {  	v12 =	vsel vm2, s0, v12;
	v13 =	vmov s1;
	vm3 =	vmand vm3, vm1;
	s23 =	sadd.s32 $0x5B0, s5;
	v11 =	vld.idx.msk [tilespmem:v11+s20+$0x0], vm4;
	p0 =	por !p0, !p0;
	p1 =	sle.s32 s13, s4  }
0x3ce: {  	v13 =	vsel vm2, s17, v13;
	s0 =	sadd.s32 $0x5B0, s21;
	s12 =	smov.u32 @p0 s13;
	s14 =	smov.u32 @p1 s4  }
0x3cf: {  	s22 =	spop (v2sf);
	(v2sf) =	vpush v10, $0x6;
	p1 =	sgt.s32 s12, $0x0;
	s10 =	smov.u32 @p0 s14  }
0x3d0: {  	vm5 =	vmmov vm0;
	s5 =	simm.s32 @!p1 $0x0;
	s14 =	sadd.s32 $0xFFFFFFFF, s12;
	s4 =	sand.u32 s22, s10  }
0x3d1: {  	vm5 =	vmneg @p0 vm5;
	s5 =	simm.s32 @p1 $0x1;
	s13 =	sshrl.u32 s10, $0x1;
	p0 =	sle.s32 s4, s12  }
0x3d2: {  	[tilespmem:v12+s20+$0x0] =	vst.idx.msk vm4, v11;
	v11 =	vmov s17;
	s16 =	smov.u32 s10;
	p0 =	por !p1, !p0;
	p1 =	sle.s32 s14, s13  }
0x3d3: {  	v42 =	vmov s0;
	vm5 =	vmand vm5, vm1;
	v13 =	vld.idx.msk [tilespmem:v13+s20+$0x0], vm3;
	v11 =	vsel vm2, s1, v11;
	p0 =	por !p0, !p0;
	s16 =	smov.u32 @p1 s13;
	s13 =	smov.u32 s12  }
0x3d4: {  	v12 =	vsel vm2, s23, v42;
	[smem:$0x7DD] =	sst s5;
	s5 =	spop (v2sf);
	(v2sf) =	vpush v10, $0x7;
	s13 =	smov.u32 @p0 s14  }
0x3d5: {  	s25 =	sadd.s32 $0x5B0, s12;
	s4 =	sadd.s32 $0x5B0, s4;
	p1 =	sgt.s32 s13, $0x0  }
0x3d6: {  	s24 =	spop (v2sf);
	s10 =	smov.u32 @p0 s16;
	s12 =	simm.s32 @!p1 $0x0  }
0x3d7: {  	vm4 =	vmmov vm0;
	s1 =	sand.u32 s24, s10;
	s14 =	sshrl.u32 s10, $0x1;
	s12 =	simm.s32 @p1 $0x1  }
0x3d8: {  	v14 =	vmov s23;
	vm4 =	vmneg @p0 vm4;
	[tilespmem:v11+s20+$0x0] =	vst.idx.msk vm3, v13;
	p0 =	sle.s32 s1, s13;
	[smem:$0x7DC] =	sst s12;
	s12 =	sadd.s32 $0xFFFFFFFF, s13  }
0x3d9: {  	v43 =	vsel vm2, s0, v14;
	v11 =	vmov s4;
	vm4 =	vmand vm4, vm1;
	s16 =	smov.u32 s10;
	v12 =	vld.idx.msk [tilespmem:v12+s20+$0x0], vm5;
	p0 =	por !p1, !p0;
	p1 =	sle.s32 s12, s14  }
0x3da: {  	(v2sf) =	vpush v10, $0x8;
	s28 =	spop (v2sf);
	v11 =	vsel vm2, s25, v11;
	p0 =	por !p0, !p0;
	s16 =	smov.u32 @p1 s14  }
0x3db: {  	s26 =	sadd.s32 $0x5B0, s1;
	s14 =	smov.u32 s13;
	s10 =	smov.u32 @p0 s16  }
0x3dc: {  	s13 =	sadd.s32 $0x5B0, s13;
	s14 =	smov.u32 @p0 s12;
	s1 =	sand.u32 s28, s10  }
0x3dd: {  	v44 =	vmov s25;
	vm3 =	vmmov vm0;
	v45 =	vmov s26;
	p1 =	sgt.s32 s14, $0x0;
	s12 =	sadd.s32 $0xFFFFFFFF, s14;
	s16 =	smov.u32 s10  }
0x3de: {  	vm3 =	vmneg @p0 vm3;
	[tilespmem:v43+s20+$0x0] =	vst.idx.msk vm5, v12;
	v12 =	vsel vm2, s4, v44;
	s29 =	spop (v2sf);
	(v2sf) =	vpush v10, $0x9;
	s4 =	simm.s32 @!p1 $0x0;
	p0 =	sle.s32 s1, s14  }
0x3df: {  	vm3 =	vmand vm3, vm1;
	v13 =	vsel vm2, s13, v45;
	v46 =	vmov s13;
	v11 =	vld.idx.msk [tilespmem:v11+s20+$0x0], vm4;
	s13 =	smov.u32 s14;
	s4 =	simm.s32 @p1 $0x1;
	p0 =	por !p1, !p0  }
0x3e0: {  	[smem:$0x7DE] =	sst s4;
	s4 =	sshrl.u32 s10, $0x1;
	p0 =	por !p0, !p0  }
0x3e1: {  	s30 =	sadd.s32 $0x5B0, s14;
	p1 =	sle.s32 s12, s4;
	s13 =	smov.u32 @p0 s12  }
0x3e2: {  	s1 =	sadd.s32 $0x5B0, s1;
	s16 =	smov.u32 @p1 s4;
	p1 =	sgt.s32 s13, $0x0  }
0x3e3: {  	vm5 =	vmmov vm0;
	s17 =	spop (v2sf);
	(v2sf) =	vpush v10, $0xB;
	s10 =	smov.u32 @p0 s16;
	s12 =	simm.s32 @!p1 $0x0  }
0x3e4: {  	vm5 =	vmneg @p0 vm5;
	[tilespmem:v12+s20+$0x0] =	vst.idx.msk vm4, v11;
	s14 =	sadd.s32 $0xFFFFFFFF, s13;
	s4 =	sand.u32 s29, s10;
	s12 =	simm.s32 @p1 $0x1  }
0x3e5: {  	v47 =	vsel vm2, s26, v46;
	v11 =	vmov s1;
	vm10 =	vmand vm5, vm1;
	v12 =	vld.idx.msk [tilespmem:v13+s20+$0x0], vm3;
	[smem:$0x7DF] =	sst s12;
	p0 =	sle.s32 s4, s13;
	s12 =	sshrl.u32 s10, $0x1  }
0x3e6: {  	v11 =	vsel vm2, s30, v11;
	s16 =	smov.u32 s10;
	p0 =	por !p1, !p0;
	p1 =	sle.s32 s14, s12  }
0x3e7: {  	(v2sf) =	vpush v10, $0xA;
	p0 =	por !p0, !p0;
	s16 =	smov.u32 @p1 s12;
	s12 =	smov.u32 s13  }
0x3e8: {  	s21 =	sadd.s32 $0x5B0, s13;
	s12 =	smov.u32 @p0 s14  }
0x3e9: {  	vm5 =	vmmov vm0;
	s22 =	spop (v2sf);
	s10 =	smov.u32 @p0 s16;
	p1 =	sgt.s32 s12, $0x0  }
0x3ea: {  	v48 =	vmov s30;
	s4 =	sadd.s32 $0x5B0, s4;
	vm5 =	vmneg @p0 vm5;
	[tilespmem:v47+s20+$0x0] =	vst.idx.msk vm3, v12;
	s0 =	sand.u32 s17, s10;
	s13 =	simm.s32 @!p1 $0x0  }
0x3eb: {  	v50 =	vsel vm2, s1, v48;
	v49 =	vmov s4;
	v11 =	vld.idx.msk [tilespmem:v11+s20+$0x0], vm10;
	vm3 =	vmand vm5, vm1;
	s14 =	sadd.s32 $0xFFFFFFFF, s12;
	s16 =	smov.u32 s10;
	s13 =	simm.s32 @p1 $0x1  }
0x3ec: {  	v12 =	vsel vm2, s21, v49;
	p0 =	sle.s32 s0, s12;
	[smem:$0x7E0] =	sst s13;
	s13 =	sshrl.u32 s10, $0x1  }
0x3ed: {  	p0 =	por !p1, !p0;
	s24 =	spop (v2sf);
	(v2sf) =	vpush v10, $0xC;
	p1 =	sle.s32 s14, s13  }
0x3ee: {  	p0 =	por !p0, !p0;
	s16 =	smov.u32 @p1 s13;
	s13 =	smov.u32 s12  }
0x3ef: {  	vm5 =	vmmov vm0;
	s23 =	sadd.s32 $0x5B0, s12;
	s10 =	smov.u32 @p0 s16;
	s13 =	smov.u32 @p0 s14  }
0x3f0: {  	s0 =	sadd.s32 $0x5B0, s0;
	vm5 =	vmneg @p0 vm5;
	[tilespmem:v50+s20+$0x0] =	vst.idx.msk vm10, v11;
	v11 =	vmov s21;
	s1 =	sand.u32 s22, s10;
	p1 =	sgt.s32 s13, $0x0  }
0x3f1: {  	v51 =	vmov s0;
	vm11 =	vmand vm5, vm1;
	v12 =	vld.idx.msk [tilespmem:v12+s20+$0x0], vm3;
	v11 =	vsel vm2, s4, v11;
	s14 =	sshrl.u32 s10, $0x1;
	s16 =	smov.u32 s10;
	s12 =	simm.s32 @!p1 $0x0  }
0x3f2: {  	v13 =	vsel vm2, s23, v51;
	s25 =	sadd.s32 $0x5B0, s13;
	s26 =	spop (v2sf);
	s12 =	simm.s32 @p1 $0x1  }
0x3f3: {  	p0 =	sle.s32 s1, s13;
	[smem:$0x7E1] =	sst s12;
	s12 =	sadd.s32 $0xFFFFFFFF, s13  }
0x3f4: {  	s1 =	sadd.s32 $0x5B0, s1;
	p0 =	por !p1, !p0;
	p1 =	sle.s32 s12, s14  }
0x3f5: {  	v52 =	vmov s23;
	p0 =	por !p0, !p0;
	s16 =	smov.u32 @p1 s14;
	s14 =	smov.u32 s13  }
0x3f6: {  	vm5 =	vmmov vm0;
	v10 =	vmov s25;
	s28 =	spop (v2sf);
	v53 =	vmov s1;
	[tilespmem:v11+s20+$0x0] =	vst.idx.msk vm3, v12;
	s10 =	smov.u32 @p0 s16;
	s14 =	smov.u32 @p0 s12  }
0x3f7: {  	vm5 =	vmneg @p0 vm5;
	v11 =	vsel vm2, s0, v52;
	v12 =	vld.idx.msk [tilespmem:v13+s20+$0x0], vm11;
	v13 =	vsel vm2, s25, v53;
	s25 =	sld [smem:$0x7DB];
	s4 =	sand.u32 s24, s10;
	p1 =	sgt.s32 s14, $0x0  }
0x3f8: {  	vm3 =	vmand vm5, vm1;
	s13 =	sadd.s32 $0xFFFFFFFF, s14;
	s16 =	smov.u32 s10;
	s0 =	smov.u32 s14  }
0x3f9: {  	s29 =	sadd.s32 $0x5B0, s14;
	s12 =	simm.s32 @!p1 $0x0;
	p0 =	sle.s32 s4, s14  }
0x3fa: {  	s4 =	sadd.s32 $0x5B0, s4;
	s12 =	simm.s32 @p1 $0x1;
	p0 =	por !p1, !p0  }
0x3fb: {  	[smem:$0x7E2] =	sst s12;
	s12 =	sshrl.u32 s10, $0x1;
	p0 =	por !p0, !p0  }
0x3fc: {  	vm5 =	vmmov vm0;
	[tilespmem:v11+s20+$0x0] =	vst.idx.msk vm11, v12;
	v11 =	vmov s4;
	p1 =	sle.s32 s13, s12;
	s0 =	smov.u32 @p0 s13;
	s21 =	spop (v2sf)  }
0x3fd: {  	v54 =	vmov s29;
	vm5 =	vmneg @p0 vm5;
	v11 =	vsel vm2, s29, v11;
	s29 =	sld [smem:$0x7DD];
	s16 =	smov.u32 @p1 s12;
	p1 =	sgt.s32 s0, $0x0  }
0x3fe: {  	v10 =	vsel vm2, s1, v10;
	v12 =	vld.idx.msk [tilespmem:v13+s20+$0x0], vm3;
	vm12 =	vmand vm5, vm1;
	s1 =	smov.u32 s0;
	s10 =	smov.u32 @p0 s16;
	s14 =	simm.s32 @!p1 $0x0  }
0x3ff: {  	s16 =	sadd.s32 $0xFFFFFFFF, s0;
	s30 =	sand.u32 s28, s10;
	s14 =	simm.s32 @p1 $0x1  }
0x400: {  	[smem:$0x7E3] =	sst s14;
	p0 =	sle.s32 s30, s0;
	s14 =	sshrl.u32 s10, $0x1  }
0x401: {  	s17 =	smov.u32 s10;
	p0 =	por !p1, !p0;
	p1 =	sle.s32 s16, s14  }
0x402: {  	s13 =	sadd.s32 $0x5B0, s30;
	p0 =	por !p0, !p0;
	s17 =	smov.u32 @p1 s14  }
0x403: {  	s0 =	sadd.s32 $0x5B0, s0;
	[tilespmem:v10+s20+$0x0] =	vst.idx.msk vm3, v12;
	s10 =	smov.u32 @p0 s17;
	s1 =	smov.u32 @p0 s16  }
0x404: {  	v55 =	vsel vm2, s4, v54;
	vm5 =	vmmov vm0;
	s30 =	sld [smem:$0x7DE];
	v11 =	vld.idx.msk [tilespmem:v11+s20+$0x0], vm12;
	s17 =	sand.u32 s26, s10;
	p5 =	sgt.s32 s1, $0x0  }
0x405: {  	vm5 =	vmneg @p0 vm5;
	s12 =	sshrl.u32 s10, $0x1;
	s14 =	sadd.s32 $0xFFFFFFFF, s1;
	p0 =	sle.s32 s17, s1  }
0x406: {  	s16 =	smov.u32 s10;
	p1 =	sle.s32 s14, s12;
	p0 =	por !p5, !p0  }
0x407: {  	s22 =	sadd.s32 $0x5B0, s1;
	s16 =	smov.u32 @p1 s12;
	p0 =	por !p0, !p0  }
0x408: {  	v10 =	vmov s13;
	s4 =	sadd.s32 $0x5B0, s17;
	s12 =	smov.u32 s1;
	s10 =	smov.u32 @p0 s16  }
0x409: {  	v10 =	vsel vm2, s0, v10;
	vm3 =	vmand vm5, vm1;
	[tilespmem:v55+s20+$0x0] =	vst.idx.msk vm12, v11;
	v11 =	vmov s0;
	s12 =	smov.u32 @p0 s14;
	s0 =	simm.s32 $0x1;
	s23 =	sand.u32 s21, s10  }
0x40a: {  	p4 =	sgt.s32 s12, $0x0;
	s1 =	sshrl.u32 s10, $0x1;
	s16 =	sadd.s32 $0xFFFFFFFF, s12  }
0x40b: {  	vm5 =	vmmov vm0;
	v11 =	vsel vm2, s13, v11;
	s0 =	simm.s32 @!p2 $0x0;
	s17 =	smov.u32 s10;
	s13 =	smov.u32 s12  }
0x40c: {  	vm5 =	vmneg @p0 vm5;
	s24 =	sadd.s32 $0x5B0, s12;
	s21 =	simm.s32 $0x1;
	p0 =	sle.s32 s23, s12  }
0x40d: {  	p1 =	sle.s32 s16, s1;
	s14 =	sadd.s32 $0x5B0, s23;
	s12 =	simm.s32 $0x1  }
0x40e: {  	s23 =	sld [smem:$0x7DC];
	s0 =	sadd.s32 s0, s9;
	p0 =	por !p4, !p0  }
0x40f: {  	v56 =	vmov s4;
	vm13 =	vmand vm5, vm1;
	v10 =	vld.idx.msk [tilespmem:v10+s20+$0x0], vm3;
	s17 =	smov.u32 @p1 s1;
	s1 =	simm.s32 $0x1;
	p0 =	por !p0, !p0  }
0x410: {  	v12 =	vsel vm2, s22, v56;
	vm5 =	vmmov vm0;
	s9 =	simm.s32 $0x1;
	s1 =	simm.s32 @!p3 $0x0;
	s10 =	smov.u32 @p0 s17  }
0x411: {  	vm5 =	vmneg @p0 vm5;
	s13 =	smov.u32 @p0 s16;
	p0 =	seq.s32 s25, $0x1;
	p2 =	seq.s32 s23, $0x1  }
0x412: {  	s0 =	sadd.s32 s1, s0;
	s1 =	simm.s32 $0x1;
	s5 =	sand.u32 s5, s10  }
0x413: {  	s12 =	simm.s32 @!p0 $0x0;
	p3 =	sgt.s32 s13, $0x0;
	s16 =	sshrl.u32 s10, $0x1  }
0x414: {  	s17 =	sadd.s32 $0xFFFFFFFF, s13;
	s21 =	simm.s32 @!p2 $0x0;
	s23 =	smov.u32 s13;
	[tilespmem:v11+s20+$0x0] =	vst.idx.msk vm3, v10;
	v10 =	vmov s22  }
0x415: {  	s28 =	sadd.s32 $0x5B0, s13;
	v11 =	vmov s14;
	vm3 =	vmand vm5, vm1;
	p6 =	sle.s32 s5, s13;
	s22 =	smov.u32 s10;
	v12 =	vld.idx.msk [tilespmem:v12+s20+$0x0], vm13;
	v10 =	vsel vm2, s4, v10  }
0x416: {  	p1 =	sle.s32 s17, s16;
	s26 =	sadd.s32 $0x5B0, s5;
	s13 =	simm.s32 $0x1;
	v11 =	vsel vm2, s24, v11  }
0x417: {  	s0 =	sadd.s32 s12, s0;
	p0 =	por !p3, !p6;
	s22 =	smov.u32 @p1 s16  }
0x418: {  	v57 =	vmov s24;
	s4 =	simm.s32 $0x1;
	p1 =	seq.s32 s29, $0x1;
	s24 =	sld [smem:$0x7E0]  }
0x419: {  	vm5 =	vmmov vm0;
	s29 =	sld [smem:$0x7E3];
	p0 =	por !p0, !p0;
	s4 =	simm.s32 @!p1 $0x0  }
0x41a: {  	p1 =	seq.s32 s30, $0x1;
	s30 =	sld [smem:$0x7FD];
	vm5 =	vmneg @p0 vm5;
	s10 =	smov.u32 @p0 s22;
	[tilespmem:v10+s20+$0x0] =	vst.idx.msk vm13, v12  }
0x41b: {  	v58 =	vsel vm2, s14, v57;
	s23 =	smov.u32 @p0 s17;
	s13 =	simm.s32 @!p1 $0x0;
	s0 =	sadd.s32 s4, s0;
	vm14 =	vmand vm5, vm1;
	v10 =	vmov s26;
	v11 =	vld.idx.msk [tilespmem:v11+s20+$0x0], vm3  }
0x41c: {  	s4 =	simm.s32 $0x1;
	s2 =	sand.u32 s2, s10;
	p2 =	sgt.s32 s23, $0x0;
	v10 =	vsel vm2, s28, v10  }
0x41d: {  	s14 =	sshrl.u32 s10, $0x1;
	s17 =	sadd.s32 $0xFFFFFFFF, s23;
	p0 =	sle.s32 s2, s23  }
0x41e: {  	s22 =	smov.u32 s10;
	s5 =	smov.u32 s23;
	p0 =	por !p2, !p0  }
0x41f: {  	vm5 =	vmmov vm0;
	s0 =	sadd.s32 s21, s0;
	p1 =	sle.s32 s17, s14;
	p0 =	por !p0, !p0  }
0x420: {  	v59 =	vmov s28;
	s2 =	sadd.s32 $0x5B0, s2;
	s0 =	sadd.s32 s13, s0;
	s22 =	smov.u32 @p1 s14;
	vm5 =	vmneg @p0 vm5;
	[tilespmem:v58+s20+$0x0] =	vst.idx.msk vm3, v11  }
0x421: {  	v60 =	vsel vm2, s26, v59;
	s10 =	smov.u32 @p0 s22;
	s22 =	sadd.s32 $0x5B0, s23;
	s23 =	sld [smem:$0x7DF];
	v11 =	vmov s2;
	vm3 =	vmand vm5, vm1;
	v10 =	vld.idx.msk [tilespmem:v10+s20+$0x0], vm14  }
0x422: {  	s26 =	sld [smem:$0x7E1];
	s5 =	smov.u32 @p0 s17;
	s8 =	sand.u32 s8, s10;
	v11 =	vsel vm2, s22, v11  }
0x423: {  	s28 =	sld [smem:$0x7E2];
	p1 =	sgt.s32 s5, $0x0;
	p0 =	sle.s32 s8, s5  }
0x424: {  	s25 =	sadd.s32 $0x5B0, s5;
	p6 =	seq.s32 s23, $0x1;
	p0 =	por !p1, !p0  }
0x425: {  	s9 =	simm.s32 @!p6 $0x0;
	p0 =	por !p0, !p0;
	vm5 =	vmmov vm0;
	p6 =	seq.s32 s24, $0x1  }
0x426: {  	v61 =	vmov s22;
	s8 =	sadd.s32 $0x5B0, s8;
	s4 =	simm.s32 @!p6 $0x0;
	vm5 =	vmneg @p0 vm5;
	p6 =	seq.s32 s26, $0x1;
	[tilespmem:v60+s20+$0x0] =	vst.idx.msk vm14, v10  }
0x427: {  	v62 =	vsel vm2, s2, v61;
	s0 =	sadd.s32 s9, s0;
	s9 =	simm.s32 $0x1;
	vm15 =	vmand vm5, vm1;
	s1 =	simm.s32 @!p6 $0x0;
	v10 =	vmov s8;
	v11 =	vld.idx.msk [tilespmem:v11+s20+$0x0], vm3  }
0x428: {  	s0 =	sadd.s32 s4, s0;
	s4 =	simm.s32 $0x1;
	p6 =	seq.s32 s28, $0x1;
	v10 =	vsel vm2, s25, v10  }
0x429: {  	s2 =	sshrl.u32 s10, $0x1;
	s9 =	simm.s32 @!p5 $0x0;
	s4 =	simm.s32 @!p6 $0x0  }
0x42a: {  	s0 =	sadd.s32 s1, s0;
	s1 =	simm.s32 $0x1;
	p6 =	seq.s32 s29, $0x1  }
0x42b: {  	s1 =	simm.s32 @!p6 $0x0;
	s0 =	sadd.s32 s4, s0;
	s4 =	simm.s32 $0x1  }
0x42c: {  	v63 =	vmov s25;
	s0 =	sadd.s32 s1, s0;
	s1 =	simm.s32 $0x1;
	s4 =	simm.s32 @!p3 $0x0;
	[tilespmem:v62+s20+$0x0] =	vst.idx.msk vm3, v11  }
0x42d: {  	s1 =	simm.s32 @!p4 $0x0;
	s0 =	sadd.s32 s9, s0;
	s9 =	simm.s32 $0x1;
	v11 =	vsel vm2, s8, v63;
	v10 =	vld.idx.msk [tilespmem:v10+s20+$0x0], vm15  }
.Ltmp23:
0x42e: {  	s0 =	sadd.s32 s1, s0;
	s1 =	simm.s32 $0x1;
	(pc) =	sbr.rel .LBB2_26-.Ltmp23, $4  }
0x42f: {  	s9 =	simm.s32 @!p1 $0x0;
	s0 =	sadd.s32 s4, s0;
	s4 =	sadd.s32 $0xFFFFFFFF, s5  }
0x430: {  	s1 =	simm.s32 @!p2 $0x0;
	p2 =	sle.s32 s4, s2;
	s8 =	smov.u32 s10  }
0x431: {  	p1 =	seq.s32 s30, $0x1;
	s0 =	sadd.s32 s1, s0;
	s8 =	smov.u32 @p2 s2  }
0x432: {  	s5 =	smov.u32 @p0 s4;
	s2 =	sadd.s32 s9, s0;
	s10 =	smov.u32 @p0 s8;
	[tilespmem:v11+s20+$0x0] =	vst.idx.msk vm15, v10  }
.LBB2_29:
0x433: {  	s0 =	sld [smem:$0x7E9];
	_ =	sdelay $0x2  }
0x434: {  	p0 =	seq.s32 s0, $0x1  }
0x435: {  	s0 =	simm.s32 @!p0 $0x1  }
.Ltmp24:
0x436: {  	_ =	swait.ge @!p0 [sflag:s0], $0x420;
	(pc) =	sbr.rel .LBB2_30-.Ltmp24, $4  }
0x437: {  	s1 =	rddreg [dreg:$0x12]  }
0x438: {  	s2 =	simm.s32 $0x0;
	s1 =	smul.u32 $0x1694, s1  }
0x439: {  	s8 =	simm.s32 $0x18C00;
	[sflag:s0] =	ssyncset.done @!p0 $0x0;
	s7 =	rddreg [dreg:$0x11]  }
0x43a: {  	v11 =	vmov s31;
	v10 =	vimm.f32 $0.0e+00;
	[sflag:s0] =	ssyncadd.s32 @!p0 $0xFFFFFBE0;
	s0 =	simm.s32 $0x0;
	v12 =	vmov s1;
	s1 =	simm.s32 $0x1A380  }
.LBB2_34:
0x43b: {  	s2 =	sadd.s32 $0x1, s2  }
0x43c: {  	p0 =	sne.s32 s2, $0xD  }
.Ltmp25:
0x43d: {  	_ = 	snop;
	(pc) =	sbr.rel @!p0 .LBB2_35-.Ltmp25, $2  }
0x43e: {  	_ =	sdelay $0x2  }
0x43f: {  	s0 =	sadd.s32 $0x70, s0;
	s1 =	sadd.s32 $0x70, s1  }
.LBB2_30:
0x440: {  	s3 =	smul.u32 $0x70, s2;
	_ =	sdelay $0x1  }
0x441: {  	p0 =	sge.s32 s3, s31  }
.Ltmp26:
0x442: {  	_ = 	snop;
	(pc) =	sbr.rel @p0 .LBB2_34-.Ltmp26, $4  }
.Ltmp27:
0x443: {  	_ = 	snop;
	(pc) =	sbr.rel @!p0 .LBB2_31-.Ltmp27, $4  }
0x444: {  	_ = 	snop  }
0x445: {  	_ = 	snop  }
0x446: {  	s5 =	simm.s32 $0x0;
	s3 =	smov.u32 s0  }
0x447: {  	_ = 	snop  }
.LBB2_33:
0x448: {  	s5 =	sadd.s32 $0x40, s5  }
0x449: {  	p0 =	sne.s32 s5, $0x1C0  }
.Ltmp28:
0x44a: {  	_ = 	snop;
	(pc) =	sbr.rel @!p0 .LBB2_34-.Ltmp28, $2  }
0x44b: {  	_ =	sdelay $0x2  }
0x44c: {  	s3 =	sadd.s32 $0x10, s3  }
.LBB2_31:
0x44d: {  	p0 =	sge.s32 s3, s31  }
.Ltmp29:
0x44e: {  	_ = 	snop;
	(pc) =	sbr.rel @p0 .LBB2_33-.Ltmp29, $1  }
0x44f: {  	_ =	sdelay $0x3  }
0x450: {  	s4 =	sshra.s32 s5, $0x2  }
0x451: {  	s4 =	sadd.s32 s4, s1  }
0x452: {  	v13 =	vld [tilespmem:s4+$0x0];
	_ =	sdelay $0x3  }
0x453: {  	v14 =	vor.u32 s3, v0  }
0x454: {  	vm3 =	vlt.s32 v14, v11;
	v14 =	vshll.u32 v13, $0x2  }
0x455: {  	v15 =	vor.u32 $0x2, v14;
	_ =	sdelay $0x1  }
0x456: {  	v16 =	vor.u32 $0x3, v14;
	_ =	sdelay $0x2  }
0x457: {  	v15 =	vld.idx.msk [tilespmem:v15+s8+$0x0], vm3;
	_ =	sdelay $0x1  }
0x458: {  	v16 =	vld.idx.msk [tilespmem:v16+s8+$0x0], vm3;
	_ =	sdelay $0x2  }
0x459: {  	v13 =	vadd.s32 v12, v13;
	v15 =	vnsel vm3, $0x3F800000, v15  }
0x45a: {  	v17 =	vor.u32 $0x1, v14;
	(erf) = vrcp.f32 v15  }
0x45b: {  	v15 =	vnsel vm3, $0x3F800000, v16  }
0x45c: {  	(erf) = vrcp.f32 v15  }
0x45d: {  	v18 =	vadd.s32 $0xB4A, v13;
	v14 =	vld.idx.msk [tilespmem:v14+s8+$0x0], vm3  }
0x45e: {  	v51 =	vld.idx.msk [tilespmem:v13+s15+$0x0], vm3;
	v15 =	vadd.s32 $0x5A5, v13  }
0x45f: {  	v50 =	vld.idx.msk [tilespmem:v17+s8+$0x0], vm3;
	v13 =	vadd.s32 $0x10EF, v13;
	_ =	sdelay $0x2  }
0x460: {  	v18 =	vld.idx.msk [tilespmem:v18+s15+$0x0], vm3;
	v19 =	vsub.f32 v6, v14  }
0x461: {  	v14 =	vsub.f32 v8, v14;
	v15 =	vld.idx.msk [tilespmem:v15+s15+$0x0], vm3;
	v20 =	vpop (erf)  }
0x462: {  	v21 =	vsub.f32 v7, v50;
	v13 =	vld.idx.msk [tilespmem:v13+s15+$0x0], vm3;
	v19 =	vmul.f32 v20, v19  }
0x463: {  	v16 =	vsub.f32 v9, v50;
	v22 =	vpop (erf);
	v14 =	vmul.f32 v20, v14  }
0x464: {  	v52 =	vmul.f32 v22, v21;
	v17 =	vsub.f32 v51, v19  }
0x465: {  	v16 =	vmul.f32 v22, v16;
	v14 =	vsub.f32 v18, v14  }
0x466: {  	v15 =	vsub.f32 v15, v52;
	v53 =	vmul.f32 $5.000000000e-01, v17  }
0x467: {  	v13 =	vsub.f32 v13, v16;
	v54 =	vand.u32 $0x7FFFFFFF, v17;
	v58 =	vmul.f32 $5.000000000e-01, v14  }
0x468: {  	v59 =	vand.u32 $0x7FFFFFFF, v14;
	v55 =	vmul.f32 $5.000000000e-01, v15;
	v17 =	vmul.f32 v53, v17  }
0x469: {  	vm4 =	vlt.f32 v54, $1.000000000e+00;
	v20 =	vadd.f32 $-5.000000000e-01, v54;
	v56 =	vand.u32 $0x7FFFFFFF, v15  }
0x46a: {  	v57 =	vadd.f32 $-5.000000000e-01, v56;
	v15 =	vmul.f32 v55, v15;
	v17 =	vadd.f32 $0.0e+00, v17  }
0x46b: {  	v60 =	vadd.f32 $-5.000000000e-01, v59;
	v61 =	vmul.f32 $5.000000000e-01, v13;
	vm5 =	vlt.f32 v56, $1.000000000e+00  }
0x46c: {  	v14 =	vmul.f32 v58, v14;
	v15 =	vsel vm5, v15, v57;
	v17 =	vsel vm4, v17, v20  }
0x46d: {  	vm14 =	vlt.f32 v59, $1.000000000e+00;
	v62 =	vand.u32 $0x7FFFFFFF, v13;
	v15 =	vadd.f32 v15, v17  }
0x46e: {  	v63 =	vadd.f32 $-5.000000000e-01, v62;
	v13 =	vmul.f32 v61, v13;
	v14 =	vsel vm14, v14, v60  }
0x46f: {  	vm15 =	vlt.f32 v62, $1.000000000e+00;
	v14 =	vadd.f32 v15, v14  }
.Ltmp30:
0x470: {  	v13 =	vsel vm15, v13, v63;
	(pc) =	sbr.rel .LBB2_33-.Ltmp30, $3  }
0x471: {  	v13 =	vadd.f32 v14, v13;
	_ =	sdelay $0x1  }
0x472: {  	v13 =	vnsel vm3, $0x0, v13  }
0x473: {  	v10 =	vadd.f32 v13, v10  }
.LBB2_35:
0x474: {  	p0 =	slt.s32 s31, $0x10;
	s2 =	smov.u32 s31  }
0x475: {  	v6 =	vld [tilespmem:$0x1AF80];
	s2 =	simm.s32 @!p0 $0x10  }
0x476: {  	v7 =	vmov s2  }
0x477: {  	vm3 =	vgt.s32 v7, v0;
	_ =	sdelay $0x5  }
0x478: {  	v6 =	vld.idx.msk [tilespmem:v6+s18+$0x0], vm3;
	_ =	sdelay $0x4  }
0x479: {  	v6 =	vadd.s32 s7, v6;
	_ =	sdelay $0x3  }
0x47a: {  	s3 =	smul.u32 $0x3, s31;
	s6 =	simm.s32 $0x0  }
.Ltmp31:
0x47b: {  	v6 =	vld.idx.msk [tilespmem:v6+s6+$0x0], vm3;
	(pc) =	sbr.rel .LBB2_36-.Ltmp31, $4  }
0x47c: {  	s0 =	rddreg [dreg:$0x13]  }
0x47d: {  	p0 =	slt.s32 s0, s3  }
0x47e: {  	s3 =	smov.u32 @p0 s0  }
0x47f: {  	v9 =	vimm.f32 $0.0e+00;
	v7 =	vmov s7;
	s0 =	simm.s32 $0x1B530;
	v8 =	vmov s3;
	s7 =	simm.s32 $0x0  }
.LBB2_40:
0x480: {  	s7 =	sadd.s32 $0x1, s7  }
0x481: {  	p0 =	sne.s32 s7, $0xD  }
.Ltmp32:
0x482: {  	_ = 	snop;
	(pc) =	sbr.rel @!p0 .LBB2_41-.Ltmp32, $2  }
0x483: {  	_ =	sdelay $0x2  }
0x484: {  	s0 =	sadd.s32 $0x70, s0;
	s6 =	sadd.s32 $0x70, s6  }
.LBB2_36:
0x485: {  	s1 =	smul.u32 $0x70, s7;
	_ =	sdelay $0x1  }
0x486: {  	p0 =	sge.s32 s1, s3  }
.Ltmp33:
0x487: {  	_ = 	snop;
	(pc) =	sbr.rel @p0 .LBB2_40-.Ltmp33, $1  }
0x488: {  	_ =	sdelay $0x3  }
0x489: {  	p1 =	sge.s32 s6, s3  }
0x48a: {  	s1 =	sadd.s32 @!p1 $0x0, s0  }
0x48b: {  	v11 =	vlaneseq.u32 @!p1;
	v12 =	vld @!p1 [tilespmem:s1+$0x0]  }
0x48c: {  	p3 =	por p1, p1;
	v11 =	vor.u32 @!p1 s6, v11  }
0x48d: {  	vm4 =	vlt.s32 @!p3 v11, v8;
	_ =	sdelay $0x4  }
0x48e: {  	s1 =	simm.s32 @!p3 $0x1A980  }
0x48f: {  	v11 =	vld.idx.msk @!p3 [tilespmem:v12+s1+$0x0], vm4;
	_ =	sdelay $0x2  }
0x490: {  	s1 =	sadd.s32 $0x10, s6  }
0x491: {  	vm4 =	vmmov vm4;
	p0 =	sge.s32 s1, s3  }
0x492: {  	s4 =	sadd.s32 @!p0 $0x10, s0;
	v11 =	vadd.s32 @!p3 v7, v11  }
0x493: {  	v12 =	vlaneseq.u32 @!p0;
	v13 =	vld @!p0 [tilespmem:s4+$0x0]  }
0x494: {  	p2 =	por p0, p0;
	v12 =	vor.u32 @!p0 s1, v12  }
0x495: {  	vm5 =	vlt.s32 @!p2 v12, v8;
	p3 =	por p3, p3  }
0x496: {  	s4 =	simm.s32 @!p3 $0x0  }
0x497: {  	v11 =	vld.idx.msk @!p3 [tilespmem:v11+s4+$0x0], vm4;
	_ =	sdelay $0x1  }
0x498: {  	s1 =	sadd.s32 $0x10, s1  }
0x499: {  	p4 =	sge.s32 s1, s3;
	s4 =	simm.s32 @!p2 $0x1A980  }
0x49a: {  	v12 =	vld.idx.msk @!p2 [tilespmem:v13+s4+$0x0], vm5;
	s4 =	simm.s32 @!p4 $0x0  }
0x49b: {  	s4 =	simm.s32 @p4 $0x1;
	v11 =	vmax.f32 @!p3 v11, $9.999999960e-13  }
0x49c: {  	[smem:$0x7D7] =	sst s4;
	s4 =	sadd.s32 @!p4 $0x20, s0;
	v11 =	vmin.f32 @!p3 v11, $1.000000000e+00;
	p3 =	por p3, p3  }
0x49d: {  	v13 =	vlaneseq.u32 @!p4;
	v14 =	vld @!p4 [tilespmem:s4+$0x0];
	v11 =	vsub.f32 @!p3 $1.000000000e+00, v11  }
0x49e: {  	p6 =	por p4, p4;
	vm5 =	vmmov vm5;
	v13 =	vor.u32 @!p4 s1, v13  }
0x49f: {  	vm6 =	vlt.s32 @!p6 v13, v8;
	v12 =	vadd.s32 @!p2 v7, v12;
	v13 =	vand.u32 @!p3 $0x7FFFFF, v11  }
0x4a0: {  	v13 =	vor.u32 @!p3 $0x3F800000, v13  }
0x4a1: {  	v15 =	vmul.f32 @!p3 $5.000000000e-01, v13  }
0x4a2: {  	p4 =	por p2, p2;
	vm7 =	vgt.f32 @!p3 v13, $1.333333370e+00  }
0x4a3: {  	s4 =	simm.s32 @!p4 $0x0;
	v13 =	vsel @!p3 vm7, v15, v13  }
0x4a4: {  	v12 =	vld.idx.msk @!p4 [tilespmem:v12+s4+$0x0], vm5;
	s4 =	simm.s32 @!p6 $0x1A980;
	v15 =	vadd.f32 @!p3 $1.000000000e+00, v13  }
0x4a5: {  	s1 =	sadd.s32 $0x10, s1;
	v14 =	vld.idx.msk @!p6 [tilespmem:v14+s4+$0x0], vm6  }
0x4a6: {  	p2 =	sge.s32 s1, s3;
	(erf) = vrcp.f32 @!p3 v15  }
0x4a7: {  	s4 =	sadd.s32 @!p2 $0x30, s0  }
0x4a8: {  	v16 =	vld @!p2 [tilespmem:s4+$0x0];
	s4 =	simm.s32 @!p2 $0x0;
	v15 =	vlaneseq.u32 @!p2  }
0x4a9: {  	vm6 =	vmmov vm6;
	s4 =	simm.s32 @p2 $0x1;
	v12 =	vmax.f32 @!p4 v12, $9.999999960e-13;
	v15 =	vor.u32 @!p2 s1, v15;
	p2 =	por p2, p2  }
0x4aa: {  	v14 =	vadd.s32 @!p6 v7, v14;
	v12 =	vmin.f32 @!p4 v12, $1.000000000e+00;
	p4 =	por p4, p4;
	vm8 =	vlt.s32 @!p2 v15, v8  }
0x4ab: {  	v11 =	vshrl.u32 @!p3 v11, $0x17;
	v15 =	vimm.s32 @!p3 $0x0;
	v12 =	vsub.f32 @!p4 $1.000000000e+00, v12  }
0x4ac: {  	p5 =	por p3, p3;
	v11 =	vand.u32 @!p3 $0xFF, v11;
	v15 =	vsel @!p3 vm7, $0x1, v15  }
0x4ad: {  	vm4 =	vmmov vm4;
	p3 =	por p6, p6;
	v11 =	vadd.s32 @!p5 v15, v11;
	v15 =	vand.u32 @!p4 $0x7FFFFF, v12  }
0x4ae: {  	v13 =	vadd.f32 @!p5 $-1.000000000e+00, v13;
	[smem:$0x7D4] =	sst s4;
	s4 =	simm.s32 @!p3 $0x0;
	v11 =	vadd.s32 @!p5 $0xFFFFFF81, v11;
	v15 =	vor.u32 @!p4 $0x3F800000, v15  }
0x4af: {  	vm5 =	vmmov vm5;
	v11 =	vcvt.s32.f32 @!p5 v11;
	v14 =	vld.idx.msk @!p3 [tilespmem:v14+s4+$0x0], vm6;
	s4 =	simm.s32 @!p2 $0x1A980;
	v18 =	vmul.f32 @!p4 $5.000000000e-01, v15;
	v17 =	vpop @!p1 (erf)  }
0x4b0: {  	vm10 =	vmmov vm5;
	vm5 =	vgt.f32 @!p4 v15, $1.333333370e+00;
	v16 =	vld.idx.msk @!p2 [tilespmem:v16+s4+$0x0], vm8;
	v13 =	vmul.f32 @!p5 v17, v13  }
0x4b1: {  	vm4 =	vmmov vm4;
	v15 =	vsel @!p4 vm5, v18, v15;
	v18 =	vmul.f32 @!p5 $6.931471820e-01, v11  }
0x4b2: {  	v11 =	vshrl.u32 @!p4 v12, $0x17;
	v12 =	vadd.f32 @!p4 $1.000000000e+00, v15;
	v17 =	vmul.f32 @!p5 v13, v13  }
0x4b3: {  	vm9 =	vmmov vm4  }
0x4b4: {  	s1 =	sadd.s32 $0x10, s1;
	vm4 =	vmmov vm8;
	(erf) = vrcp.f32 @!p4 v12;
	v20 =	vmul.f32 @!p5 $9.090909360e-02, v17  }
0x4b5: {  	v19 =	vimm.s32 @!p4 $0x0;
	p1 =	sge.s32 s1, s3;
	v14 =	vmax.f32 @!p3 v14, $9.999999960e-13;
	v16 =	vadd.s32 @!p2 v7, v16  }
0x4b6: {  	s4 =	sadd.s32 @!p1 $0x40, s0;
	v12 =	vmin.f32 @!p3 v14, $1.000000000e+00;
	v14 =	vsel @!p4 vm5, $0x1, v19;
	v19 =	vadd.f32 @!p5 $1.111111120e-01, v20  }
0x4b7: {  	p6 =	por p5, p5;
	v11 =	vand.u32 @!p4 $0xFF, v11;
	v21 =	vld @!p1 [tilespmem:s4+$0x0];
	s4 =	simm.s32 @!p1 $0x0;
	v20 =	vlaneseq.u32 @!p1;
	p5 =	por p4, p4  }
0x4b8: {  	s4 =	simm.s32 @p1 $0x1;
	p4 =	por p2, p2;
	p2 =	por p1, p1;
	v20 =	vor.u32 @!p1 s1, v20;
	v11 =	vadd.s32 @!p5 v14, v11;
	v14 =	vmul.f32 @!p6 v19, v17  }
0x4b9: {  	[smem:$0x7D5] =	sst s4;
	s4 =	simm.s32 @!p4 $0x0;
	vm8 =	vlt.s32 @!p2 v20, v8  }
0x4ba: {  	p1 =	por p3, p3;
	v19 =	vadd.f32 @!p6 v13, v13;
	v13 =	vld.idx.msk @!p4 [tilespmem:v16+s4+$0x0], vm4;
	v14 =	vadd.f32 @!p6 $1.428571490e-01, v14  }
0x4bb: {  	vm5 =	vmmov vm9;
	v15 =	vadd.f32 @!p5 $-1.000000000e+00, v15;
	v12 =	vsub.f32 @!p1 $1.000000000e+00, v12  }
0x4bc: {  	v11 =	vadd.s32 @!p5 $0xFFFFFF81, v11;
	v16 =	vimm.s32 @!p1 $0x0;
	v14 =	vmul.f32 @!p6 v14, v17  }
0x4bd: {  	vm9 =	vmmov vm8;
	v20 =	vshrl.u32 @!p1 v12, $0x17;
	v12 =	vand.u32 @!p1 $0x7FFFFF, v12;
	v22 =	vpop @!p0 (erf)  }
0x4be: {  	s4 =	simm.s32 @!p2 $0x1A980;
	v12 =	vor.u32 @!p1 $0x3F800000, v12;
	v15 =	vmul.f32 @!p5 v22, v15;
	v14 =	vadd.f32 @!p6 $2.000000030e-01, v14  }
0x4bf: {  	v23 =	vmul.f32 @!p1 $5.000000000e-01, v12;
	v13 =	vmax.f32 @!p4 v13, $9.999999960e-13;
	v21 =	vld.idx.msk @!p2 [tilespmem:v21+s4+$0x0], vm8;
	vm8 =	vgt.f32 @!p1 v12, $1.333333370e+00  }
0x4c0: {  	v22 =	vmin.f32 @!p4 v13, $1.000000000e+00;
	v13 =	vmul.f32 @!p5 v15, v15;
	v14 =	vmul.f32 @!p6 v14, v17  }
0x4c1: {  	v11 =	vcvt.s32.f32 @!p5 v11;
	v23 =	vsel @!p1 vm8, v23, v12;
	v12 =	vsel @!p1 vm8, $0x1, v16  }
0x4c2: {  	s4 =	sadd.s32 $0x10, s1;
	v16 =	vadd.f32 @!p1 $1.000000000e+00, v23;
	v24 =	vmul.f32 @!p5 $9.090909360e-02, v13;
	v14 =	vadd.f32 @!p6 $3.333333430e-01, v14  }
0x4c3: {  	vm7 =	vmmov vm6;
	p3 =	por p6, p6;
	v11 =	vmul.f32 @!p5 $6.931471820e-01, v11;
	v20 =	vand.u32 @!p1 $0xFF, v20;
	p0 =	sge.s32 s4, s3  }
0x4c4: {  	(erf) = vrcp.f32 @!p1 v16;
	v24 =	vadd.f32 @!p5 $1.111111120e-01, v24;
	v16 =	vmul.f32 @!p6 v14, v17;
	p6 =	por p5, p5;
	p5 =	por p1, p1;
	p1 =	por p0, p0  }
0x4c5: {  	vm7 =	vmmov vm7;
	vm6 =	vmmov vm10;
	vm10 =	vmmov vm5;
	s1 =	simm.s32 @!p1 $0x0  }
0x4c6: {  	vm5 =	vmmov vm7;
	v25 =	vlaneseq.u32 @!p0;
	v17 =	vadd.s32 @!p2 v7, v21;
	s1 =	simm.s32 @p1 $0x1  }
0x4c7: {  	v21 =	vor.u32 @!p0 s4, v25;
	v14 =	vadd.f32 @!p6 v15, v15;
	v15 =	vadd.f32 @!p3 $1.000000000e+00, v16;
	[smem:$0x7D8] =	sst s1;
	s1 =	sadd.s32 @!p0 $0x50, s0  }
0x4c8: {  	vm4 =	vmmov vm4;
	vm11 =	vlt.s32 @!p1 v21, v8;
	v16 =	vmul.f32 @!p6 v24, v13;
	v21 =	vld @!p0 [tilespmem:s1+$0x0]  }
0x4c9: {  	s29 =	sld [smem:$0x7D7];
	vm7 =	vmmov vm4;
	vm8 =	vmmov vm6;
	s5 =	simm.s32 @!p0 $0x0;
	v15 =	vmul.f32 @!p3 v15, v19  }
0x4ca: {  	p4 =	por p4, p4;
	vm6 =	vmmov vm9;
	s5 =	simm.s32 @p0 $0x1;
	v12 =	vadd.s32 @!p5 v12, v20;
	p0 =	por p2, p2;
	v16 =	vadd.f32 @!p6 $1.428571490e-01, v16  }
0x4cb: {  	v20 =	vsub.f32 @!p4 $1.000000000e+00, v22;
	v12 =	vadd.s32 @!p5 $0xFFFFFF81, v12;
	s30 =	sld [smem:$0x7D8];
	s1 =	simm.s32 @!p0 $0x0;
	v15 =	vadd.f32 @!p3 v15, v18  }
0x4cc: {  	vm4 =	vmmov vm11;
	v12 =	vcvt.s32.f32 @!p5 v12;
	v17 =	vld.idx.msk @!p0 [tilespmem:v17+s1+$0x0], vm9;
	v22 =	vmul.f32 @!p6 v16, v13  }
0x4cd: {  	v18 =	vadd.f32 @!p5 $-1.000000000e+00, v23;
	v16 =	vshrl.u32 @!p4 v20, $0x17;
	v20 =	vand.u32 @!p4 $0x7FFFFF, v20  }
0x4ce: {  	p1 =	seq.s32 s29, $0x1;
	p2 =	seq.s32 s30, $0x1;
	v24 =	vor.u32 @!p4 $0x3F800000, v20;
	v23 =	vsub.f32 @!p3 $0.0e+00, v15;
	v22 =	vadd.f32 @!p6 $2.000000030e-01, v22  }
0x4cf: {  	[smem:$0x7D6] =	sst s5;
	v19 =	vimm.s32 @!p4 $0x0;
	v12 =	vmul.f32 @!p5 $6.931471820e-01, v12;
	s1 =	simm.s32 @!p3 $0x0;
	v25 =	vmul.f32 @!p4 $5.000000000e-01, v24;
	s5 =	simm.s32 @!p2 $0x1A980;
	v15 =	vpop @!p1 (erf)  }
0x4d0: {  	s1 =	simm.s32 @p3 $0x1;
	v20 =	vnsel @!p3 vm10, $0x0, v23;
	v23 =	vmul.f32 @!p6 v22, v13;
	v15 =	vmul.f32 @!p5 v15, v18;
	v22 =	vld.idx.msk @!p2 [tilespmem:v21+s5+$0x0], vm11;
	s5 =	sadd.s32 $0x10, s4;
	s4 =	simm.s32 @!p0 $0x0  }
0x4d1: {  	v16 =	vand.u32 @!p4 $0xFF, v16;
	[smem:$0x7D9] =	sst s1;
	vm10 =	vgt.f32 @!p4 v24, $1.333333370e+00;
	v17 =	vmax.f32 @!p0 v17, $9.999999960e-13;
	s4 =	simm.s32 @p0 $0x1  }
0x4d2: {  	s1 =	simm.s32 $0x180;
	v21 =	vmin.f32 @!p0 v17, $1.000000000e+00;
	v17 =	vsel @!p4 vm10, v25, v24;
	v18 =	vmul.f32 @!p5 v15, v15;
	[smem:$0x7DA] =	sst s4  }
.LBB2_38:
0x4d3: {  	s4 =	sld [smem:$0x7D4];
	_ =	sdelay $0x1  }
0x4d4: {  	s25 =	sld [smem:$0x7D5]  }
0x4d5: {  	p0 =	seq.s32 s4, $0x1  }
0x4d6: {  	s26 =	sld [smem:$0x7D6];
	s4 =	simm.s32 @!p0 $0x0  }
0x4d7: {  	s24 =	sld [smem:$0x7D9];
	s4 =	simm.s32 @p0 $0x1;
	p0 =	seq.s32 s25, $0x1  }
0x4d8: {  	[smem:$0x7D2] =	sst s4;
	s4 =	simm.s32 @!p0 $0x0  }
0x4d9: {  	s28 =	sld [smem:$0x7DA];
	s4 =	simm.s32 @p0 $0x1;
	p0 =	seq.s32 s26, $0x1  }
0x4da: {  	p1 =	seq.s32 s24, $0x1;
	[smem:$0x7D4] =	sst s4;
	s4 =	simm.s32 @!p0 $0x0  }
0x4db: {  	v20 =	vadd.f32 @!p1 v20, v9;
	s4 =	simm.s32 @p0 $0x1  }
0x4dc: {  	v24 =	vadd.f32 @!p4 $1.000000000e+00, v17;
	[smem:$0x7D5] =	sst s4;
	s4 =	smov.u32 s1;
	s1 =	sadd.s32 $0x40, s1  }
0x4dd: {  	v9 =	vpsel p1, v9, v20;
	p1 =	seq.s32 s28, $0x1;
	p0 =	sge.s32 s5, s3;
	p3 =	sne.s32 s1, $0x1C0  }
0x4de: {  	v23 =	vadd.f32 @!p6 $3.333333430e-01, v23;
	v26 =	vmul.f32 @!p5 $9.090909360e-02, v18;
	(erf) = vrcp.f32 @!p4 v24;
	s29 =	sld [smem:$0x7D2];
	s4 =	sshra.s32 @!p0 s4, $0x2;
	s10 =	simm.s32 @!p3 $0x0  }
0x4df: {  	v19 =	vsel @!p4 vm10, $0x1, v19;
	v22 =	vadd.s32 @!p2 v7, v22;
	v25 =	vlaneseq.u32 @!p0;
	s4 =	sadd.s32 @!p0 s4, s0;
	s10 =	simm.s32 @p3 $0x1;
	p3 =	por p6, p6  }
0x4e0: {  	v23 =	vmul.f32 @!p6 v23, v13;
	v13 =	vmovc v18;
	v24 =	vor.u32 @!p0 s5, v25;
	v25 =	vadd.f32 @!p5 $1.111111120e-01, v26;
	v18 =	vld @!p0 [tilespmem:s4+$0x0];
	p6 =	por p5, p5;
	p5 =	por p4, p4;
	p4 =	por p1, p1  }
0x4e1: {  	vm9 =	vmmov vm8;
	vm8 =	vmmov vm5;
	vm5 =	vmmov vm7;
	p1 =	por p2, p2;
	s4 =	simm.s32 @!p0 $0x0;
	p2 =	por p0, p0  }
0x4e2: {  	[smem:$0x7D3] =	sst s10;
	v16 =	vadd.s32 @!p5 v19, v16;
	v19 =	vadd.f32 @!p3 $1.000000000e+00, v23;
	s4 =	simm.s32 @p0 $0x1;
	vm10 =	vlt.s32 @!p2 v24, v8  }
0x4e3: {  	vm7 =	vmmov vm6;
	v15 =	vadd.f32 @!p6 v15, v15;
	v20 =	vmul.f32 @!p6 v25, v13;
	[smem:$0x7D6] =	sst s4  }
0x4e4: {  	vm6 =	vmmov vm4;
	v16 =	vadd.s32 @!p5 $0xFFFFFF81, v16;
	s4 =	simm.s32 @!p1 $0x0;
	s30 =	sld [smem:$0x7D3];
	v19 =	vmul.f32 @!p3 v19, v14  }
0x4e5: {  	v25 =	vsub.f32 @!p4 $1.000000000e+00, v21;
	v16 =	vcvt.s32.f32 @!p5 v16;
	v14 =	vmovc v15;
	v23 =	vld.idx.msk @!p1 [tilespmem:v22+s4+$0x0], vm4;
	v15 =	vadd.f32 @!p6 $1.428571490e-01, v20  }
0x4e6: {  	v17 =	vadd.f32 @!p5 $-1.000000000e+00, v17;
	p0 =	seq.s32 s29, $0x1;
	vm4 =	vmmov vm10;
	v21 =	vadd.f32 @!p3 v19, v11;
	v11 =	vmovc v12  }
0x4e7: {  	s4 =	simm.s32 @!p2 $0x1A980;
	v12 =	vmul.f32 @!p5 $6.931471820e-01, v16;
	v15 =	vmul.f32 @!p6 v15, v13;
	v16 =	vshrl.u32 @!p4 v25, $0x17;
	v20 =	vpop @!p0 (erf);
	p0 =	seq.s32 s30, $0x1  }
.Ltmp34:
0x4e8: {  	v24 =	vand.u32 @!p4 $0x7FFFFF, v25;
	v19 =	vimm.s32 @!p4 $0x0;
	v16 =	vand.u32 @!p4 $0xFF, v16;
	v22 =	vld.idx.msk @!p2 [tilespmem:v18+s4+$0x0], vm10;
	s4 =	simm.s32 @!p3 $0x0;
	(pc) =	sbr.rel @p0 .LBB2_38-.Ltmp34, $4  }
0x4e9: {  	v21 =	vsub.f32 @!p3 $0.0e+00, v21;
	v18 =	vor.u32 @!p4 $0x3F800000, v24;
	v24 =	vadd.f32 @!p6 $2.000000030e-01, v15;
	s4 =	simm.s32 @p3 $0x1  }
0x4ea: {  	v15 =	vmul.f32 @!p5 v20, v17;
	v17 =	vmax.f32 @!p1 v23, $9.999999960e-13;
	v25 =	vmul.f32 @!p4 $5.000000000e-01, v18;
	[smem:$0x7D9] =	sst s4;
	s4 =	simm.s32 @!p1 $0x0  }
0x4eb: {  	vm10 =	vgt.f32 @!p4 v18, $1.333333370e+00;
	v20 =	vnsel @!p3 vm9, $0x0, v21;
	v21 =	vmin.f32 @!p1 v17, $1.000000000e+00;
	s4 =	simm.s32 @p1 $0x1  }
0x4ec: {  	s5 =	sadd.s32 $0x10, s5;
	v23 =	vmul.f32 @!p6 v24, v13;
	v17 =	vsel @!p4 vm10, v25, v18;
	v18 =	vmul.f32 @!p5 v15, v15;
	[smem:$0x7DA] =	sst s4  }
0x4ed: {  	v22 =	vadd.s32 @!p2 v7, v22;
	_ =	sdelay $0x2  }
0x4ee: {  	p1 =	por p2, p2  }
0x4ef: {  	s23 =	sld [smem:$0x7DA];
	s1 =	simm.s32 @!p1 $0x0  }
0x4f0: {  	v22 =	vld.idx.msk @!p1 [tilespmem:v22+s1+$0x0], vm4;
	_ =	sdelay $0x1  }
0x4f1: {  	p0 =	seq.s32 s23, $0x1  }
0x4f2: {  	p2 =	por p0, p0  }
0x4f3: {  	v21 =	vsub.f32 @!p2 $1.000000000e+00, v21  }
0x4f4: {  	v22 =	vmax.f32 @!p1 v22, $9.999999960e-13  }
0x4f5: {  	p0 =	por p1, p1;
	v24 =	vand.u32 @!p2 $0x7FFFFF, v21;
	v22 =	vmin.f32 @!p1 v22, $1.000000000e+00  }
0x4f6: {  	v24 =	vor.u32 @!p2 $0x3F800000, v24;
	v22 =	vsub.f32 @!p0 $1.000000000e+00, v22  }
0x4f7: {  	v25 =	vadd.f32 @!p4 $1.000000000e+00, v17;
	v26 =	vmul.f32 @!p2 $5.000000000e-01, v24  }
0x4f8: {  	v23 =	vadd.f32 @!p6 $3.333333430e-01, v23;
	vm11 =	vgt.f32 @!p2 v24, $1.333333370e+00;
	v27 =	vand.u32 @!p0 $0x7FFFFF, v22  }
0x4f9: {  	(erf) = vrcp.f32 @!p4 v25;
	v24 =	vsel @!p2 vm11, v26, v24;
	v27 =	vor.u32 @!p0 $0x3F800000, v27  }
0x4fa: {  	v26 =	vmul.f32 @!p5 $9.090909360e-02, v18;
	v28 =	vadd.f32 @!p2 $1.000000000e+00, v24;
	v25 =	vmul.f32 @!p0 $5.000000000e-01, v27  }
0x4fb: {  	v13 =	vmul.f32 @!p6 v23, v13;
	vm9 =	vgt.f32 @!p0 v27, $1.333333370e+00  }
0x4fc: {  	s24 =	sld [smem:$0x7D9];
	p6 =	por p6, p6;
	(erf) = vrcp.f32 @!p2 v28;
	v23 =	vsel @!p0 vm9, v25, v27;
	v25 =	vadd.f32 @!p5 $1.111111120e-01, v26  }
0x4fd: {  	v13 =	vadd.f32 @!p6 $1.000000000e+00, v13;
	p5 =	por p5, p5;
	v26 =	vadd.f32 @!p0 $1.000000000e+00, v23  }
0x4fe: {  	s25 =	sld [smem:$0x7D4];
	v25 =	vmul.f32 @!p5 v25, v18  }
0x4ff: {  	p3 =	seq.s32 s24, $0x1;
	v13 =	vmul.f32 @!p6 v13, v14;
	(erf) = vrcp.f32 @!p0 v26  }
0x500: {  	v14 =	vadd.f32 @!p3 v20, v9;
	p1 =	por p4, p4;
	v20 =	vadd.f32 @!p5 $1.428571490e-01, v25  }
0x501: {  	v19 =	vsel @!p4 vm10, $0x1, v19;
	s26 =	sld [smem:$0x7D5];
	v11 =	vadd.f32 @!p6 v13, v11;
	p4 =	seq.s32 s25, $0x1;
	v13 =	vadd.f32 @!p1 $-1.000000000e+00, v17  }
0x502: {  	v9 =	vpsel p3, v9, v14;
	v17 =	vpop @!p4 (erf);
	v14 =	vmul.f32 @!p5 v20, v18  }
0x503: {  	vm8 =	vmmov vm8;
	vm5 =	vmmov vm5;
	p4 =	por p2, p2;
	v13 =	vmul.f32 @!p1 v17, v13  }
0x504: {  	s28 =	sld [smem:$0x7D6];
	vm6 =	vmmov vm6;
	p3 =	seq.s32 s26, $0x1;
	v17 =	vadd.f32 @!p4 $-1.000000000e+00, v24;
	v14 =	vadd.f32 @!p5 $2.000000030e-01, v14  }
0x505: {  	v21 =	vshrl.u32 @!p2 v21, $0x17;
	v16 =	vadd.s32 @!p1 v19, v16;
	v19 =	vpop @!p3 (erf);
	v20 =	vmul.f32 @!p1 v13, v13  }
0x506: {  	s1 =	simm.s32 @!p0 $0x0;
	v16 =	vadd.s32 @!p1 $0xFFFFFF81, v16;
	p3 =	por p0, p0;
	v17 =	vmul.f32 @!p4 v19, v17;
	v14 =	vmul.f32 @!p5 v14, v18  }
0x507: {  	s1 =	simm.s32 @p0 $0x1;
	v16 =	vcvt.s32.f32 @!p1 v16;
	p0 =	seq.s32 s28, $0x1;
	v19 =	vadd.f32 @!p3 $-1.000000000e+00, v23;
	v24 =	vmul.f32 @!p1 $9.090909360e-02, v20  }
0x508: {  	v21 =	vand.u32 @!p2 $0xFF, v21;
	v25 =	vmul.f32 @!p4 v17, v17;
	v23 =	vpop @!p0 (erf);
	v14 =	vadd.f32 @!p5 $3.333333430e-01, v14  }
0x509: {  	v16 =	vmul.f32 @!p1 $6.931471820e-01, v16;
	v24 =	vadd.f32 @!p1 $1.111111120e-01, v24;
	v19 =	vmul.f32 @!p3 v23, v19  }
0x50a: {  	p1 =	por p1, p1;
	v23 =	vimm.s32 @!p2 $0x0;
	v14 =	vmul.f32 @!p5 v14, v18;
	v18 =	vmul.f32 @!p4 $9.090909360e-02, v25  }
0x50b: {  	v24 =	vmul.f32 @!p1 v24, v20;
	v23 =	vsel @!p2 vm11, $0x1, v23;
	v26 =	vmul.f32 @!p3 v19, v19  }
0x50c: {  	v15 =	vadd.f32 @!p5 v15, v15;
	p0 =	por p5, p5;
	v21 =	vadd.s32 @!p4 v23, v21;
	v18 =	vadd.f32 @!p4 $1.111111120e-01, v18  }
0x50d: {  	p2 =	por p4, p4;
	v23 =	vadd.f32 @!p1 $1.428571490e-01, v24;
	v14 =	vadd.f32 @!p0 $1.000000000e+00, v14;
	v24 =	vmul.f32 @!p3 $9.090909360e-02, v26  }
0x50e: {  	vm5 =	vmmov vm5;
	v11 =	vsub.f32 @!p6 $0.0e+00, v11;
	v18 =	vmul.f32 @!p2 v18, v25  }
0x50f: {  	v14 =	vmul.f32 @!p0 v14, v15;
	v15 =	vmul.f32 @!p1 v23, v20;
	v23 =	vadd.f32 @!p3 $1.111111120e-01, v24  }
0x510: {  	vm6 =	vmmov vm6;
	v11 =	vnsel @!p6 vm8, $0x0, v11;
	p5 =	por p3, p3;
	v18 =	vadd.f32 @!p2 $1.428571490e-01, v18  }
0x511: {  	[smem:$0x7D1] =	sst s1;
	v12 =	vadd.f32 @!p0 v14, v12;
	v14 =	vadd.f32 @!p1 $2.000000030e-01, v15;
	v15 =	vmul.f32 @!p5 v23, v26  }
0x512: {  	s29 =	sld [smem:$0x7D1];
	v11 =	vadd.f32 @!p6 v11, v9;
	v21 =	vadd.s32 @!p4 $0xFFFFFF81, v21;
	v18 =	vmul.f32 @!p2 v18, v25  }
0x513: {  	v21 =	vcvt.s32.f32 @!p4 v21;
	v14 =	vmul.f32 @!p1 v14, v20;
	v15 =	vadd.f32 @!p5 $1.428571490e-01, v15  }
0x514: {  	v9 =	vpsel p6, v9, v11;
	v13 =	vadd.f32 @!p1 v13, v13;
	v18 =	vadd.f32 @!p2 $2.000000030e-01, v18  }
0x515: {  	v11 =	vmul.f32 @!p4 $6.931471820e-01, v21;
	p4 =	seq.s32 s29, $0x1;
	v14 =	vadd.f32 @!p1 $3.333333430e-01, v14;
	v15 =	vmul.f32 @!p5 v15, v26  }
0x516: {  	v21 =	vimm.s32 @!p4 $0x0;
	v12 =	vsub.f32 @!p0 $0.0e+00, v12;
	v18 =	vmul.f32 @!p2 v18, v25  }
0x517: {  	v22 =	vshrl.u32 @!p4 v22, $0x17;
	v14 =	vmul.f32 @!p1 v14, v20;
	v15 =	vadd.f32 @!p5 $2.000000030e-01, v15  }
0x518: {  	v22 =	vand.u32 @!p4 $0xFF, v22;
	v12 =	vnsel @!p0 vm5, $0x0, v12;
	p1 =	por p1, p1;
	v18 =	vadd.f32 @!p2 $3.333333430e-01, v18  }
0x519: {  	v12 =	vadd.f32 @!p0 v12, v9;
	v14 =	vadd.f32 @!p1 $1.000000000e+00, v14;
	v15 =	vmul.f32 @!p5 v15, v26  }
0x51a: {  	v21 =	vsel @!p4 vm9, $0x1, v21;
	vm5 =	vmmov vm7;
	v18 =	vmul.f32 @!p2 v18, v25  }
0x51b: {  	v9 =	vpsel p0, v9, v12;
	p0 =	por p2, p2;
	v12 =	vmul.f32 @!p1 v14, v13;
	v13 =	vadd.f32 @!p5 $3.333333430e-01, v15  }
0x51c: {  	vm5 =	vmmov vm5;
	v14 =	vadd.f32 @!p2 v17, v17;
	v17 =	vadd.f32 @!p0 $1.000000000e+00, v18  }
0x51d: {  	v20 =	vadd.s32 @!p3 v21, v22;
	v12 =	vadd.f32 @!p1 v12, v16;
	v13 =	vmul.f32 @!p5 v13, v26  }
0x51e: {  	v20 =	vadd.s32 @!p3 $0xFFFFFF81, v20;
	p2 =	por p5, p5;
	v16 =	vadd.f32 @!p5 v19, v19;
	v14 =	vmul.f32 @!p0 v17, v14  }
0x51f: {  	v20 =	vcvt.s32.f32 @!p3 v20;
	v12 =	vsub.f32 @!p1 $0.0e+00, v12;
	v13 =	vadd.f32 @!p2 $1.000000000e+00, v13  }
0x520: {  	vm4 =	vmmov vm4;
	vm5 =	vmmov vm5;
	v11 =	vadd.f32 @!p0 v14, v11  }
0x521: {  	v15 =	vmul.f32 @!p3 $6.931471820e-01, v20;
	v12 =	vnsel @!p1 vm5, $0x0, v12;
	v13 =	vmul.f32 @!p2 v13, v16  }
0x522: {  	vm5 =	vmmov vm6;
	v12 =	vadd.f32 @!p1 v12, v9;
	v11 =	vsub.f32 @!p0 $0.0e+00, v11  }
0x523: {  	vm4 =	vmmov vm4;
	vm5 =	vmmov vm5;
	v13 =	vadd.f32 @!p2 v13, v15  }
0x524: {  	vm4 =	vmmov vm4;
	v9 =	vpsel p1, v9, v12;
	v11 =	vnsel @!p0 vm5, $0x0, v11  }
0x525: {  	vm4 =	vmmov vm4;
	v11 =	vadd.f32 @!p0 v11, v9;
	v12 =	vsub.f32 @!p2 $0.0e+00, v13  }
.Ltmp35:
0x526: {  	vm4 =	vmmov vm4;
	(pc) =	sbr.rel .LBB2_40-.Ltmp35, $3  }
0x527: {  	s30 =	sld [smem:$0x7FD];
	v9 =	vpsel p0, v9, v11;
	v11 =	vnsel @!p2 vm4, $0x0, v12  }
0x528: {  	v11 =	vadd.f32 @!p2 v11, v9;
	_ =	sdelay $0x1  }
0x529: {  	p1 =	seq.s32 s30, $0x1;
	v9 =	vpsel p2, v9, v11  }
.LBB2_6:
.Ltmp36:
0x52a: {  	(pc) =	sbr.rel .LBB2_42-.Ltmp36, $4  }
0x52b: {  	s3 =	rddreg [dreg:$0xb]  }
0x52c: {  	s4 =	rddreg [dreg:$0xc]  }
0x52d: {  	s5 =	rddreg [dreg:$0xd]  }
0x52e: {  	s0 =	simm.f32 $0.0e+00;
	s1 =	simm.f32 $0.0e+00;
	s6 =	rddreg [dreg:$0xf]  }
.Lfunc_end2:
_tile_overlayer_lowered:
.L_overlay_start_2:
0x52f: {  	(tag) =	ssettag $0x2  }
0x530: {  	s0 =	rddreg [dreg:$0x0];
	s2 =	stileid.u32  }
0x531: {  	s1 =	rddreg [dreg:$0x1];
	p0 =	sne.s32 s2, $0x0  }
0x532: {  	s3 =	rddreg [dreg:$0x2];
	[bflag:$0x3] =	sbarrier.arrive $0xFFFF;
	s2 =	simm.s32 @!p0 $0x1C03  }
0x533: {  	[timem:s3], [sflag:s2] =	dma.local @!p0 [hbm:s0], s1  }
0x534: {  	s0 =	simm.s32 @!p0 $0x3  }
0x535: {  	_ =	swait.ge @!p0 [sflag:s0], s1  }
0x536: {  	s1 =	ssub.s32 @!p0 $0x0, s1;
	[sflag:s0] =	ssyncset.done @!p0 $0x0  }
0x537: {  	[sflag:s0] =	ssyncadd.s32 @!p0 s1  }
0x538: {  	[bflag:$0x3] =	sbarrier.arrive $0xFFFF  }
0x539: {  	_ =	shalt  }

</sc_bundles>
